<compile_context>
chip_gen: v7x
topology: tpu7x:2x2x1
jax: 0.10.2.dev20260603
libtpu: 0.0.44.dev20260713+nightly
codegen_flags: <defaults>
</compile_context>

<pallas_src>
import functools

import jax
import jax.numpy as jnp
from jax import lax
from jax.experimental import pallas as pl
from jax.experimental.pallas import tpu as pltpu
from jax.experimental.pallas import tpu_sc as plsc

N_NODES = 10000
N_PAD = 10240
N_EDGES = 160000
NFEAT = 256
NHID = 512

NC = 2
NS = 16

_MESH = dict(core_axis_name="c", subcore_axis_name="s")
_SC_LINEAR = pltpu.CompilerParams(use_tc_tiling_on_sc=False)

_ROWS_PT = N_PAD // NS
_ZCH = 128


def _zero_acc(zeros_hbm, zbuf, acc, sid):
    pltpu.sync_copy(zeros_hbm, zbuf)
    for z in range(_ROWS_PT // _ZCH):
        pltpu.sync_copy(zbuf, acc.at[pl.ds(sid * _ROWS_PT + z * _ZCH, _ZCH)])


def _read_acc(out_hbm, zbuf, acc, cid, sid):
    for z in range(_ROWS_PT // _ZCH):
        r0 = sid * _ROWS_PT + z * _ZCH
        pltpu.sync_copy(acc.at[pl.ds(r0, _ZCH)], zbuf)
        pltpu.sync_copy(zbuf, out_hbm.at[cid].at[pl.ds(r0, _ZCH)])



def _edge_loop(n_chunks, gather_tab, src_all, dst_all, rows, gsem, ssem, acc):

    def start_gather(i, b):
        pltpu.async_copy(gather_tab.at[src_all.at[i]], rows[b], gsem[b])

    def wait_gather(i, b):
        pltpu.make_async_copy(gather_tab.at[src_all.at[i]], rows[b],
                              gsem[b]).wait()

    def start_scat(i, b):
        pltpu.async_copy(rows[b], acc.at[dst_all.at[i]], ssem[b], add=True)

    def wait_scat(i, b):
        pltpu.make_async_copy(rows[b], acc.at[dst_all.at[i]], ssem[b]).wait()

    start_gather(0, 0)
    start_gather(1, 1)
    wait_gather(0, 0)
    start_scat(0, 0)

    def body(io, carry):
        for k in range(2):
            i = io * 2 + 1 + k
            b = (1 + k) % 2
            wait_scat(i - 1, 1 - b)
            start_gather(i + 1, 1 - b)
            wait_gather(i, b)
            start_scat(i, b)
        return carry

    lax.fori_loop(0, (n_chunks - 3) // 2, body, 0)
    i = n_chunks - 2
    b = i % 2
    wait_scat(i - 1, 1 - b)
    start_gather(i + 1, 1 - b)
    wait_gather(i, b)
    start_scat(i, b)
    i = n_chunks - 1
    b = i % 2
    wait_gather(i, b)
    start_scat(i, b)
    wait_scat(i - 1, 1 - b)
    wait_scat(i, b)



_H_CH = 40
_H_EDGES_PT = N_EDGES // (NC * NS)
_H_CHUNKS = _H_EDGES_PT // _H_CH


def _deg_body(dst_hbm, ones_hbm, zeros_hbm, out_hbm,
              dst_all, ones_v, zbuf, acc, sem0, sem1):
    cid = lax.axis_index("c")
    sid = lax.axis_index("s")
    _zero_acc(zeros_hbm, zbuf, acc, sid)
    pltpu.sync_copy(ones_hbm, ones_v)
    pltpu.sync_copy(dst_hbm.at[cid].at[sid], dst_all)
    plsc.subcore_barrier()
    sems = (sem0, sem1)

    def start_sc(i, b):
        pltpu.async_copy(ones_v, acc.at[dst_all.at[i]], sems[b], add=True)

    def wait_sc(i, b):
        pltpu.make_async_copy(ones_v, acc.at[dst_all.at[i]], sems[b]).wait()

    start_sc(0, 0)
    start_sc(1, 1)

    def body(io, carry):
        for k in range(2):
            i = io * 2 + 2 + k
            b = k % 2
            wait_sc(i - 2, b)
            start_sc(i, b)
        return carry

    lax.fori_loop(0, (_H_CHUNKS - 3) // 2, body, 0)
    i = _H_CHUNKS - 1
    wait_sc(i - 2, i % 2)
    start_sc(i, i % 2)
    wait_sc(i - 1, (i - 1) % 2)
    wait_sc(i, i % 2)
    plsc.subcore_barrier()
    _read_acc(out_hbm, zbuf, acc, cid, sid)


_deg_kernel = functools.partial(
    pl.kernel,
    out_type=jax.ShapeDtypeStruct((NC, N_PAD, 16), jnp.float32),
    mesh=plsc.VectorSubcoreMesh(**_MESH),
    compiler_params=_SC_LINEAR,
    scratch_types=[
        pltpu.VMEM((_H_CHUNKS, _H_CH), jnp.int32),
        pltpu.VMEM((_H_CH, 16), jnp.float32),
        pltpu.VMEM((_ZCH, 16), jnp.float32),
        pltpu.VMEM_SHARED((N_PAD, 16), jnp.float32),
        pltpu.SemaphoreType.DMA,
        pltpu.SemaphoreType.DMA,
    ],
)(_deg_body)


def _sp_body(src_hbm, dst_hbm, norm16_hbm, zeros_hbm, out_hbm,
             src_all, dst_all, rows0, rows1, zbuf, acc, normsh,
             g0, g1, sc0, sc1):
    cid = lax.axis_index("c")
    sid = lax.axis_index("s")
    _zero_acc(zeros_hbm, zbuf, acc, sid)
    for z in range(_ROWS_PT // _ZCH):
        r0 = sid * _ROWS_PT + z * _ZCH
        pltpu.sync_copy(norm16_hbm.at[pl.ds(r0, _ZCH)], zbuf)
        pltpu.sync_copy(zbuf, normsh.at[pl.ds(r0, _ZCH)])
    pltpu.sync_copy(src_hbm.at[cid].at[sid], src_all)
    pltpu.sync_copy(dst_hbm.at[cid].at[sid], dst_all)
    plsc.subcore_barrier()
    _edge_loop(_H_CHUNKS, normsh, src_all, dst_all,
               (rows0, rows1), (g0, g1), (sc0, sc1), acc)
    plsc.subcore_barrier()
    _read_acc(out_hbm, zbuf, acc, cid, sid)


_sp_kernel = functools.partial(
    pl.kernel,
    out_type=jax.ShapeDtypeStruct((NC, N_PAD, 16), jnp.float32),
    mesh=plsc.VectorSubcoreMesh(**_MESH),
    compiler_params=_SC_LINEAR,
    scratch_types=[
        pltpu.VMEM((_H_CHUNKS, _H_CH), jnp.int32),
        pltpu.VMEM((_H_CHUNKS, _H_CH), jnp.int32),
        pltpu.VMEM((_H_CH, 16), jnp.float32),
        pltpu.VMEM((_H_CH, 16), jnp.float32),
        pltpu.VMEM((_ZCH, 16), jnp.float32),
        pltpu.VMEM_SHARED((N_PAD, 16), jnp.float32),
        pltpu.VMEM_SHARED((N_PAD, 16), jnp.float32),
        pltpu.SemaphoreType.DMA,
        pltpu.SemaphoreType.DMA,
        pltpu.SemaphoreType.DMA,
        pltpu.SemaphoreType.DMA,
    ],
)(_sp_body)



_P_CH = 80
_P_EDGES_PT = N_EDGES // NS
_P_CHUNKS = _P_EDGES_PT // _P_CH
_W = 128


def _prop_body(table_hbm, srcx_hbm, dst_hbm, zeros_hbm, out_hbm,
               dst_all, src0, src1, rows0, rows1, acc,
               s0, s1, g0, g1, c0, c1):
    cid = lax.axis_index("c")
    sid = lax.axis_index("s")
    srcs = (src0, src1)
    rows = (rows0, rows1)
    ssem = (s0, s1)
    gsem = (g0, g1)
    csem = (c0, c1)
    NZ = _ROWS_PT // _P_CH

    def zslice(z):
        return acc.at[pl.ds(sid * _ROWS_PT + z * _P_CH, _P_CH)]

    pltpu.sync_copy(zeros_hbm, rows0)
    for z in range(NZ):
        pltpu.async_copy(rows0, zslice(z), g0)
    pltpu.sync_copy(dst_hbm.at[sid], dst_all)
    for z in range(NZ):
        pltpu.make_async_copy(rows0, zslice(z), g0).wait()
    plsc.subcore_barrier()

    def src_slice(i):
        base = cid * N_EDGES + sid * _P_EDGES_PT + i * _P_CH
        return srcx_hbm.at[pl.ds(base, _P_CH)]

    def start_src(i, b):
        pltpu.async_copy(src_slice(i), srcs[b], ssem[b])

    def wait_src(i, b):
        pltpu.make_async_copy(src_slice(i), srcs[b], ssem[b]).wait()

    def start_gather(b):
        pltpu.async_copy(table_hbm.at[srcs[b]], rows[b], gsem[b])

    def wait_gather(b):
        pltpu.make_async_copy(table_hbm.at[srcs[b]], rows[b], gsem[b]).wait()

    def start_scat(i, b):
        pltpu.async_copy(rows[b], acc.at[dst_all.at[i]], csem[b], add=True)

    def wait_scat(i, b):
        pltpu.make_async_copy(rows[b], acc.at[dst_all.at[i]], csem[b]).wait()

    start_src(0, 0)
    wait_src(0, 0)
    start_gather(0)
    start_src(1, 1)
    wait_src(1, 1)
    start_gather(1)
    wait_gather(0)
    start_src(2, 0)
    start_scat(0, 0)

    def body(io, carry):
        for k in range(2):
            i = io * 2 + 1 + k
            b = (1 + k) % 2
            wait_src(i + 1, 1 - b)
            wait_scat(i - 1, 1 - b)
            start_gather(1 - b)
            wait_gather(b)
            start_src(i + 2, b)
            start_scat(i, b)
        return carry

    lax.fori_loop(0, (_P_CHUNKS - 3) // 2, body, 0)
    i = _P_CHUNKS - 2
    b = i % 2
    wait_src(i + 1, 1 - b)
    wait_scat(i - 1, 1 - b)
    start_gather(1 - b)
    wait_gather(b)
    start_scat(i, b)
    i = _P_CHUNKS - 1
    b = i % 2
    wait_gather(b)
    start_scat(i, b)
    wait_scat(i - 1, 1 - b)
    wait_scat(i, b)
    plsc.subcore_barrier()

    def oslice(z):
        return out_hbm.at[cid].at[pl.ds(sid * _ROWS_PT + z * _P_CH, _P_CH)]

    for z in range(NZ):
        b = z % 2
        if z >= 2:
            pltpu.make_async_copy(rows[b], oslice(z - 2), gsem[b]).wait()
        pltpu.sync_copy(zslice(z), rows[b])
        pltpu.async_copy(rows[b], oslice(z), gsem[b])
    pltpu.make_async_copy(rows[0], oslice(NZ - 2), gsem[0]).wait()
    pltpu.make_async_copy(rows[1], oslice(NZ - 1), gsem[1]).wait()


_prop_kernel = functools.partial(
    pl.kernel,
    out_type=jax.ShapeDtypeStruct((NC, N_PAD, _W), jnp.float32),
    mesh=plsc.VectorSubcoreMesh(**_MESH),
    scratch_types=[
        pltpu.VMEM((_P_CHUNKS, _P_CH), jnp.int32),
        pltpu.VMEM((_P_CH,), jnp.int32),
        pltpu.VMEM((_P_CH,), jnp.int32),
        pltpu.VMEM((_P_CH, _W), jnp.float32),
        pltpu.VMEM((_P_CH, _W), jnp.float32),
        pltpu.VMEM_SHARED((N_PAD, _W), jnp.float32),
        pltpu.SemaphoreType.DMA,
        pltpu.SemaphoreType.DMA,
        pltpu.SemaphoreType.DMA,
        pltpu.SemaphoreType.DMA,
        pltpu.SemaphoreType.DMA,
        pltpu.SemaphoreType.DMA,
    ],
)(_prop_body)



_RB = 2048
_RBF = 2000


def _norm_from_deg(deg_ref):
    deg = deg_ref[0, :, 0:1] + deg_ref[1, :, 0:1]
    return lax.rsqrt(jnp.maximum(deg, 1.0))


def _pre_body(x_ref, deg_ref, t_ref, n_ref):
    norm = _norm_from_deg(deg_ref)
    y = x_ref[...] * norm
    t_ref[0] = y[:, 0:128]
    t_ref[1] = y[:, 128:256]
    n_ref[...] = jnp.broadcast_to(norm, (norm.shape[0], 16))


def _pre_call(x, deg2):
    return pl.pallas_call(
        _pre_body,
        grid=(N_PAD // _RB,),
        in_specs=[
            pl.BlockSpec((_RB, NFEAT), lambda i: (i, 0)),
            pl.BlockSpec((NC, _RB, 16), lambda i: (0, i, 0)),
        ],
        out_specs=[
            pl.BlockSpec((NC, _RB, 128), lambda i: (0, i, 0)),
            pl.BlockSpec((_RB, 16), lambda i: (i, 0)),
        ],
        out_shape=[
            jax.ShapeDtypeStruct((NC, N_PAD, 128), jnp.float32),
            jax.ShapeDtypeStruct((N_PAD, 16), jnp.float32),
        ],
    )(x, deg2)


def _mid_body(z_ref, deg_ref, t_ref):
    norm = _norm_from_deg(deg_ref)
    inv = norm * norm
    t_ref[0] = z_ref[0] * inv
    t_ref[1] = z_ref[1] * inv


def _mid_call(z1, deg2):
    return pl.pallas_call(
        _mid_body,
        grid=(N_PAD // _RB,),
        in_specs=[
            pl.BlockSpec((NC, _RB, 128), lambda i: (0, i, 0)),
            pl.BlockSpec((NC, _RB, 16), lambda i: (0, i, 0)),
        ],
        out_specs=pl.BlockSpec((NC, _RB, 128), lambda i: (0, i, 0)),
        out_shape=jax.ShapeDtypeStruct((NC, N_PAD, 128), jnp.float32),
    )(z1, deg2)


def _fin_body(z2_ref, sp_ref, deg_ref, a_ref, w2_ref, b2_ref, o_ref, w_ref):
    @pl.when(pl.program_id(0) == 0)
    def _():
        w_ref[...] = jnp.dot(a_ref[...], w2_ref[...],
                             preferred_element_type=jnp.float32)

    norm = _norm_from_deg(deg_ref)
    h0 = z2_ref[0] * norm
    h1 = z2_ref[1] * norm
    u = norm * (sp_ref[0, :, 0:1] + sp_ref[1, :, 0:1])
    acc = jnp.dot(h0, w_ref[0:128], preferred_element_type=jnp.float32)
    acc = acc + jnp.dot(h1, w_ref[128:256], preferred_element_type=jnp.float32)
    acc = acc + u * w_ref[256:257]
    o_ref[...] = acc + b2_ref[...]


def _fin_call(z2, sp2, deg2, a_pad, w2, b2):
    return pl.pallas_call(
        _fin_body,
        grid=(N_NODES // _RBF,),
        in_specs=[
            pl.BlockSpec((NC, _RBF, 128), lambda i: (0, i, 0)),
            pl.BlockSpec((NC, _RBF, 16), lambda i: (0, i, 0)),
            pl.BlockSpec((NC, _RBF, 16), lambda i: (0, i, 0)),
            pl.BlockSpec((264, NHID), lambda i: (0, 0)),
            pl.BlockSpec((NHID, NHID), lambda i: (0, 0)),
            pl.BlockSpec((1, NHID), lambda i: (0, 0)),
        ],
        out_specs=pl.BlockSpec((_RBF, NHID), lambda i: (i, 0)),
        out_shape=jax.ShapeDtypeStruct((N_NODES, NHID), jnp.float32),
        scratch_shapes=[pltpu.VMEM((264, NHID), jnp.float32)],
    )(z2, sp2, deg2, a_pad, w2, b2)



def kernel(x, edge_index, W1, b1, W2, b2):
    src = edge_index[0].astype(jnp.int32)
    dst = edge_index[1].astype(jnp.int32)

    ones16 = jnp.ones((_H_CH, 16), jnp.float32)
    zeros16 = jnp.zeros((_ZCH, 16), jnp.float32)
    zeros128 = jnp.zeros((_P_CH, _W), jnp.float32)

    srcx = jnp.concatenate([src, src + N_PAD])
    dstp = dst.reshape(NS, _P_CHUNKS, _P_CH)
    srch = src.reshape(NC, NS, _H_CHUNKS, _H_CH)
    dsth = dst.reshape(NC, NS, _H_CHUNKS, _H_CH)

    deg2 = _deg_kernel(dsth, ones16, zeros16)

    x_pad = jnp.pad(x, ((0, N_PAD - N_NODES), (0, 0)))
    table1, norm16 = _pre_call(x_pad, deg2)
    z1 = _prop_kernel(table1.reshape(NC * N_PAD, _W), srcx, dstp, zeros128)
    sp2 = _sp_kernel(srch, dsth, norm16, zeros16)

    table2 = _mid_call(z1, deg2)
    z2 = _prop_kernel(table2.reshape(NC * N_PAD, _W), srcx, dstp, zeros128)

    a_pad = jnp.concatenate(
        [W1, b1[None, :], jnp.zeros((7, NHID), jnp.float32)], axis=0)

    return _fin_call(z2, sp2, deg2, a_pad, W2, b2[None, :])

# --- scband reference (transcript-rebuilt; emitter-appended) ---
"""Pipeline reference for scband-sgc-body-37787122270331 (READ-ONLY COPY).

The authoritative reference and input builder live on the scoring server;
editing this copy changes nothing except your own understanding.
"""

import jax, jax.numpy as jnp
import numpy as np

N_NODES = 10000
N_EDGES = 160000
NFEAT = 256
NHID = 512


def setup_inputs(seed: int = 0) -> dict:
    key = jax.random.key(seed)
    k1, k2, k3, k4, k5, k6 = jax.random.split(key, 6)
    x = jax.random.normal(k1, (N_NODES, NFEAT), dtype=jnp.float32)
    edge_index = jax.random.randint(k2, (2, N_EDGES), 0, N_NODES, dtype=jnp.int64)
    # Linear weights for the two SGConv layers (fc: h @ W + b)
    W1 = jax.random.normal(k3, (NFEAT, NHID), dtype=jnp.float32) * (1.0 / np.sqrt(NFEAT))
    b1 = jnp.zeros((NHID,), dtype=jnp.float32)
    W2 = jax.random.normal(k4, (NHID, NHID), dtype=jnp.float32) * (1.0 / np.sqrt(NHID))
    b2 = jnp.zeros((NHID,), dtype=jnp.float32)
    return {"x": x, "edge_index": edge_index, "W1": W1, "b1": b1, "W2": W2, "b2": b2}


def _sgconv(x, src, dst, W, b, n_nodes):
    # DGL SGConv with k=1, norm='both':
    #   norm = clamp(in_degree, min=1) ** -0.5
    #   h = norm * (A @ (norm * x)); out = h @ W + b
    deg = jnp.bincount(dst, length=n_nodes).astype(x.dtype)
    norm = jnp.power(jnp.clip(deg, 1.0, None), -0.5)
    h = x * norm[:, None]
    h = jax.ops.segment_sum(h[src], dst, num_segments=n_nodes)
    h = h * norm[:, None]
    return h @ W + b


def reference(x, edge_index, W1, b1, W2, b2):
    src = edge_index[0]
    dst = edge_index[1]
    h = _sgconv(x, src, dst, W1, b1, N_NODES)
    # dropout is identity in eval/deterministic mode
    h = _sgconv(h, src, dst, W2, b2, N_NODES)
    return h

if __name__ == "__main__":
    import jax
    _d = setup_inputs()
    print(jax.jit(kernel)(*tuple(_d.values())))

</pallas_src>

<mosaic_0001>
#map = affine_map<(d0, d1) -> (0, 0, 0, 0)>
#map1 = affine_map<(d0, d1) -> (0, 0)>
#map2 = affine_map<(d0, d1) -> (0, 0, 0)>
module attributes {stable_mosaic.version = 14 : i64} {
  func.func @_sp_body(%arg0: i32, %arg1: i32, %arg2: memref<2x16x125x40xi32, #tpu.memory_space<hbm>>, %arg3: memref<2x16x125x40xi32, #tpu.memory_space<hbm>>, %arg4: memref<10240x16xf32, #tpu.memory_space<hbm>>, %arg5: memref<128x16xf32, #tpu.memory_space<hbm>>, %arg6: memref<2x10240x16xf32, #tpu.memory_space<hbm>>, %arg7: memref<125x40xi32, #tpu.memory_space<vmem>>, %arg8: memref<125x40xi32, #tpu.memory_space<vmem>>, %arg9: memref<40x16xf32, #tpu.memory_space<vmem>>, %arg10: memref<40x16xf32, #tpu.memory_space<vmem>>, %arg11: memref<128x16xf32, #tpu.memory_space<vmem>>, %arg12: memref<10240x16xf32, #tpu.memory_space<vmem_shared>>, %arg13: memref<10240x16xf32, #tpu.memory_space<vmem_shared>>, %arg14: memref<!tpu.dma_semaphore, #tpu.memory_space<semaphore_mem>>, %arg15: memref<!tpu.dma_semaphore, #tpu.memory_space<semaphore_mem>>, %arg16: memref<!tpu.dma_semaphore, #tpu.memory_space<semaphore_mem>>, %arg17: memref<!tpu.dma_semaphore, #tpu.memory_space<semaphore_mem>>) attributes {dimension_semantics = [#tpu.dimension_semantics<core_parallel>, #tpu.dimension_semantics<subcore_parallel>], iteration_bounds = array<i64: 2, 16>, scalar_prefetch = 0 : i64, scratch_operands = 11 : i64, tpu.core_type = #tpu.core_type<sc_vector_subcore>, window_params = [{transform_indices = #map}, {transform_indices = #map}, {transform_indices = #map1}, {transform_indices = #map1}, {transform_indices = #map2}]} {
    "tpu.region"() ({
      %run_scoped3A = tpu.sem_alloc : memref<!tpu.dma_semaphore, #tpu.memory_space<semaphore_mem>>
      tpu.enqueue_dma source(%arg5 : memref<128x16xf32, #tpu.memory_space<hbm>>) target(%arg11 : memref<128x16xf32, #tpu.memory_space<vmem>>) target_semaphore(%run_scoped3A : memref<!tpu.dma_semaphore, #tpu.memory_space<semaphore_mem>>)
      tpu.wait_dma2 semaphore(%run_scoped3A : memref<!tpu.dma_semaphore, #tpu.memory_space<semaphore_mem>>) src(%arg5 : memref<128x16xf32, #tpu.memory_space<hbm>>) dst(%arg11 : memref<128x16xf32, #tpu.memory_space<vmem>>)
      tpu.yield
    }) : () -> ()
    %mul3A = arith.constant 640 : i32
    %mul3A_0 = arith.muli %arg1, %mul3A : i32
    %add3A = arith.constant 0 : i32
    %add3A_1 = arith.addi %mul3A_0, %add3A : i32
    "tpu.region"() ({
      %run_scoped3A = tpu.sem_alloc : memref<!tpu.dma_semaphore, #tpu.memory_space<semaphore_mem>>
      %dma_start3A_146 = arith.constant 0 : i32
      %dma_start3A_147 = tpu.memref_slice %arg12[%add3A_1, %dma_start3A_146] : memref<10240x16xf32, #tpu.memory_space<vmem_shared>> -> memref<128x16xf32, #tpu.memory_space<vmem_shared>>
      %dma_start3A_148 = arith.constant 0 : i32
      %dma_start3A_149 = tpu.memref_slice %arg12[%add3A_1, %dma_start3A_148] : memref<10240x16xf32, #tpu.memory_space<vmem_shared>> -> memref<128x16xf32, #tpu.memory_space<vmem_shared>>
      tpu.enqueue_dma source(%arg11 : memref<128x16xf32, #tpu.memory_space<vmem>>) target(%dma_start3A_149 : memref<128x16xf32, #tpu.memory_space<vmem_shared>>) target_semaphore(%run_scoped3A : memref<!tpu.dma_semaphore, #tpu.memory_space<semaphore_mem>>)
      %dma_wait3A_150 = arith.constant 0 : i32
      %dma_wait3A_151 = tpu.memref_slice %arg12[%add3A_1, %dma_wait3A_150] : memref<10240x16xf32, #tpu.memory_space<vmem_shared>> -> memref<128x16xf32, #tpu.memory_space<vmem_shared>>
      %dma_wait3A_152 = arith.constant 0 : i32
      %dma_wait3A_153 = tpu.memref_slice %arg12[%add3A_1, %dma_wait3A_152] : memref<10240x16xf32, #tpu.memory_space<vmem_shared>> -> memref<128x16xf32, #tpu.memory_space<vmem_shared>>
      tpu.wait_dma2 semaphore(%run_scoped3A : memref<!tpu.dma_semaphore, #tpu.memory_space<semaphore_mem>>) src(%arg11 : memref<128x16xf32, #tpu.memory_space<vmem>>) dst(%dma_wait3A_153 : memref<128x16xf32, #tpu.memory_space<vmem_shared>>)
      tpu.yield
    }) : () -> ()
    %mul3A_2 = arith.constant 640 : i32
    %mul3A_3 = arith.muli %arg1, %mul3A_2 : i32
    %add3A_4 = arith.constant 128 : i32
    %add3A_5 = arith.addi %mul3A_3, %add3A_4 : i32
    "tpu.region"() ({
      %run_scoped3A = tpu.sem_alloc : memref<!tpu.dma_semaphore, #tpu.memory_space<semaphore_mem>>
      %dma_start3A_146 = arith.constant 0 : i32
      %dma_start3A_147 = tpu.memref_slice %arg12[%add3A_5, %dma_start3A_146] : memref<10240x16xf32, #tpu.memory_space<vmem_shared>> -> memref<128x16xf32, #tpu.memory_space<vmem_shared>>
      %dma_start3A_148 = arith.constant 0 : i32
      %dma_start3A_149 = tpu.memref_slice %arg12[%add3A_5, %dma_start3A_148] : memref<10240x16xf32, #tpu.memory_space<vmem_shared>> -> memref<128x16xf32, #tpu.memory_space<vmem_shared>>
      tpu.enqueue_dma source(%arg11 : memref<128x16xf32, #tpu.memory_space<vmem>>) target(%dma_start3A_149 : memref<128x16xf32, #tpu.memory_space<vmem_shared>>) target_semaphore(%run_scoped3A : memref<!tpu.dma_semaphore, #tpu.memory_space<semaphore_mem>>)
      %dma_wait3A_150 = arith.constant 0 : i32
      %dma_wait3A_151 = tpu.memref_slice %arg12[%add3A_5, %dma_wait3A_150] : memref<10240x16xf32, #tpu.memory_space<vmem_shared>> -> memref<128x16xf32, #tpu.memory_space<vmem_shared>>
      %dma_wait3A_152 = arith.constant 0 : i32
      %dma_wait3A_153 = tpu.memref_slice %arg12[%add3A_5, %dma_wait3A_152] : memref<10240x16xf32, #tpu.memory_space<vmem_shared>> -> memref<128x16xf32, #tpu.memory_space<vmem_shared>>
      tpu.wait_dma2 semaphore(%run_scoped3A : memref<!tpu.dma_semaphore, #tpu.memory_space<semaphore_mem>>) src(%arg11 : memref<128x16xf32, #tpu.memory_space<vmem>>) dst(%dma_wait3A_153 : memref<128x16xf32, #tpu.memory_space<vmem_shared>>)
      tpu.yield
    }) : () -> ()
    %mul3A_6 = arith.constant 640 : i32
    %mul3A_7 = arith.muli %arg1, %mul3A_6 : i32
    %add3A_8 = arith.constant 256 : i32
    %add3A_9 = arith.addi %mul3A_7, %add3A_8 : i32
    "tpu.region"() ({
      %run_scoped3A = tpu.sem_alloc : memref<!tpu.dma_semaphore, #tpu.memory_space<semaphore_mem>>
      %dma_start3A_146 = arith.constant 0 : i32
      %dma_start3A_147 = tpu.memref_slice %arg12[%add3A_9, %dma_start3A_146] : memref<10240x16xf32, #tpu.memory_space<vmem_shared>> -> memref<128x16xf32, #tpu.memory_space<vmem_shared>>
      %dma_start3A_148 = arith.constant 0 : i32
      %dma_start3A_149 = tpu.memref_slice %arg12[%add3A_9, %dma_start3A_148] : memref<10240x16xf32, #tpu.memory_space<vmem_shared>> -> memref<128x16xf32, #tpu.memory_space<vmem_shared>>
      tpu.enqueue_dma source(%arg11 : memref<128x16xf32, #tpu.memory_space<vmem>>) target(%dma_start3A_149 : memref<128x16xf32, #tpu.memory_space<vmem_shared>>) target_semaphore(%run_scoped3A : memref<!tpu.dma_semaphore, #tpu.memory_space<semaphore_mem>>)
      %dma_wait3A_150 = arith.constant 0 : i32
      %dma_wait3A_151 = tpu.memref_slice %arg12[%add3A_9, %dma_wait3A_150] : memref<10240x16xf32, #tpu.memory_space<vmem_shared>> -> memref<128x16xf32, #tpu.memory_space<vmem_shared>>
      %dma_wait3A_152 = arith.constant 0 : i32
      %dma_wait3A_153 = tpu.memref_slice %arg12[%add3A_9, %dma_wait3A_152] : memref<10240x16xf32, #tpu.memory_space<vmem_shared>> -> memref<128x16xf32, #tpu.memory_space<vmem_shared>>
      tpu.wait_dma2 semaphore(%run_scoped3A : memref<!tpu.dma_semaphore, #tpu.memory_space<semaphore_mem>>) src(%arg11 : memref<128x16xf32, #tpu.memory_space<vmem>>) dst(%dma_wait3A_153 : memref<128x16xf32, #tpu.memory_space<vmem_shared>>)
      tpu.yield
    }) : () -> ()
    %mul3A_10 = arith.constant 640 : i32
    %mul3A_11 = arith.muli %arg1, %mul3A_10 : i32
    %add3A_12 = arith.constant 384 : i32
    %add3A_13 = arith.addi %mul3A_11, %add3A_12 : i32
    "tpu.region"() ({
      %run_scoped3A = tpu.sem_alloc : memref<!tpu.dma_semaphore, #tpu.memory_space<semaphore_mem>>
      %dma_start3A_146 = arith.constant 0 : i32
      %dma_start3A_147 = tpu.memref_slice %arg12[%add3A_13, %dma_start3A_146] : memref<10240x16xf32, #tpu.memory_space<vmem_shared>> -> memref<128x16xf32, #tpu.memory_space<vmem_shared>>
      %dma_start3A_148 = arith.constant 0 : i32
      %dma_start3A_149 = tpu.memref_slice %arg12[%add3A_13, %dma_start3A_148] : memref<10240x16xf32, #tpu.memory_space<vmem_shared>> -> memref<128x16xf32, #tpu.memory_space<vmem_shared>>
      tpu.enqueue_dma source(%arg11 : memref<128x16xf32, #tpu.memory_space<vmem>>) target(%dma_start3A_149 : memref<128x16xf32, #tpu.memory_space<vmem_shared>>) target_semaphore(%run_scoped3A : memref<!tpu.dma_semaphore, #tpu.memory_space<semaphore_mem>>)
      %dma_wait3A_150 = arith.constant 0 : i32
      %dma_wait3A_151 = tpu.memref_slice %arg12[%add3A_13, %dma_wait3A_150] : memref<10240x16xf32, #tpu.memory_space<vmem_shared>> -> memref<128x16xf32, #tpu.memory_space<vmem_shared>>
      %dma_wait3A_152 = arith.constant 0 : i32
      %dma_wait3A_153 = tpu.memref_slice %arg12[%add3A_13, %dma_wait3A_152] : memref<10240x16xf32, #tpu.memory_space<vmem_shared>> -> memref<128x16xf32, #tpu.memory_space<vmem_shared>>
      tpu.wait_dma2 semaphore(%run_scoped3A : memref<!tpu.dma_semaphore, #tpu.memory_space<semaphore_mem>>) src(%arg11 : memref<128x16xf32, #tpu.memory_space<vmem>>) dst(%dma_wait3A_153 : memref<128x16xf32, #tpu.memory_space<vmem_shared>>)
      tpu.yield
    }) : () -> ()
    %mul3A_14 = arith.constant 640 : i32
    %mul3A_15 = arith.muli %arg1, %mul3A_14 : i32
    %add3A_16 = arith.constant 512 : i32
    %add3A_17 = arith.addi %mul3A_15, %add3A_16 : i32
    "tpu.region"() ({
      %run_scoped3A = tpu.sem_alloc : memref<!tpu.dma_semaphore, #tpu.memory_space<semaphore_mem>>
      %dma_start3A_146 = arith.constant 0 : i32
      %dma_start3A_147 = tpu.memref_slice %arg12[%add3A_17, %dma_start3A_146] : memref<10240x16xf32, #tpu.memory_space<vmem_shared>> -> memref<128x16xf32, #tpu.memory_space<vmem_shared>>
      %dma_start3A_148 = arith.constant 0 : i32
      %dma_start3A_149 = tpu.memref_slice %arg12[%add3A_17, %dma_start3A_148] : memref<10240x16xf32, #tpu.memory_space<vmem_shared>> -> memref<128x16xf32, #tpu.memory_space<vmem_shared>>
      tpu.enqueue_dma source(%arg11 : memref<128x16xf32, #tpu.memory_space<vmem>>) target(%dma_start3A_149 : memref<128x16xf32, #tpu.memory_space<vmem_shared>>) target_semaphore(%run_scoped3A : memref<!tpu.dma_semaphore, #tpu.memory_space<semaphore_mem>>)
      %dma_wait3A_150 = arith.constant 0 : i32
      %dma_wait3A_151 = tpu.memref_slice %arg12[%add3A_17, %dma_wait3A_150] : memref<10240x16xf32, #tpu.memory_space<vmem_shared>> -> memref<128x16xf32, #tpu.memory_space<vmem_shared>>
      %dma_wait3A_152 = arith.constant 0 : i32
      %dma_wait3A_153 = tpu.memref_slice %arg12[%add3A_17, %dma_wait3A_152] : memref<10240x16xf32, #tpu.memory_space<vmem_shared>> -> memref<128x16xf32, #tpu.memory_space<vmem_shared>>
      tpu.wait_dma2 semaphore(%run_scoped3A : memref<!tpu.dma_semaphore, #tpu.memory_space<semaphore_mem>>) src(%arg11 : memref<128x16xf32, #tpu.memory_space<vmem>>) dst(%dma_wait3A_153 : memref<128x16xf32, #tpu.memory_space<vmem_shared>>)
      tpu.yield
    }) : () -> ()
    %mul3A_18 = arith.constant 640 : i32
    %mul3A_19 = arith.muli %arg1, %mul3A_18 : i32
    %add3A_20 = arith.constant 0 : i32
    %add3A_21 = arith.addi %mul3A_19, %add3A_20 : i32
    "tpu.region"() ({
      %run_scoped3A = tpu.sem_alloc : memref<!tpu.dma_semaphore, #tpu.memory_space<semaphore_mem>>
      %dma_start3A_146 = arith.constant 0 : i32
      %dma_start3A_147 = tpu.memref_slice %arg4[%add3A_21, %dma_start3A_146] : memref<10240x16xf32, #tpu.memory_space<hbm>> -> memref<128x16xf32, #tpu.memory_space<hbm>>
      %dma_start3A_148 = arith.constant 0 : i32
      %dma_start3A_149 = tpu.memref_slice %arg4[%add3A_21, %dma_start3A_148] : memref<10240x16xf32, #tpu.memory_space<hbm>> -> memref<128x16xf32, #tpu.memory_space<hbm>>
      tpu.enqueue_dma source(%dma_start3A_149 : memref<128x16xf32, #tpu.memory_space<hbm>>) target(%arg11 : memref<128x16xf32, #tpu.memory_space<vmem>>) target_semaphore(%run_scoped3A : memref<!tpu.dma_semaphore, #tpu.memory_space<semaphore_mem>>)
      %dma_wait3A_150 = arith.constant 0 : i32
      %dma_wait3A_151 = tpu.memref_slice %arg4[%add3A_21, %dma_wait3A_150] : memref<10240x16xf32, #tpu.memory_space<hbm>> -> memref<128x16xf32, #tpu.memory_space<hbm>>
      %dma_wait3A_152 = arith.constant 0 : i32
      %dma_wait3A_153 = tpu.memref_slice %arg4[%add3A_21, %dma_wait3A_152] : memref<10240x16xf32, #tpu.memory_space<hbm>> -> memref<128x16xf32, #tpu.memory_space<hbm>>
      tpu.wait_dma2 semaphore(%run_scoped3A : memref<!tpu.dma_semaphore, #tpu.memory_space<semaphore_mem>>) src(%dma_wait3A_153 : memref<128x16xf32, #tpu.memory_space<hbm>>) dst(%arg11 : memref<128x16xf32, #tpu.memory_space<vmem>>)
      tpu.yield
    }) : () -> ()
    "tpu.region"() ({
      %run_scoped3A = tpu.sem_alloc : memref<!tpu.dma_semaphore, #tpu.memory_space<semaphore_mem>>
      %dma_start3A_146 = arith.constant 0 : i32
      %dma_start3A_147 = tpu.memref_slice %arg13[%add3A_21, %dma_start3A_146] : memref<10240x16xf32, #tpu.memory_space<vmem_shared>> -> memref<128x16xf32, #tpu.memory_space<vmem_shared>>
      %dma_start3A_148 = arith.constant 0 : i32
      %dma_start3A_149 = tpu.memref_slice %arg13[%add3A_21, %dma_start3A_148] : memref<10240x16xf32, #tpu.memory_space<vmem_shared>> -> memref<128x16xf32, #tpu.memory_space<vmem_shared>>
      tpu.enqueue_dma source(%arg11 : memref<128x16xf32, #tpu.memory_space<vmem>>) target(%dma_start3A_149 : memref<128x16xf32, #tpu.memory_space<vmem_shared>>) target_semaphore(%run_scoped3A : memref<!tpu.dma_semaphore, #tpu.memory_space<semaphore_mem>>)
      %dma_wait3A_150 = arith.constant 0 : i32
      %dma_wait3A_151 = tpu.memref_slice %arg13[%add3A_21, %dma_wait3A_150] : memref<10240x16xf32, #tpu.memory_space<vmem_shared>> -> memref<128x16xf32, #tpu.memory_space<vmem_shared>>
      %dma_wait3A_152 = arith.constant 0 : i32
      %dma_wait3A_153 = tpu.memref_slice %arg13[%add3A_21, %dma_wait3A_152] : memref<10240x16xf32, #tpu.memory_space<vmem_shared>> -> memref<128x16xf32, #tpu.memory_space<vmem_shared>>
      tpu.wait_dma2 semaphore(%run_scoped3A : memref<!tpu.dma_semaphore, #tpu.memory_space<semaphore_mem>>) src(%arg11 : memref<128x16xf32, #tpu.memory_space<vmem>>) dst(%dma_wait3A_153 : memref<128x16xf32, #tpu.memory_space<vmem_shared>>)
      tpu.yield
    }) : () -> ()
    %mul3A_22 = arith.constant 640 : i32
    %mul3A_23 = arith.muli %arg1, %mul3A_22 : i32
    %add3A_24 = arith.constant 128 : i32
    %add3A_25 = arith.addi %mul3A_23, %add3A_24 : i32
    "tpu.region"() ({
      %run_scoped3A = tpu.sem_alloc : memref<!tpu.dma_semaphore, #tpu.memory_space<semaphore_mem>>
      %dma_start3A_146 = arith.constant 0 : i32
      %dma_start3A_147 = tpu.memref_slice %arg4[%add3A_25, %dma_start3A_146] : memref<10240x16xf32, #tpu.memory_space<hbm>> -> memref<128x16xf32, #tpu.memory_space<hbm>>
      %dma_start3A_148 = arith.constant 0 : i32
      %dma_start3A_149 = tpu.memref_slice %arg4[%add3A_25, %dma_start3A_148] : memref<10240x16xf32, #tpu.memory_space<hbm>> -> memref<128x16xf32, #tpu.memory_space<hbm>>
      tpu.enqueue_dma source(%dma_start3A_149 : memref<128x16xf32, #tpu.memory_space<hbm>>) target(%arg11 : memref<128x16xf32, #tpu.memory_space<vmem>>) target_semaphore(%run_scoped3A : memref<!tpu.dma_semaphore, #tpu.memory_space<semaphore_mem>>)
      %dma_wait3A_150 = arith.constant 0 : i32
      %dma_wait3A_151 = tpu.memref_slice %arg4[%add3A_25, %dma_wait3A_150] : memref<10240x16xf32, #tpu.memory_space<hbm>> -> memref<128x16xf32, #tpu.memory_space<hbm>>
      %dma_wait3A_152 = arith.constant 0 : i32
      %dma_wait3A_153 = tpu.memref_slice %arg4[%add3A_25, %dma_wait3A_152] : memref<10240x16xf32, #tpu.memory_space<hbm>> -> memref<128x16xf32, #tpu.memory_space<hbm>>
      tpu.wait_dma2 semaphore(%run_scoped3A : memref<!tpu.dma_semaphore, #tpu.memory_space<semaphore_mem>>) src(%dma_wait3A_153 : memref<128x16xf32, #tpu.memory_space<hbm>>) dst(%arg11 : memref<128x16xf32, #tpu.memory_space<vmem>>)
      tpu.yield
    }) : () -> ()
    "tpu.region"() ({
      %run_scoped3A = tpu.sem_alloc : memref<!tpu.dma_semaphore, #tpu.memory_space<semaphore_mem>>
      %dma_start3A_146 = arith.constant 0 : i32
      %dma_start3A_147 = tpu.memref_slice %arg13[%add3A_25, %dma_start3A_146] : memref<10240x16xf32, #tpu.memory_space<vmem_shared>> -> memref<128x16xf32, #tpu.memory_space<vmem_shared>>
      %dma_start3A_148 = arith.constant 0 : i32
      %dma_start3A_149 = tpu.memref_slice %arg13[%add3A_25, %dma_start3A_148] : memref<10240x16xf32, #tpu.memory_space<vmem_shared>> -> memref<128x16xf32, #tpu.memory_space<vmem_shared>>
      tpu.enqueue_dma source(%arg11 : memref<128x16xf32, #tpu.memory_space<vmem>>) target(%dma_start3A_149 : memref<128x16xf32, #tpu.memory_space<vmem_shared>>) target_semaphore(%run_scoped3A : memref<!tpu.dma_semaphore, #tpu.memory_space<semaphore_mem>>)
      %dma_wait3A_150 = arith.constant 0 : i32
      %dma_wait3A_151 = tpu.memref_slice %arg13[%add3A_25, %dma_wait3A_150] : memref<10240x16xf32, #tpu.memory_space<vmem_shared>> -> memref<128x16xf32, #tpu.memory_space<vmem_shared>>
      %dma_wait3A_152 = arith.constant 0 : i32
      %dma_wait3A_153 = tpu.memref_slice %arg13[%add3A_25, %dma_wait3A_152] : memref<10240x16xf32, #tpu.memory_space<vmem_shared>> -> memref<128x16xf32, #tpu.memory_space<vmem_shared>>
      tpu.wait_dma2 semaphore(%run_scoped3A : memref<!tpu.dma_semaphore, #tpu.memory_space<semaphore_mem>>) src(%arg11 : memref<128x16xf32, #tpu.memory_space<vmem>>) dst(%dma_wait3A_153 : memref<128x16xf32, #tpu.memory_space<vmem_shared>>)
      tpu.yield
    }) : () -> ()
    %mul3A_26 = arith.constant 640 : i32
    %mul3A_27 = arith.muli %arg1, %mul3A_26 : i32
    %add3A_28 = arith.constant 256 : i32
    %add3A_29 = arith.addi %mul3A_27, %add3A_28 : i32
    "tpu.region"() ({
      %run_scoped3A = tpu.sem_alloc : memref<!tpu.dma_semaphore, #tpu.memory_space<semaphore_mem>>
      %dma_start3A_146 = arith.constant 0 : i32
      %dma_start3A_147 = tpu.memref_slice %arg4[%add3A_29, %dma_start3A_146] : memref<10240x16xf32, #tpu.memory_space<hbm>> -> memref<128x16xf32, #tpu.memory_space<hbm>>
      %dma_start3A_148 = arith.constant 0 : i32
      %dma_start3A_149 = tpu.memref_slice %arg4[%add3A_29, %dma_start3A_148] : memref<10240x16xf32, #tpu.memory_space<hbm>> -> memref<128x16xf32, #tpu.memory_space<hbm>>
      tpu.enqueue_dma source(%dma_start3A_149 : memref<128x16xf32, #tpu.memory_space<hbm>>) target(%arg11 : memref<128x16xf32, #tpu.memory_space<vmem>>) target_semaphore(%run_scoped3A : memref<!tpu.dma_semaphore, #tpu.memory_space<semaphore_mem>>)
      %dma_wait3A_150 = arith.constant 0 : i32
      %dma_wait3A_151 = tpu.memref_slice %arg4[%add3A_29, %dma_wait3A_150] : memref<10240x16xf32, #tpu.memory_space<hbm>> -> memref<128x16xf32, #tpu.memory_space<hbm>>
      %dma_wait3A_152 = arith.constant 0 : i32
      %dma_wait3A_153 = tpu.memref_slice %arg4[%add3A_29, %dma_wait3A_152] : memref<10240x16xf32, #tpu.memory_space<hbm>> -> memref<128x16xf32, #tpu.memory_space<hbm>>
      tpu.wait_dma2 semaphore(%run_scoped3A : memref<!tpu.dma_semaphore, #tpu.memory_space<semaphore_mem>>) src(%dma_wait3A_153 : memref<128x16xf32, #tpu.memory_space<hbm>>) dst(%arg11 : memref<128x16xf32, #tpu.memory_space<vmem>>)
      tpu.yield
    }) : () -> ()
    "tpu.region"() ({
      %run_scoped3A = tpu.sem_alloc : memref<!tpu.dma_semaphore, #tpu.memory_space<semaphore_mem>>
      %dma_start3A_146 = arith.constant 0 : i32
      %dma_start3A_147 = tpu.memref_slice %arg13[%add3A_29, %dma_start3A_146] : memref<10240x16xf32, #tpu.memory_space<vmem_shared>> -> memref<128x16xf32, #tpu.memory_space<vmem_shared>>
      %dma_start3A_148 = arith.constant 0 : i32
      %dma_start3A_149 = tpu.memref_slice %arg13[%add3A_29, %dma_start3A_148] : memref<10240x16xf32, #tpu.memory_space<vmem_shared>> -> memref<128x16xf32, #tpu.memory_space<vmem_shared>>
      tpu.enqueue_dma source(%arg11 : memref<128x16xf32, #tpu.memory_space<vmem>>) target(%dma_start3A_149 : memref<128x16xf32, #tpu.memory_space<vmem_shared>>) target_semaphore(%run_scoped3A : memref<!tpu.dma_semaphore, #tpu.memory_space<semaphore_mem>>)
      %dma_wait3A_150 = arith.constant 0 : i32
      %dma_wait3A_151 = tpu.memref_slice %arg13[%add3A_29, %dma_wait3A_150] : memref<10240x16xf32, #tpu.memory_space<vmem_shared>> -> memref<128x16xf32, #tpu.memory_space<vmem_shared>>
      %dma_wait3A_152 = arith.constant 0 : i32
      %dma_wait3A_153 = tpu.memref_slice %arg13[%add3A_29, %dma_wait3A_152] : memref<10240x16xf32, #tpu.memory_space<vmem_shared>> -> memref<128x16xf32, #tpu.memory_space<vmem_shared>>
      tpu.wait_dma2 semaphore(%run_scoped3A : memref<!tpu.dma_semaphore, #tpu.memory_space<semaphore_mem>>) src(%arg11 : memref<128x16xf32, #tpu.memory_space<vmem>>) dst(%dma_wait3A_153 : memref<128x16xf32, #tpu.memory_space<vmem_shared>>)
      tpu.yield
    }) : () -> ()
    %mul3A_30 = arith.constant 640 : i32
    %mul3A_31 = arith.muli %arg1, %mul3A_30 : i32
    %add3A_32 = arith.constant 384 : i32
    %add3A_33 = arith.addi %mul3A_31, %add3A_32 : i32
    "tpu.region"() ({
      %run_scoped3A = tpu.sem_alloc : memref<!tpu.dma_semaphore, #tpu.memory_space<semaphore_mem>>
      %dma_start3A_146 = arith.constant 0 : i32
      %dma_start3A_147 = tpu.memref_slice %arg4[%add3A_33, %dma_start3A_146] : memref<10240x16xf32, #tpu.memory_space<hbm>> -> memref<128x16xf32, #tpu.memory_space<hbm>>
      %dma_start3A_148 = arith.constant 0 : i32
      %dma_start3A_149 = tpu.memref_slice %arg4[%add3A_33, %dma_start3A_148] : memref<10240x16xf32, #tpu.memory_space<hbm>> -> memref<128x16xf32, #tpu.memory_space<hbm>>
      tpu.enqueue_dma source(%dma_start3A_149 : memref<128x16xf32, #tpu.memory_space<hbm>>) target(%arg11 : memref<128x16xf32, #tpu.memory_space<vmem>>) target_semaphore(%run_scoped3A : memref<!tpu.dma_semaphore, #tpu.memory_space<semaphore_mem>>)
      %dma_wait3A_150 = arith.constant 0 : i32
      %dma_wait3A_151 = tpu.memref_slice %arg4[%add3A_33, %dma_wait3A_150] : memref<10240x16xf32, #tpu.memory_space<hbm>> -> memref<128x16xf32, #tpu.memory_space<hbm>>
      %dma_wait3A_152 = arith.constant 0 : i32
      %dma_wait3A_153 = tpu.memref_slice %arg4[%add3A_33, %dma_wait3A_152] : memref<10240x16xf32, #tpu.memory_space<hbm>> -> memref<128x16xf32, #tpu.memory_space<hbm>>
      tpu.wait_dma2 semaphore(%run_scoped3A : memref<!tpu.dma_semaphore, #tpu.memory_space<semaphore_mem>>) src(%dma_wait3A_153 : memref<128x16xf32, #tpu.memory_space<hbm>>) dst(%arg11 : memref<128x16xf32, #tpu.memory_space<vmem>>)
      tpu.yield
    }) : () -> ()
    "tpu.region"() ({
      %run_scoped3A = tpu.sem_alloc : memref<!tpu.dma_semaphore, #tpu.memory_space<semaphore_mem>>
      %dma_start3A_146 = arith.constant 0 : i32
      %dma_start3A_147 = tpu.memref_slice %arg13[%add3A_33, %dma_start3A_146] : memref<10240x16xf32, #tpu.memory_space<vmem_shared>> -> memref<128x16xf32, #tpu.memory_space<vmem_shared>>
      %dma_start3A_148 = arith.constant 0 : i32
      %dma_start3A_149 = tpu.memref_slice %arg13[%add3A_33, %dma_start3A_148] : memref<10240x16xf32, #tpu.memory_space<vmem_shared>> -> memref<128x16xf32, #tpu.memory_space<vmem_shared>>
      tpu.enqueue_dma source(%arg11 : memref<128x16xf32, #tpu.memory_space<vmem>>) target(%dma_start3A_149 : memref<128x16xf32, #tpu.memory_space<vmem_shared>>) target_semaphore(%run_scoped3A : memref<!tpu.dma_semaphore, #tpu.memory_space<semaphore_mem>>)
      %dma_wait3A_150 = arith.constant 0 : i32
      %dma_wait3A_151 = tpu.memref_slice %arg13[%add3A_33, %dma_wait3A_150] : memref<10240x16xf32, #tpu.memory_space<vmem_shared>> -> memref<128x16xf32, #tpu.memory_space<vmem_shared>>
      %dma_wait3A_152 = arith.constant 0 : i32
      %dma_wait3A_153 = tpu.memref_slice %arg13[%add3A_33, %dma_wait3A_152] : memref<10240x16xf32, #tpu.memory_space<vmem_shared>> -> memref<128x16xf32, #tpu.memory_space<vmem_shared>>
      tpu.wait_dma2 semaphore(%run_scoped3A : memref<!tpu.dma_semaphore, #tpu.memory_space<semaphore_mem>>) src(%arg11 : memref<128x16xf32, #tpu.memory_space<vmem>>) dst(%dma_wait3A_153 : memref<128x16xf32, #tpu.memory_space<vmem_shared>>)
      tpu.yield
    }) : () -> ()
    %mul3A_34 = arith.constant 640 : i32
    %mul3A_35 = arith.muli %arg1, %mul3A_34 : i32
    %add3A_36 = arith.constant 512 : i32
    %add3A_37 = arith.addi %mul3A_35, %add3A_36 : i32
    "tpu.region"() ({
      %run_scoped3A = tpu.sem_alloc : memref<!tpu.dma_semaphore, #tpu.memory_space<semaphore_mem>>
      %dma_start3A_146 = arith.constant 0 : i32
      %dma_start3A_147 = tpu.memref_slice %arg4[%add3A_37, %dma_start3A_146] : memref<10240x16xf32, #tpu.memory_space<hbm>> -> memref<128x16xf32, #tpu.memory_space<hbm>>
      %dma_start3A_148 = arith.constant 0 : i32
      %dma_start3A_149 = tpu.memref_slice %arg4[%add3A_37, %dma_start3A_148] : memref<10240x16xf32, #tpu.memory_space<hbm>> -> memref<128x16xf32, #tpu.memory_space<hbm>>
      tpu.enqueue_dma source(%dma_start3A_149 : memref<128x16xf32, #tpu.memory_space<hbm>>) target(%arg11 : memref<128x16xf32, #tpu.memory_space<vmem>>) target_semaphore(%run_scoped3A : memref<!tpu.dma_semaphore, #tpu.memory_space<semaphore_mem>>)
      %dma_wait3A_150 = arith.constant 0 : i32
      %dma_wait3A_151 = tpu.memref_slice %arg4[%add3A_37, %dma_wait3A_150] : memref<10240x16xf32, #tpu.memory_space<hbm>> -> memref<128x16xf32, #tpu.memory_space<hbm>>
      %dma_wait3A_152 = arith.constant 0 : i32
      %dma_wait3A_153 = tpu.memref_slice %arg4[%add3A_37, %dma_wait3A_152] : memref<10240x16xf32, #tpu.memory_space<hbm>> -> memref<128x16xf32, #tpu.memory_space<hbm>>
      tpu.wait_dma2 semaphore(%run_scoped3A : memref<!tpu.dma_semaphore, #tpu.memory_space<semaphore_mem>>) src(%dma_wait3A_153 : memref<128x16xf32, #tpu.memory_space<hbm>>) dst(%arg11 : memref<128x16xf32, #tpu.memory_space<vmem>>)
      tpu.yield
    }) : () -> ()
    "tpu.region"() ({
      %run_scoped3A = tpu.sem_alloc : memref<!tpu.dma_semaphore, #tpu.memory_space<semaphore_mem>>
      %dma_start3A_146 = arith.constant 0 : i32
      %dma_start3A_147 = tpu.memref_slice %arg13[%add3A_37, %dma_start3A_146] : memref<10240x16xf32, #tpu.memory_space<vmem_shared>> -> memref<128x16xf32, #tpu.memory_space<vmem_shared>>
      %dma_start3A_148 = arith.constant 0 : i32
      %dma_start3A_149 = tpu.memref_slice %arg13[%add3A_37, %dma_start3A_148] : memref<10240x16xf32, #tpu.memory_space<vmem_shared>> -> memref<128x16xf32, #tpu.memory_space<vmem_shared>>
      tpu.enqueue_dma source(%arg11 : memref<128x16xf32, #tpu.memory_space<vmem>>) target(%dma_start3A_149 : memref<128x16xf32, #tpu.memory_space<vmem_shared>>) target_semaphore(%run_scoped3A : memref<!tpu.dma_semaphore, #tpu.memory_space<semaphore_mem>>)
      %dma_wait3A_150 = arith.constant 0 : i32
      %dma_wait3A_151 = tpu.memref_slice %arg13[%add3A_37, %dma_wait3A_150] : memref<10240x16xf32, #tpu.memory_space<vmem_shared>> -> memref<128x16xf32, #tpu.memory_space<vmem_shared>>
      %dma_wait3A_152 = arith.constant 0 : i32
      %dma_wait3A_153 = tpu.memref_slice %arg13[%add3A_37, %dma_wait3A_152] : memref<10240x16xf32, #tpu.memory_space<vmem_shared>> -> memref<128x16xf32, #tpu.memory_space<vmem_shared>>
      tpu.wait_dma2 semaphore(%run_scoped3A : memref<!tpu.dma_semaphore, #tpu.memory_space<semaphore_mem>>) src(%arg11 : memref<128x16xf32, #tpu.memory_space<vmem>>) dst(%dma_wait3A_153 : memref<128x16xf32, #tpu.memory_space<vmem_shared>>)
      tpu.yield
    }) : () -> ()
    "tpu.region"() ({
      %run_scoped3A = tpu.sem_alloc : memref<!tpu.dma_semaphore, #tpu.memory_space<semaphore_mem>>
      %dma_start3A_146 = arith.constant 0 : i32
      %dma_start3A_147 = arith.constant 0 : i32
      %dma_start3A_148 = arith.constant 0 : i32
      %dma_start3A_149 = tpu.memref_slice %arg2[%arg0, %dma_start3A_146, %dma_start3A_147, %dma_start3A_148] : memref<2x16x125x40xi32, #tpu.memory_space<hbm>> -> memref<1x16x125x40xi32, #tpu.memory_space<hbm>>
      %dma_start3A_150 = tpu.memref_squeeze %dma_start3A_149 : memref<1x16x125x40xi32, #tpu.memory_space<hbm>> -> memref<16x125x40xi32, #tpu.memory_space<hbm>>
      %dma_start3A_151 = arith.constant 0 : i32
      %dma_start3A_152 = arith.constant 0 : i32
      %dma_start3A_153 = tpu.memref_slice %dma_start3A_150[%arg1, %dma_start3A_151, %dma_start3A_152] : memref<16x125x40xi32, #tpu.memory_space<hbm>> -> memref<1x125x40xi32, #tpu.memory_space<hbm>>
      %dma_start3A_154 = tpu.memref_squeeze %dma_start3A_153 : memref<1x125x40xi32, #tpu.memory_space<hbm>> -> memref<125x40xi32, #tpu.memory_space<hbm>>
      %dma_start3A_155 = arith.constant 0 : i32
      %dma_start3A_156 = arith.constant 0 : i32
      %dma_start3A_157 = arith.constant 0 : i32
      %dma_start3A_158 = tpu.memref_slice %arg2[%arg0, %dma_start3A_155, %dma_start3A_156, %dma_start3A_157] : memref<2x16x125x40xi32, #tpu.memory_space<hbm>> -> memref<1x16x125x40xi32, #tpu.memory_space<hbm>>
      %dma_start3A_159 = tpu.memref_squeeze %dma_start3A_158 : memref<1x16x125x40xi32, #tpu.memory_space<hbm>> -> memref<16x125x40xi32, #tpu.memory_space<hbm>>
      %dma_start3A_160 = arith.constant 0 : i32
      %dma_start3A_161 = arith.constant 0 : i32
      %dma_start3A_162 = tpu.memref_slice %dma_start3A_159[%arg1, %dma_start3A_160, %dma_start3A_161] : memref<16x125x40xi32, #tpu.memory_space<hbm>> -> memref<1x125x40xi32, #tpu.memory_space<hbm>>
      %dma_start3A_163 = tpu.memref_squeeze %dma_start3A_162 : memref<1x125x40xi32, #tpu.memory_space<hbm>> -> memref<125x40xi32, #tpu.memory_space<hbm>>
      tpu.enqueue_dma source(%dma_start3A_163 : memref<125x40xi32, #tpu.memory_space<hbm>>) target(%arg7 : memref<125x40xi32, #tpu.memory_space<vmem>>) target_semaphore(%run_scoped3A : memref<!tpu.dma_semaphore, #tpu.memory_space<semaphore_mem>>)
      %dma_wait3A_164 = arith.constant 0 : i32
      %dma_wait3A_165 = arith.constant 0 : i32
      %dma_wait3A_166 = arith.constant 0 : i32
      %dma_wait3A_167 = tpu.memref_slice %arg2[%arg0, %dma_wait3A_164, %dma_wait3A_165, %dma_wait3A_166] : memref<2x16x125x40xi32, #tpu.memory_space<hbm>> -> memref<1x16x125x40xi32, #tpu.memory_space<hbm>>
      %dma_wait3A_168 = tpu.memref_squeeze %dma_wait3A_167 : memref<1x16x125x40xi32, #tpu.memory_space<hbm>> -> memref<16x125x40xi32, #tpu.memory_space<hbm>>
      %dma_wait3A_169 = arith.constant 0 : i32
      %dma_wait3A_170 = arith.constant 0 : i32
      %dma_wait3A_171 = tpu.memref_slice %dma_wait3A_168[%arg1, %dma_wait3A_169, %dma_wait3A_170] : memref<16x125x40xi32, #tpu.memory_space<hbm>> -> memref<1x125x40xi32, #tpu.memory_space<hbm>>
      %dma_wait3A_172 = tpu.memref_squeeze %dma_wait3A_171 : memref<1x125x40xi32, #tpu.memory_space<hbm>> -> memref<125x40xi32, #tpu.memory_space<hbm>>
      %dma_wait3A_173 = arith.constant 0 : i32
      %dma_wait3A_174 = arith.constant 0 : i32
      %dma_wait3A_175 = arith.constant 0 : i32
      %dma_wait3A_176 = tpu.memref_slice %arg2[%arg0, %dma_wait3A_173, %dma_wait3A_174, %dma_wait3A_175] : memref<2x16x125x40xi32, #tpu.memory_space<hbm>> -> memref<1x16x125x40xi32, #tpu.memory_space<hbm>>
      %dma_wait3A_177 = tpu.memref_squeeze %dma_wait3A_176 : memref<1x16x125x40xi32, #tpu.memory_space<hbm>> -> memref<16x125x40xi32, #tpu.memory_space<hbm>>
      %dma_wait3A_178 = arith.constant 0 : i32
      %dma_wait3A_179 = arith.constant 0 : i32
      %dma_wait3A_180 = tpu.memref_slice %dma_wait3A_177[%arg1, %dma_wait3A_178, %dma_wait3A_179] : memref<16x125x40xi32, #tpu.memory_space<hbm>> -> memref<1x125x40xi32, #tpu.memory_space<hbm>>
      %dma_wait3A_181 = tpu.memref_squeeze %dma_wait3A_180 : memref<1x125x40xi32, #tpu.memory_space<hbm>> -> memref<125x40xi32, #tpu.memory_space<hbm>>
      tpu.wait_dma2 semaphore(%run_scoped3A : memref<!tpu.dma_semaphore, #tpu.memory_space<semaphore_mem>>) src(%dma_wait3A_181 : memref<125x40xi32, #tpu.memory_space<hbm>>) dst(%arg7 : memref<125x40xi32, #tpu.memory_space<vmem>>)
      tpu.yield
    }) : () -> ()
    "tpu.region"() ({
      %run_scoped3A = tpu.sem_alloc : memref<!tpu.dma_semaphore, #tpu.memory_space<semaphore_mem>>
      %dma_start3A_146 = arith.constant 0 : i32
      %dma_start3A_147 = arith.constant 0 : i32
      %dma_start3A_148 = arith.constant 0 : i32
      %dma_start3A_149 = tpu.memref_slice %arg3[%arg0, %dma_start3A_146, %dma_start3A_147, %dma_start3A_148] : memref<2x16x125x40xi32, #tpu.memory_space<hbm>> -> memref<1x16x125x40xi32, #tpu.memory_space<hbm>>
      %dma_start3A_150 = tpu.memref_squeeze %dma_start3A_149 : memref<1x16x125x40xi32, #tpu.memory_space<hbm>> -> memref<16x125x40xi32, #tpu.memory_space<hbm>>
      %dma_start3A_151 = arith.constant 0 : i32
      %dma_start3A_152 = arith.constant 0 : i32
      %dma_start3A_153 = tpu.memref_slice %dma_start3A_150[%arg1, %dma_start3A_151, %dma_start3A_152] : memref<16x125x40xi32, #tpu.memory_space<hbm>> -> memref<1x125x40xi32, #tpu.memory_space<hbm>>
      %dma_start3A_154 = tpu.memref_squeeze %dma_start3A_153 : memref<1x125x40xi32, #tpu.memory_space<hbm>> -> memref<125x40xi32, #tpu.memory_space<hbm>>
      %dma_start3A_155 = arith.constant 0 : i32
      %dma_start3A_156 = arith.constant 0 : i32
      %dma_start3A_157 = arith.constant 0 : i32
      %dma_start3A_158 = tpu.memref_slice %arg3[%arg0, %dma_start3A_155, %dma_start3A_156, %dma_start3A_157] : memref<2x16x125x40xi32, #tpu.memory_space<hbm>> -> memref<1x16x125x40xi32, #tpu.memory_space<hbm>>
      %dma_start3A_159 = tpu.memref_squeeze %dma_start3A_158 : memref<1x16x125x40xi32, #tpu.memory_space<hbm>> -> memref<16x125x40xi32, #tpu.memory_space<hbm>>
      %dma_start3A_160 = arith.constant 0 : i32
      %dma_start3A_161 = arith.constant 0 : i32
      %dma_start3A_162 = tpu.memref_slice %dma_start3A_159[%arg1, %dma_start3A_160, %dma_start3A_161] : memref<16x125x40xi32, #tpu.memory_space<hbm>> -> memref<1x125x40xi32, #tpu.memory_space<hbm>>
      %dma_start3A_163 = tpu.memref_squeeze %dma_start3A_162 : memref<1x125x40xi32, #tpu.memory_space<hbm>> -> memref<125x40xi32, #tpu.memory_space<hbm>>
      tpu.enqueue_dma source(%dma_start3A_163 : memref<125x40xi32, #tpu.memory_space<hbm>>) target(%arg8 : memref<125x40xi32, #tpu.memory_space<vmem>>) target_semaphore(%run_scoped3A : memref<!tpu.dma_semaphore, #tpu.memory_space<semaphore_mem>>)
      %dma_wait3A_164 = arith.constant 0 : i32
      %dma_wait3A_165 = arith.constant 0 : i32
      %dma_wait3A_166 = arith.constant 0 : i32
      %dma_wait3A_167 = tpu.memref_slice %arg3[%arg0, %dma_wait3A_164, %dma_wait3A_165, %dma_wait3A_166] : memref<2x16x125x40xi32, #tpu.memory_space<hbm>> -> memref<1x16x125x40xi32, #tpu.memory_space<hbm>>
      %dma_wait3A_168 = tpu.memref_squeeze %dma_wait3A_167 : memref<1x16x125x40xi32, #tpu.memory_space<hbm>> -> memref<16x125x40xi32, #tpu.memory_space<hbm>>
      %dma_wait3A_169 = arith.constant 0 : i32
      %dma_wait3A_170 = arith.constant 0 : i32
      %dma_wait3A_171 = tpu.memref_slice %dma_wait3A_168[%arg1, %dma_wait3A_169, %dma_wait3A_170] : memref<16x125x40xi32, #tpu.memory_space<hbm>> -> memref<1x125x40xi32, #tpu.memory_space<hbm>>
      %dma_wait3A_172 = tpu.memref_squeeze %dma_wait3A_171 : memref<1x125x40xi32, #tpu.memory_space<hbm>> -> memref<125x40xi32, #tpu.memory_space<hbm>>
      %dma_wait3A_173 = arith.constant 0 : i32
      %dma_wait3A_174 = arith.constant 0 : i32
      %dma_wait3A_175 = arith.constant 0 : i32
      %dma_wait3A_176 = tpu.memref_slice %arg3[%arg0, %dma_wait3A_173, %dma_wait3A_174, %dma_wait3A_175] : memref<2x16x125x40xi32, #tpu.memory_space<hbm>> -> memref<1x16x125x40xi32, #tpu.memory_space<hbm>>
      %dma_wait3A_177 = tpu.memref_squeeze %dma_wait3A_176 : memref<1x16x125x40xi32, #tpu.memory_space<hbm>> -> memref<16x125x40xi32, #tpu.memory_space<hbm>>
      %dma_wait3A_178 = arith.constant 0 : i32
      %dma_wait3A_179 = arith.constant 0 : i32
      %dma_wait3A_180 = tpu.memref_slice %dma_wait3A_177[%arg1, %dma_wait3A_178, %dma_wait3A_179] : memref<16x125x40xi32, #tpu.memory_space<hbm>> -> memref<1x125x40xi32, #tpu.memory_space<hbm>>
      %dma_wait3A_181 = tpu.memref_squeeze %dma_wait3A_180 : memref<1x125x40xi32, #tpu.memory_space<hbm>> -> memref<125x40xi32, #tpu.memory_space<hbm>>
      tpu.wait_dma2 semaphore(%run_scoped3A : memref<!tpu.dma_semaphore, #tpu.memory_space<semaphore_mem>>) src(%dma_wait3A_181 : memref<125x40xi32, #tpu.memory_space<hbm>>) dst(%arg8 : memref<125x40xi32, #tpu.memory_space<vmem>>)
      tpu.yield
    }) : () -> ()
    %barrier3A = arith.constant 0 : index
    tpu.barrier barrier_id(%barrier3A)
    %dma_start3A = arith.constant 0 : i32
    %dma_start3A_38 = arith.constant 0 : i32
    %dma_start3A_39 = tpu.memref_slice %arg7[%dma_start3A, %dma_start3A_38] : memref<125x40xi32, #tpu.memory_space<vmem>> -> memref<1x40xi32, #tpu.memory_space<vmem>>
    %dma_start3A_40 = tpu.memref_squeeze %dma_start3A_39 : memref<1x40xi32, #tpu.memory_space<vmem>> -> memref<40xi32, #tpu.memory_space<vmem>>
    %dma_start3A_41 = arith.constant 0 : i32
    %dma_start3A_42 = arith.constant 0 : i32
    %dma_start3A_43 = tpu.memref_slice %arg13[%dma_start3A_41, %dma_start3A_42] : memref<10240x16xf32, #tpu.memory_space<vmem_shared>> -> memref<10240x16xf32, #tpu.memory_space<vmem_shared>>
    tpu.enqueue_indirect_dma source(%dma_start3A_43 : memref<10240x16xf32, #tpu.memory_space<vmem_shared>>) target(%arg9 : memref<40x16xf32, #tpu.memory_space<vmem>>) offsets(%dma_start3A_40 : memref<40xi32, #tpu.memory_space<vmem>>) semaphore(%arg14 : memref<!tpu.dma_semaphore, #tpu.memory_space<semaphore_mem>>)
    %dma_start3A_44 = arith.constant 1 : i32
    %dma_start3A_45 = arith.constant 0 : i32
    %dma_start3A_46 = tpu.memref_slice %arg7[%dma_start3A_44, %dma_start3A_45] : memref<125x40xi32, #tpu.memory_space<vmem>> -> memref<1x40xi32, #tpu.memory_space<vmem>>
    %dma_start3A_47 = tpu.memref_squeeze %dma_start3A_46 : memref<1x40xi32, #tpu.memory_space<vmem>> -> memref<40xi32, #tpu.memory_space<vmem>>
    %dma_start3A_48 = arith.constant 0 : i32
    %dma_start3A_49 = arith.constant 0 : i32
    %dma_start3A_50 = tpu.memref_slice %arg13[%dma_start3A_48, %dma_start3A_49] : memref<10240x16xf32, #tpu.memory_space<vmem_shared>> -> memref<10240x16xf32, #tpu.memory_space<vmem_shared>>
    tpu.enqueue_indirect_dma source(%dma_start3A_50 : memref<10240x16xf32, #tpu.memory_space<vmem_shared>>) target(%arg10 : memref<40x16xf32, #tpu.memory_space<vmem>>) offsets(%dma_start3A_47 : memref<40xi32, #tpu.memory_space<vmem>>) semaphore(%arg15 : memref<!tpu.dma_semaphore, #tpu.memory_space<semaphore_mem>>)
    %dma_wait3A = arith.constant 0 : i32
    %dma_wait3A_51 = arith.constant 0 : i32
    %dma_wait3A_52 = tpu.memref_slice %arg7[%dma_wait3A, %dma_wait3A_51] : memref<125x40xi32, #tpu.memory_space<vmem>> -> memref<1x40xi32, #tpu.memory_space<vmem>>
    %dma_wait3A_53 = tpu.memref_squeeze %dma_wait3A_52 : memref<1x40xi32, #tpu.memory_space<vmem>> -> memref<40xi32, #tpu.memory_space<vmem>>
    %dma_wait3A_54 = arith.constant 0 : i32
    %dma_wait3A_55 = arith.constant 0 : i32
    %dma_wait3A_56 = tpu.memref_slice %arg13[%dma_wait3A_54, %dma_wait3A_55] : memref<10240x16xf32, #tpu.memory_space<vmem_shared>> -> memref<10240x16xf32, #tpu.memory_space<vmem_shared>>
    tpu.wait_indirect_dma semaphore(%arg14 : memref<!tpu.dma_semaphore, #tpu.memory_space<semaphore_mem>>) src(%dma_wait3A_56 : memref<10240x16xf32, #tpu.memory_space<vmem_shared>>) dst(%arg9 : memref<40x16xf32, #tpu.memory_space<vmem>>)
    %dma_start3A_57 = arith.constant 0 : i32
    %dma_start3A_58 = arith.constant 0 : i32
    %dma_start3A_59 = tpu.memref_slice %arg8[%dma_start3A_57, %dma_start3A_58] : memref<125x40xi32, #tpu.memory_space<vmem>> -> memref<1x40xi32, #tpu.memory_space<vmem>>
    %dma_start3A_60 = tpu.memref_squeeze %dma_start3A_59 : memref<1x40xi32, #tpu.memory_space<vmem>> -> memref<40xi32, #tpu.memory_space<vmem>>
    %dma_start3A_61 = arith.constant 0 : i32
    %dma_start3A_62 = arith.constant 0 : i32
    %dma_start3A_63 = tpu.memref_slice %arg12[%dma_start3A_61, %dma_start3A_62] : memref<10240x16xf32, #tpu.memory_space<vmem_shared>> -> memref<10240x16xf32, #tpu.memory_space<vmem_shared>>
    tpu.enqueue_indirect_dma source(%arg9 : memref<40x16xf32, #tpu.memory_space<vmem>>) target(%dma_start3A_63 : memref<10240x16xf32, #tpu.memory_space<vmem_shared>>) offsets(%dma_start3A_60 : memref<40xi32, #tpu.memory_space<vmem>>) semaphore(%arg16 : memref<!tpu.dma_semaphore, #tpu.memory_space<semaphore_mem>>) {add = true}
    %scan3A = arith.constant 0 : i32
    %scan3A_64 = arith.constant 0 : i32
    %scan3A_65 = arith.constant 61 : i32
    %scan3A_66 = arith.addi %scan3A_64, %scan3A_65 : i32
    %scan3A_67 = arith.constant 1 : i32
    scf.for %scan3A_146 = %scan3A_64 to %scan3A_66 step %scan3A_67  : i32 {
      %mul3A_147 = arith.constant 2 : i32
      %mul3A_148 = arith.muli %scan3A_146, %mul3A_147 : i32
      %add3A_149 = arith.constant 1 : i32
      %add3A_150 = arith.addi %mul3A_148, %add3A_149 : i32
      %add3A_151 = arith.constant 0 : i32
      %add3A_152 = arith.addi %add3A_150, %add3A_151 : i32
      %sub3A = arith.constant 1 : i32
      %sub3A_153 = arith.subi %add3A_152, %sub3A : i32
      %dma_wait3A_154 = arith.constant 0 : i32
      %dma_wait3A_155 = tpu.memref_slice %arg8[%sub3A_153, %dma_wait3A_154] : memref<125x40xi32, #tpu.memory_space<vmem>> -> memref<1x40xi32, #tpu.memory_space<vmem>>
      %dma_wait3A_156 = tpu.memref_squeeze %dma_wait3A_155 : memref<1x40xi32, #tpu.memory_space<vmem>> -> memref<40xi32, #tpu.memory_space<vmem>>
      %dma_wait3A_157 = arith.constant 0 : i32
      %dma_wait3A_158 = arith.constant 0 : i32
      %dma_wait3A_159 = tpu.memref_slice %arg12[%dma_wait3A_157, %dma_wait3A_158] : memref<10240x16xf32, #tpu.memory_space<vmem_shared>> -> memref<10240x16xf32, #tpu.memory_space<vmem_shared>>
      tpu.wait_indirect_dma semaphore(%arg16 : memref<!tpu.dma_semaphore, #tpu.memory_space<semaphore_mem>>) src(%arg9 : memref<40x16xf32, #tpu.memory_space<vmem>>) dst(%dma_wait3A_159 : memref<10240x16xf32, #tpu.memory_space<vmem_shared>>)
      %add3A_160 = arith.constant 1 : i32
      %add3A_161 = arith.addi %add3A_152, %add3A_160 : i32
      %dma_start3A_162 = arith.constant 0 : i32
      %dma_start3A_163 = tpu.memref_slice %arg7[%add3A_161, %dma_start3A_162] : memref<125x40xi32, #tpu.memory_space<vmem>> -> memref<1x40xi32, #tpu.memory_space<vmem>>
      %dma_start3A_164 = tpu.memref_squeeze %dma_start3A_163 : memref<1x40xi32, #tpu.memory_space<vmem>> -> memref<40xi32, #tpu.memory_space<vmem>>
      %dma_start3A_165 = arith.constant 0 : i32
      %dma_start3A_166 = arith.constant 0 : i32
      %dma_start3A_167 = tpu.memref_slice %arg13[%dma_start3A_165, %dma_start3A_166] : memref<10240x16xf32, #tpu.memory_space<vmem_shared>> -> memref<10240x16xf32, #tpu.memory_space<vmem_shared>>
      tpu.enqueue_indirect_dma source(%dma_start3A_167 : memref<10240x16xf32, #tpu.memory_space<vmem_shared>>) target(%arg9 : memref<40x16xf32, #tpu.memory_space<vmem>>) offsets(%dma_start3A_164 : memref<40xi32, #tpu.memory_space<vmem>>) semaphore(%arg14 : memref<!tpu.dma_semaphore, #tpu.memory_space<semaphore_mem>>)
      %dma_wait3A_168 = arith.constant 0 : i32
      %dma_wait3A_169 = tpu.memref_slice %arg7[%add3A_152, %dma_wait3A_168] : memref<125x40xi32, #tpu.memory_space<vmem>> -> memref<1x40xi32, #tpu.memory_space<vmem>>
      %dma_wait3A_170 = tpu.memref_squeeze %dma_wait3A_169 : memref<1x40xi32, #tpu.memory_space<vmem>> -> memref<40xi32, #tpu.memory_space<vmem>>
      %dma_wait3A_171 = arith.constant 0 : i32
      %dma_wait3A_172 = arith.constant 0 : i32
      %dma_wait3A_173 = tpu.memref_slice %arg13[%dma_wait3A_171, %dma_wait3A_172] : memref<10240x16xf32, #tpu.memory_space<vmem_shared>> -> memref<10240x16xf32, #tpu.memory_space<vmem_shared>>
      tpu.wait_indirect_dma semaphore(%arg15 : memref<!tpu.dma_semaphore, #tpu.memory_space<semaphore_mem>>) src(%dma_wait3A_173 : memref<10240x16xf32, #tpu.memory_space<vmem_shared>>) dst(%arg10 : memref<40x16xf32, #tpu.memory_space<vmem>>)
      %dma_start3A_174 = arith.constant 0 : i32
      %dma_start3A_175 = tpu.memref_slice %arg8[%add3A_152, %dma_start3A_174] : memref<125x40xi32, #tpu.memory_space<vmem>> -> memref<1x40xi32, #tpu.memory_space<vmem>>
      %dma_start3A_176 = tpu.memref_squeeze %dma_start3A_175 : memref<1x40xi32, #tpu.memory_space<vmem>> -> memref<40xi32, #tpu.memory_space<vmem>>
      %dma_start3A_177 = arith.constant 0 : i32
      %dma_start3A_178 = arith.constant 0 : i32
      %dma_start3A_179 = tpu.memref_slice %arg12[%dma_start3A_177, %dma_start3A_178] : memref<10240x16xf32, #tpu.memory_space<vmem_shared>> -> memref<10240x16xf32, #tpu.memory_space<vmem_shared>>
      tpu.enqueue_indirect_dma source(%arg10 : memref<40x16xf32, #tpu.memory_space<vmem>>) target(%dma_start3A_179 : memref<10240x16xf32, #tpu.memory_space<vmem_shared>>) offsets(%dma_start3A_176 : memref<40xi32, #tpu.memory_space<vmem>>) semaphore(%arg17 : memref<!tpu.dma_semaphore, #tpu.memory_space<semaphore_mem>>) {add = true}
      %mul3A_180 = arith.constant 2 : i32
      %mul3A_181 = arith.muli %scan3A_146, %mul3A_180 : i32
      %add3A_182 = arith.constant 1 : i32
      %add3A_183 = arith.addi %mul3A_181, %add3A_182 : i32
      %add3A_184 = arith.constant 1 : i32
      %add3A_185 = arith.addi %add3A_183, %add3A_184 : i32
      %sub3A_186 = arith.constant 1 : i32
      %sub3A_187 = arith.subi %add3A_185, %sub3A_186 : i32
      %dma_wait3A_188 = arith.constant 0 : i32
      %dma_wait3A_189 = tpu.memref_slice %arg8[%sub3A_187, %dma_wait3A_188] : memref<125x40xi32, #tpu.memory_space<vmem>> -> memref<1x40xi32, #tpu.memory_space<vmem>>
      %dma_wait3A_190 = tpu.memref_squeeze %dma_wait3A_189 : memref<1x40xi32, #tpu.memory_space<vmem>> -> memref<40xi32, #tpu.memory_space<vmem>>
      %dma_wait3A_191 = arith.constant 0 : i32
      %dma_wait3A_192 = arith.constant 0 : i32
      %dma_wait3A_193 = tpu.memref_slice %arg12[%dma_wait3A_191, %dma_wait3A_192] : memref<10240x16xf32, #tpu.memory_space<vmem_shared>> -> memref<10240x16xf32, #tpu.memory_space<vmem_shared>>
      tpu.wait_indirect_dma semaphore(%arg17 : memref<!tpu.dma_semaphore, #tpu.memory_space<semaphore_mem>>) src(%arg10 : memref<40x16xf32, #tpu.memory_space<vmem>>) dst(%dma_wait3A_193 : memref<10240x16xf32, #tpu.memory_space<vmem_shared>>)
      %add3A_194 = arith.constant 1 : i32
      %add3A_195 = arith.addi %add3A_185, %add3A_194 : i32
      %dma_start3A_196 = arith.constant 0 : i32
      %dma_start3A_197 = tpu.memref_slice %arg7[%add3A_195, %dma_start3A_196] : memref<125x40xi32, #tpu.memory_space<vmem>> -> memref<1x40xi32, #tpu.memory_space<vmem>>
      %dma_start3A_198 = tpu.memref_squeeze %dma_start3A_197 : memref<1x40xi32, #tpu.memory_space<vmem>> -> memref<40xi32, #tpu.memory_space<vmem>>
      %dma_start3A_199 = arith.constant 0 : i32
      %dma_start3A_200 = arith.constant 0 : i32
      %dma_start3A_201 = tpu.memref_slice %arg13[%dma_start3A_199, %dma_start3A_200] : memref<10240x16xf32, #tpu.memory_space<vmem_shared>> -> memref<10240x16xf32, #tpu.memory_space<vmem_shared>>
      tpu.enqueue_indirect_dma source(%dma_start3A_201 : memref<10240x16xf32, #tpu.memory_space<vmem_shared>>) target(%arg10 : memref<40x16xf32, #tpu.memory_space<vmem>>) offsets(%dma_start3A_198 : memref<40xi32, #tpu.memory_space<vmem>>) semaphore(%arg15 : memref<!tpu.dma_semaphore, #tpu.memory_space<semaphore_mem>>)
      %dma_wait3A_202 = arith.constant 0 : i32
      %dma_wait3A_203 = tpu.memref_slice %arg7[%add3A_185, %dma_wait3A_202] : memref<125x40xi32, #tpu.memory_space<vmem>> -> memref<1x40xi32, #tpu.memory_space<vmem>>
      %dma_wait3A_204 = tpu.memref_squeeze %dma_wait3A_203 : memref<1x40xi32, #tpu.memory_space<vmem>> -> memref<40xi32, #tpu.memory_space<vmem>>
      %dma_wait3A_205 = arith.constant 0 : i32
      %dma_wait3A_206 = arith.constant 0 : i32
      %dma_wait3A_207 = tpu.memref_slice %arg13[%dma_wait3A_205, %dma_wait3A_206] : memref<10240x16xf32, #tpu.memory_space<vmem_shared>> -> memref<10240x16xf32, #tpu.memory_space<vmem_shared>>
      tpu.wait_indirect_dma semaphore(%arg14 : memref<!tpu.dma_semaphore, #tpu.memory_space<semaphore_mem>>) src(%dma_wait3A_207 : memref<10240x16xf32, #tpu.memory_space<vmem_shared>>) dst(%arg9 : memref<40x16xf32, #tpu.memory_space<vmem>>)
      %dma_start3A_208 = arith.constant 0 : i32
      %dma_start3A_209 = tpu.memref_slice %arg8[%add3A_185, %dma_start3A_208] : memref<125x40xi32, #tpu.memory_space<vmem>> -> memref<1x40xi32, #tpu.memory_space<vmem>>
      %dma_start3A_210 = tpu.memref_squeeze %dma_start3A_209 : memref<1x40xi32, #tpu.memory_space<vmem>> -> memref<40xi32, #tpu.memory_space<vmem>>
      %dma_start3A_211 = arith.constant 0 : i32
      %dma_start3A_212 = arith.constant 0 : i32
      %dma_start3A_213 = tpu.memref_slice %arg12[%dma_start3A_211, %dma_start3A_212] : memref<10240x16xf32, #tpu.memory_space<vmem_shared>> -> memref<10240x16xf32, #tpu.memory_space<vmem_shared>>
      tpu.enqueue_indirect_dma source(%arg9 : memref<40x16xf32, #tpu.memory_space<vmem>>) target(%dma_start3A_213 : memref<10240x16xf32, #tpu.memory_space<vmem_shared>>) offsets(%dma_start3A_210 : memref<40xi32, #tpu.memory_space<vmem>>) semaphore(%arg16 : memref<!tpu.dma_semaphore, #tpu.memory_space<semaphore_mem>>) {add = true}
    }
    %scan3A_68 = arith.constant 61 : i32
    %dma_wait3A_69 = arith.constant 122 : i32
    %dma_wait3A_70 = arith.constant 0 : i32
    %dma_wait3A_71 = tpu.memref_slice %arg8[%dma_wait3A_69, %dma_wait3A_70] : memref<125x40xi32, #tpu.memory_space<vmem>> -> memref<1x40xi32, #tpu.memory_space<vmem>>
    %dma_wait3A_72 = tpu.memref_squeeze %dma_wait3A_71 : memref<1x40xi32, #tpu.memory_space<vmem>> -> memref<40xi32, #tpu.memory_space<vmem>>
    %dma_wait3A_73 = arith.constant 0 : i32
    %dma_wait3A_74 = arith.constant 0 : i32
    %dma_wait3A_75 = tpu.memref_slice %arg12[%dma_wait3A_73, %dma_wait3A_74] : memref<10240x16xf32, #tpu.memory_space<vmem_shared>> -> memref<10240x16xf32, #tpu.memory_space<vmem_shared>>
    tpu.wait_indirect_dma semaphore(%arg16 : memref<!tpu.dma_semaphore, #tpu.memory_space<semaphore_mem>>) src(%arg9 : memref<40x16xf32, #tpu.memory_space<vmem>>) dst(%dma_wait3A_75 : memref<10240x16xf32, #tpu.memory_space<vmem_shared>>)
    %dma_start3A_76 = arith.constant 124 : i32
    %dma_start3A_77 = arith.constant 0 : i32
    %dma_start3A_78 = tpu.memref_slice %arg7[%dma_start3A_76, %dma_start3A_77] : memref<125x40xi32, #tpu.memory_space<vmem>> -> memref<1x40xi32, #tpu.memory_space<vmem>>
    %dma_start3A_79 = tpu.memref_squeeze %dma_start3A_78 : memref<1x40xi32, #tpu.memory_space<vmem>> -> memref<40xi32, #tpu.memory_space<vmem>>
    %dma_start3A_80 = arith.constant 0 : i32
    %dma_start3A_81 = arith.constant 0 : i32
    %dma_start3A_82 = tpu.memref_slice %arg13[%dma_start3A_80, %dma_start3A_81] : memref<10240x16xf32, #tpu.memory_space<vmem_shared>> -> memref<10240x16xf32, #tpu.memory_space<vmem_shared>>
    tpu.enqueue_indirect_dma source(%dma_start3A_82 : memref<10240x16xf32, #tpu.memory_space<vmem_shared>>) target(%arg9 : memref<40x16xf32, #tpu.memory_space<vmem>>) offsets(%dma_start3A_79 : memref<40xi32, #tpu.memory_space<vmem>>) semaphore(%arg14 : memref<!tpu.dma_semaphore, #tpu.memory_space<semaphore_mem>>)
    %dma_wait3A_83 = arith.constant 123 : i32
    %dma_wait3A_84 = arith.constant 0 : i32
    %dma_wait3A_85 = tpu.memref_slice %arg7[%dma_wait3A_83, %dma_wait3A_84] : memref<125x40xi32, #tpu.memory_space<vmem>> -> memref<1x40xi32, #tpu.memory_space<vmem>>
    %dma_wait3A_86 = tpu.memref_squeeze %dma_wait3A_85 : memref<1x40xi32, #tpu.memory_space<vmem>> -> memref<40xi32, #tpu.memory_space<vmem>>
    %dma_wait3A_87 = arith.constant 0 : i32
    %dma_wait3A_88 = arith.constant 0 : i32
    %dma_wait3A_89 = tpu.memref_slice %arg13[%dma_wait3A_87, %dma_wait3A_88] : memref<10240x16xf32, #tpu.memory_space<vmem_shared>> -> memref<10240x16xf32, #tpu.memory_space<vmem_shared>>
    tpu.wait_indirect_dma semaphore(%arg15 : memref<!tpu.dma_semaphore, #tpu.memory_space<semaphore_mem>>) src(%dma_wait3A_89 : memref<10240x16xf32, #tpu.memory_space<vmem_shared>>) dst(%arg10 : memref<40x16xf32, #tpu.memory_space<vmem>>)
    %dma_start3A_90 = arith.constant 123 : i32
    %dma_start3A_91 = arith.constant 0 : i32
    %dma_start3A_92 = tpu.memref_slice %arg8[%dma_start3A_90, %dma_start3A_91] : memref<125x40xi32, #tpu.memory_space<vmem>> -> memref<1x40xi32, #tpu.memory_space<vmem>>
    %dma_start3A_93 = tpu.memref_squeeze %dma_start3A_92 : memref<1x40xi32, #tpu.memory_space<vmem>> -> memref<40xi32, #tpu.memory_space<vmem>>
    %dma_start3A_94 = arith.constant 0 : i32
    %dma_start3A_95 = arith.constant 0 : i32
    %dma_start3A_96 = tpu.memref_slice %arg12[%dma_start3A_94, %dma_start3A_95] : memref<10240x16xf32, #tpu.memory_space<vmem_shared>> -> memref<10240x16xf32, #tpu.memory_space<vmem_shared>>
    tpu.enqueue_indirect_dma source(%arg10 : memref<40x16xf32, #tpu.memory_space<vmem>>) target(%dma_start3A_96 : memref<10240x16xf32, #tpu.memory_space<vmem_shared>>) offsets(%dma_start3A_93 : memref<40xi32, #tpu.memory_space<vmem>>) semaphore(%arg17 : memref<!tpu.dma_semaphore, #tpu.memory_space<semaphore_mem>>) {add = true}
    %dma_wait3A_97 = arith.constant 124 : i32
    %dma_wait3A_98 = arith.constant 0 : i32
    %dma_wait3A_99 = tpu.memref_slice %arg7[%dma_wait3A_97, %dma_wait3A_98] : memref<125x40xi32, #tpu.memory_space<vmem>> -> memref<1x40xi32, #tpu.memory_space<vmem>>
    %dma_wait3A_100 = tpu.memref_squeeze %dma_wait3A_99 : memref<1x40xi32, #tpu.memory_space<vmem>> -> memref<40xi32, #tpu.memory_space<vmem>>
    %dma_wait3A_101 = arith.constant 0 : i32
    %dma_wait3A_102 = arith.constant 0 : i32
    %dma_wait3A_103 = tpu.memref_slice %arg13[%dma_wait3A_101, %dma_wait3A_102] : memref<10240x16xf32, #tpu.memory_space<vmem_shared>> -> memref<10240x16xf32, #tpu.memory_space<vmem_shared>>
    tpu.wait_indirect_dma semaphore(%arg14 : memref<!tpu.dma_semaphore, #tpu.memory_space<semaphore_mem>>) src(%dma_wait3A_103 : memref<10240x16xf32, #tpu.memory_space<vmem_shared>>) dst(%arg9 : memref<40x16xf32, #tpu.memory_space<vmem>>)
    %dma_start3A_104 = arith.constant 124 : i32
    %dma_start3A_105 = arith.constant 0 : i32
    %dma_start3A_106 = tpu.memref_slice %arg8[%dma_start3A_104, %dma_start3A_105] : memref<125x40xi32, #tpu.memory_space<vmem>> -> memref<1x40xi32, #tpu.memory_space<vmem>>
    %dma_start3A_107 = tpu.memref_squeeze %dma_start3A_106 : memref<1x40xi32, #tpu.memory_space<vmem>> -> memref<40xi32, #tpu.memory_space<vmem>>
    %dma_start3A_108 = arith.constant 0 : i32
    %dma_start3A_109 = arith.constant 0 : i32
    %dma_start3A_110 = tpu.memref_slice %arg12[%dma_start3A_108, %dma_start3A_109] : memref<10240x16xf32, #tpu.memory_space<vmem_shared>> -> memref<10240x16xf32, #tpu.memory_space<vmem_shared>>
    tpu.enqueue_indirect_dma source(%arg9 : memref<40x16xf32, #tpu.memory_space<vmem>>) target(%dma_start3A_110 : memref<10240x16xf32, #tpu.memory_space<vmem_shared>>) offsets(%dma_start3A_107 : memref<40xi32, #tpu.memory_space<vmem>>) semaphore(%arg16 : memref<!tpu.dma_semaphore, #tpu.memory_space<semaphore_mem>>) {add = true}
    %dma_wait3A_111 = arith.constant 123 : i32
    %dma_wait3A_112 = arith.constant 0 : i32
    %dma_wait3A_113 = tpu.memref_slice %arg8[%dma_wait3A_111, %dma_wait3A_112] : memref<125x40xi32, #tpu.memory_space<vmem>> -> memref<1x40xi32, #tpu.memory_space<vmem>>
    %dma_wait3A_114 = tpu.memref_squeeze %dma_wait3A_113 : memref<1x40xi32, #tpu.memory_space<vmem>> -> memref<40xi32, #tpu.memory_space<vmem>>
    %dma_wait3A_115 = arith.constant 0 : i32
    %dma_wait3A_116 = arith.constant 0 : i32
    %dma_wait3A_117 = tpu.memref_slice %arg12[%dma_wait3A_115, %dma_wait3A_116] : memref<10240x16xf32, #tpu.memory_space<vmem_shared>> -> memref<10240x16xf32, #tpu.memory_space<vmem_shared>>
    tpu.wait_indirect_dma semaphore(%arg17 : memref<!tpu.dma_semaphore, #tpu.memory_space<semaphore_mem>>) src(%arg10 : memref<40x16xf32, #tpu.memory_space<vmem>>) dst(%dma_wait3A_117 : memref<10240x16xf32, #tpu.memory_space<vmem_shared>>)
    %dma_wait3A_118 = arith.constant 124 : i32
    %dma_wait3A_119 = arith.constant 0 : i32
    %dma_wait3A_120 = tpu.memref_slice %arg8[%dma_wait3A_118, %dma_wait3A_119] : memref<125x40xi32, #tpu.memory_space<vmem>> -> memref<1x40xi32, #tpu.memory_space<vmem>>
    %dma_wait3A_121 = tpu.memref_squeeze %dma_wait3A_120 : memref<1x40xi32, #tpu.memory_space<vmem>> -> memref<40xi32, #tpu.memory_space<vmem>>
    %dma_wait3A_122 = arith.constant 0 : i32
    %dma_wait3A_123 = arith.constant 0 : i32
    %dma_wait3A_124 = tpu.memref_slice %arg12[%dma_wait3A_122, %dma_wait3A_123] : memref<10240x16xf32, #tpu.memory_space<vmem_shared>> -> memref<10240x16xf32, #tpu.memory_space<vmem_shared>>
    tpu.wait_indirect_dma semaphore(%arg16 : memref<!tpu.dma_semaphore, #tpu.memory_space<semaphore_mem>>) src(%arg9 : memref<40x16xf32, #tpu.memory_space<vmem>>) dst(%dma_wait3A_124 : memref<10240x16xf32, #tpu.memory_space<vmem_shared>>)
    %barrier3A_125 = arith.constant 0 : index
    tpu.barrier barrier_id(%barrier3A_125)
    %mul3A_126 = arith.constant 640 : i32
    %mul3A_127 = arith.muli %arg1, %mul3A_126 : i32
    %add3A_128 = arith.constant 0 : i32
    %add3A_129 = arith.addi %mul3A_127, %add3A_128 : i32
    "tpu.region"() ({
      %run_scoped3A = tpu.sem_alloc : memref<!tpu.dma_semaphore, #tpu.memory_space<semaphore_mem>>
      %dma_start3A_146 = arith.constant 0 : i32
      %dma_start3A_147 = tpu.memref_slice %arg12[%add3A_129, %dma_start3A_146] : memref<10240x16xf32, #tpu.memory_space<vmem_shared>> -> memref<128x16xf32, #tpu.memory_space<vmem_shared>>
      %dma_start3A_148 = arith.constant 0 : i32
      %dma_start3A_149 = tpu.memref_slice %arg12[%add3A_129, %dma_start3A_148] : memref<10240x16xf32, #tpu.memory_space<vmem_shared>> -> memref<128x16xf32, #tpu.memory_space<vmem_shared>>
      tpu.enqueue_dma source(%dma_start3A_149 : memref<128x16xf32, #tpu.memory_space<vmem_shared>>) target(%arg11 : memref<128x16xf32, #tpu.memory_space<vmem>>) target_semaphore(%run_scoped3A : memref<!tpu.dma_semaphore, #tpu.memory_space<semaphore_mem>>)
      %dma_wait3A_150 = arith.constant 0 : i32
      %dma_wait3A_151 = tpu.memref_slice %arg12[%add3A_129, %dma_wait3A_150] : memref<10240x16xf32, #tpu.memory_space<vmem_shared>> -> memref<128x16xf32, #tpu.memory_space<vmem_shared>>
      %dma_wait3A_152 = arith.constant 0 : i32
      %dma_wait3A_153 = tpu.memref_slice %arg12[%add3A_129, %dma_wait3A_152] : memref<10240x16xf32, #tpu.memory_space<vmem_shared>> -> memref<128x16xf32, #tpu.memory_space<vmem_shared>>
      tpu.wait_dma2 semaphore(%run_scoped3A : memref<!tpu.dma_semaphore, #tpu.memory_space<semaphore_mem>>) src(%dma_wait3A_153 : memref<128x16xf32, #tpu.memory_space<vmem_shared>>) dst(%arg11 : memref<128x16xf32, #tpu.memory_space<vmem>>)
      tpu.yield
    }) : () -> ()
    "tpu.region"() ({
      %run_scoped3A = tpu.sem_alloc : memref<!tpu.dma_semaphore, #tpu.memory_space<semaphore_mem>>
      %dma_start3A_146 = arith.constant 0 : i32
      %dma_start3A_147 = arith.constant 0 : i32
      %dma_start3A_148 = tpu.memref_slice %arg6[%arg0, %dma_start3A_146, %dma_start3A_147] : memref<2x10240x16xf32, #tpu.memory_space<hbm>> -> memref<1x10240x16xf32, #tpu.memory_space<hbm>>
      %dma_start3A_149 = tpu.memref_squeeze %dma_start3A_148 : memref<1x10240x16xf32, #tpu.memory_space<hbm>> -> memref<10240x16xf32, #tpu.memory_space<hbm>>
      %dma_start3A_150 = arith.constant 0 : i32
      %dma_start3A_151 = tpu.memref_slice %dma_start3A_149[%add3A_129, %dma_start3A_150] : memref<10240x16xf32, #tpu.memory_space<hbm>> -> memref<128x16xf32, #tpu.memory_space<hbm>>
      %dma_start3A_152 = arith.constant 0 : i32
      %dma_start3A_153 = arith.constant 0 : i32
      %dma_start3A_154 = tpu.memref_slice %arg6[%arg0, %dma_start3A_152, %dma_start3A_153] : memref<2x10240x16xf32, #tpu.memory_space<hbm>> -> memref<1x10240x16xf32, #tpu.memory_space<hbm>>
      %dma_start3A_155 = tpu.memref_squeeze %dma_start3A_154 : memref<1x10240x16xf32, #tpu.memory_space<hbm>> -> memref<10240x16xf32, #tpu.memory_space<hbm>>
      %dma_start3A_156 = arith.constant 0 : i32
      %dma_start3A_157 = tpu.memref_slice %dma_start3A_155[%add3A_129, %dma_start3A_156] : memref<10240x16xf32, #tpu.memory_space<hbm>> -> memref<128x16xf32, #tpu.memory_space<hbm>>
      tpu.enqueue_dma source(%arg11 : memref<128x16xf32, #tpu.memory_space<vmem>>) target(%dma_start3A_157 : memref<128x16xf32, #tpu.memory_space<hbm>>) target_semaphore(%run_scoped3A : memref<!tpu.dma_semaphore, #tpu.memory_space<semaphore_mem>>)
      %dma_wait3A_158 = arith.constant 0 : i32
      %dma_wait3A_159 = arith.constant 0 : i32
      %dma_wait3A_160 = tpu.memref_slice %arg6[%arg0, %dma_wait3A_158, %dma_wait3A_159] : memref<2x10240x16xf32, #tpu.memory_space<hbm>> -> memref<1x10240x16xf32, #tpu.memory_space<hbm>>
      %dma_wait3A_161 = tpu.memref_squeeze %dma_wait3A_160 : memref<1x10240x16xf32, #tpu.memory_space<hbm>> -> memref<10240x16xf32, #tpu.memory_space<hbm>>
      %dma_wait3A_162 = arith.constant 0 : i32
      %dma_wait3A_163 = tpu.memref_slice %dma_wait3A_161[%add3A_129, %dma_wait3A_162] : memref<10240x16xf32, #tpu.memory_space<hbm>> -> memref<128x16xf32, #tpu.memory_space<hbm>>
      %dma_wait3A_164 = arith.constant 0 : i32
      %dma_wait3A_165 = arith.constant 0 : i32
      %dma_wait3A_166 = tpu.memref_slice %arg6[%arg0, %dma_wait3A_164, %dma_wait3A_165] : memref<2x10240x16xf32, #tpu.memory_space<hbm>> -> memref<1x10240x16xf32, #tpu.memory_space<hbm>>
      %dma_wait3A_167 = tpu.memref_squeeze %dma_wait3A_166 : memref<1x10240x16xf32, #tpu.memory_space<hbm>> -> memref<10240x16xf32, #tpu.memory_space<hbm>>
      %dma_wait3A_168 = arith.constant 0 : i32
      %dma_wait3A_169 = tpu.memref_slice %dma_wait3A_167[%add3A_129, %dma_wait3A_168] : memref<10240x16xf32, #tpu.memory_space<hbm>> -> memref<128x16xf32, #tpu.memory_space<hbm>>
      tpu.wait_dma2 semaphore(%run_scoped3A : memref<!tpu.dma_semaphore, #tpu.memory_space<semaphore_mem>>) src(%arg11 : memref<128x16xf32, #tpu.memory_space<vmem>>) dst(%dma_wait3A_169 : memref<128x16xf32, #tpu.memory_space<hbm>>)
      tpu.yield
    }) : () -> ()
    %mul3A_130 = arith.constant 640 : i32
    %mul3A_131 = arith.muli %arg1, %mul3A_130 : i32
    %add3A_132 = arith.constant 128 : i32
    %add3A_133 = arith.addi %mul3A_131, %add3A_132 : i32
    "tpu.region"() ({
      %run_scoped3A = tpu.sem_alloc : memref<!tpu.dma_semaphore, #tpu.memory_space<semaphore_mem>>
      %dma_start3A_146 = arith.constant 0 : i32
      %dma_start3A_147 = tpu.memref_slice %arg12[%add3A_133, %dma_start3A_146] : memref<10240x16xf32, #tpu.memory_space<vmem_shared>> -> memref<128x16xf32, #tpu.memory_space<vmem_shared>>
      %dma_start3A_148 = arith.constant 0 : i32
      %dma_start3A_149 = tpu.memref_slice %arg12[%add3A_133, %dma_start3A_148] : memref<10240x16xf32, #tpu.memory_space<vmem_shared>> -> memref<128x16xf32, #tpu.memory_space<vmem_shared>>
      tpu.enqueue_dma source(%dma_start3A_149 : memref<128x16xf32, #tpu.memory_space<vmem_shared>>) target(%arg11 : memref<128x16xf32, #tpu.memory_space<vmem>>) target_semaphore(%run_scoped3A : memref<!tpu.dma_semaphore, #tpu.memory_space<semaphore_mem>>)
      %dma_wait3A_150 = arith.constant 0 : i32
      %dma_wait3A_151 = tpu.memref_slice %arg12[%add3A_133, %dma_wait3A_150] : memref<10240x16xf32, #tpu.memory_space<vmem_shared>> -> memref<128x16xf32, #tpu.memory_space<vmem_shared>>
      %dma_wait3A_152 = arith.constant 0 : i32
      %dma_wait3A_153 = tpu.memref_slice %arg12[%add3A_133, %dma_wait3A_152] : memref<10240x16xf32, #tpu.memory_space<vmem_shared>> -> memref<128x16xf32, #tpu.memory_space<vmem_shared>>
      tpu.wait_dma2 semaphore(%run_scoped3A : memref<!tpu.dma_semaphore, #tpu.memory_space<semaphore_mem>>) src(%dma_wait3A_153 : memref<128x16xf32, #tpu.memory_space<vmem_shared>>) dst(%arg11 : memref<128x16xf32, #tpu.memory_space<vmem>>)
      tpu.yield
    }) : () -> ()
    "tpu.region"() ({
      %run_scoped3A = tpu.sem_alloc : memref<!tpu.dma_semaphore, #tpu.memory_space<semaphore_mem>>
      %dma_start3A_146 = arith.constant 0 : i32
      %dma_start3A_147 = arith.constant 0 : i32
      %dma_start3A_148 = tpu.memref_slice %arg6[%arg0, %dma_start3A_146, %dma_start3A_147] : memref<2x10240x16xf32, #tpu.memory_space<hbm>> -> memref<1x10240x16xf32, #tpu.memory_space<hbm>>
      %dma_start3A_149 = tpu.memref_squeeze %dma_start3A_148 : memref<1x10240x16xf32, #tpu.memory_space<hbm>> -> memref<10240x16xf32, #tpu.memory_space<hbm>>
      %dma_start3A_150 = arith.constant 0 : i32
      %dma_start3A_151 = tpu.memref_slice %dma_start3A_149[%add3A_133, %dma_start3A_150] : memref<10240x16xf32, #tpu.memory_space<hbm>> -> memref<128x16xf32, #tpu.memory_space<hbm>>
      %dma_start3A_152 = arith.constant 0 : i32
      %dma_start3A_153 = arith.constant 0 : i32
      %dma_start3A_154 = tpu.memref_slice %arg6[%arg0, %dma_start3A_152, %dma_start3A_153] : memref<2x10240x16xf32, #tpu.memory_space<hbm>> -> memref<1x10240x16xf32, #tpu.memory_space<hbm>>
      %dma_start3A_155 = tpu.memref_squeeze %dma_start3A_154 : memref<1x10240x16xf32, #tpu.memory_space<hbm>> -> memref<10240x16xf32, #tpu.memory_space<hbm>>
      %dma_start3A_156 = arith.constant 0 : i32
      %dma_start3A_157 = tpu.memref_slice %dma_start3A_155[%add3A_133, %dma_start3A_156] : memref<10240x16xf32, #tpu.memory_space<hbm>> -> memref<128x16xf32, #tpu.memory_space<hbm>>
      tpu.enqueue_dma source(%arg11 : memref<128x16xf32, #tpu.memory_space<vmem>>) target(%dma_start3A_157 : memref<128x16xf32, #tpu.memory_space<hbm>>) target_semaphore(%run_scoped3A : memref<!tpu.dma_semaphore, #tpu.memory_space<semaphore_mem>>)
      %dma_wait3A_158 = arith.constant 0 : i32
      %dma_wait3A_159 = arith.constant 0 : i32
      %dma_wait3A_160 = tpu.memref_slice %arg6[%arg0, %dma_wait3A_158, %dma_wait3A_159] : memref<2x10240x16xf32, #tpu.memory_space<hbm>> -> memref<1x10240x16xf32, #tpu.memory_space<hbm>>
      %dma_wait3A_161 = tpu.memref_squeeze %dma_wait3A_160 : memref<1x10240x16xf32, #tpu.memory_space<hbm>> -> memref<10240x16xf32, #tpu.memory_space<hbm>>
      %dma_wait3A_162 = arith.constant 0 : i32
      %dma_wait3A_163 = tpu.memref_slice %dma_wait3A_161[%add3A_133, %dma_wait3A_162] : memref<10240x16xf32, #tpu.memory_space<hbm>> -> memref<128x16xf32, #tpu.memory_space<hbm>>
      %dma_wait3A_164 = arith.constant 0 : i32
      %dma_wait3A_165 = arith.constant 0 : i32
      %dma_wait3A_166 = tpu.memref_slice %arg6[%arg0, %dma_wait3A_164, %dma_wait3A_165] : memref<2x10240x16xf32, #tpu.memory_space<hbm>> -> memref<1x10240x16xf32, #tpu.memory_space<hbm>>
      %dma_wait3A_167 = tpu.memref_squeeze %dma_wait3A_166 : memref<1x10240x16xf32, #tpu.memory_space<hbm>> -> memref<10240x16xf32, #tpu.memory_space<hbm>>
      %dma_wait3A_168 = arith.constant 0 : i32
      %dma_wait3A_169 = tpu.memref_slice %dma_wait3A_167[%add3A_133, %dma_wait3A_168] : memref<10240x16xf32, #tpu.memory_space<hbm>> -> memref<128x16xf32, #tpu.memory_space<hbm>>
      tpu.wait_dma2 semaphore(%run_scoped3A : memref<!tpu.dma_semaphore, #tpu.memory_space<semaphore_mem>>) src(%arg11 : memref<128x16xf32, #tpu.memory_space<vmem>>) dst(%dma_wait3A_169 : memref<128x16xf32, #tpu.memory_space<hbm>>)
      tpu.yield
    }) : () -> ()
    %mul3A_134 = arith.constant 640 : i32
    %mul3A_135 = arith.muli %arg1, %mul3A_134 : i32
    %add3A_136 = arith.constant 256 : i32
    %add3A_137 = arith.addi %mul3A_135, %add3A_136 : i32
    "tpu.region"() ({
      %run_scoped3A = tpu.sem_alloc : memref<!tpu.dma_semaphore, #tpu.memory_space<semaphore_mem>>
      %dma_start3A_146 = arith.constant 0 : i32
      %dma_start3A_147 = tpu.memref_slice %arg12[%add3A_137, %dma_start3A_146] : memref<10240x16xf32, #tpu.memory_space<vmem_shared>> -> memref<128x16xf32, #tpu.memory_space<vmem_shared>>
      %dma_start3A_148 = arith.constant 0 : i32
      %dma_start3A_149 = tpu.memref_slice %arg12[%add3A_137, %dma_start3A_148] : memref<10240x16xf32, #tpu.memory_space<vmem_shared>> -> memref<128x16xf32, #tpu.memory_space<vmem_shared>>
      tpu.enqueue_dma source(%dma_start3A_149 : memref<128x16xf32, #tpu.memory_space<vmem_shared>>) target(%arg11 : memref<128x16xf32, #tpu.memory_space<vmem>>) target_semaphore(%run_scoped3A : memref<!tpu.dma_semaphore, #tpu.memory_space<semaphore_mem>>)
      %dma_wait3A_150 = arith.constant 0 : i32
      %dma_wait3A_151 = tpu.memref_slice %arg12[%add3A_137, %dma_wait3A_150] : memref<10240x16xf32, #tpu.memory_space<vmem_shared>> -> memref<128x16xf32, #tpu.memory_space<vmem_shared>>
      %dma_wait3A_152 = arith.constant 0 : i32
      %dma_wait3A_153 = tpu.memref_slice %arg12[%add3A_137, %dma_wait3A_152] : memref<10240x16xf32, #tpu.memory_space<vmem_shared>> -> memref<128x16xf32, #tpu.memory_space<vmem_shared>>
      tpu.wait_dma2 semaphore(%run_scoped3A : memref<!tpu.dma_semaphore, #tpu.memory_space<semaphore_mem>>) src(%dma_wait3A_153 : memref<128x16xf32, #tpu.memory_space<vmem_shared>>) dst(%arg11 : memref<128x16xf32, #tpu.memory_space<vmem>>)
      tpu.yield
    }) : () -> ()
    "tpu.region"() ({
      %run_scoped3A = tpu.sem_alloc : memref<!tpu.dma_semaphore, #tpu.memory_space<semaphore_mem>>
      %dma_start3A_146 = arith.constant 0 : i32
      %dma_start3A_147 = arith.constant 0 : i32
      %dma_start3A_148 = tpu.memref_slice %arg6[%arg0, %dma_start3A_146, %dma_start3A_147] : memref<2x10240x16xf32, #tpu.memory_space<hbm>> -> memref<1x10240x16xf32, #tpu.memory_space<hbm>>
      %dma_start3A_149 = tpu.memref_squeeze %dma_start3A_148 : memref<1x10240x16xf32, #tpu.memory_space<hbm>> -> memref<10240x16xf32, #tpu.memory_space<hbm>>
      %dma_start3A_150 = arith.constant 0 : i32
      %dma_start3A_151 = tpu.memref_slice %dma_start3A_149[%add3A_137, %dma_start3A_150] : memref<10240x16xf32, #tpu.memory_space<hbm>> -> memref<128x16xf32, #tpu.memory_space<hbm>>
      %dma_start3A_152 = arith.constant 0 : i32
      %dma_start3A_153 = arith.constant 0 : i32
      %dma_start3A_154 = tpu.memref_slice %arg6[%arg0, %dma_start3A_152, %dma_start3A_153] : memref<2x10240x16xf32, #tpu.memory_space<hbm>> -> memref<1x10240x16xf32, #tpu.memory_space<hbm>>
      %dma_start3A_155 = tpu.memref_squeeze %dma_start3A_154 : memref<1x10240x16xf32, #tpu.memory_space<hbm>> -> memref<10240x16xf32, #tpu.memory_space<hbm>>
      %dma_start3A_156 = arith.constant 0 : i32
      %dma_start3A_157 = tpu.memref_slice %dma_start3A_155[%add3A_137, %dma_start3A_156] : memref<10240x16xf32, #tpu.memory_space<hbm>> -> memref<128x16xf32, #tpu.memory_space<hbm>>
      tpu.enqueue_dma source(%arg11 : memref<128x16xf32, #tpu.memory_space<vmem>>) target(%dma_start3A_157 : memref<128x16xf32, #tpu.memory_space<hbm>>) target_semaphore(%run_scoped3A : memref<!tpu.dma_semaphore, #tpu.memory_space<semaphore_mem>>)
      %dma_wait3A_158 = arith.constant 0 : i32
      %dma_wait3A_159 = arith.constant 0 : i32
      %dma_wait3A_160 = tpu.memref_slice %arg6[%arg0, %dma_wait3A_158, %dma_wait3A_159] : memref<2x10240x16xf32, #tpu.memory_space<hbm>> -> memref<1x10240x16xf32, #tpu.memory_space<hbm>>
      %dma_wait3A_161 = tpu.memref_squeeze %dma_wait3A_160 : memref<1x10240x16xf32, #tpu.memory_space<hbm>> -> memref<10240x16xf32, #tpu.memory_space<hbm>>
      %dma_wait3A_162 = arith.constant 0 : i32
      %dma_wait3A_163 = tpu.memref_slice %dma_wait3A_161[%add3A_137, %dma_wait3A_162] : memref<10240x16xf32, #tpu.memory_space<hbm>> -> memref<128x16xf32, #tpu.memory_space<hbm>>
      %dma_wait3A_164 = arith.constant 0 : i32
      %dma_wait3A_165 = arith.constant 0 : i32
      %dma_wait3A_166 = tpu.memref_slice %arg6[%arg0, %dma_wait3A_164, %dma_wait3A_165] : memref<2x10240x16xf32, #tpu.memory_space<hbm>> -> memref<1x10240x16xf32, #tpu.memory_space<hbm>>
      %dma_wait3A_167 = tpu.memref_squeeze %dma_wait3A_166 : memref<1x10240x16xf32, #tpu.memory_space<hbm>> -> memref<10240x16xf32, #tpu.memory_space<hbm>>
      %dma_wait3A_168 = arith.constant 0 : i32
      %dma_wait3A_169 = tpu.memref_slice %dma_wait3A_167[%add3A_137, %dma_wait3A_168] : memref<10240x16xf32, #tpu.memory_space<hbm>> -> memref<128x16xf32, #tpu.memory_space<hbm>>
      tpu.wait_dma2 semaphore(%run_scoped3A : memref<!tpu.dma_semaphore, #tpu.memory_space<semaphore_mem>>) src(%arg11 : memref<128x16xf32, #tpu.memory_space<vmem>>) dst(%dma_wait3A_169 : memref<128x16xf32, #tpu.memory_space<hbm>>)
      tpu.yield
    }) : () -> ()
    %mul3A_138 = arith.constant 640 : i32
    %mul3A_139 = arith.muli %arg1, %mul3A_138 : i32
    %add3A_140 = arith.constant 384 : i32
    %add3A_141 = arith.addi %mul3A_139, %add3A_140 : i32
    "tpu.region"() ({
      %run_scoped3A = tpu.sem_alloc : memref<!tpu.dma_semaphore, #tpu.memory_space<semaphore_mem>>
      %dma_start3A_146 = arith.constant 0 : i32
      %dma_start3A_147 = tpu.memref_slice %arg12[%add3A_141, %dma_start3A_146] : memref<10240x16xf32, #tpu.memory_space<vmem_shared>> -> memref<128x16xf32, #tpu.memory_space<vmem_shared>>
      %dma_start3A_148 = arith.constant 0 : i32
      %dma_start3A_149 = tpu.memref_slice %arg12[%add3A_141, %dma_start3A_148] : memref<10240x16xf32, #tpu.memory_space<vmem_shared>> -> memref<128x16xf32, #tpu.memory_space<vmem_shared>>
      tpu.enqueue_dma source(%dma_start3A_149 : memref<128x16xf32, #tpu.memory_space<vmem_shared>>) target(%arg11 : memref<128x16xf32, #tpu.memory_space<vmem>>) target_semaphore(%run_scoped3A : memref<!tpu.dma_semaphore, #tpu.memory_space<semaphore_mem>>)
      %dma_wait3A_150 = arith.constant 0 : i32
      %dma_wait3A_151 = tpu.memref_slice %arg12[%add3A_141, %dma_wait3A_150] : memref<10240x16xf32, #tpu.memory_space<vmem_shared>> -> memref<128x16xf32, #tpu.memory_space<vmem_shared>>
      %dma_wait3A_152 = arith.constant 0 : i32
      %dma_wait3A_153 = tpu.memref_slice %arg12[%add3A_141, %dma_wait3A_152] : memref<10240x16xf32, #tpu.memory_space<vmem_shared>> -> memref<128x16xf32, #tpu.memory_space<vmem_shared>>
      tpu.wait_dma2 semaphore(%run_scoped3A : memref<!tpu.dma_semaphore, #tpu.memory_space<semaphore_mem>>) src(%dma_wait3A_153 : memref<128x16xf32, #tpu.memory_space<vmem_shared>>) dst(%arg11 : memref<128x16xf32, #tpu.memory_space<vmem>>)
      tpu.yield
    }) : () -> ()
    "tpu.region"() ({
      %run_scoped3A = tpu.sem_alloc : memref<!tpu.dma_semaphore, #tpu.memory_space<semaphore_mem>>
      %dma_start3A_146 = arith.constant 0 : i32
      %dma_start3A_147 = arith.constant 0 : i32
      %dma_start3A_148 = tpu.memref_slice %arg6[%arg0, %dma_start3A_146, %dma_start3A_147] : memref<2x10240x16xf32, #tpu.memory_space<hbm>> -> memref<1x10240x16xf32, #tpu.memory_space<hbm>>
      %dma_start3A_149 = tpu.memref_squeeze %dma_start3A_148 : memref<1x10240x16xf32, #tpu.memory_space<hbm>> -> memref<10240x16xf32, #tpu.memory_space<hbm>>
      %dma_start3A_150 = arith.constant 0 : i32
      %dma_start3A_151 = tpu.memref_slice %dma_start3A_149[%add3A_141, %dma_start3A_150] : memref<10240x16xf32, #tpu.memory_space<hbm>> -> memref<128x16xf32, #tpu.memory_space<hbm>>
      %dma_start3A_152 = arith.constant 0 : i32
      %dma_start3A_153 = arith.constant 0 : i32
      %dma_start3A_154 = tpu.memref_slice %arg6[%arg0, %dma_start3A_152, %dma_start3A_153] : memref<2x10240x16xf32, #tpu.memory_space<hbm>> -> memref<1x10240x16xf32, #tpu.memory_space<hbm>>
      %dma_start3A_155 = tpu.memref_squeeze %dma_start3A_154 : memref<1x10240x16xf32, #tpu.memory_space<hbm>> -> memref<10240x16xf32, #tpu.memory_space<hbm>>
      %dma_start3A_156 = arith.constant 0 : i32
      %dma_start3A_157 = tpu.memref_slice %dma_start3A_155[%add3A_141, %dma_start3A_156] : memref<10240x16xf32, #tpu.memory_space<hbm>> -> memref<128x16xf32, #tpu.memory_space<hbm>>
      tpu.enqueue_dma source(%arg11 : memref<128x16xf32, #tpu.memory_space<vmem>>) target(%dma_start3A_157 : memref<128x16xf32, #tpu.memory_space<hbm>>) target_semaphore(%run_scoped3A : memref<!tpu.dma_semaphore, #tpu.memory_space<semaphore_mem>>)
      %dma_wait3A_158 = arith.constant 0 : i32
      %dma_wait3A_159 = arith.constant 0 : i32
      %dma_wait3A_160 = tpu.memref_slice %arg6[%arg0, %dma_wait3A_158, %dma_wait3A_159] : memref<2x10240x16xf32, #tpu.memory_space<hbm>> -> memref<1x10240x16xf32, #tpu.memory_space<hbm>>
      %dma_wait3A_161 = tpu.memref_squeeze %dma_wait3A_160 : memref<1x10240x16xf32, #tpu.memory_space<hbm>> -> memref<10240x16xf32, #tpu.memory_space<hbm>>
      %dma_wait3A_162 = arith.constant 0 : i32
      %dma_wait3A_163 = tpu.memref_slice %dma_wait3A_161[%add3A_141, %dma_wait3A_162] : memref<10240x16xf32, #tpu.memory_space<hbm>> -> memref<128x16xf32, #tpu.memory_space<hbm>>
      %dma_wait3A_164 = arith.constant 0 : i32
      %dma_wait3A_165 = arith.constant 0 : i32
      %dma_wait3A_166 = tpu.memref_slice %arg6[%arg0, %dma_wait3A_164, %dma_wait3A_165] : memref<2x10240x16xf32, #tpu.memory_space<hbm>> -> memref<1x10240x16xf32, #tpu.memory_space<hbm>>
      %dma_wait3A_167 = tpu.memref_squeeze %dma_wait3A_166 : memref<1x10240x16xf32, #tpu.memory_space<hbm>> -> memref<10240x16xf32, #tpu.memory_space<hbm>>
      %dma_wait3A_168 = arith.constant 0 : i32
      %dma_wait3A_169 = tpu.memref_slice %dma_wait3A_167[%add3A_141, %dma_wait3A_168] : memref<10240x16xf32, #tpu.memory_space<hbm>> -> memref<128x16xf32, #tpu.memory_space<hbm>>
      tpu.wait_dma2 semaphore(%run_scoped3A : memref<!tpu.dma_semaphore, #tpu.memory_space<semaphore_mem>>) src(%arg11 : memref<128x16xf32, #tpu.memory_space<vmem>>) dst(%dma_wait3A_169 : memref<128x16xf32, #tpu.memory_space<hbm>>)
      tpu.yield
    }) : () -> ()
    %mul3A_142 = arith.constant 640 : i32
    %mul3A_143 = arith.muli %arg1, %mul3A_142 : i32
    %add3A_144 = arith.constant 512 : i32
    %add3A_145 = arith.addi %mul3A_143, %add3A_144 : i32
    "tpu.region"() ({
      %run_scoped3A = tpu.sem_alloc : memref<!tpu.dma_semaphore, #tpu.memory_space<semaphore_mem>>
      %dma_start3A_146 = arith.constant 0 : i32
      %dma_start3A_147 = tpu.memref_slice %arg12[%add3A_145, %dma_start3A_146] : memref<10240x16xf32, #tpu.memory_space<vmem_shared>> -> memref<128x16xf32, #tpu.memory_space<vmem_shared>>
      %dma_start3A_148 = arith.constant 0 : i32
      %dma_start3A_149 = tpu.memref_slice %arg12[%add3A_145, %dma_start3A_148] : memref<10240x16xf32, #tpu.memory_space<vmem_shared>> -> memref<128x16xf32, #tpu.memory_space<vmem_shared>>
      tpu.enqueue_dma source(%dma_start3A_149 : memref<128x16xf32, #tpu.memory_space<vmem_shared>>) target(%arg11 : memref<128x16xf32, #tpu.memory_space<vmem>>) target_semaphore(%run_scoped3A : memref<!tpu.dma_semaphore, #tpu.memory_space<semaphore_mem>>)
      %dma_wait3A_150 = arith.constant 0 : i32
      %dma_wait3A_151 = tpu.memref_slice %arg12[%add3A_145, %dma_wait3A_150] : memref<10240x16xf32, #tpu.memory_space<vmem_shared>> -> memref<128x16xf32, #tpu.memory_space<vmem_shared>>
      %dma_wait3A_152 = arith.constant 0 : i32
      %dma_wait3A_153 = tpu.memref_slice %arg12[%add3A_145, %dma_wait3A_152] : memref<10240x16xf32, #tpu.memory_space<vmem_shared>> -> memref<128x16xf32, #tpu.memory_space<vmem_shared>>
      tpu.wait_dma2 semaphore(%run_scoped3A : memref<!tpu.dma_semaphore, #tpu.memory_space<semaphore_mem>>) src(%dma_wait3A_153 : memref<128x16xf32, #tpu.memory_space<vmem_shared>>) dst(%arg11 : memref<128x16xf32, #tpu.memory_space<vmem>>)
      tpu.yield
    }) : () -> ()
    "tpu.region"() ({
      %run_scoped3A = tpu.sem_alloc : memref<!tpu.dma_semaphore, #tpu.memory_space<semaphore_mem>>
      %dma_start3A_146 = arith.constant 0 : i32
      %dma_start3A_147 = arith.constant 0 : i32
      %dma_start3A_148 = tpu.memref_slice %arg6[%arg0, %dma_start3A_146, %dma_start3A_147] : memref<2x10240x16xf32, #tpu.memory_space<hbm>> -> memref<1x10240x16xf32, #tpu.memory_space<hbm>>
      %dma_start3A_149 = tpu.memref_squeeze %dma_start3A_148 : memref<1x10240x16xf32, #tpu.memory_space<hbm>> -> memref<10240x16xf32, #tpu.memory_space<hbm>>
      %dma_start3A_150 = arith.constant 0 : i32
      %dma_start3A_151 = tpu.memref_slice %dma_start3A_149[%add3A_145, %dma_start3A_150] : memref<10240x16xf32, #tpu.memory_space<hbm>> -> memref<128x16xf32, #tpu.memory_space<hbm>>
      %dma_start3A_152 = arith.constant 0 : i32
      %dma_start3A_153 = arith.constant 0 : i32
      %dma_start3A_154 = tpu.memref_slice %arg6[%arg0, %dma_start3A_152, %dma_start3A_153] : memref<2x10240x16xf32, #tpu.memory_space<hbm>> -> memref<1x10240x16xf32, #tpu.memory_space<hbm>>
      %dma_start3A_155 = tpu.memref_squeeze %dma_start3A_154 : memref<1x10240x16xf32, #tpu.memory_space<hbm>> -> memref<10240x16xf32, #tpu.memory_space<hbm>>
      %dma_start3A_156 = arith.constant 0 : i32
      %dma_start3A_157 = tpu.memref_slice %dma_start3A_155[%add3A_145, %dma_start3A_156] : memref<10240x16xf32, #tpu.memory_space<hbm>> -> memref<128x16xf32, #tpu.memory_space<hbm>>
      tpu.enqueue_dma source(%arg11 : memref<128x16xf32, #tpu.memory_space<vmem>>) target(%dma_start3A_157 : memref<128x16xf32, #tpu.memory_space<hbm>>) target_semaphore(%run_scoped3A : memref<!tpu.dma_semaphore, #tpu.memory_space<semaphore_mem>>)
      %dma_wait3A_158 = arith.constant 0 : i32
      %dma_wait3A_159 = arith.constant 0 : i32
      %dma_wait3A_160 = tpu.memref_slice %arg6[%arg0, %dma_wait3A_158, %dma_wait3A_159] : memref<2x10240x16xf32, #tpu.memory_space<hbm>> -> memref<1x10240x16xf32, #tpu.memory_space<hbm>>
      %dma_wait3A_161 = tpu.memref_squeeze %dma_wait3A_160 : memref<1x10240x16xf32, #tpu.memory_space<hbm>> -> memref<10240x16xf32, #tpu.memory_space<hbm>>
      %dma_wait3A_162 = arith.constant 0 : i32
      %dma_wait3A_163 = tpu.memref_slice %dma_wait3A_161[%add3A_145, %dma_wait3A_162] : memref<10240x16xf32, #tpu.memory_space<hbm>> -> memref<128x16xf32, #tpu.memory_space<hbm>>
      %dma_wait3A_164 = arith.constant 0 : i32
      %dma_wait3A_165 = arith.constant 0 : i32
      %dma_wait3A_166 = tpu.memref_slice %arg6[%arg0, %dma_wait3A_164, %dma_wait3A_165] : memref<2x10240x16xf32, #tpu.memory_space<hbm>> -> memref<1x10240x16xf32, #tpu.memory_space<hbm>>
      %dma_wait3A_167 = tpu.memref_squeeze %dma_wait3A_166 : memref<1x10240x16xf32, #tpu.memory_space<hbm>> -> memref<10240x16xf32, #tpu.memory_space<hbm>>
      %dma_wait3A_168 = arith.constant 0 : i32
      %dma_wait3A_169 = tpu.memref_slice %dma_wait3A_167[%add3A_145, %dma_wait3A_168] : memref<10240x16xf32, #tpu.memory_space<hbm>> -> memref<128x16xf32, #tpu.memory_space<hbm>>
      tpu.wait_dma2 semaphore(%run_scoped3A : memref<!tpu.dma_semaphore, #tpu.memory_space<semaphore_mem>>) src(%arg11 : memref<128x16xf32, #tpu.memory_space<vmem>>) dst(%dma_wait3A_169 : memref<128x16xf32, #tpu.memory_space<hbm>>)
      tpu.yield
    }) : () -> ()
    return
  }
}

#map = affine_map<(d0, d1) -> (0, 0, 0, 0)>
#map1 = affine_map<(d0, d1) -> (0, 0)>
#map2 = affine_map<(d0, d1) -> (0, 0, 0)>
module attributes {stable_mosaic.version = 14 : i64} {
  func.func @_deg_body(%arg0: i32, %arg1: i32, %arg2: memref<2x16x125x40xi32, #tpu.memory_space<hbm>>, %arg3: memref<40x16xf32, #tpu.memory_space<hbm>>, %arg4: memref<128x16xf32, #tpu.memory_space<hbm>>, %arg5: memref<2x10240x16xf32, #tpu.memory_space<hbm>>, %arg6: memref<125x40xi32, #tpu.memory_space<vmem>>, %arg7: memref<40x16xf32, #tpu.memory_space<vmem>>, %arg8: memref<128x16xf32, #tpu.memory_space<vmem>>, %arg9: memref<10240x16xf32, #tpu.memory_space<vmem_shared>>, %arg10: memref<!tpu.dma_semaphore, #tpu.memory_space<semaphore_mem>>, %arg11: memref<!tpu.dma_semaphore, #tpu.memory_space<semaphore_mem>>) attributes {dimension_semantics = [#tpu.dimension_semantics<core_parallel>, #tpu.dimension_semantics<subcore_parallel>], iteration_bounds = array<i64: 2, 16>, scalar_prefetch = 0 : i64, scratch_operands = 6 : i64, tpu.core_type = #tpu.core_type<sc_vector_subcore>, window_params = [{transform_indices = #map}, {transform_indices = #map1}, {transform_indices = #map1}, {transform_indices = #map2}]} {
    "tpu.region"() ({
      %run_scoped3A = tpu.sem_alloc : memref<!tpu.dma_semaphore, #tpu.memory_space<semaphore_mem>>
      tpu.enqueue_dma source(%arg4 : memref<128x16xf32, #tpu.memory_space<hbm>>) target(%arg8 : memref<128x16xf32, #tpu.memory_space<vmem>>) target_semaphore(%run_scoped3A : memref<!tpu.dma_semaphore, #tpu.memory_space<semaphore_mem>>)
      tpu.wait_dma2 semaphore(%run_scoped3A : memref<!tpu.dma_semaphore, #tpu.memory_space<semaphore_mem>>) src(%arg4 : memref<128x16xf32, #tpu.memory_space<hbm>>) dst(%arg8 : memref<128x16xf32, #tpu.memory_space<vmem>>)
      tpu.yield
    }) : () -> ()
    %mul3A = arith.constant 640 : i32
    %mul3A_0 = arith.muli %arg1, %mul3A : i32
    %add3A = arith.constant 0 : i32
    %add3A_1 = arith.addi %mul3A_0, %add3A : i32
    "tpu.region"() ({
      %run_scoped3A = tpu.sem_alloc : memref<!tpu.dma_semaphore, #tpu.memory_space<semaphore_mem>>
      %dma_start3A_84 = arith.constant 0 : i32
      %dma_start3A_85 = tpu.memref_slice %arg9[%add3A_1, %dma_start3A_84] : memref<10240x16xf32, #tpu.memory_space<vmem_shared>> -> memref<128x16xf32, #tpu.memory_space<vmem_shared>>
      %dma_start3A_86 = arith.constant 0 : i32
      %dma_start3A_87 = tpu.memref_slice %arg9[%add3A_1, %dma_start3A_86] : memref<10240x16xf32, #tpu.memory_space<vmem_shared>> -> memref<128x16xf32, #tpu.memory_space<vmem_shared>>
      tpu.enqueue_dma source(%arg8 : memref<128x16xf32, #tpu.memory_space<vmem>>) target(%dma_start3A_87 : memref<128x16xf32, #tpu.memory_space<vmem_shared>>) target_semaphore(%run_scoped3A : memref<!tpu.dma_semaphore, #tpu.memory_space<semaphore_mem>>)
      %dma_wait3A_88 = arith.constant 0 : i32
      %dma_wait3A_89 = tpu.memref_slice %arg9[%add3A_1, %dma_wait3A_88] : memref<10240x16xf32, #tpu.memory_space<vmem_shared>> -> memref<128x16xf32, #tpu.memory_space<vmem_shared>>
      %dma_wait3A_90 = arith.constant 0 : i32
      %dma_wait3A_91 = tpu.memref_slice %arg9[%add3A_1, %dma_wait3A_90] : memref<10240x16xf32, #tpu.memory_space<vmem_shared>> -> memref<128x16xf32, #tpu.memory_space<vmem_shared>>
      tpu.wait_dma2 semaphore(%run_scoped3A : memref<!tpu.dma_semaphore, #tpu.memory_space<semaphore_mem>>) src(%arg8 : memref<128x16xf32, #tpu.memory_space<vmem>>) dst(%dma_wait3A_91 : memref<128x16xf32, #tpu.memory_space<vmem_shared>>)
      tpu.yield
    }) : () -> ()
    %mul3A_2 = arith.constant 640 : i32
    %mul3A_3 = arith.muli %arg1, %mul3A_2 : i32
    %add3A_4 = arith.constant 128 : i32
    %add3A_5 = arith.addi %mul3A_3, %add3A_4 : i32
    "tpu.region"() ({
      %run_scoped3A = tpu.sem_alloc : memref<!tpu.dma_semaphore, #tpu.memory_space<semaphore_mem>>
      %dma_start3A_84 = arith.constant 0 : i32
      %dma_start3A_85 = tpu.memref_slice %arg9[%add3A_5, %dma_start3A_84] : memref<10240x16xf32, #tpu.memory_space<vmem_shared>> -> memref<128x16xf32, #tpu.memory_space<vmem_shared>>
      %dma_start3A_86 = arith.constant 0 : i32
      %dma_start3A_87 = tpu.memref_slice %arg9[%add3A_5, %dma_start3A_86] : memref<10240x16xf32, #tpu.memory_space<vmem_shared>> -> memref<128x16xf32, #tpu.memory_space<vmem_shared>>
      tpu.enqueue_dma source(%arg8 : memref<128x16xf32, #tpu.memory_space<vmem>>) target(%dma_start3A_87 : memref<128x16xf32, #tpu.memory_space<vmem_shared>>) target_semaphore(%run_scoped3A : memref<!tpu.dma_semaphore, #tpu.memory_space<semaphore_mem>>)
      %dma_wait3A_88 = arith.constant 0 : i32
      %dma_wait3A_89 = tpu.memref_slice %arg9[%add3A_5, %dma_wait3A_88] : memref<10240x16xf32, #tpu.memory_space<vmem_shared>> -> memref<128x16xf32, #tpu.memory_space<vmem_shared>>
      %dma_wait3A_90 = arith.constant 0 : i32
      %dma_wait3A_91 = tpu.memref_slice %arg9[%add3A_5, %dma_wait3A_90] : memref<10240x16xf32, #tpu.memory_space<vmem_shared>> -> memref<128x16xf32, #tpu.memory_space<vmem_shared>>
      tpu.wait_dma2 semaphore(%run_scoped3A : memref<!tpu.dma_semaphore, #tpu.memory_space<semaphore_mem>>) src(%arg8 : memref<128x16xf32, #tpu.memory_space<vmem>>) dst(%dma_wait3A_91 : memref<128x16xf32, #tpu.memory_space<vmem_shared>>)
      tpu.yield
    }) : () -> ()
    %mul3A_6 = arith.constant 640 : i32
    %mul3A_7 = arith.muli %arg1, %mul3A_6 : i32
    %add3A_8 = arith.constant 256 : i32
    %add3A_9 = arith.addi %mul3A_7, %add3A_8 : i32
    "tpu.region"() ({
      %run_scoped3A = tpu.sem_alloc : memref<!tpu.dma_semaphore, #tpu.memory_space<semaphore_mem>>
      %dma_start3A_84 = arith.constant 0 : i32
      %dma_start3A_85 = tpu.memref_slice %arg9[%add3A_9, %dma_start3A_84] : memref<10240x16xf32, #tpu.memory_space<vmem_shared>> -> memref<128x16xf32, #tpu.memory_space<vmem_shared>>
      %dma_start3A_86 = arith.constant 0 : i32
      %dma_start3A_87 = tpu.memref_slice %arg9[%add3A_9, %dma_start3A_86] : memref<10240x16xf32, #tpu.memory_space<vmem_shared>> -> memref<128x16xf32, #tpu.memory_space<vmem_shared>>
      tpu.enqueue_dma source(%arg8 : memref<128x16xf32, #tpu.memory_space<vmem>>) target(%dma_start3A_87 : memref<128x16xf32, #tpu.memory_space<vmem_shared>>) target_semaphore(%run_scoped3A : memref<!tpu.dma_semaphore, #tpu.memory_space<semaphore_mem>>)
      %dma_wait3A_88 = arith.constant 0 : i32
      %dma_wait3A_89 = tpu.memref_slice %arg9[%add3A_9, %dma_wait3A_88] : memref<10240x16xf32, #tpu.memory_space<vmem_shared>> -> memref<128x16xf32, #tpu.memory_space<vmem_shared>>
      %dma_wait3A_90 = arith.constant 0 : i32
      %dma_wait3A_91 = tpu.memref_slice %arg9[%add3A_9, %dma_wait3A_90] : memref<10240x16xf32, #tpu.memory_space<vmem_shared>> -> memref<128x16xf32, #tpu.memory_space<vmem_shared>>
      tpu.wait_dma2 semaphore(%run_scoped3A : memref<!tpu.dma_semaphore, #tpu.memory_space<semaphore_mem>>) src(%arg8 : memref<128x16xf32, #tpu.memory_space<vmem>>) dst(%dma_wait3A_91 : memref<128x16xf32, #tpu.memory_space<vmem_shared>>)
      tpu.yield
    }) : () -> ()
    %mul3A_10 = arith.constant 640 : i32
    %mul3A_11 = arith.muli %arg1, %mul3A_10 : i32
    %add3A_12 = arith.constant 384 : i32
    %add3A_13 = arith.addi %mul3A_11, %add3A_12 : i32
    "tpu.region"() ({
      %run_scoped3A = tpu.sem_alloc : memref<!tpu.dma_semaphore, #tpu.memory_space<semaphore_mem>>
      %dma_start3A_84 = arith.constant 0 : i32
      %dma_start3A_85 = tpu.memref_slice %arg9[%add3A_13, %dma_start3A_84] : memref<10240x16xf32, #tpu.memory_space<vmem_shared>> -> memref<128x16xf32, #tpu.memory_space<vmem_shared>>
      %dma_start3A_86 = arith.constant 0 : i32
      %dma_start3A_87 = tpu.memref_slice %arg9[%add3A_13, %dma_start3A_86] : memref<10240x16xf32, #tpu.memory_space<vmem_shared>> -> memref<128x16xf32, #tpu.memory_space<vmem_shared>>
      tpu.enqueue_dma source(%arg8 : memref<128x16xf32, #tpu.memory_space<vmem>>) target(%dma_start3A_87 : memref<128x16xf32, #tpu.memory_space<vmem_shared>>) target_semaphore(%run_scoped3A : memref<!tpu.dma_semaphore, #tpu.memory_space<semaphore_mem>>)
      %dma_wait3A_88 = arith.constant 0 : i32
      %dma_wait3A_89 = tpu.memref_slice %arg9[%add3A_13, %dma_wait3A_88] : memref<10240x16xf32, #tpu.memory_space<vmem_shared>> -> memref<128x16xf32, #tpu.memory_space<vmem_shared>>
      %dma_wait3A_90 = arith.constant 0 : i32
      %dma_wait3A_91 = tpu.memref_slice %arg9[%add3A_13, %dma_wait3A_90] : memref<10240x16xf32, #tpu.memory_space<vmem_shared>> -> memref<128x16xf32, #tpu.memory_space<vmem_shared>>
      tpu.wait_dma2 semaphore(%run_scoped3A : memref<!tpu.dma_semaphore, #tpu.memory_space<semaphore_mem>>) src(%arg8 : memref<128x16xf32, #tpu.memory_space<vmem>>) dst(%dma_wait3A_91 : memref<128x16xf32, #tpu.memory_space<vmem_shared>>)
      tpu.yield
    }) : () -> ()
    %mul3A_14 = arith.constant 640 : i32
    %mul3A_15 = arith.muli %arg1, %mul3A_14 : i32
    %add3A_16 = arith.constant 512 : i32
    %add3A_17 = arith.addi %mul3A_15, %add3A_16 : i32
    "tpu.region"() ({
      %run_scoped3A = tpu.sem_alloc : memref<!tpu.dma_semaphore, #tpu.memory_space<semaphore_mem>>
      %dma_start3A_84 = arith.constant 0 : i32
      %dma_start3A_85 = tpu.memref_slice %arg9[%add3A_17, %dma_start3A_84] : memref<10240x16xf32, #tpu.memory_space<vmem_shared>> -> memref<128x16xf32, #tpu.memory_space<vmem_shared>>
      %dma_start3A_86 = arith.constant 0 : i32
      %dma_start3A_87 = tpu.memref_slice %arg9[%add3A_17, %dma_start3A_86] : memref<10240x16xf32, #tpu.memory_space<vmem_shared>> -> memref<128x16xf32, #tpu.memory_space<vmem_shared>>
      tpu.enqueue_dma source(%arg8 : memref<128x16xf32, #tpu.memory_space<vmem>>) target(%dma_start3A_87 : memref<128x16xf32, #tpu.memory_space<vmem_shared>>) target_semaphore(%run_scoped3A : memref<!tpu.dma_semaphore, #tpu.memory_space<semaphore_mem>>)
      %dma_wait3A_88 = arith.constant 0 : i32
      %dma_wait3A_89 = tpu.memref_slice %arg9[%add3A_17, %dma_wait3A_88] : memref<10240x16xf32, #tpu.memory_space<vmem_shared>> -> memref<128x16xf32, #tpu.memory_space<vmem_shared>>
      %dma_wait3A_90 = arith.constant 0 : i32
      %dma_wait3A_91 = tpu.memref_slice %arg9[%add3A_17, %dma_wait3A_90] : memref<10240x16xf32, #tpu.memory_space<vmem_shared>> -> memref<128x16xf32, #tpu.memory_space<vmem_shared>>
      tpu.wait_dma2 semaphore(%run_scoped3A : memref<!tpu.dma_semaphore, #tpu.memory_space<semaphore_mem>>) src(%arg8 : memref<128x16xf32, #tpu.memory_space<vmem>>) dst(%dma_wait3A_91 : memref<128x16xf32, #tpu.memory_space<vmem_shared>>)
      tpu.yield
    }) : () -> ()
    "tpu.region"() ({
      %run_scoped3A = tpu.sem_alloc : memref<!tpu.dma_semaphore, #tpu.memory_space<semaphore_mem>>
      tpu.enqueue_dma source(%arg3 : memref<40x16xf32, #tpu.memory_space<hbm>>) target(%arg7 : memref<40x16xf32, #tpu.memory_space<vmem>>) target_semaphore(%run_scoped3A : memref<!tpu.dma_semaphore, #tpu.memory_space<semaphore_mem>>)
      tpu.wait_dma2 semaphore(%run_scoped3A : memref<!tpu.dma_semaphore, #tpu.memory_space<semaphore_mem>>) src(%arg3 : memref<40x16xf32, #tpu.memory_space<hbm>>) dst(%arg7 : memref<40x16xf32, #tpu.memory_space<vmem>>)
      tpu.yield
    }) : () -> ()
    "tpu.region"() ({
      %run_scoped3A = tpu.sem_alloc : memref<!tpu.dma_semaphore, #tpu.memory_space<semaphore_mem>>
      %dma_start3A_84 = arith.constant 0 : i32
      %dma_start3A_85 = arith.constant 0 : i32
      %dma_start3A_86 = arith.constant 0 : i32
      %dma_start3A_87 = tpu.memref_slice %arg2[%arg0, %dma_start3A_84, %dma_start3A_85, %dma_start3A_86] : memref<2x16x125x40xi32, #tpu.memory_space<hbm>> -> memref<1x16x125x40xi32, #tpu.memory_space<hbm>>
      %dma_start3A_88 = tpu.memref_squeeze %dma_start3A_87 : memref<1x16x125x40xi32, #tpu.memory_space<hbm>> -> memref<16x125x40xi32, #tpu.memory_space<hbm>>
      %dma_start3A_89 = arith.constant 0 : i32
      %dma_start3A_90 = arith.constant 0 : i32
      %dma_start3A_91 = tpu.memref_slice %dma_start3A_88[%arg1, %dma_start3A_89, %dma_start3A_90] : memref<16x125x40xi32, #tpu.memory_space<hbm>> -> memref<1x125x40xi32, #tpu.memory_space<hbm>>
      %dma_start3A_92 = tpu.memref_squeeze %dma_start3A_91 : memref<1x125x40xi32, #tpu.memory_space<hbm>> -> memref<125x40xi32, #tpu.memory_space<hbm>>
      %dma_start3A_93 = arith.constant 0 : i32
      %dma_start3A_94 = arith.constant 0 : i32
      %dma_start3A_95 = arith.constant 0 : i32
      %dma_start3A_96 = tpu.memref_slice %arg2[%arg0, %dma_start3A_93, %dma_start3A_94, %dma_start3A_95] : memref<2x16x125x40xi32, #tpu.memory_space<hbm>> -> memref<1x16x125x40xi32, #tpu.memory_space<hbm>>
      %dma_start3A_97 = tpu.memref_squeeze %dma_start3A_96 : memref<1x16x125x40xi32, #tpu.memory_space<hbm>> -> memref<16x125x40xi32, #tpu.memory_space<hbm>>
      %dma_start3A_98 = arith.constant 0 : i32
      %dma_start3A_99 = arith.constant 0 : i32
      %dma_start3A_100 = tpu.memref_slice %dma_start3A_97[%arg1, %dma_start3A_98, %dma_start3A_99] : memref<16x125x40xi32, #tpu.memory_space<hbm>> -> memref<1x125x40xi32, #tpu.memory_space<hbm>>
      %dma_start3A_101 = tpu.memref_squeeze %dma_start3A_100 : memref<1x125x40xi32, #tpu.memory_space<hbm>> -> memref<125x40xi32, #tpu.memory_space<hbm>>
      tpu.enqueue_dma source(%dma_start3A_101 : memref<125x40xi32, #tpu.memory_space<hbm>>) target(%arg6 : memref<125x40xi32, #tpu.memory_space<vmem>>) target_semaphore(%run_scoped3A : memref<!tpu.dma_semaphore, #tpu.memory_space<semaphore_mem>>)
      %dma_wait3A_102 = arith.constant 0 : i32
      %dma_wait3A_103 = arith.constant 0 : i32
      %dma_wait3A_104 = arith.constant 0 : i32
      %dma_wait3A_105 = tpu.memref_slice %arg2[%arg0, %dma_wait3A_102, %dma_wait3A_103, %dma_wait3A_104] : memref<2x16x125x40xi32, #tpu.memory_space<hbm>> -> memref<1x16x125x40xi32, #tpu.memory_space<hbm>>
      %dma_wait3A_106 = tpu.memref_squeeze %dma_wait3A_105 : memref<1x16x125x40xi32, #tpu.memory_space<hbm>> -> memref<16x125x40xi32, #tpu.memory_space<hbm>>
      %dma_wait3A_107 = arith.constant 0 : i32
      %dma_wait3A_108 = arith.constant 0 : i32
      %dma_wait3A_109 = tpu.memref_slice %dma_wait3A_106[%arg1, %dma_wait3A_107, %dma_wait3A_108] : memref<16x125x40xi32, #tpu.memory_space<hbm>> -> memref<1x125x40xi32, #tpu.memory_space<hbm>>
      %dma_wait3A_110 = tpu.memref_squeeze %dma_wait3A_109 : memref<1x125x40xi32, #tpu.memory_space<hbm>> -> memref<125x40xi32, #tpu.memory_space<hbm>>
      %dma_wait3A_111 = arith.constant 0 : i32
      %dma_wait3A_112 = arith.constant 0 : i32
      %dma_wait3A_113 = arith.constant 0 : i32
      %dma_wait3A_114 = tpu.memref_slice %arg2[%arg0, %dma_wait3A_111, %dma_wait3A_112, %dma_wait3A_113] : memref<2x16x125x40xi32, #tpu.memory_space<hbm>> -> memref<1x16x125x40xi32, #tpu.memory_space<hbm>>
      %dma_wait3A_115 = tpu.memref_squeeze %dma_wait3A_114 : memref<1x16x125x40xi32, #tpu.memory_space<hbm>> -> memref<16x125x40xi32, #tpu.memory_space<hbm>>
      %dma_wait3A_116 = arith.constant 0 : i32
      %dma_wait3A_117 = arith.constant 0 : i32
      %dma_wait3A_118 = tpu.memref_slice %dma_wait3A_115[%arg1, %dma_wait3A_116, %dma_wait3A_117] : memref<16x125x40xi32, #tpu.memory_space<hbm>> -> memref<1x125x40xi32, #tpu.memory_space<hbm>>
      %dma_wait3A_119 = tpu.memref_squeeze %dma_wait3A_118 : memref<1x125x40xi32, #tpu.memory_space<hbm>> -> memref<125x40xi32, #tpu.memory_space<hbm>>
      tpu.wait_dma2 semaphore(%run_scoped3A : memref<!tpu.dma_semaphore, #tpu.memory_space<semaphore_mem>>) src(%dma_wait3A_119 : memref<125x40xi32, #tpu.memory_space<hbm>>) dst(%arg6 : memref<125x40xi32, #tpu.memory_space<vmem>>)
      tpu.yield
    }) : () -> ()
    %barrier3A = arith.constant 0 : index
    tpu.barrier barrier_id(%barrier3A)
    %dma_start3A = arith.constant 0 : i32
    %dma_start3A_18 = arith.constant 0 : i32
    %dma_start3A_19 = tpu.memref_slice %arg6[%dma_start3A, %dma_start3A_18] : memref<125x40xi32, #tpu.memory_space<vmem>> -> memref<1x40xi32, #tpu.memory_space<vmem>>
    %dma_start3A_20 = tpu.memref_squeeze %dma_start3A_19 : memref<1x40xi32, #tpu.memory_space<vmem>> -> memref<40xi32, #tpu.memory_space<vmem>>
    %dma_start3A_21 = arith.constant 0 : i32
    %dma_start3A_22 = arith.constant 0 : i32
    %dma_start3A_23 = tpu.memref_slice %arg9[%dma_start3A_21, %dma_start3A_22] : memref<10240x16xf32, #tpu.memory_space<vmem_shared>> -> memref<10240x16xf32, #tpu.memory_space<vmem_shared>>
    tpu.enqueue_indirect_dma source(%arg7 : memref<40x16xf32, #tpu.memory_space<vmem>>) target(%dma_start3A_23 : memref<10240x16xf32, #tpu.memory_space<vmem_shared>>) offsets(%dma_start3A_20 : memref<40xi32, #tpu.memory_space<vmem>>) semaphore(%arg10 : memref<!tpu.dma_semaphore, #tpu.memory_space<semaphore_mem>>) {add = true}
    %dma_start3A_24 = arith.constant 1 : i32
    %dma_start3A_25 = arith.constant 0 : i32
    %dma_start3A_26 = tpu.memref_slice %arg6[%dma_start3A_24, %dma_start3A_25] : memref<125x40xi32, #tpu.memory_space<vmem>> -> memref<1x40xi32, #tpu.memory_space<vmem>>
    %dma_start3A_27 = tpu.memref_squeeze %dma_start3A_26 : memref<1x40xi32, #tpu.memory_space<vmem>> -> memref<40xi32, #tpu.memory_space<vmem>>
    %dma_start3A_28 = arith.constant 0 : i32
    %dma_start3A_29 = arith.constant 0 : i32
    %dma_start3A_30 = tpu.memref_slice %arg9[%dma_start3A_28, %dma_start3A_29] : memref<10240x16xf32, #tpu.memory_space<vmem_shared>> -> memref<10240x16xf32, #tpu.memory_space<vmem_shared>>
    tpu.enqueue_indirect_dma source(%arg7 : memref<40x16xf32, #tpu.memory_space<vmem>>) target(%dma_start3A_30 : memref<10240x16xf32, #tpu.memory_space<vmem_shared>>) offsets(%dma_start3A_27 : memref<40xi32, #tpu.memory_space<vmem>>) semaphore(%arg11 : memref<!tpu.dma_semaphore, #tpu.memory_space<semaphore_mem>>) {add = true}
    %scan3A = arith.constant 0 : i32
    %scan3A_31 = arith.constant 0 : i32
    %scan3A_32 = arith.constant 61 : i32
    %scan3A_33 = arith.addi %scan3A_31, %scan3A_32 : i32
    %scan3A_34 = arith.constant 1 : i32
    scf.for %scan3A_84 = %scan3A_31 to %scan3A_33 step %scan3A_34  : i32 {
      %mul3A_85 = arith.constant 2 : i32
      %mul3A_86 = arith.muli %scan3A_84, %mul3A_85 : i32
      %add3A_87 = arith.constant 2 : i32
      %add3A_88 = arith.addi %mul3A_86, %add3A_87 : i32
      %add3A_89 = arith.constant 0 : i32
      %add3A_90 = arith.addi %add3A_88, %add3A_89 : i32
      %sub3A = arith.constant 2 : i32
      %sub3A_91 = arith.subi %add3A_90, %sub3A : i32
      %dma_wait3A_92 = arith.constant 0 : i32
      %dma_wait3A_93 = tpu.memref_slice %arg6[%sub3A_91, %dma_wait3A_92] : memref<125x40xi32, #tpu.memory_space<vmem>> -> memref<1x40xi32, #tpu.memory_space<vmem>>
      %dma_wait3A_94 = tpu.memref_squeeze %dma_wait3A_93 : memref<1x40xi32, #tpu.memory_space<vmem>> -> memref<40xi32, #tpu.memory_space<vmem>>
      %dma_wait3A_95 = arith.constant 0 : i32
      %dma_wait3A_96 = arith.constant 0 : i32
      %dma_wait3A_97 = tpu.memref_slice %arg9[%dma_wait3A_95, %dma_wait3A_96] : memref<10240x16xf32, #tpu.memory_space<vmem_shared>> -> memref<10240x16xf32, #tpu.memory_space<vmem_shared>>
      tpu.wait_indirect_dma semaphore(%arg10 : memref<!tpu.dma_semaphore, #tpu.memory_space<semaphore_mem>>) src(%arg7 : memref<40x16xf32, #tpu.memory_space<vmem>>) dst(%dma_wait3A_97 : memref<10240x16xf32, #tpu.memory_space<vmem_shared>>)
      %dma_start3A_98 = arith.constant 0 : i32
      %dma_start3A_99 = tpu.memref_slice %arg6[%add3A_90, %dma_start3A_98] : memref<125x40xi32, #tpu.memory_space<vmem>> -> memref<1x40xi32, #tpu.memory_space<vmem>>
      %dma_start3A_100 = tpu.memref_squeeze %dma_start3A_99 : memref<1x40xi32, #tpu.memory_space<vmem>> -> memref<40xi32, #tpu.memory_space<vmem>>
      %dma_start3A_101 = arith.constant 0 : i32
      %dma_start3A_102 = arith.constant 0 : i32
      %dma_start3A_103 = tpu.memref_slice %arg9[%dma_start3A_101, %dma_start3A_102] : memref<10240x16xf32, #tpu.memory_space<vmem_shared>> -> memref<10240x16xf32, #tpu.memory_space<vmem_shared>>
      tpu.enqueue_indirect_dma source(%arg7 : memref<40x16xf32, #tpu.memory_space<vmem>>) target(%dma_start3A_103 : memref<10240x16xf32, #tpu.memory_space<vmem_shared>>) offsets(%dma_start3A_100 : memref<40xi32, #tpu.memory_space<vmem>>) semaphore(%arg10 : memref<!tpu.dma_semaphore, #tpu.memory_space<semaphore_mem>>) {add = true}
      %mul3A_104 = arith.constant 2 : i32
      %mul3A_105 = arith.muli %scan3A_84, %mul3A_104 : i32
      %add3A_106 = arith.constant 2 : i32
      %add3A_107 = arith.addi %mul3A_105, %add3A_106 : i32
      %add3A_108 = arith.constant 1 : i32
      %add3A_109 = arith.addi %add3A_107, %add3A_108 : i32
      %sub3A_110 = arith.constant 2 : i32
      %sub3A_111 = arith.subi %add3A_109, %sub3A_110 : i32
      %dma_wait3A_112 = arith.constant 0 : i32
      %dma_wait3A_113 = tpu.memref_slice %arg6[%sub3A_111, %dma_wait3A_112] : memref<125x40xi32, #tpu.memory_space<vmem>> -> memref<1x40xi32, #tpu.memory_space<vmem>>
      %dma_wait3A_114 = tpu.memref_squeeze %dma_wait3A_113 : memref<1x40xi32, #tpu.memory_space<vmem>> -> memref<40xi32, #tpu.memory_space<vmem>>
      %dma_wait3A_115 = arith.constant 0 : i32
      %dma_wait3A_116 = arith.constant 0 : i32
      %dma_wait3A_117 = tpu.memref_slice %arg9[%dma_wait3A_115, %dma_wait3A_116] : memref<10240x16xf32, #tpu.memory_space<vmem_shared>> -> memref<10240x16xf32, #tpu.memory_space<vmem_shared>>
      tpu.wait_indirect_dma semaphore(%arg11 : memref<!tpu.dma_semaphore, #tpu.memory_space<semaphore_mem>>) src(%arg7 : memref<40x16xf32, #tpu.memory_space<vmem>>) dst(%dma_wait3A_117 : memref<10240x16xf32, #tpu.memory_space<vmem_shared>>)
      %dma_start3A_118 = arith.constant 0 : i32
      %dma_start3A_119 = tpu.memref_slice %arg6[%add3A_109, %dma_start3A_118] : memref<125x40xi32, #tpu.memory_space<vmem>> -> memref<1x40xi32, #tpu.memory_space<vmem>>
      %dma_start3A_120 = tpu.memref_squeeze %dma_start3A_119 : memref<1x40xi32, #tpu.memory_space<vmem>> -> memref<40xi32, #tpu.memory_space<vmem>>
      %dma_start3A_121 = arith.constant 0 : i32
      %dma_start3A_122 = arith.constant 0 : i32
      %dma_start3A_123 = tpu.memref_slice %arg9[%dma_start3A_121, %dma_start3A_122] : memref<10240x16xf32, #tpu.memory_space<vmem_shared>> -> memref<10240x16xf32, #tpu.memory_space<vmem_shared>>
      tpu.enqueue_indirect_dma source(%arg7 : memref<40x16xf32, #tpu.memory_space<vmem>>) target(%dma_start3A_123 : memref<10240x16xf32, #tpu.memory_space<vmem_shared>>) offsets(%dma_start3A_120 : memref<40xi32, #tpu.memory_space<vmem>>) semaphore(%arg11 : memref<!tpu.dma_semaphore, #tpu.memory_space<semaphore_mem>>) {add = true}
    }
    %scan3A_35 = arith.constant 61 : i32
    %dma_wait3A = arith.constant 122 : i32
    %dma_wait3A_36 = arith.constant 0 : i32
    %dma_wait3A_37 = tpu.memref_slice %arg6[%dma_wait3A, %dma_wait3A_36] : memref<125x40xi32, #tpu.memory_space<vmem>> -> memref<1x40xi32, #tpu.memory_space<vmem>>
    %dma_wait3A_38 = tpu.memref_squeeze %dma_wait3A_37 : memref<1x40xi32, #tpu.memory_space<vmem>> -> memref<40xi32, #tpu.memory_space<vmem>>
    %dma_wait3A_39 = arith.constant 0 : i32
    %dma_wait3A_40 = arith.constant 0 : i32
    %dma_wait3A_41 = tpu.memref_slice %arg9[%dma_wait3A_39, %dma_wait3A_40] : memref<10240x16xf32, #tpu.memory_space<vmem_shared>> -> memref<10240x16xf32, #tpu.memory_space<vmem_shared>>
    tpu.wait_indirect_dma semaphore(%arg10 : memref<!tpu.dma_semaphore, #tpu.memory_space<semaphore_mem>>) src(%arg7 : memref<40x16xf32, #tpu.memory_space<vmem>>) dst(%dma_wait3A_41 : memref<10240x16xf32, #tpu.memory_space<vmem_shared>>)
    %dma_start3A_42 = arith.constant 124 : i32
    %dma_start3A_43 = arith.constant 0 : i32
    %dma_start3A_44 = tpu.memref_slice %arg6[%dma_start3A_42, %dma_start3A_43] : memref<125x40xi32, #tpu.memory_space<vmem>> -> memref<1x40xi32, #tpu.memory_space<vmem>>
    %dma_start3A_45 = tpu.memref_squeeze %dma_start3A_44 : memref<1x40xi32, #tpu.memory_space<vmem>> -> memref<40xi32, #tpu.memory_space<vmem>>
    %dma_start3A_46 = arith.constant 0 : i32
    %dma_start3A_47 = arith.constant 0 : i32
    %dma_start3A_48 = tpu.memref_slice %arg9[%dma_start3A_46, %dma_start3A_47] : memref<10240x16xf32, #tpu.memory_space<vmem_shared>> -> memref<10240x16xf32, #tpu.memory_space<vmem_shared>>
    tpu.enqueue_indirect_dma source(%arg7 : memref<40x16xf32, #tpu.memory_space<vmem>>) target(%dma_start3A_48 : memref<10240x16xf32, #tpu.memory_space<vmem_shared>>) offsets(%dma_start3A_45 : memref<40xi32, #tpu.memory_space<vmem>>) semaphore(%arg10 : memref<!tpu.dma_semaphore, #tpu.memory_space<semaphore_mem>>) {add = true}
    %dma_wait3A_49 = arith.constant 123 : i32
    %dma_wait3A_50 = arith.constant 0 : i32
    %dma_wait3A_51 = tpu.memref_slice %arg6[%dma_wait3A_49, %dma_wait3A_50] : memref<125x40xi32, #tpu.memory_space<vmem>> -> memref<1x40xi32, #tpu.memory_space<vmem>>
    %dma_wait3A_52 = tpu.memref_squeeze %dma_wait3A_51 : memref<1x40xi32, #tpu.memory_space<vmem>> -> memref<40xi32, #tpu.memory_space<vmem>>
    %dma_wait3A_53 = arith.constant 0 : i32
    %dma_wait3A_54 = arith.constant 0 : i32
    %dma_wait3A_55 = tpu.memref_slice %arg9[%dma_wait3A_53, %dma_wait3A_54] : memref<10240x16xf32, #tpu.memory_space<vmem_shared>> -> memref<10240x16xf32, #tpu.memory_space<vmem_shared>>
    tpu.wait_indirect_dma semaphore(%arg11 : memref<!tpu.dma_semaphore, #tpu.memory_space<semaphore_mem>>) src(%arg7 : memref<40x16xf32, #tpu.memory_space<vmem>>) dst(%dma_wait3A_55 : memref<10240x16xf32, #tpu.memory_space<vmem_shared>>)
    %dma_wait3A_56 = arith.constant 124 : i32
    %dma_wait3A_57 = arith.constant 0 : i32
    %dma_wait3A_58 = tpu.memref_slice %arg6[%dma_wait3A_56, %dma_wait3A_57] : memref<125x40xi32, #tpu.memory_space<vmem>> -> memref<1x40xi32, #tpu.memory_space<vmem>>
    %dma_wait3A_59 = tpu.memref_squeeze %dma_wait3A_58 : memref<1x40xi32, #tpu.memory_space<vmem>> -> memref<40xi32, #tpu.memory_space<vmem>>
    %dma_wait3A_60 = arith.constant 0 : i32
    %dma_wait3A_61 = arith.constant 0 : i32
    %dma_wait3A_62 = tpu.memref_slice %arg9[%dma_wait3A_60, %dma_wait3A_61] : memref<10240x16xf32, #tpu.memory_space<vmem_shared>> -> memref<10240x16xf32, #tpu.memory_space<vmem_shared>>
    tpu.wait_indirect_dma semaphore(%arg10 : memref<!tpu.dma_semaphore, #tpu.memory_space<semaphore_mem>>) src(%arg7 : memref<40x16xf32, #tpu.memory_space<vmem>>) dst(%dma_wait3A_62 : memref<10240x16xf32, #tpu.memory_space<vmem_shared>>)
    %barrier3A_63 = arith.constant 0 : index
    tpu.barrier barrier_id(%barrier3A_63)
    %mul3A_64 = arith.constant 640 : i32
    %mul3A_65 = arith.muli %arg1, %mul3A_64 : i32
    %add3A_66 = arith.constant 0 : i32
    %add3A_67 = arith.addi %mul3A_65, %add3A_66 : i32
    "tpu.region"() ({
      %run_scoped3A = tpu.sem_alloc : memref<!tpu.dma_semaphore, #tpu.memory_space<semaphore_mem>>
      %dma_start3A_84 = arith.constant 0 : i32
      %dma_start3A_85 = tpu.memref_slice %arg9[%add3A_67, %dma_start3A_84] : memref<10240x16xf32, #tpu.memory_space<vmem_shared>> -> memref<128x16xf32, #tpu.memory_space<vmem_shared>>
      %dma_start3A_86 = arith.constant 0 : i32
      %dma_start3A_87 = tpu.memref_slice %arg9[%add3A_67, %dma_start3A_86] : memref<10240x16xf32, #tpu.memory_space<vmem_shared>> -> memref<128x16xf32, #tpu.memory_space<vmem_shared>>
      tpu.enqueue_dma source(%dma_start3A_87 : memref<128x16xf32, #tpu.memory_space<vmem_shared>>) target(%arg8 : memref<128x16xf32, #tpu.memory_space<vmem>>) target_semaphore(%run_scoped3A : memref<!tpu.dma_semaphore, #tpu.memory_space<semaphore_mem>>)
      %dma_wait3A_88 = arith.constant 0 : i32
      %dma_wait3A_89 = tpu.memref_slice %arg9[%add3A_67, %dma_wait3A_88] : memref<10240x16xf32, #tpu.memory_space<vmem_shared>> -> memref<128x16xf32, #tpu.memory_space<vmem_shared>>
      %dma_wait3A_90 = arith.constant 0 : i32
      %dma_wait3A_91 = tpu.memref_slice %arg9[%add3A_67, %dma_wait3A_90] : memref<10240x16xf32, #tpu.memory_space<vmem_shared>> -> memref<128x16xf32, #tpu.memory_space<vmem_shared>>
      tpu.wait_dma2 semaphore(%run_scoped3A : memref<!tpu.dma_semaphore, #tpu.memory_space<semaphore_mem>>) src(%dma_wait3A_91 : memref<128x16xf32, #tpu.memory_space<vmem_shared>>) dst(%arg8 : memref<128x16xf32, #tpu.memory_space<vmem>>)
      tpu.yield
    }) : () -> ()
    "tpu.region"() ({
      %run_scoped3A = tpu.sem_alloc : memref<!tpu.dma_semaphore, #tpu.memory_space<semaphore_mem>>
      %dma_start3A_84 = arith.constant 0 : i32
      %dma_start3A_85 = arith.constant 0 : i32
      %dma_start3A_86 = tpu.memref_slice %arg5[%arg0, %dma_start3A_84, %dma_start3A_85] : memref<2x10240x16xf32, #tpu.memory_space<hbm>> -> memref<1x10240x16xf32, #tpu.memory_space<hbm>>
      %dma_start3A_87 = tpu.memref_squeeze %dma_start3A_86 : memref<1x10240x16xf32, #tpu.memory_space<hbm>> -> memref<10240x16xf32, #tpu.memory_space<hbm>>
      %dma_start3A_88 = arith.constant 0 : i32
      %dma_start3A_89 = tpu.memref_slice %dma_start3A_87[%add3A_67, %dma_start3A_88] : memref<10240x16xf32, #tpu.memory_space<hbm>> -> memref<128x16xf32, #tpu.memory_space<hbm>>
      %dma_start3A_90 = arith.constant 0 : i32
      %dma_start3A_91 = arith.constant 0 : i32
      %dma_start3A_92 = tpu.memref_slice %arg5[%arg0, %dma_start3A_90, %dma_start3A_91] : memref<2x10240x16xf32, #tpu.memory_space<hbm>> -> memref<1x10240x16xf32, #tpu.memory_space<hbm>>
      %dma_start3A_93 = tpu.memref_squeeze %dma_start3A_92 : memref<1x10240x16xf32, #tpu.memory_space<hbm>> -> memref<10240x16xf32, #tpu.memory_space<hbm>>
      %dma_start3A_94 = arith.constant 0 : i32
      %dma_start3A_95 = tpu.memref_slice %dma_start3A_93[%add3A_67, %dma_start3A_94] : memref<10240x16xf32, #tpu.memory_space<hbm>> -> memref<128x16xf32, #tpu.memory_space<hbm>>
      tpu.enqueue_dma source(%arg8 : memref<128x16xf32, #tpu.memory_space<vmem>>) target(%dma_start3A_95 : memref<128x16xf32, #tpu.memory_space<hbm>>) target_semaphore(%run_scoped3A : memref<!tpu.dma_semaphore, #tpu.memory_space<semaphore_mem>>)
      %dma_wait3A_96 = arith.constant 0 : i32
      %dma_wait3A_97 = arith.constant 0 : i32
      %dma_wait3A_98 = tpu.memref_slice %arg5[%arg0, %dma_wait3A_96, %dma_wait3A_97] : memref<2x10240x16xf32, #tpu.memory_space<hbm>> -> memref<1x10240x16xf32, #tpu.memory_space<hbm>>
      %dma_wait3A_99 = tpu.memref_squeeze %dma_wait3A_98 : memref<1x10240x16xf32, #tpu.memory_space<hbm>> -> memref<10240x16xf32, #tpu.memory_space<hbm>>
      %dma_wait3A_100 = arith.constant 0 : i32
      %dma_wait3A_101 = tpu.memref_slice %dma_wait3A_99[%add3A_67, %dma_wait3A_100] : memref<10240x16xf32, #tpu.memory_space<hbm>> -> memref<128x16xf32, #tpu.memory_space<hbm>>
      %dma_wait3A_102 = arith.constant 0 : i32
      %dma_wait3A_103 = arith.constant 0 : i32
      %dma_wait3A_104 = tpu.memref_slice %arg5[%arg0, %dma_wait3A_102, %dma_wait3A_103] : memref<2x10240x16xf32, #tpu.memory_space<hbm>> -> memref<1x10240x16xf32, #tpu.memory_space<hbm>>
      %dma_wait3A_105 = tpu.memref_squeeze %dma_wait3A_104 : memref<1x10240x16xf32, #tpu.memory_space<hbm>> -> memref<10240x16xf32, #tpu.memory_space<hbm>>
      %dma_wait3A_106 = arith.constant 0 : i32
      %dma_wait3A_107 = tpu.memref_slice %dma_wait3A_105[%add3A_67, %dma_wait3A_106] : memref<10240x16xf32, #tpu.memory_space<hbm>> -> memref<128x16xf32, #tpu.memory_space<hbm>>
      tpu.wait_dma2 semaphore(%run_scoped3A : memref<!tpu.dma_semaphore, #tpu.memory_space<semaphore_mem>>) src(%arg8 : memref<128x16xf32, #tpu.memory_space<vmem>>) dst(%dma_wait3A_107 : memref<128x16xf32, #tpu.memory_space<hbm>>)
      tpu.yield
    }) : () -> ()
    %mul3A_68 = arith.constant 640 : i32
    %mul3A_69 = arith.muli %arg1, %mul3A_68 : i32
    %add3A_70 = arith.constant 128 : i32
    %add3A_71 = arith.addi %mul3A_69, %add3A_70 : i32
    "tpu.region"() ({
      %run_scoped3A = tpu.sem_alloc : memref<!tpu.dma_semaphore, #tpu.memory_space<semaphore_mem>>
      %dma_start3A_84 = arith.constant 0 : i32
      %dma_start3A_85 = tpu.memref_slice %arg9[%add3A_71, %dma_start3A_84] : memref<10240x16xf32, #tpu.memory_space<vmem_shared>> -> memref<128x16xf32, #tpu.memory_space<vmem_shared>>
      %dma_start3A_86 = arith.constant 0 : i32
      %dma_start3A_87 = tpu.memref_slice %arg9[%add3A_71, %dma_start3A_86] : memref<10240x16xf32, #tpu.memory_space<vmem_shared>> -> memref<128x16xf32, #tpu.memory_space<vmem_shared>>
      tpu.enqueue_dma source(%dma_start3A_87 : memref<128x16xf32, #tpu.memory_space<vmem_shared>>) target(%arg8 : memref<128x16xf32, #tpu.memory_space<vmem>>) target_semaphore(%run_scoped3A : memref<!tpu.dma_semaphore, #tpu.memory_space<semaphore_mem>>)
      %dma_wait3A_88 = arith.constant 0 : i32
      %dma_wait3A_89 = tpu.memref_slice %arg9[%add3A_71, %dma_wait3A_88] : memref<10240x16xf32, #tpu.memory_space<vmem_shared>> -> memref<128x16xf32, #tpu.memory_space<vmem_shared>>
      %dma_wait3A_90 = arith.constant 0 : i32
      %dma_wait3A_91 = tpu.memref_slice %arg9[%add3A_71, %dma_wait3A_90] : memref<10240x16xf32, #tpu.memory_space<vmem_shared>> -> memref<128x16xf32, #tpu.memory_space<vmem_shared>>
      tpu.wait_dma2 semaphore(%run_scoped3A : memref<!tpu.dma_semaphore, #tpu.memory_space<semaphore_mem>>) src(%dma_wait3A_91 : memref<128x16xf32, #tpu.memory_space<vmem_shared>>) dst(%arg8 : memref<128x16xf32, #tpu.memory_space<vmem>>)
      tpu.yield
    }) : () -> ()
    "tpu.region"() ({
      %run_scoped3A = tpu.sem_alloc : memref<!tpu.dma_semaphore, #tpu.memory_space<semaphore_mem>>
      %dma_start3A_84 = arith.constant 0 : i32
      %dma_start3A_85 = arith.constant 0 : i32
      %dma_start3A_86 = tpu.memref_slice %arg5[%arg0, %dma_start3A_84, %dma_start3A_85] : memref<2x10240x16xf32, #tpu.memory_space<hbm>> -> memref<1x10240x16xf32, #tpu.memory_space<hbm>>
      %dma_start3A_87 = tpu.memref_squeeze %dma_start3A_86 : memref<1x10240x16xf32, #tpu.memory_space<hbm>> -> memref<10240x16xf32, #tpu.memory_space<hbm>>
      %dma_start3A_88 = arith.constant 0 : i32
      %dma_start3A_89 = tpu.memref_slice %dma_start3A_87[%add3A_71, %dma_start3A_88] : memref<10240x16xf32, #tpu.memory_space<hbm>> -> memref<128x16xf32, #tpu.memory_space<hbm>>
      %dma_start3A_90 = arith.constant 0 : i32
      %dma_start3A_91 = arith.constant 0 : i32
      %dma_start3A_92 = tpu.memref_slice %arg5[%arg0, %dma_start3A_90, %dma_start3A_91] : memref<2x10240x16xf32, #tpu.memory_space<hbm>> -> memref<1x10240x16xf32, #tpu.memory_space<hbm>>
      %dma_start3A_93 = tpu.memref_squeeze %dma_start3A_92 : memref<1x10240x16xf32, #tpu.memory_space<hbm>> -> memref<10240x16xf32, #tpu.memory_space<hbm>>
      %dma_start3A_94 = arith.constant 0 : i32
      %dma_start3A_95 = tpu.memref_slice %dma_start3A_93[%add3A_71, %dma_start3A_94] : memref<10240x16xf32, #tpu.memory_space<hbm>> -> memref<128x16xf32, #tpu.memory_space<hbm>>
      tpu.enqueue_dma source(%arg8 : memref<128x16xf32, #tpu.memory_space<vmem>>) target(%dma_start3A_95 : memref<128x16xf32, #tpu.memory_space<hbm>>) target_semaphore(%run_scoped3A : memref<!tpu.dma_semaphore, #tpu.memory_space<semaphore_mem>>)
      %dma_wait3A_96 = arith.constant 0 : i32
      %dma_wait3A_97 = arith.constant 0 : i32
      %dma_wait3A_98 = tpu.memref_slice %arg5[%arg0, %dma_wait3A_96, %dma_wait3A_97] : memref<2x10240x16xf32, #tpu.memory_space<hbm>> -> memref<1x10240x16xf32, #tpu.memory_space<hbm>>
      %dma_wait3A_99 = tpu.memref_squeeze %dma_wait3A_98 : memref<1x10240x16xf32, #tpu.memory_space<hbm>> -> memref<10240x16xf32, #tpu.memory_space<hbm>>
      %dma_wait3A_100 = arith.constant 0 : i32
      %dma_wait3A_101 = tpu.memref_slice %dma_wait3A_99[%add3A_71, %dma_wait3A_100] : memref<10240x16xf32, #tpu.memory_space<hbm>> -> memref<128x16xf32, #tpu.memory_space<hbm>>
      %dma_wait3A_102 = arith.constant 0 : i32
      %dma_wait3A_103 = arith.constant 0 : i32
      %dma_wait3A_104 = tpu.memref_slice %arg5[%arg0, %dma_wait3A_102, %dma_wait3A_103] : memref<2x10240x16xf32, #tpu.memory_space<hbm>> -> memref<1x10240x16xf32, #tpu.memory_space<hbm>>
      %dma_wait3A_105 = tpu.memref_squeeze %dma_wait3A_104 : memref<1x10240x16xf32, #tpu.memory_space<hbm>> -> memref<10240x16xf32, #tpu.memory_space<hbm>>
      %dma_wait3A_106 = arith.constant 0 : i32
      %dma_wait3A_107 = tpu.memref_slice %dma_wait3A_105[%add3A_71, %dma_wait3A_106] : memref<10240x16xf32, #tpu.memory_space<hbm>> -> memref<128x16xf32, #tpu.memory_space<hbm>>
      tpu.wait_dma2 semaphore(%run_scoped3A : memref<!tpu.dma_semaphore, #tpu.memory_space<semaphore_mem>>) src(%arg8 : memref<128x16xf32, #tpu.memory_space<vmem>>) dst(%dma_wait3A_107 : memref<128x16xf32, #tpu.memory_space<hbm>>)
      tpu.yield
    }) : () -> ()
    %mul3A_72 = arith.constant 640 : i32
    %mul3A_73 = arith.muli %arg1, %mul3A_72 : i32
    %add3A_74 = arith.constant 256 : i32
    %add3A_75 = arith.addi %mul3A_73, %add3A_74 : i32
    "tpu.region"() ({
      %run_scoped3A = tpu.sem_alloc : memref<!tpu.dma_semaphore, #tpu.memory_space<semaphore_mem>>
      %dma_start3A_84 = arith.constant 0 : i32
      %dma_start3A_85 = tpu.memref_slice %arg9[%add3A_75, %dma_start3A_84] : memref<10240x16xf32, #tpu.memory_space<vmem_shared>> -> memref<128x16xf32, #tpu.memory_space<vmem_shared>>
      %dma_start3A_86 = arith.constant 0 : i32
      %dma_start3A_87 = tpu.memref_slice %arg9[%add3A_75, %dma_start3A_86] : memref<10240x16xf32, #tpu.memory_space<vmem_shared>> -> memref<128x16xf32, #tpu.memory_space<vmem_shared>>
      tpu.enqueue_dma source(%dma_start3A_87 : memref<128x16xf32, #tpu.memory_space<vmem_shared>>) target(%arg8 : memref<128x16xf32, #tpu.memory_space<vmem>>) target_semaphore(%run_scoped3A : memref<!tpu.dma_semaphore, #tpu.memory_space<semaphore_mem>>)
      %dma_wait3A_88 = arith.constant 0 : i32
      %dma_wait3A_89 = tpu.memref_slice %arg9[%add3A_75, %dma_wait3A_88] : memref<10240x16xf32, #tpu.memory_space<vmem_shared>> -> memref<128x16xf32, #tpu.memory_space<vmem_shared>>
      %dma_wait3A_90 = arith.constant 0 : i32
      %dma_wait3A_91 = tpu.memref_slice %arg9[%add3A_75, %dma_wait3A_90] : memref<10240x16xf32, #tpu.memory_space<vmem_shared>> -> memref<128x16xf32, #tpu.memory_space<vmem_shared>>
      tpu.wait_dma2 semaphore(%run_scoped3A : memref<!tpu.dma_semaphore, #tpu.memory_space<semaphore_mem>>) src(%dma_wait3A_91 : memref<128x16xf32, #tpu.memory_space<vmem_shared>>) dst(%arg8 : memref<128x16xf32, #tpu.memory_space<vmem>>)
      tpu.yield
    }) : () -> ()
    "tpu.region"() ({
      %run_scoped3A = tpu.sem_alloc : memref<!tpu.dma_semaphore, #tpu.memory_space<semaphore_mem>>
      %dma_start3A_84 = arith.constant 0 : i32
      %dma_start3A_85 = arith.constant 0 : i32
      %dma_start3A_86 = tpu.memref_slice %arg5[%arg0, %dma_start3A_84, %dma_start3A_85] : memref<2x10240x16xf32, #tpu.memory_space<hbm>> -> memref<1x10240x16xf32, #tpu.memory_space<hbm>>
      %dma_start3A_87 = tpu.memref_squeeze %dma_start3A_86 : memref<1x10240x16xf32, #tpu.memory_space<hbm>> -> memref<10240x16xf32, #tpu.memory_space<hbm>>
      %dma_start3A_88 = arith.constant 0 : i32
      %dma_start3A_89 = tpu.memref_slice %dma_start3A_87[%add3A_75, %dma_start3A_88] : memref<10240x16xf32, #tpu.memory_space<hbm>> -> memref<128x16xf32, #tpu.memory_space<hbm>>
      %dma_start3A_90 = arith.constant 0 : i32
      %dma_start3A_91 = arith.constant 0 : i32
      %dma_start3A_92 = tpu.memref_slice %arg5[%arg0, %dma_start3A_90, %dma_start3A_91] : memref<2x10240x16xf32, #tpu.memory_space<hbm>> -> memref<1x10240x16xf32, #tpu.memory_space<hbm>>
      %dma_start3A_93 = tpu.memref_squeeze %dma_start3A_92 : memref<1x10240x16xf32, #tpu.memory_space<hbm>> -> memref<10240x16xf32, #tpu.memory_space<hbm>>
      %dma_start3A_94 = arith.constant 0 : i32
      %dma_start3A_95 = tpu.memref_slice %dma_start3A_93[%add3A_75, %dma_start3A_94] : memref<10240x16xf32, #tpu.memory_space<hbm>> -> memref<128x16xf32, #tpu.memory_space<hbm>>
      tpu.enqueue_dma source(%arg8 : memref<128x16xf32, #tpu.memory_space<vmem>>) target(%dma_start3A_95 : memref<128x16xf32, #tpu.memory_space<hbm>>) target_semaphore(%run_scoped3A : memref<!tpu.dma_semaphore, #tpu.memory_space<semaphore_mem>>)
      %dma_wait3A_96 = arith.constant 0 : i32
      %dma_wait3A_97 = arith.constant 0 : i32
      %dma_wait3A_98 = tpu.memref_slice %arg5[%arg0, %dma_wait3A_96, %dma_wait3A_97] : memref<2x10240x16xf32, #tpu.memory_space<hbm>> -> memref<1x10240x16xf32, #tpu.memory_space<hbm>>
      %dma_wait3A_99 = tpu.memref_squeeze %dma_wait3A_98 : memref<1x10240x16xf32, #tpu.memory_space<hbm>> -> memref<10240x16xf32, #tpu.memory_space<hbm>>
      %dma_wait3A_100 = arith.constant 0 : i32
      %dma_wait3A_101 = tpu.memref_slice %dma_wait3A_99[%add3A_75, %dma_wait3A_100] : memref<10240x16xf32, #tpu.memory_space<hbm>> -> memref<128x16xf32, #tpu.memory_space<hbm>>
      %dma_wait3A_102 = arith.constant 0 : i32
      %dma_wait3A_103 = arith.constant 0 : i32
      %dma_wait3A_104 = tpu.memref_slice %arg5[%arg0, %dma_wait3A_102, %dma_wait3A_103] : memref<2x10240x16xf32, #tpu.memory_space<hbm>> -> memref<1x10240x16xf32, #tpu.memory_space<hbm>>
      %dma_wait3A_105 = tpu.memref_squeeze %dma_wait3A_104 : memref<1x10240x16xf32, #tpu.memory_space<hbm>> -> memref<10240x16xf32, #tpu.memory_space<hbm>>
      %dma_wait3A_106 = arith.constant 0 : i32
      %dma_wait3A_107 = tpu.memref_slice %dma_wait3A_105[%add3A_75, %dma_wait3A_106] : memref<10240x16xf32, #tpu.memory_space<hbm>> -> memref<128x16xf32, #tpu.memory_space<hbm>>
      tpu.wait_dma2 semaphore(%run_scoped3A : memref<!tpu.dma_semaphore, #tpu.memory_space<semaphore_mem>>) src(%arg8 : memref<128x16xf32, #tpu.memory_space<vmem>>) dst(%dma_wait3A_107 : memref<128x16xf32, #tpu.memory_space<hbm>>)
      tpu.yield
    }) : () -> ()
    %mul3A_76 = arith.constant 640 : i32
    %mul3A_77 = arith.muli %arg1, %mul3A_76 : i32
    %add3A_78 = arith.constant 384 : i32
    %add3A_79 = arith.addi %mul3A_77, %add3A_78 : i32
    "tpu.region"() ({
      %run_scoped3A = tpu.sem_alloc : memref<!tpu.dma_semaphore, #tpu.memory_space<semaphore_mem>>
      %dma_start3A_84 = arith.constant 0 : i32
      %dma_start3A_85 = tpu.memref_slice %arg9[%add3A_79, %dma_start3A_84] : memref<10240x16xf32, #tpu.memory_space<vmem_shared>> -> memref<128x16xf32, #tpu.memory_space<vmem_shared>>
      %dma_start3A_86 = arith.constant 0 : i32
      %dma_start3A_87 = tpu.memref_slice %arg9[%add3A_79, %dma_start3A_86] : memref<10240x16xf32, #tpu.memory_space<vmem_shared>> -> memref<128x16xf32, #tpu.memory_space<vmem_shared>>
      tpu.enqueue_dma source(%dma_start3A_87 : memref<128x16xf32, #tpu.memory_space<vmem_shared>>) target(%arg8 : memref<128x16xf32, #tpu.memory_space<vmem>>) target_semaphore(%run_scoped3A : memref<!tpu.dma_semaphore, #tpu.memory_space<semaphore_mem>>)
      %dma_wait3A_88 = arith.constant 0 : i32
      %dma_wait3A_89 = tpu.memref_slice %arg9[%add3A_79, %dma_wait3A_88] : memref<10240x16xf32, #tpu.memory_space<vmem_shared>> -> memref<128x16xf32, #tpu.memory_space<vmem_shared>>
      %dma_wait3A_90 = arith.constant 0 : i32
      %dma_wait3A_91 = tpu.memref_slice %arg9[%add3A_79, %dma_wait3A_90] : memref<10240x16xf32, #tpu.memory_space<vmem_shared>> -> memref<128x16xf32, #tpu.memory_space<vmem_shared>>
      tpu.wait_dma2 semaphore(%run_scoped3A : memref<!tpu.dma_semaphore, #tpu.memory_space<semaphore_mem>>) src(%dma_wait3A_91 : memref<128x16xf32, #tpu.memory_space<vmem_shared>>) dst(%arg8 : memref<128x16xf32, #tpu.memory_space<vmem>>)
      tpu.yield
    }) : () -> ()
    "tpu.region"() ({
      %run_scoped3A = tpu.sem_alloc : memref<!tpu.dma_semaphore, #tpu.memory_space<semaphore_mem>>
      %dma_start3A_84 = arith.constant 0 : i32
      %dma_start3A_85 = arith.constant 0 : i32
      %dma_start3A_86 = tpu.memref_slice %arg5[%arg0, %dma_start3A_84, %dma_start3A_85] : memref<2x10240x16xf32, #tpu.memory_space<hbm>> -> memref<1x10240x16xf32, #tpu.memory_space<hbm>>
      %dma_start3A_87 = tpu.memref_squeeze %dma_start3A_86 : memref<1x10240x16xf32, #tpu.memory_space<hbm>> -> memref<10240x16xf32, #tpu.memory_space<hbm>>
      %dma_start3A_88 = arith.constant 0 : i32
      %dma_start3A_89 = tpu.memref_slice %dma_start3A_87[%add3A_79, %dma_start3A_88] : memref<10240x16xf32, #tpu.memory_space<hbm>> -> memref<128x16xf32, #tpu.memory_space<hbm>>
      %dma_start3A_90 = arith.constant 0 : i32
      %dma_start3A_91 = arith.constant 0 : i32
      %dma_start3A_92 = tpu.memref_slice %arg5[%arg0, %dma_start3A_90, %dma_start3A_91] : memref<2x10240x16xf32, #tpu.memory_space<hbm>> -> memref<1x10240x16xf32, #tpu.memory_space<hbm>>
      %dma_start3A_93 = tpu.memref_squeeze %dma_start3A_92 : memref<1x10240x16xf32, #tpu.memory_space<hbm>> -> memref<10240x16xf32, #tpu.memory_space<hbm>>
      %dma_start3A_94 = arith.constant 0 : i32
      %dma_start3A_95 = tpu.memref_slice %dma_start3A_93[%add3A_79, %dma_start3A_94] : memref<10240x16xf32, #tpu.memory_space<hbm>> -> memref<128x16xf32, #tpu.memory_space<hbm>>
      tpu.enqueue_dma source(%arg8 : memref<128x16xf32, #tpu.memory_space<vmem>>) target(%dma_start3A_95 : memref<128x16xf32, #tpu.memory_space<hbm>>) target_semaphore(%run_scoped3A : memref<!tpu.dma_semaphore, #tpu.memory_space<semaphore_mem>>)
      %dma_wait3A_96 = arith.constant 0 : i32
      %dma_wait3A_97 = arith.constant 0 : i32
      %dma_wait3A_98 = tpu.memref_slice %arg5[%arg0, %dma_wait3A_96, %dma_wait3A_97] : memref<2x10240x16xf32, #tpu.memory_space<hbm>> -> memref<1x10240x16xf32, #tpu.memory_space<hbm>>
      %dma_wait3A_99 = tpu.memref_squeeze %dma_wait3A_98 : memref<1x10240x16xf32, #tpu.memory_space<hbm>> -> memref<10240x16xf32, #tpu.memory_space<hbm>>
      %dma_wait3A_100 = arith.constant 0 : i32
      %dma_wait3A_101 = tpu.memref_slice %dma_wait3A_99[%add3A_79, %dma_wait3A_100] : memref<10240x16xf32, #tpu.memory_space<hbm>> -> memref<128x16xf32, #tpu.memory_space<hbm>>
      %dma_wait3A_102 = arith.constant 0 : i32
      %dma_wait3A_103 = arith.constant 0 : i32
      %dma_wait3A_104 = tpu.memref_slice %arg5[%arg0, %dma_wait3A_102, %dma_wait3A_103] : memref<2x10240x16xf32, #tpu.memory_space<hbm>> -> memref<1x10240x16xf32, #tpu.memory_space<hbm>>
      %dma_wait3A_105 = tpu.memref_squeeze %dma_wait3A_104 : memref<1x10240x16xf32, #tpu.memory_space<hbm>> -> memref<10240x16xf32, #tpu.memory_space<hbm>>
      %dma_wait3A_106 = arith.constant 0 : i32
      %dma_wait3A_107 = tpu.memref_slice %dma_wait3A_105[%add3A_79, %dma_wait3A_106] : memref<10240x16xf32, #tpu.memory_space<hbm>> -> memref<128x16xf32, #tpu.memory_space<hbm>>
      tpu.wait_dma2 semaphore(%run_scoped3A : memref<!tpu.dma_semaphore, #tpu.memory_space<semaphore_mem>>) src(%arg8 : memref<128x16xf32, #tpu.memory_space<vmem>>) dst(%dma_wait3A_107 : memref<128x16xf32, #tpu.memory_space<hbm>>)
      tpu.yield
    }) : () -> ()
    %mul3A_80 = arith.constant 640 : i32
    %mul3A_81 = arith.muli %arg1, %mul3A_80 : i32
    %add3A_82 = arith.constant 512 : i32
    %add3A_83 = arith.addi %mul3A_81, %add3A_82 : i32
    "tpu.region"() ({
      %run_scoped3A = tpu.sem_alloc : memref<!tpu.dma_semaphore, #tpu.memory_space<semaphore_mem>>
      %dma_start3A_84 = arith.constant 0 : i32
      %dma_start3A_85 = tpu.memref_slice %arg9[%add3A_83, %dma_start3A_84] : memref<10240x16xf32, #tpu.memory_space<vmem_shared>> -> memref<128x16xf32, #tpu.memory_space<vmem_shared>>
      %dma_start3A_86 = arith.constant 0 : i32
      %dma_start3A_87 = tpu.memref_slice %arg9[%add3A_83, %dma_start3A_86] : memref<10240x16xf32, #tpu.memory_space<vmem_shared>> -> memref<128x16xf32, #tpu.memory_space<vmem_shared>>
      tpu.enqueue_dma source(%dma_start3A_87 : memref<128x16xf32, #tpu.memory_space<vmem_shared>>) target(%arg8 : memref<128x16xf32, #tpu.memory_space<vmem>>) target_semaphore(%run_scoped3A : memref<!tpu.dma_semaphore, #tpu.memory_space<semaphore_mem>>)
      %dma_wait3A_88 = arith.constant 0 : i32
      %dma_wait3A_89 = tpu.memref_slice %arg9[%add3A_83, %dma_wait3A_88] : memref<10240x16xf32, #tpu.memory_space<vmem_shared>> -> memref<128x16xf32, #tpu.memory_space<vmem_shared>>
      %dma_wait3A_90 = arith.constant 0 : i32
      %dma_wait3A_91 = tpu.memref_slice %arg9[%add3A_83, %dma_wait3A_90] : memref<10240x16xf32, #tpu.memory_space<vmem_shared>> -> memref<128x16xf32, #tpu.memory_space<vmem_shared>>
      tpu.wait_dma2 semaphore(%run_scoped3A : memref<!tpu.dma_semaphore, #tpu.memory_space<semaphore_mem>>) src(%dma_wait3A_91 : memref<128x16xf32, #tpu.memory_space<vmem_shared>>) dst(%arg8 : memref<128x16xf32, #tpu.memory_space<vmem>>)
      tpu.yield
    }) : () -> ()
    "tpu.region"() ({
      %run_scoped3A = tpu.sem_alloc : memref<!tpu.dma_semaphore, #tpu.memory_space<semaphore_mem>>
      %dma_start3A_84 = arith.constant 0 : i32
      %dma_start3A_85 = arith.constant 0 : i32
      %dma_start3A_86 = tpu.memref_slice %arg5[%arg0, %dma_start3A_84, %dma_start3A_85] : memref<2x10240x16xf32, #tpu.memory_space<hbm>> -> memref<1x10240x16xf32, #tpu.memory_space<hbm>>
      %dma_start3A_87 = tpu.memref_squeeze %dma_start3A_86 : memref<1x10240x16xf32, #tpu.memory_space<hbm>> -> memref<10240x16xf32, #tpu.memory_space<hbm>>
      %dma_start3A_88 = arith.constant 0 : i32
      %dma_start3A_89 = tpu.memref_slice %dma_start3A_87[%add3A_83, %dma_start3A_88] : memref<10240x16xf32, #tpu.memory_space<hbm>> -> memref<128x16xf32, #tpu.memory_space<hbm>>
      %dma_start3A_90 = arith.constant 0 : i32
      %dma_start3A_91 = arith.constant 0 : i32
      %dma_start3A_92 = tpu.memref_slice %arg5[%arg0, %dma_start3A_90, %dma_start3A_91] : memref<2x10240x16xf32, #tpu.memory_space<hbm>> -> memref<1x10240x16xf32, #tpu.memory_space<hbm>>
      %dma_start3A_93 = tpu.memref_squeeze %dma_start3A_92 : memref<1x10240x16xf32, #tpu.memory_space<hbm>> -> memref<10240x16xf32, #tpu.memory_space<hbm>>
      %dma_start3A_94 = arith.constant 0 : i32
      %dma_start3A_95 = tpu.memref_slice %dma_start3A_93[%add3A_83, %dma_start3A_94] : memref<10240x16xf32, #tpu.memory_space<hbm>> -> memref<128x16xf32, #tpu.memory_space<hbm>>
      tpu.enqueue_dma source(%arg8 : memref<128x16xf32, #tpu.memory_space<vmem>>) target(%dma_start3A_95 : memref<128x16xf32, #tpu.memory_space<hbm>>) target_semaphore(%run_scoped3A : memref<!tpu.dma_semaphore, #tpu.memory_space<semaphore_mem>>)
      %dma_wait3A_96 = arith.constant 0 : i32
      %dma_wait3A_97 = arith.constant 0 : i32
      %dma_wait3A_98 = tpu.memref_slice %arg5[%arg0, %dma_wait3A_96, %dma_wait3A_97] : memref<2x10240x16xf32, #tpu.memory_space<hbm>> -> memref<1x10240x16xf32, #tpu.memory_space<hbm>>
      %dma_wait3A_99 = tpu.memref_squeeze %dma_wait3A_98 : memref<1x10240x16xf32, #tpu.memory_space<hbm>> -> memref<10240x16xf32, #tpu.memory_space<hbm>>
      %dma_wait3A_100 = arith.constant 0 : i32
      %dma_wait3A_101 = tpu.memref_slice %dma_wait3A_99[%add3A_83, %dma_wait3A_100] : memref<10240x16xf32, #tpu.memory_space<hbm>> -> memref<128x16xf32, #tpu.memory_space<hbm>>
      %dma_wait3A_102 = arith.constant 0 : i32
      %dma_wait3A_103 = arith.constant 0 : i32
      %dma_wait3A_104 = tpu.memref_slice %arg5[%arg0, %dma_wait3A_102, %dma_wait3A_103] : memref<2x10240x16xf32, #tpu.memory_space<hbm>> -> memref<1x10240x16xf32, #tpu.memory_space<hbm>>
      %dma_wait3A_105 = tpu.memref_squeeze %dma_wait3A_104 : memref<1x10240x16xf32, #tpu.memory_space<hbm>> -> memref<10240x16xf32, #tpu.memory_space<hbm>>
      %dma_wait3A_106 = arith.constant 0 : i32
      %dma_wait3A_107 = tpu.memref_slice %dma_wait3A_105[%add3A_83, %dma_wait3A_106] : memref<10240x16xf32, #tpu.memory_space<hbm>> -> memref<128x16xf32, #tpu.memory_space<hbm>>
      tpu.wait_dma2 semaphore(%run_scoped3A : memref<!tpu.dma_semaphore, #tpu.memory_space<semaphore_mem>>) src(%arg8 : memref<128x16xf32, #tpu.memory_space<vmem>>) dst(%dma_wait3A_107 : memref<128x16xf32, #tpu.memory_space<hbm>>)
      tpu.yield
    }) : () -> ()
    return
  }
}

#map = affine_map<(d0, d1) -> (0, 0)>
#map1 = affine_map<(d0, d1) -> (0)>
#map2 = affine_map<(d0, d1) -> (0, 0, 0)>
module attributes {stable_mosaic.version = 14 : i64} {
  func.func @_prop_body(%arg0: i32, %arg1: i32, %arg2: memref<20480x128xf32, #tpu.memory_space<hbm>>, %arg3: memref<320000xi32, #tpu.memory_space<hbm>>, %arg4: memref<16x125x80xi32, #tpu.memory_space<hbm>>, %arg5: memref<80x128xf32, #tpu.memory_space<hbm>>, %arg6: memref<2x10240x128xf32, #tpu.memory_space<hbm>>, %arg7: memref<125x80xi32, #tpu.memory_space<vmem>>, %arg8: memref<80xi32, #tpu.memory_space<vmem>>, %arg9: memref<80xi32, #tpu.memory_space<vmem>>, %arg10: memref<80x128xf32, #tpu.memory_space<vmem>>, %arg11: memref<80x128xf32, #tpu.memory_space<vmem>>, %arg12: memref<10240x128xf32, #tpu.memory_space<vmem_shared>>, %arg13: memref<!tpu.dma_semaphore, #tpu.memory_space<semaphore_mem>>, %arg14: memref<!tpu.dma_semaphore, #tpu.memory_space<semaphore_mem>>, %arg15: memref<!tpu.dma_semaphore, #tpu.memory_space<semaphore_mem>>, %arg16: memref<!tpu.dma_semaphore, #tpu.memory_space<semaphore_mem>>, %arg17: memref<!tpu.dma_semaphore, #tpu.memory_space<semaphore_mem>>, %arg18: memref<!tpu.dma_semaphore, #tpu.memory_space<semaphore_mem>>) attributes {dimension_semantics = [#tpu.dimension_semantics<core_parallel>, #tpu.dimension_semantics<subcore_parallel>], iteration_bounds = array<i64: 2, 16>, scalar_prefetch = 0 : i64, scratch_operands = 12 : i64, tpu.core_type = #tpu.core_type<sc_vector_subcore>, window_params = [{transform_indices = #map}, {transform_indices = #map1}, {transform_indices = #map2}, {transform_indices = #map}, {transform_indices = #map2}]} {
    "tpu.region"() ({
      %run_scoped3A = tpu.sem_alloc : memref<!tpu.dma_semaphore, #tpu.memory_space<semaphore_mem>>
      tpu.enqueue_dma source(%arg5 : memref<80x128xf32, #tpu.memory_space<hbm>>) target(%arg10 : memref<80x128xf32, #tpu.memory_space<vmem>>) target_semaphore(%run_scoped3A : memref<!tpu.dma_semaphore, #tpu.memory_space<semaphore_mem>>)
      tpu.wait_dma2 semaphore(%run_scoped3A : memref<!tpu.dma_semaphore, #tpu.memory_space<semaphore_mem>>) src(%arg5 : memref<80x128xf32, #tpu.memory_space<hbm>>) dst(%arg10 : memref<80x128xf32, #tpu.memory_space<vmem>>)
      tpu.yield
    }) : () -> ()
    %mul3A = arith.constant 640 : i32
    %mul3A_0 = arith.muli %arg1, %mul3A : i32
    %add3A = arith.constant 0 : i32
    %add3A_1 = arith.addi %mul3A_0, %add3A : i32
    %dma_start3A = arith.constant 0 : i32
    %dma_start3A_2 = tpu.memref_slice %arg12[%add3A_1, %dma_start3A] : memref<10240x128xf32, #tpu.memory_space<vmem_shared>> -> memref<80x128xf32, #tpu.memory_space<vmem_shared>>
    %dma_start3A_3 = arith.constant 0 : i32
    %dma_start3A_4 = tpu.memref_slice %arg12[%add3A_1, %dma_start3A_3] : memref<10240x128xf32, #tpu.memory_space<vmem_shared>> -> memref<80x128xf32, #tpu.memory_space<vmem_shared>>
    tpu.enqueue_dma source(%arg10 : memref<80x128xf32, #tpu.memory_space<vmem>>) target(%dma_start3A_4 : memref<80x128xf32, #tpu.memory_space<vmem_shared>>) target_semaphore(%arg15 : memref<!tpu.dma_semaphore, #tpu.memory_space<semaphore_mem>>)
    %mul3A_5 = arith.constant 640 : i32
    %mul3A_6 = arith.muli %arg1, %mul3A_5 : i32
    %add3A_7 = arith.constant 80 : i32
    %add3A_8 = arith.addi %mul3A_6, %add3A_7 : i32
    %dma_start3A_9 = arith.constant 0 : i32
    %dma_start3A_10 = tpu.memref_slice %arg12[%add3A_8, %dma_start3A_9] : memref<10240x128xf32, #tpu.memory_space<vmem_shared>> -> memref<80x128xf32, #tpu.memory_space<vmem_shared>>
    %dma_start3A_11 = arith.constant 0 : i32
    %dma_start3A_12 = tpu.memref_slice %arg12[%add3A_8, %dma_start3A_11] : memref<10240x128xf32, #tpu.memory_space<vmem_shared>> -> memref<80x128xf32, #tpu.memory_space<vmem_shared>>
    tpu.enqueue_dma source(%arg10 : memref<80x128xf32, #tpu.memory_space<vmem>>) target(%dma_start3A_12 : memref<80x128xf32, #tpu.memory_space<vmem_shared>>) target_semaphore(%arg15 : memref<!tpu.dma_semaphore, #tpu.memory_space<semaphore_mem>>)
    %mul3A_13 = arith.constant 640 : i32
    %mul3A_14 = arith.muli %arg1, %mul3A_13 : i32
    %add3A_15 = arith.constant 160 : i32
    %add3A_16 = arith.addi %mul3A_14, %add3A_15 : i32
    %dma_start3A_17 = arith.constant 0 : i32
    %dma_start3A_18 = tpu.memref_slice %arg12[%add3A_16, %dma_start3A_17] : memref<10240x128xf32, #tpu.memory_space<vmem_shared>> -> memref<80x128xf32, #tpu.memory_space<vmem_shared>>
    %dma_start3A_19 = arith.constant 0 : i32
    %dma_start3A_20 = tpu.memref_slice %arg12[%add3A_16, %dma_start3A_19] : memref<10240x128xf32, #tpu.memory_space<vmem_shared>> -> memref<80x128xf32, #tpu.memory_space<vmem_shared>>
    tpu.enqueue_dma source(%arg10 : memref<80x128xf32, #tpu.memory_space<vmem>>) target(%dma_start3A_20 : memref<80x128xf32, #tpu.memory_space<vmem_shared>>) target_semaphore(%arg15 : memref<!tpu.dma_semaphore, #tpu.memory_space<semaphore_mem>>)
    %mul3A_21 = arith.constant 640 : i32
    %mul3A_22 = arith.muli %arg1, %mul3A_21 : i32
    %add3A_23 = arith.constant 240 : i32
    %add3A_24 = arith.addi %mul3A_22, %add3A_23 : i32
    %dma_start3A_25 = arith.constant 0 : i32
    %dma_start3A_26 = tpu.memref_slice %arg12[%add3A_24, %dma_start3A_25] : memref<10240x128xf32, #tpu.memory_space<vmem_shared>> -> memref<80x128xf32, #tpu.memory_space<vmem_shared>>
    %dma_start3A_27 = arith.constant 0 : i32
    %dma_start3A_28 = tpu.memref_slice %arg12[%add3A_24, %dma_start3A_27] : memref<10240x128xf32, #tpu.memory_space<vmem_shared>> -> memref<80x128xf32, #tpu.memory_space<vmem_shared>>
    tpu.enqueue_dma source(%arg10 : memref<80x128xf32, #tpu.memory_space<vmem>>) target(%dma_start3A_28 : memref<80x128xf32, #tpu.memory_space<vmem_shared>>) target_semaphore(%arg15 : memref<!tpu.dma_semaphore, #tpu.memory_space<semaphore_mem>>)
    %mul3A_29 = arith.constant 640 : i32
    %mul3A_30 = arith.muli %arg1, %mul3A_29 : i32
    %add3A_31 = arith.constant 320 : i32
    %add3A_32 = arith.addi %mul3A_30, %add3A_31 : i32
    %dma_start3A_33 = arith.constant 0 : i32
    %dma_start3A_34 = tpu.memref_slice %arg12[%add3A_32, %dma_start3A_33] : memref<10240x128xf32, #tpu.memory_space<vmem_shared>> -> memref<80x128xf32, #tpu.memory_space<vmem_shared>>
    %dma_start3A_35 = arith.constant 0 : i32
    %dma_start3A_36 = tpu.memref_slice %arg12[%add3A_32, %dma_start3A_35] : memref<10240x128xf32, #tpu.memory_space<vmem_shared>> -> memref<80x128xf32, #tpu.memory_space<vmem_shared>>
    tpu.enqueue_dma source(%arg10 : memref<80x128xf32, #tpu.memory_space<vmem>>) target(%dma_start3A_36 : memref<80x128xf32, #tpu.memory_space<vmem_shared>>) target_semaphore(%arg15 : memref<!tpu.dma_semaphore, #tpu.memory_space<semaphore_mem>>)
    %mul3A_37 = arith.constant 640 : i32
    %mul3A_38 = arith.muli %arg1, %mul3A_37 : i32
    %add3A_39 = arith.constant 400 : i32
    %add3A_40 = arith.addi %mul3A_38, %add3A_39 : i32
    %dma_start3A_41 = arith.constant 0 : i32
    %dma_start3A_42 = tpu.memref_slice %arg12[%add3A_40, %dma_start3A_41] : memref<10240x128xf32, #tpu.memory_space<vmem_shared>> -> memref<80x128xf32, #tpu.memory_space<vmem_shared>>
    %dma_start3A_43 = arith.constant 0 : i32
    %dma_start3A_44 = tpu.memref_slice %arg12[%add3A_40, %dma_start3A_43] : memref<10240x128xf32, #tpu.memory_space<vmem_shared>> -> memref<80x128xf32, #tpu.memory_space<vmem_shared>>
    tpu.enqueue_dma source(%arg10 : memref<80x128xf32, #tpu.memory_space<vmem>>) target(%dma_start3A_44 : memref<80x128xf32, #tpu.memory_space<vmem_shared>>) target_semaphore(%arg15 : memref<!tpu.dma_semaphore, #tpu.memory_space<semaphore_mem>>)
    %mul3A_45 = arith.constant 640 : i32
    %mul3A_46 = arith.muli %arg1, %mul3A_45 : i32
    %add3A_47 = arith.constant 480 : i32
    %add3A_48 = arith.addi %mul3A_46, %add3A_47 : i32
    %dma_start3A_49 = arith.constant 0 : i32
    %dma_start3A_50 = tpu.memref_slice %arg12[%add3A_48, %dma_start3A_49] : memref<10240x128xf32, #tpu.memory_space<vmem_shared>> -> memref<80x128xf32, #tpu.memory_space<vmem_shared>>
    %dma_start3A_51 = arith.constant 0 : i32
    %dma_start3A_52 = tpu.memref_slice %arg12[%add3A_48, %dma_start3A_51] : memref<10240x128xf32, #tpu.memory_space<vmem_shared>> -> memref<80x128xf32, #tpu.memory_space<vmem_shared>>
    tpu.enqueue_dma source(%arg10 : memref<80x128xf32, #tpu.memory_space<vmem>>) target(%dma_start3A_52 : memref<80x128xf32, #tpu.memory_space<vmem_shared>>) target_semaphore(%arg15 : memref<!tpu.dma_semaphore, #tpu.memory_space<semaphore_mem>>)
    %mul3A_53 = arith.constant 640 : i32
    %mul3A_54 = arith.muli %arg1, %mul3A_53 : i32
    %add3A_55 = arith.constant 560 : i32
    %add3A_56 = arith.addi %mul3A_54, %add3A_55 : i32
    %dma_start3A_57 = arith.constant 0 : i32
    %dma_start3A_58 = tpu.memref_slice %arg12[%add3A_56, %dma_start3A_57] : memref<10240x128xf32, #tpu.memory_space<vmem_shared>> -> memref<80x128xf32, #tpu.memory_space<vmem_shared>>
    %dma_start3A_59 = arith.constant 0 : i32
    %dma_start3A_60 = tpu.memref_slice %arg12[%add3A_56, %dma_start3A_59] : memref<10240x128xf32, #tpu.memory_space<vmem_shared>> -> memref<80x128xf32, #tpu.memory_space<vmem_shared>>
    tpu.enqueue_dma source(%arg10 : memref<80x128xf32, #tpu.memory_space<vmem>>) target(%dma_start3A_60 : memref<80x128xf32, #tpu.memory_space<vmem_shared>>) target_semaphore(%arg15 : memref<!tpu.dma_semaphore, #tpu.memory_space<semaphore_mem>>)
    "tpu.region"() ({
      %run_scoped3A = tpu.sem_alloc : memref<!tpu.dma_semaphore, #tpu.memory_space<semaphore_mem>>
      %dma_start3A_532 = arith.constant 0 : i32
      %dma_start3A_533 = arith.constant 0 : i32
      %dma_start3A_534 = tpu.memref_slice %arg4[%arg1, %dma_start3A_532, %dma_start3A_533] : memref<16x125x80xi32, #tpu.memory_space<hbm>> -> memref<1x125x80xi32, #tpu.memory_space<hbm>>
      %dma_start3A_535 = tpu.memref_squeeze %dma_start3A_534 : memref<1x125x80xi32, #tpu.memory_space<hbm>> -> memref<125x80xi32, #tpu.memory_space<hbm>>
      %dma_start3A_536 = arith.constant 0 : i32
      %dma_start3A_537 = arith.constant 0 : i32
      %dma_start3A_538 = tpu.memref_slice %arg4[%arg1, %dma_start3A_536, %dma_start3A_537] : memref<16x125x80xi32, #tpu.memory_space<hbm>> -> memref<1x125x80xi32, #tpu.memory_space<hbm>>
      %dma_start3A_539 = tpu.memref_squeeze %dma_start3A_538 : memref<1x125x80xi32, #tpu.memory_space<hbm>> -> memref<125x80xi32, #tpu.memory_space<hbm>>
      tpu.enqueue_dma source(%dma_start3A_539 : memref<125x80xi32, #tpu.memory_space<hbm>>) target(%arg7 : memref<125x80xi32, #tpu.memory_space<vmem>>) target_semaphore(%run_scoped3A : memref<!tpu.dma_semaphore, #tpu.memory_space<semaphore_mem>>)
      %dma_wait3A_540 = arith.constant 0 : i32
      %dma_wait3A_541 = arith.constant 0 : i32
      %dma_wait3A_542 = tpu.memref_slice %arg4[%arg1, %dma_wait3A_540, %dma_wait3A_541] : memref<16x125x80xi32, #tpu.memory_space<hbm>> -> memref<1x125x80xi32, #tpu.memory_space<hbm>>
      %dma_wait3A_543 = tpu.memref_squeeze %dma_wait3A_542 : memref<1x125x80xi32, #tpu.memory_space<hbm>> -> memref<125x80xi32, #tpu.memory_space<hbm>>
      %dma_wait3A_544 = arith.constant 0 : i32
      %dma_wait3A_545 = arith.constant 0 : i32
      %dma_wait3A_546 = tpu.memref_slice %arg4[%arg1, %dma_wait3A_544, %dma_wait3A_545] : memref<16x125x80xi32, #tpu.memory_space<hbm>> -> memref<1x125x80xi32, #tpu.memory_space<hbm>>
      %dma_wait3A_547 = tpu.memref_squeeze %dma_wait3A_546 : memref<1x125x80xi32, #tpu.memory_space<hbm>> -> memref<125x80xi32, #tpu.memory_space<hbm>>
      tpu.wait_dma2 semaphore(%run_scoped3A : memref<!tpu.dma_semaphore, #tpu.memory_space<semaphore_mem>>) src(%dma_wait3A_547 : memref<125x80xi32, #tpu.memory_space<hbm>>) dst(%arg7 : memref<125x80xi32, #tpu.memory_space<vmem>>)
      tpu.yield
    }) : () -> ()
    %mul3A_61 = arith.constant 640 : i32
    %mul3A_62 = arith.muli %arg1, %mul3A_61 : i32
    %add3A_63 = arith.constant 0 : i32
    %add3A_64 = arith.addi %mul3A_62, %add3A_63 : i32
    %dma_wait3A = arith.constant 0 : i32
    %dma_wait3A_65 = tpu.memref_slice %arg12[%add3A_64, %dma_wait3A] : memref<10240x128xf32, #tpu.memory_space<vmem_shared>> -> memref<80x128xf32, #tpu.memory_space<vmem_shared>>
    %dma_wait3A_66 = arith.constant 0 : i32
    %dma_wait3A_67 = tpu.memref_slice %arg12[%add3A_64, %dma_wait3A_66] : memref<10240x128xf32, #tpu.memory_space<vmem_shared>> -> memref<80x128xf32, #tpu.memory_space<vmem_shared>>
    tpu.wait_dma2 semaphore(%arg15 : memref<!tpu.dma_semaphore, #tpu.memory_space<semaphore_mem>>) src(%arg10 : memref<80x128xf32, #tpu.memory_space<vmem>>) dst(%dma_wait3A_67 : memref<80x128xf32, #tpu.memory_space<vmem_shared>>)
    %mul3A_68 = arith.constant 640 : i32
    %mul3A_69 = arith.muli %arg1, %mul3A_68 : i32
    %add3A_70 = arith.constant 80 : i32
    %add3A_71 = arith.addi %mul3A_69, %add3A_70 : i32
    %dma_wait3A_72 = arith.constant 0 : i32
    %dma_wait3A_73 = tpu.memref_slice %arg12[%add3A_71, %dma_wait3A_72] : memref<10240x128xf32, #tpu.memory_space<vmem_shared>> -> memref<80x128xf32, #tpu.memory_space<vmem_shared>>
    %dma_wait3A_74 = arith.constant 0 : i32
    %dma_wait3A_75 = tpu.memref_slice %arg12[%add3A_71, %dma_wait3A_74] : memref<10240x128xf32, #tpu.memory_space<vmem_shared>> -> memref<80x128xf32, #tpu.memory_space<vmem_shared>>
    tpu.wait_dma2 semaphore(%arg15 : memref<!tpu.dma_semaphore, #tpu.memory_space<semaphore_mem>>) src(%arg10 : memref<80x128xf32, #tpu.memory_space<vmem>>) dst(%dma_wait3A_75 : memref<80x128xf32, #tpu.memory_space<vmem_shared>>)
    %mul3A_76 = arith.constant 640 : i32
    %mul3A_77 = arith.muli %arg1, %mul3A_76 : i32
    %add3A_78 = arith.constant 160 : i32
    %add3A_79 = arith.addi %mul3A_77, %add3A_78 : i32
    %dma_wait3A_80 = arith.constant 0 : i32
    %dma_wait3A_81 = tpu.memref_slice %arg12[%add3A_79, %dma_wait3A_80] : memref<10240x128xf32, #tpu.memory_space<vmem_shared>> -> memref<80x128xf32, #tpu.memory_space<vmem_shared>>
    %dma_wait3A_82 = arith.constant 0 : i32
    %dma_wait3A_83 = tpu.memref_slice %arg12[%add3A_79, %dma_wait3A_82] : memref<10240x128xf32, #tpu.memory_space<vmem_shared>> -> memref<80x128xf32, #tpu.memory_space<vmem_shared>>
    tpu.wait_dma2 semaphore(%arg15 : memref<!tpu.dma_semaphore, #tpu.memory_space<semaphore_mem>>) src(%arg10 : memref<80x128xf32, #tpu.memory_space<vmem>>) dst(%dma_wait3A_83 : memref<80x128xf32, #tpu.memory_space<vmem_shared>>)
    %mul3A_84 = arith.constant 640 : i32
    %mul3A_85 = arith.muli %arg1, %mul3A_84 : i32
    %add3A_86 = arith.constant 240 : i32
    %add3A_87 = arith.addi %mul3A_85, %add3A_86 : i32
    %dma_wait3A_88 = arith.constant 0 : i32
    %dma_wait3A_89 = tpu.memref_slice %arg12[%add3A_87, %dma_wait3A_88] : memref<10240x128xf32, #tpu.memory_space<vmem_shared>> -> memref<80x128xf32, #tpu.memory_space<vmem_shared>>
    %dma_wait3A_90 = arith.constant 0 : i32
    %dma_wait3A_91 = tpu.memref_slice %arg12[%add3A_87, %dma_wait3A_90] : memref<10240x128xf32, #tpu.memory_space<vmem_shared>> -> memref<80x128xf32, #tpu.memory_space<vmem_shared>>
    tpu.wait_dma2 semaphore(%arg15 : memref<!tpu.dma_semaphore, #tpu.memory_space<semaphore_mem>>) src(%arg10 : memref<80x128xf32, #tpu.memory_space<vmem>>) dst(%dma_wait3A_91 : memref<80x128xf32, #tpu.memory_space<vmem_shared>>)
    %mul3A_92 = arith.constant 640 : i32
    %mul3A_93 = arith.muli %arg1, %mul3A_92 : i32
    %add3A_94 = arith.constant 320 : i32
    %add3A_95 = arith.addi %mul3A_93, %add3A_94 : i32
    %dma_wait3A_96 = arith.constant 0 : i32
    %dma_wait3A_97 = tpu.memref_slice %arg12[%add3A_95, %dma_wait3A_96] : memref<10240x128xf32, #tpu.memory_space<vmem_shared>> -> memref<80x128xf32, #tpu.memory_space<vmem_shared>>
    %dma_wait3A_98 = arith.constant 0 : i32
    %dma_wait3A_99 = tpu.memref_slice %arg12[%add3A_95, %dma_wait3A_98] : memref<10240x128xf32, #tpu.memory_space<vmem_shared>> -> memref<80x128xf32, #tpu.memory_space<vmem_shared>>
    tpu.wait_dma2 semaphore(%arg15 : memref<!tpu.dma_semaphore, #tpu.memory_space<semaphore_mem>>) src(%arg10 : memref<80x128xf32, #tpu.memory_space<vmem>>) dst(%dma_wait3A_99 : memref<80x128xf32, #tpu.memory_space<vmem_shared>>)
    %mul3A_100 = arith.constant 640 : i32
    %mul3A_101 = arith.muli %arg1, %mul3A_100 : i32
    %add3A_102 = arith.constant 400 : i32
    %add3A_103 = arith.addi %mul3A_101, %add3A_102 : i32
    %dma_wait3A_104 = arith.constant 0 : i32
    %dma_wait3A_105 = tpu.memref_slice %arg12[%add3A_103, %dma_wait3A_104] : memref<10240x128xf32, #tpu.memory_space<vmem_shared>> -> memref<80x128xf32, #tpu.memory_space<vmem_shared>>
    %dma_wait3A_106 = arith.constant 0 : i32
    %dma_wait3A_107 = tpu.memref_slice %arg12[%add3A_103, %dma_wait3A_106] : memref<10240x128xf32, #tpu.memory_space<vmem_shared>> -> memref<80x128xf32, #tpu.memory_space<vmem_shared>>
    tpu.wait_dma2 semaphore(%arg15 : memref<!tpu.dma_semaphore, #tpu.memory_space<semaphore_mem>>) src(%arg10 : memref<80x128xf32, #tpu.memory_space<vmem>>) dst(%dma_wait3A_107 : memref<80x128xf32, #tpu.memory_space<vmem_shared>>)
    %mul3A_108 = arith.constant 640 : i32
    %mul3A_109 = arith.muli %arg1, %mul3A_108 : i32
    %add3A_110 = arith.constant 480 : i32
    %add3A_111 = arith.addi %mul3A_109, %add3A_110 : i32
    %dma_wait3A_112 = arith.constant 0 : i32
    %dma_wait3A_113 = tpu.memref_slice %arg12[%add3A_111, %dma_wait3A_112] : memref<10240x128xf32, #tpu.memory_space<vmem_shared>> -> memref<80x128xf32, #tpu.memory_space<vmem_shared>>
    %dma_wait3A_114 = arith.constant 0 : i32
    %dma_wait3A_115 = tpu.memref_slice %arg12[%add3A_111, %dma_wait3A_114] : memref<10240x128xf32, #tpu.memory_space<vmem_shared>> -> memref<80x128xf32, #tpu.memory_space<vmem_shared>>
    tpu.wait_dma2 semaphore(%arg15 : memref<!tpu.dma_semaphore, #tpu.memory_space<semaphore_mem>>) src(%arg10 : memref<80x128xf32, #tpu.memory_space<vmem>>) dst(%dma_wait3A_115 : memref<80x128xf32, #tpu.memory_space<vmem_shared>>)
    %mul3A_116 = arith.constant 640 : i32
    %mul3A_117 = arith.muli %arg1, %mul3A_116 : i32
    %add3A_118 = arith.constant 560 : i32
    %add3A_119 = arith.addi %mul3A_117, %add3A_118 : i32
    %dma_wait3A_120 = arith.constant 0 : i32
    %dma_wait3A_121 = tpu.memref_slice %arg12[%add3A_119, %dma_wait3A_120] : memref<10240x128xf32, #tpu.memory_space<vmem_shared>> -> memref<80x128xf32, #tpu.memory_space<vmem_shared>>
    %dma_wait3A_122 = arith.constant 0 : i32
    %dma_wait3A_123 = tpu.memref_slice %arg12[%add3A_119, %dma_wait3A_122] : memref<10240x128xf32, #tpu.memory_space<vmem_shared>> -> memref<80x128xf32, #tpu.memory_space<vmem_shared>>
    tpu.wait_dma2 semaphore(%arg15 : memref<!tpu.dma_semaphore, #tpu.memory_space<semaphore_mem>>) src(%arg10 : memref<80x128xf32, #tpu.memory_space<vmem>>) dst(%dma_wait3A_123 : memref<80x128xf32, #tpu.memory_space<vmem_shared>>)
    %barrier3A = arith.constant 0 : index
    tpu.barrier barrier_id(%barrier3A)
    %mul3A_124 = arith.constant 160000 : i32
    %mul3A_125 = arith.muli %arg0, %mul3A_124 : i32
    %mul3A_126 = arith.constant 10000 : i32
    %mul3A_127 = arith.muli %arg1, %mul3A_126 : i32
    %add3A_128 = arith.addi %mul3A_125, %mul3A_127 : i32
    %add3A_129 = arith.constant 0 : i32
    %add3A_130 = arith.addi %add3A_128, %add3A_129 : i32
    %dma_start3A_131 = tpu.memref_slice %arg3[%add3A_130] : memref<320000xi32, #tpu.memory_space<hbm>> -> memref<80xi32, #tpu.memory_space<hbm>>
    %dma_start3A_132 = tpu.memref_slice %arg3[%add3A_130] : memref<320000xi32, #tpu.memory_space<hbm>> -> memref<80xi32, #tpu.memory_space<hbm>>
    tpu.enqueue_dma source(%dma_start3A_132 : memref<80xi32, #tpu.memory_space<hbm>>) target(%arg8 : memref<80xi32, #tpu.memory_space<vmem>>) target_semaphore(%arg13 : memref<!tpu.dma_semaphore, #tpu.memory_space<semaphore_mem>>)
    %mul3A_133 = arith.constant 160000 : i32
    %mul3A_134 = arith.muli %arg0, %mul3A_133 : i32
    %mul3A_135 = arith.constant 10000 : i32
    %mul3A_136 = arith.muli %arg1, %mul3A_135 : i32
    %add3A_137 = arith.addi %mul3A_134, %mul3A_136 : i32
    %add3A_138 = arith.constant 0 : i32
    %add3A_139 = arith.addi %add3A_137, %add3A_138 : i32
    %dma_wait3A_140 = tpu.memref_slice %arg3[%add3A_139] : memref<320000xi32, #tpu.memory_space<hbm>> -> memref<80xi32, #tpu.memory_space<hbm>>
    %dma_wait3A_141 = tpu.memref_slice %arg3[%add3A_139] : memref<320000xi32, #tpu.memory_space<hbm>> -> memref<80xi32, #tpu.memory_space<hbm>>
    tpu.wait_dma2 semaphore(%arg13 : memref<!tpu.dma_semaphore, #tpu.memory_space<semaphore_mem>>) src(%dma_wait3A_141 : memref<80xi32, #tpu.memory_space<hbm>>) dst(%arg8 : memref<80xi32, #tpu.memory_space<vmem>>)
    %dma_start3A_142 = arith.constant 0 : i32
    %dma_start3A_143 = arith.constant 0 : i32
    %dma_start3A_144 = tpu.memref_slice %arg2[%dma_start3A_142, %dma_start3A_143] : memref<20480x128xf32, #tpu.memory_space<hbm>> -> memref<20480x128xf32, #tpu.memory_space<hbm>>
    tpu.enqueue_indirect_dma source(%dma_start3A_144 : memref<20480x128xf32, #tpu.memory_space<hbm>>) target(%arg10 : memref<80x128xf32, #tpu.memory_space<vmem>>) offsets(%arg8 : memref<80xi32, #tpu.memory_space<vmem>>) semaphore(%arg15 : memref<!tpu.dma_semaphore, #tpu.memory_space<semaphore_mem>>)
    %mul3A_145 = arith.constant 160000 : i32
    %mul3A_146 = arith.muli %arg0, %mul3A_145 : i32
    %mul3A_147 = arith.constant 10000 : i32
    %mul3A_148 = arith.muli %arg1, %mul3A_147 : i32
    %add3A_149 = arith.addi %mul3A_146, %mul3A_148 : i32
    %add3A_150 = arith.constant 80 : i32
    %add3A_151 = arith.addi %add3A_149, %add3A_150 : i32
    %dma_start3A_152 = tpu.memref_slice %arg3[%add3A_151] : memref<320000xi32, #tpu.memory_space<hbm>> -> memref<80xi32, #tpu.memory_space<hbm>>
    %dma_start3A_153 = tpu.memref_slice %arg3[%add3A_151] : memref<320000xi32, #tpu.memory_space<hbm>> -> memref<80xi32, #tpu.memory_space<hbm>>
    tpu.enqueue_dma source(%dma_start3A_153 : memref<80xi32, #tpu.memory_space<hbm>>) target(%arg9 : memref<80xi32, #tpu.memory_space<vmem>>) target_semaphore(%arg14 : memref<!tpu.dma_semaphore, #tpu.memory_space<semaphore_mem>>)
    %mul3A_154 = arith.constant 160000 : i32
    %mul3A_155 = arith.muli %arg0, %mul3A_154 : i32
    %mul3A_156 = arith.constant 10000 : i32
    %mul3A_157 = arith.muli %arg1, %mul3A_156 : i32
    %add3A_158 = arith.addi %mul3A_155, %mul3A_157 : i32
    %add3A_159 = arith.constant 80 : i32
    %add3A_160 = arith.addi %add3A_158, %add3A_159 : i32
    %dma_wait3A_161 = tpu.memref_slice %arg3[%add3A_160] : memref<320000xi32, #tpu.memory_space<hbm>> -> memref<80xi32, #tpu.memory_space<hbm>>
    %dma_wait3A_162 = tpu.memref_slice %arg3[%add3A_160] : memref<320000xi32, #tpu.memory_space<hbm>> -> memref<80xi32, #tpu.memory_space<hbm>>
    tpu.wait_dma2 semaphore(%arg14 : memref<!tpu.dma_semaphore, #tpu.memory_space<semaphore_mem>>) src(%dma_wait3A_162 : memref<80xi32, #tpu.memory_space<hbm>>) dst(%arg9 : memref<80xi32, #tpu.memory_space<vmem>>)
    %dma_start3A_163 = arith.constant 0 : i32
    %dma_start3A_164 = arith.constant 0 : i32
    %dma_start3A_165 = tpu.memref_slice %arg2[%dma_start3A_163, %dma_start3A_164] : memref<20480x128xf32, #tpu.memory_space<hbm>> -> memref<20480x128xf32, #tpu.memory_space<hbm>>
    tpu.enqueue_indirect_dma source(%dma_start3A_165 : memref<20480x128xf32, #tpu.memory_space<hbm>>) target(%arg11 : memref<80x128xf32, #tpu.memory_space<vmem>>) offsets(%arg9 : memref<80xi32, #tpu.memory_space<vmem>>) semaphore(%arg16 : memref<!tpu.dma_semaphore, #tpu.memory_space<semaphore_mem>>)
    %dma_wait3A_166 = arith.constant 0 : i32
    %dma_wait3A_167 = arith.constant 0 : i32
    %dma_wait3A_168 = tpu.memref_slice %arg2[%dma_wait3A_166, %dma_wait3A_167] : memref<20480x128xf32, #tpu.memory_space<hbm>> -> memref<20480x128xf32, #tpu.memory_space<hbm>>
    tpu.wait_indirect_dma semaphore(%arg15 : memref<!tpu.dma_semaphore, #tpu.memory_space<semaphore_mem>>) src(%dma_wait3A_168 : memref<20480x128xf32, #tpu.memory_space<hbm>>) dst(%arg10 : memref<80x128xf32, #tpu.memory_space<vmem>>)
    %mul3A_169 = arith.constant 160000 : i32
    %mul3A_170 = arith.muli %arg0, %mul3A_169 : i32
    %mul3A_171 = arith.constant 10000 : i32
    %mul3A_172 = arith.muli %arg1, %mul3A_171 : i32
    %add3A_173 = arith.addi %mul3A_170, %mul3A_172 : i32
    %add3A_174 = arith.constant 160 : i32
    %add3A_175 = arith.addi %add3A_173, %add3A_174 : i32
    %dma_start3A_176 = tpu.memref_slice %arg3[%add3A_175] : memref<320000xi32, #tpu.memory_space<hbm>> -> memref<80xi32, #tpu.memory_space<hbm>>
    %dma_start3A_177 = tpu.memref_slice %arg3[%add3A_175] : memref<320000xi32, #tpu.memory_space<hbm>> -> memref<80xi32, #tpu.memory_space<hbm>>
    tpu.enqueue_dma source(%dma_start3A_177 : memref<80xi32, #tpu.memory_space<hbm>>) target(%arg8 : memref<80xi32, #tpu.memory_space<vmem>>) target_semaphore(%arg13 : memref<!tpu.dma_semaphore, #tpu.memory_space<semaphore_mem>>)
    %dma_start3A_178 = arith.constant 0 : i32
    %dma_start3A_179 = arith.constant 0 : i32
    %dma_start3A_180 = tpu.memref_slice %arg7[%dma_start3A_178, %dma_start3A_179] : memref<125x80xi32, #tpu.memory_space<vmem>> -> memref<1x80xi32, #tpu.memory_space<vmem>>
    %dma_start3A_181 = tpu.memref_squeeze %dma_start3A_180 : memref<1x80xi32, #tpu.memory_space<vmem>> -> memref<80xi32, #tpu.memory_space<vmem>>
    %dma_start3A_182 = arith.constant 0 : i32
    %dma_start3A_183 = arith.constant 0 : i32
    %dma_start3A_184 = tpu.memref_slice %arg12[%dma_start3A_182, %dma_start3A_183] : memref<10240x128xf32, #tpu.memory_space<vmem_shared>> -> memref<10240x128xf32, #tpu.memory_space<vmem_shared>>
    tpu.enqueue_indirect_dma source(%arg10 : memref<80x128xf32, #tpu.memory_space<vmem>>) target(%dma_start3A_184 : memref<10240x128xf32, #tpu.memory_space<vmem_shared>>) offsets(%dma_start3A_181 : memref<80xi32, #tpu.memory_space<vmem>>) semaphore(%arg17 : memref<!tpu.dma_semaphore, #tpu.memory_space<semaphore_mem>>) {add = true}
    %scan3A = arith.constant 0 : i32
    %scan3A_185 = arith.constant 0 : i32
    %scan3A_186 = arith.constant 61 : i32
    %scan3A_187 = arith.addi %scan3A_185, %scan3A_186 : i32
    %scan3A_188 = arith.constant 1 : i32
    scf.for %scan3A_532 = %scan3A_185 to %scan3A_187 step %scan3A_188  : i32 {
      %mul3A_533 = arith.constant 2 : i32
      %mul3A_534 = arith.muli %scan3A_532, %mul3A_533 : i32
      %add3A_535 = arith.constant 1 : i32
      %add3A_536 = arith.addi %mul3A_534, %add3A_535 : i32
      %add3A_537 = arith.constant 0 : i32
      %add3A_538 = arith.addi %add3A_536, %add3A_537 : i32
      %add3A_539 = arith.constant 1 : i32
      %add3A_540 = arith.addi %add3A_538, %add3A_539 : i32
      %mul3A_541 = arith.constant 160000 : i32
      %mul3A_542 = arith.muli %arg0, %mul3A_541 : i32
      %mul3A_543 = arith.constant 10000 : i32
      %mul3A_544 = arith.muli %arg1, %mul3A_543 : i32
      %add3A_545 = arith.addi %mul3A_542, %mul3A_544 : i32
      %mul3A_546 = arith.constant 80 : i32
      %mul3A_547 = arith.muli %add3A_540, %mul3A_546 : i32
      %add3A_548 = arith.addi %add3A_545, %mul3A_547 : i32
      %dma_wait3A_549 = tpu.memref_slice %arg3[%add3A_548] : memref<320000xi32, #tpu.memory_space<hbm>> -> memref<80xi32, #tpu.memory_space<hbm>>
      %dma_wait3A_550 = tpu.memref_slice %arg3[%add3A_548] : memref<320000xi32, #tpu.memory_space<hbm>> -> memref<80xi32, #tpu.memory_space<hbm>>
      tpu.wait_dma2 semaphore(%arg13 : memref<!tpu.dma_semaphore, #tpu.memory_space<semaphore_mem>>) src(%dma_wait3A_550 : memref<80xi32, #tpu.memory_space<hbm>>) dst(%arg8 : memref<80xi32, #tpu.memory_space<vmem>>)
      %sub3A = arith.constant 1 : i32
      %sub3A_551 = arith.subi %add3A_538, %sub3A : i32
      %dma_wait3A_552 = arith.constant 0 : i32
      %dma_wait3A_553 = tpu.memref_slice %arg7[%sub3A_551, %dma_wait3A_552] : memref<125x80xi32, #tpu.memory_space<vmem>> -> memref<1x80xi32, #tpu.memory_space<vmem>>
      %dma_wait3A_554 = tpu.memref_squeeze %dma_wait3A_553 : memref<1x80xi32, #tpu.memory_space<vmem>> -> memref<80xi32, #tpu.memory_space<vmem>>
      %dma_wait3A_555 = arith.constant 0 : i32
      %dma_wait3A_556 = arith.constant 0 : i32
      %dma_wait3A_557 = tpu.memref_slice %arg12[%dma_wait3A_555, %dma_wait3A_556] : memref<10240x128xf32, #tpu.memory_space<vmem_shared>> -> memref<10240x128xf32, #tpu.memory_space<vmem_shared>>
      tpu.wait_indirect_dma semaphore(%arg17 : memref<!tpu.dma_semaphore, #tpu.memory_space<semaphore_mem>>) src(%arg10 : memref<80x128xf32, #tpu.memory_space<vmem>>) dst(%dma_wait3A_557 : memref<10240x128xf32, #tpu.memory_space<vmem_shared>>)
      %dma_start3A_558 = arith.constant 0 : i32
      %dma_start3A_559 = arith.constant 0 : i32
      %dma_start3A_560 = tpu.memref_slice %arg2[%dma_start3A_558, %dma_start3A_559] : memref<20480x128xf32, #tpu.memory_space<hbm>> -> memref<20480x128xf32, #tpu.memory_space<hbm>>
      tpu.enqueue_indirect_dma source(%dma_start3A_560 : memref<20480x128xf32, #tpu.memory_space<hbm>>) target(%arg10 : memref<80x128xf32, #tpu.memory_space<vmem>>) offsets(%arg8 : memref<80xi32, #tpu.memory_space<vmem>>) semaphore(%arg15 : memref<!tpu.dma_semaphore, #tpu.memory_space<semaphore_mem>>)
      %dma_wait3A_561 = arith.constant 0 : i32
      %dma_wait3A_562 = arith.constant 0 : i32
      %dma_wait3A_563 = tpu.memref_slice %arg2[%dma_wait3A_561, %dma_wait3A_562] : memref<20480x128xf32, #tpu.memory_space<hbm>> -> memref<20480x128xf32, #tpu.memory_space<hbm>>
      tpu.wait_indirect_dma semaphore(%arg16 : memref<!tpu.dma_semaphore, #tpu.memory_space<semaphore_mem>>) src(%dma_wait3A_563 : memref<20480x128xf32, #tpu.memory_space<hbm>>) dst(%arg11 : memref<80x128xf32, #tpu.memory_space<vmem>>)
      %add3A_564 = arith.constant 2 : i32
      %add3A_565 = arith.addi %add3A_538, %add3A_564 : i32
      %mul3A_566 = arith.constant 160000 : i32
      %mul3A_567 = arith.muli %arg0, %mul3A_566 : i32
      %mul3A_568 = arith.constant 10000 : i32
      %mul3A_569 = arith.muli %arg1, %mul3A_568 : i32
      %add3A_570 = arith.addi %mul3A_567, %mul3A_569 : i32
      %mul3A_571 = arith.constant 80 : i32
      %mul3A_572 = arith.muli %add3A_565, %mul3A_571 : i32
      %add3A_573 = arith.addi %add3A_570, %mul3A_572 : i32
      %dma_start3A_574 = tpu.memref_slice %arg3[%add3A_573] : memref<320000xi32, #tpu.memory_space<hbm>> -> memref<80xi32, #tpu.memory_space<hbm>>
      %dma_start3A_575 = tpu.memref_slice %arg3[%add3A_573] : memref<320000xi32, #tpu.memory_space<hbm>> -> memref<80xi32, #tpu.memory_space<hbm>>
      tpu.enqueue_dma source(%dma_start3A_575 : memref<80xi32, #tpu.memory_space<hbm>>) target(%arg9 : memref<80xi32, #tpu.memory_space<vmem>>) target_semaphore(%arg14 : memref<!tpu.dma_semaphore, #tpu.memory_space<semaphore_mem>>)
      %dma_start3A_576 = arith.constant 0 : i32
      %dma_start3A_577 = tpu.memref_slice %arg7[%add3A_538, %dma_start3A_576] : memref<125x80xi32, #tpu.memory_space<vmem>> -> memref<1x80xi32, #tpu.memory_space<vmem>>
      %dma_start3A_578 = tpu.memref_squeeze %dma_start3A_577 : memref<1x80xi32, #tpu.memory_space<vmem>> -> memref<80xi32, #tpu.memory_space<vmem>>
      %dma_start3A_579 = arith.constant 0 : i32
      %dma_start3A_580 = arith.constant 0 : i32
      %dma_start3A_581 = tpu.memref_slice %arg12[%dma_start3A_579, %dma_start3A_580] : memref<10240x128xf32, #tpu.memory_space<vmem_shared>> -> memref<10240x128xf32, #tpu.memory_space<vmem_shared>>
      tpu.enqueue_indirect_dma source(%arg11 : memref<80x128xf32, #tpu.memory_space<vmem>>) target(%dma_start3A_581 : memref<10240x128xf32, #tpu.memory_space<vmem_shared>>) offsets(%dma_start3A_578 : memref<80xi32, #tpu.memory_space<vmem>>) semaphore(%arg18 : memref<!tpu.dma_semaphore, #tpu.memory_space<semaphore_mem>>) {add = true}
      %mul3A_582 = arith.constant 2 : i32
      %mul3A_583 = arith.muli %scan3A_532, %mul3A_582 : i32
      %add3A_584 = arith.constant 1 : i32
      %add3A_585 = arith.addi %mul3A_583, %add3A_584 : i32
      %add3A_586 = arith.constant 1 : i32
      %add3A_587 = arith.addi %add3A_585, %add3A_586 : i32
      %add3A_588 = arith.constant 1 : i32
      %add3A_589 = arith.addi %add3A_587, %add3A_588 : i32
      %mul3A_590 = arith.constant 160000 : i32
      %mul3A_591 = arith.muli %arg0, %mul3A_590 : i32
      %mul3A_592 = arith.constant 10000 : i32
      %mul3A_593 = arith.muli %arg1, %mul3A_592 : i32
      %add3A_594 = arith.addi %mul3A_591, %mul3A_593 : i32
      %mul3A_595 = arith.constant 80 : i32
      %mul3A_596 = arith.muli %add3A_589, %mul3A_595 : i32
      %add3A_597 = arith.addi %add3A_594, %mul3A_596 : i32
      %dma_wait3A_598 = tpu.memref_slice %arg3[%add3A_597] : memref<320000xi32, #tpu.memory_space<hbm>> -> memref<80xi32, #tpu.memory_space<hbm>>
      %dma_wait3A_599 = tpu.memref_slice %arg3[%add3A_597] : memref<320000xi32, #tpu.memory_space<hbm>> -> memref<80xi32, #tpu.memory_space<hbm>>
      tpu.wait_dma2 semaphore(%arg14 : memref<!tpu.dma_semaphore, #tpu.memory_space<semaphore_mem>>) src(%dma_wait3A_599 : memref<80xi32, #tpu.memory_space<hbm>>) dst(%arg9 : memref<80xi32, #tpu.memory_space<vmem>>)
      %sub3A_600 = arith.constant 1 : i32
      %sub3A_601 = arith.subi %add3A_587, %sub3A_600 : i32
      %dma_wait3A_602 = arith.constant 0 : i32
      %dma_wait3A_603 = tpu.memref_slice %arg7[%sub3A_601, %dma_wait3A_602] : memref<125x80xi32, #tpu.memory_space<vmem>> -> memref<1x80xi32, #tpu.memory_space<vmem>>
      %dma_wait3A_604 = tpu.memref_squeeze %dma_wait3A_603 : memref<1x80xi32, #tpu.memory_space<vmem>> -> memref<80xi32, #tpu.memory_space<vmem>>
      %dma_wait3A_605 = arith.constant 0 : i32
      %dma_wait3A_606 = arith.constant 0 : i32
      %dma_wait3A_607 = tpu.memref_slice %arg12[%dma_wait3A_605, %dma_wait3A_606] : memref<10240x128xf32, #tpu.memory_space<vmem_shared>> -> memref<10240x128xf32, #tpu.memory_space<vmem_shared>>
      tpu.wait_indirect_dma semaphore(%arg18 : memref<!tpu.dma_semaphore, #tpu.memory_space<semaphore_mem>>) src(%arg11 : memref<80x128xf32, #tpu.memory_space<vmem>>) dst(%dma_wait3A_607 : memref<10240x128xf32, #tpu.memory_space<vmem_shared>>)
      %dma_start3A_608 = arith.constant 0 : i32
      %dma_start3A_609 = arith.constant 0 : i32
      %dma_start3A_610 = tpu.memref_slice %arg2[%dma_start3A_608, %dma_start3A_609] : memref<20480x128xf32, #tpu.memory_space<hbm>> -> memref<20480x128xf32, #tpu.memory_space<hbm>>
      tpu.enqueue_indirect_dma source(%dma_start3A_610 : memref<20480x128xf32, #tpu.memory_space<hbm>>) target(%arg11 : memref<80x128xf32, #tpu.memory_space<vmem>>) offsets(%arg9 : memref<80xi32, #tpu.memory_space<vmem>>) semaphore(%arg16 : memref<!tpu.dma_semaphore, #tpu.memory_space<semaphore_mem>>)
      %dma_wait3A_611 = arith.constant 0 : i32
      %dma_wait3A_612 = arith.constant 0 : i32
      %dma_wait3A_613 = tpu.memref_slice %arg2[%dma_wait3A_611, %dma_wait3A_612] : memref<20480x128xf32, #tpu.memory_space<hbm>> -> memref<20480x128xf32, #tpu.memory_space<hbm>>
      tpu.wait_indirect_dma semaphore(%arg15 : memref<!tpu.dma_semaphore, #tpu.memory_space<semaphore_mem>>) src(%dma_wait3A_613 : memref<20480x128xf32, #tpu.memory_space<hbm>>) dst(%arg10 : memref<80x128xf32, #tpu.memory_space<vmem>>)
      %add3A_614 = arith.constant 2 : i32
      %add3A_615 = arith.addi %add3A_587, %add3A_614 : i32
      %mul3A_616 = arith.constant 160000 : i32
      %mul3A_617 = arith.muli %arg0, %mul3A_616 : i32
      %mul3A_618 = arith.constant 10000 : i32
      %mul3A_619 = arith.muli %arg1, %mul3A_618 : i32
      %add3A_620 = arith.addi %mul3A_617, %mul3A_619 : i32
      %mul3A_621 = arith.constant 80 : i32
      %mul3A_622 = arith.muli %add3A_615, %mul3A_621 : i32
      %add3A_623 = arith.addi %add3A_620, %mul3A_622 : i32
      %dma_start3A_624 = tpu.memref_slice %arg3[%add3A_623] : memref<320000xi32, #tpu.memory_space<hbm>> -> memref<80xi32, #tpu.memory_space<hbm>>
      %dma_start3A_625 = tpu.memref_slice %arg3[%add3A_623] : memref<320000xi32, #tpu.memory_space<hbm>> -> memref<80xi32, #tpu.memory_space<hbm>>
      tpu.enqueue_dma source(%dma_start3A_625 : memref<80xi32, #tpu.memory_space<hbm>>) target(%arg8 : memref<80xi32, #tpu.memory_space<vmem>>) target_semaphore(%arg13 : memref<!tpu.dma_semaphore, #tpu.memory_space<semaphore_mem>>)
      %dma_start3A_626 = arith.constant 0 : i32
      %dma_start3A_627 = tpu.memref_slice %arg7[%add3A_587, %dma_start3A_626] : memref<125x80xi32, #tpu.memory_space<vmem>> -> memref<1x80xi32, #tpu.memory_space<vmem>>
      %dma_start3A_628 = tpu.memref_squeeze %dma_start3A_627 : memref<1x80xi32, #tpu.memory_space<vmem>> -> memref<80xi32, #tpu.memory_space<vmem>>
      %dma_start3A_629 = arith.constant 0 : i32
      %dma_start3A_630 = arith.constant 0 : i32
      %dma_start3A_631 = tpu.memref_slice %arg12[%dma_start3A_629, %dma_start3A_630] : memref<10240x128xf32, #tpu.memory_space<vmem_shared>> -> memref<10240x128xf32, #tpu.memory_space<vmem_shared>>
      tpu.enqueue_indirect_dma source(%arg10 : memref<80x128xf32, #tpu.memory_space<vmem>>) target(%dma_start3A_631 : memref<10240x128xf32, #tpu.memory_space<vmem_shared>>) offsets(%dma_start3A_628 : memref<80xi32, #tpu.memory_space<vmem>>) semaphore(%arg17 : memref<!tpu.dma_semaphore, #tpu.memory_space<semaphore_mem>>) {add = true}
    }
    %scan3A_189 = arith.constant 61 : i32
    %mul3A_190 = arith.constant 160000 : i32
    %mul3A_191 = arith.muli %arg0, %mul3A_190 : i32
    %mul3A_192 = arith.constant 10000 : i32
    %mul3A_193 = arith.muli %arg1, %mul3A_192 : i32
    %add3A_194 = arith.addi %mul3A_191, %mul3A_193 : i32
    %add3A_195 = arith.constant 9920 : i32
    %add3A_196 = arith.addi %add3A_194, %add3A_195 : i32
    %dma_wait3A_197 = tpu.memref_slice %arg3[%add3A_196] : memref<320000xi32, #tpu.memory_space<hbm>> -> memref<80xi32, #tpu.memory_space<hbm>>
    %dma_wait3A_198 = tpu.memref_slice %arg3[%add3A_196] : memref<320000xi32, #tpu.memory_space<hbm>> -> memref<80xi32, #tpu.memory_space<hbm>>
    tpu.wait_dma2 semaphore(%arg13 : memref<!tpu.dma_semaphore, #tpu.memory_space<semaphore_mem>>) src(%dma_wait3A_198 : memref<80xi32, #tpu.memory_space<hbm>>) dst(%arg8 : memref<80xi32, #tpu.memory_space<vmem>>)
    %dma_wait3A_199 = arith.constant 122 : i32
    %dma_wait3A_200 = arith.constant 0 : i32
    %dma_wait3A_201 = tpu.memref_slice %arg7[%dma_wait3A_199, %dma_wait3A_200] : memref<125x80xi32, #tpu.memory_space<vmem>> -> memref<1x80xi32, #tpu.memory_space<vmem>>
    %dma_wait3A_202 = tpu.memref_squeeze %dma_wait3A_201 : memref<1x80xi32, #tpu.memory_space<vmem>> -> memref<80xi32, #tpu.memory_space<vmem>>
    %dma_wait3A_203 = arith.constant 0 : i32
    %dma_wait3A_204 = arith.constant 0 : i32
    %dma_wait3A_205 = tpu.memref_slice %arg12[%dma_wait3A_203, %dma_wait3A_204] : memref<10240x128xf32, #tpu.memory_space<vmem_shared>> -> memref<10240x128xf32, #tpu.memory_space<vmem_shared>>
    tpu.wait_indirect_dma semaphore(%arg17 : memref<!tpu.dma_semaphore, #tpu.memory_space<semaphore_mem>>) src(%arg10 : memref<80x128xf32, #tpu.memory_space<vmem>>) dst(%dma_wait3A_205 : memref<10240x128xf32, #tpu.memory_space<vmem_shared>>)
    %dma_start3A_206 = arith.constant 0 : i32
    %dma_start3A_207 = arith.constant 0 : i32
    %dma_start3A_208 = tpu.memref_slice %arg2[%dma_start3A_206, %dma_start3A_207] : memref<20480x128xf32, #tpu.memory_space<hbm>> -> memref<20480x128xf32, #tpu.memory_space<hbm>>
    tpu.enqueue_indirect_dma source(%dma_start3A_208 : memref<20480x128xf32, #tpu.memory_space<hbm>>) target(%arg10 : memref<80x128xf32, #tpu.memory_space<vmem>>) offsets(%arg8 : memref<80xi32, #tpu.memory_space<vmem>>) semaphore(%arg15 : memref<!tpu.dma_semaphore, #tpu.memory_space<semaphore_mem>>)
    %dma_wait3A_209 = arith.constant 0 : i32
    %dma_wait3A_210 = arith.constant 0 : i32
    %dma_wait3A_211 = tpu.memref_slice %arg2[%dma_wait3A_209, %dma_wait3A_210] : memref<20480x128xf32, #tpu.memory_space<hbm>> -> memref<20480x128xf32, #tpu.memory_space<hbm>>
    tpu.wait_indirect_dma semaphore(%arg16 : memref<!tpu.dma_semaphore, #tpu.memory_space<semaphore_mem>>) src(%dma_wait3A_211 : memref<20480x128xf32, #tpu.memory_space<hbm>>) dst(%arg11 : memref<80x128xf32, #tpu.memory_space<vmem>>)
    %dma_start3A_212 = arith.constant 123 : i32
    %dma_start3A_213 = arith.constant 0 : i32
    %dma_start3A_214 = tpu.memref_slice %arg7[%dma_start3A_212, %dma_start3A_213] : memref<125x80xi32, #tpu.memory_space<vmem>> -> memref<1x80xi32, #tpu.memory_space<vmem>>
    %dma_start3A_215 = tpu.memref_squeeze %dma_start3A_214 : memref<1x80xi32, #tpu.memory_space<vmem>> -> memref<80xi32, #tpu.memory_space<vmem>>
    %dma_start3A_216 = arith.constant 0 : i32
    %dma_start3A_217 = arith.constant 0 : i32
    %dma_start3A_218 = tpu.memref_slice %arg12[%dma_start3A_216, %dma_start3A_217] : memref<10240x128xf32, #tpu.memory_space<vmem_shared>> -> memref<10240x128xf32, #tpu.memory_space<vmem_shared>>
    tpu.enqueue_indirect_dma source(%arg11 : memref<80x128xf32, #tpu.memory_space<vmem>>) target(%dma_start3A_218 : memref<10240x128xf32, #tpu.memory_space<vmem_shared>>) offsets(%dma_start3A_215 : memref<80xi32, #tpu.memory_space<vmem>>) semaphore(%arg18 : memref<!tpu.dma_semaphore, #tpu.memory_space<semaphore_mem>>) {add = true}
    %dma_wait3A_219 = arith.constant 0 : i32
    %dma_wait3A_220 = arith.constant 0 : i32
    %dma_wait3A_221 = tpu.memref_slice %arg2[%dma_wait3A_219, %dma_wait3A_220] : memref<20480x128xf32, #tpu.memory_space<hbm>> -> memref<20480x128xf32, #tpu.memory_space<hbm>>
    tpu.wait_indirect_dma semaphore(%arg15 : memref<!tpu.dma_semaphore, #tpu.memory_space<semaphore_mem>>) src(%dma_wait3A_221 : memref<20480x128xf32, #tpu.memory_space<hbm>>) dst(%arg10 : memref<80x128xf32, #tpu.memory_space<vmem>>)
    %dma_start3A_222 = arith.constant 124 : i32
    %dma_start3A_223 = arith.constant 0 : i32
    %dma_start3A_224 = tpu.memref_slice %arg7[%dma_start3A_222, %dma_start3A_223] : memref<125x80xi32, #tpu.memory_space<vmem>> -> memref<1x80xi32, #tpu.memory_space<vmem>>
    %dma_start3A_225 = tpu.memref_squeeze %dma_start3A_224 : memref<1x80xi32, #tpu.memory_space<vmem>> -> memref<80xi32, #tpu.memory_space<vmem>>
    %dma_start3A_226 = arith.constant 0 : i32
    %dma_start3A_227 = arith.constant 0 : i32
    %dma_start3A_228 = tpu.memref_slice %arg12[%dma_start3A_226, %dma_start3A_227] : memref<10240x128xf32, #tpu.memory_space<vmem_shared>> -> memref<10240x128xf32, #tpu.memory_space<vmem_shared>>
    tpu.enqueue_indirect_dma source(%arg10 : memref<80x128xf32, #tpu.memory_space<vmem>>) target(%dma_start3A_228 : memref<10240x128xf32, #tpu.memory_space<vmem_shared>>) offsets(%dma_start3A_225 : memref<80xi32, #tpu.memory_space<vmem>>) semaphore(%arg17 : memref<!tpu.dma_semaphore, #tpu.memory_space<semaphore_mem>>) {add = true}
    %dma_wait3A_229 = arith.constant 123 : i32
    %dma_wait3A_230 = arith.constant 0 : i32
    %dma_wait3A_231 = tpu.memref_slice %arg7[%dma_wait3A_229, %dma_wait3A_230] : memref<125x80xi32, #tpu.memory_space<vmem>> -> memref<1x80xi32, #tpu.memory_space<vmem>>
    %dma_wait3A_232 = tpu.memref_squeeze %dma_wait3A_231 : memref<1x80xi32, #tpu.memory_space<vmem>> -> memref<80xi32, #tpu.memory_space<vmem>>
    %dma_wait3A_233 = arith.constant 0 : i32
    %dma_wait3A_234 = arith.constant 0 : i32
    %dma_wait3A_235 = tpu.memref_slice %arg12[%dma_wait3A_233, %dma_wait3A_234] : memref<10240x128xf32, #tpu.memory_space<vmem_shared>> -> memref<10240x128xf32, #tpu.memory_space<vmem_shared>>
    tpu.wait_indirect_dma semaphore(%arg18 : memref<!tpu.dma_semaphore, #tpu.memory_space<semaphore_mem>>) src(%arg11 : memref<80x128xf32, #tpu.memory_space<vmem>>) dst(%dma_wait3A_235 : memref<10240x128xf32, #tpu.memory_space<vmem_shared>>)
    %dma_wait3A_236 = arith.constant 124 : i32
    %dma_wait3A_237 = arith.constant 0 : i32
    %dma_wait3A_238 = tpu.memref_slice %arg7[%dma_wait3A_236, %dma_wait3A_237] : memref<125x80xi32, #tpu.memory_space<vmem>> -> memref<1x80xi32, #tpu.memory_space<vmem>>
    %dma_wait3A_239 = tpu.memref_squeeze %dma_wait3A_238 : memref<1x80xi32, #tpu.memory_space<vmem>> -> memref<80xi32, #tpu.memory_space<vmem>>
    %dma_wait3A_240 = arith.constant 0 : i32
    %dma_wait3A_241 = arith.constant 0 : i32
    %dma_wait3A_242 = tpu.memref_slice %arg12[%dma_wait3A_240, %dma_wait3A_241] : memref<10240x128xf32, #tpu.memory_space<vmem_shared>> -> memref<10240x128xf32, #tpu.memory_space<vmem_shared>>
    tpu.wait_indirect_dma semaphore(%arg17 : memref<!tpu.dma_semaphore, #tpu.memory_space<semaphore_mem>>) src(%arg10 : memref<80x128xf32, #tpu.memory_space<vmem>>) dst(%dma_wait3A_242 : memref<10240x128xf32, #tpu.memory_space<vmem_shared>>)
    %barrier3A_243 = arith.constant 0 : index
    tpu.barrier barrier_id(%barrier3A_243)
    %mul3A_244 = arith.constant 640 : i32
    %mul3A_245 = arith.muli %arg1, %mul3A_244 : i32
    %add3A_246 = arith.constant 0 : i32
    %add3A_247 = arith.addi %mul3A_245, %add3A_246 : i32
    "tpu.region"() ({
      %run_scoped3A = tpu.sem_alloc : memref<!tpu.dma_semaphore, #tpu.memory_space<semaphore_mem>>
      %dma_start3A_532 = arith.constant 0 : i32
      %dma_start3A_533 = tpu.memref_slice %arg12[%add3A_247, %dma_start3A_532] : memref<10240x128xf32, #tpu.memory_space<vmem_shared>> -> memref<80x128xf32, #tpu.memory_space<vmem_shared>>
      %dma_start3A_534 = arith.constant 0 : i32
      %dma_start3A_535 = tpu.memref_slice %arg12[%add3A_247, %dma_start3A_534] : memref<10240x128xf32, #tpu.memory_space<vmem_shared>> -> memref<80x128xf32, #tpu.memory_space<vmem_shared>>
      tpu.enqueue_dma source(%dma_start3A_535 : memref<80x128xf32, #tpu.memory_space<vmem_shared>>) target(%arg10 : memref<80x128xf32, #tpu.memory_space<vmem>>) target_semaphore(%run_scoped3A : memref<!tpu.dma_semaphore, #tpu.memory_space<semaphore_mem>>)
      %dma_wait3A_536 = arith.constant 0 : i32
      %dma_wait3A_537 = tpu.memref_slice %arg12[%add3A_247, %dma_wait3A_536] : memref<10240x128xf32, #tpu.memory_space<vmem_shared>> -> memref<80x128xf32, #tpu.memory_space<vmem_shared>>
      %dma_wait3A_538 = arith.constant 0 : i32
      %dma_wait3A_539 = tpu.memref_slice %arg12[%add3A_247, %dma_wait3A_538] : memref<10240x128xf32, #tpu.memory_space<vmem_shared>> -> memref<80x128xf32, #tpu.memory_space<vmem_shared>>
      tpu.wait_dma2 semaphore(%run_scoped3A : memref<!tpu.dma_semaphore, #tpu.memory_space<semaphore_mem>>) src(%dma_wait3A_539 : memref<80x128xf32, #tpu.memory_space<vmem_shared>>) dst(%arg10 : memref<80x128xf32, #tpu.memory_space<vmem>>)
      tpu.yield
    }) : () -> ()
    %mul3A_248 = arith.constant 640 : i32
    %mul3A_249 = arith.muli %arg1, %mul3A_248 : i32
    %add3A_250 = arith.constant 0 : i32
    %add3A_251 = arith.addi %mul3A_249, %add3A_250 : i32
    %dma_start3A_252 = arith.constant 0 : i32
    %dma_start3A_253 = arith.constant 0 : i32
    %dma_start3A_254 = tpu.memref_slice %arg6[%arg0, %dma_start3A_252, %dma_start3A_253] : memref<2x10240x128xf32, #tpu.memory_space<hbm>> -> memref<1x10240x128xf32, #tpu.memory_space<hbm>>
    %dma_start3A_255 = tpu.memref_squeeze %dma_start3A_254 : memref<1x10240x128xf32, #tpu.memory_space<hbm>> -> memref<10240x128xf32, #tpu.memory_space<hbm>>
    %dma_start3A_256 = arith.constant 0 : i32
    %dma_start3A_257 = tpu.memref_slice %dma_start3A_255[%add3A_251, %dma_start3A_256] : memref<10240x128xf32, #tpu.memory_space<hbm>> -> memref<80x128xf32, #tpu.memory_space<hbm>>
    %dma_start3A_258 = arith.constant 0 : i32
    %dma_start3A_259 = arith.constant 0 : i32
    %dma_start3A_260 = tpu.memref_slice %arg6[%arg0, %dma_start3A_258, %dma_start3A_259] : memref<2x10240x128xf32, #tpu.memory_space<hbm>> -> memref<1x10240x128xf32, #tpu.memory_space<hbm>>
    %dma_start3A_261 = tpu.memref_squeeze %dma_start3A_260 : memref<1x10240x128xf32, #tpu.memory_space<hbm>> -> memref<10240x128xf32, #tpu.memory_space<hbm>>
    %dma_start3A_262 = arith.constant 0 : i32
    %dma_start3A_263 = tpu.memref_slice %dma_start3A_261[%add3A_251, %dma_start3A_262] : memref<10240x128xf32, #tpu.memory_space<hbm>> -> memref<80x128xf32, #tpu.memory_space<hbm>>
    tpu.enqueue_dma source(%arg10 : memref<80x128xf32, #tpu.memory_space<vmem>>) target(%dma_start3A_263 : memref<80x128xf32, #tpu.memory_space<hbm>>) target_semaphore(%arg15 : memref<!tpu.dma_semaphore, #tpu.memory_space<semaphore_mem>>)
    %mul3A_264 = arith.constant 640 : i32
    %mul3A_265 = arith.muli %arg1, %mul3A_264 : i32
    %add3A_266 = arith.constant 80 : i32
    %add3A_267 = arith.addi %mul3A_265, %add3A_266 : i32
    "tpu.region"() ({
      %run_scoped3A = tpu.sem_alloc : memref<!tpu.dma_semaphore, #tpu.memory_space<semaphore_mem>>
      %dma_start3A_532 = arith.constant 0 : i32
      %dma_start3A_533 = tpu.memref_slice %arg12[%add3A_267, %dma_start3A_532] : memref<10240x128xf32, #tpu.memory_space<vmem_shared>> -> memref<80x128xf32, #tpu.memory_space<vmem_shared>>
      %dma_start3A_534 = arith.constant 0 : i32
      %dma_start3A_535 = tpu.memref_slice %arg12[%add3A_267, %dma_start3A_534] : memref<10240x128xf32, #tpu.memory_space<vmem_shared>> -> memref<80x128xf32, #tpu.memory_space<vmem_shared>>
      tpu.enqueue_dma source(%dma_start3A_535 : memref<80x128xf32, #tpu.memory_space<vmem_shared>>) target(%arg11 : memref<80x128xf32, #tpu.memory_space<vmem>>) target_semaphore(%run_scoped3A : memref<!tpu.dma_semaphore, #tpu.memory_space<semaphore_mem>>)
      %dma_wait3A_536 = arith.constant 0 : i32
      %dma_wait3A_537 = tpu.memref_slice %arg12[%add3A_267, %dma_wait3A_536] : memref<10240x128xf32, #tpu.memory_space<vmem_shared>> -> memref<80x128xf32, #tpu.memory_space<vmem_shared>>
      %dma_wait3A_538 = arith.constant 0 : i32
      %dma_wait3A_539 = tpu.memref_slice %arg12[%add3A_267, %dma_wait3A_538] : memref<10240x128xf32, #tpu.memory_space<vmem_shared>> -> memref<80x128xf32, #tpu.memory_space<vmem_shared>>
      tpu.wait_dma2 semaphore(%run_scoped3A : memref<!tpu.dma_semaphore, #tpu.memory_space<semaphore_mem>>) src(%dma_wait3A_539 : memref<80x128xf32, #tpu.memory_space<vmem_shared>>) dst(%arg11 : memref<80x128xf32, #tpu.memory_space<vmem>>)
      tpu.yield
    }) : () -> ()
    %mul3A_268 = arith.constant 640 : i32
    %mul3A_269 = arith.muli %arg1, %mul3A_268 : i32
    %add3A_270 = arith.constant 80 : i32
    %add3A_271 = arith.addi %mul3A_269, %add3A_270 : i32
    %dma_start3A_272 = arith.constant 0 : i32
    %dma_start3A_273 = arith.constant 0 : i32
    %dma_start3A_274 = tpu.memref_slice %arg6[%arg0, %dma_start3A_272, %dma_start3A_273] : memref<2x10240x128xf32, #tpu.memory_space<hbm>> -> memref<1x10240x128xf32, #tpu.memory_space<hbm>>
    %dma_start3A_275 = tpu.memref_squeeze %dma_start3A_274 : memref<1x10240x128xf32, #tpu.memory_space<hbm>> -> memref<10240x128xf32, #tpu.memory_space<hbm>>
    %dma_start3A_276 = arith.constant 0 : i32
    %dma_start3A_277 = tpu.memref_slice %dma_start3A_275[%add3A_271, %dma_start3A_276] : memref<10240x128xf32, #tpu.memory_space<hbm>> -> memref<80x128xf32, #tpu.memory_space<hbm>>
    %dma_start3A_278 = arith.constant 0 : i32
    %dma_start3A_279 = arith.constant 0 : i32
    %dma_start3A_280 = tpu.memref_slice %arg6[%arg0, %dma_start3A_278, %dma_start3A_279] : memref<2x10240x128xf32, #tpu.memory_space<hbm>> -> memref<1x10240x128xf32, #tpu.memory_space<hbm>>
    %dma_start3A_281 = tpu.memref_squeeze %dma_start3A_280 : memref<1x10240x128xf32, #tpu.memory_space<hbm>> -> memref<10240x128xf32, #tpu.memory_space<hbm>>
    %dma_start3A_282 = arith.constant 0 : i32
    %dma_start3A_283 = tpu.memref_slice %dma_start3A_281[%add3A_271, %dma_start3A_282] : memref<10240x128xf32, #tpu.memory_space<hbm>> -> memref<80x128xf32, #tpu.memory_space<hbm>>
    tpu.enqueue_dma source(%arg11 : memref<80x128xf32, #tpu.memory_space<vmem>>) target(%dma_start3A_283 : memref<80x128xf32, #tpu.memory_space<hbm>>) target_semaphore(%arg16 : memref<!tpu.dma_semaphore, #tpu.memory_space<semaphore_mem>>)
    %mul3A_284 = arith.constant 640 : i32
    %mul3A_285 = arith.muli %arg1, %mul3A_284 : i32
    %add3A_286 = arith.constant 0 : i32
    %add3A_287 = arith.addi %mul3A_285, %add3A_286 : i32
    %dma_wait3A_288 = arith.constant 0 : i32
    %dma_wait3A_289 = arith.constant 0 : i32
    %dma_wait3A_290 = tpu.memref_slice %arg6[%arg0, %dma_wait3A_288, %dma_wait3A_289] : memref<2x10240x128xf32, #tpu.memory_space<hbm>> -> memref<1x10240x128xf32, #tpu.memory_space<hbm>>
    %dma_wait3A_291 = tpu.memref_squeeze %dma_wait3A_290 : memref<1x10240x128xf32, #tpu.memory_space<hbm>> -> memref<10240x128xf32, #tpu.memory_space<hbm>>
    %dma_wait3A_292 = arith.constant 0 : i32
    %dma_wait3A_293 = tpu.memref_slice %dma_wait3A_291[%add3A_287, %dma_wait3A_292] : memref<10240x128xf32, #tpu.memory_space<hbm>> -> memref<80x128xf32, #tpu.memory_space<hbm>>
    %dma_wait3A_294 = arith.constant 0 : i32
    %dma_wait3A_295 = arith.constant 0 : i32
    %dma_wait3A_296 = tpu.memref_slice %arg6[%arg0, %dma_wait3A_294, %dma_wait3A_295] : memref<2x10240x128xf32, #tpu.memory_space<hbm>> -> memref<1x10240x128xf32, #tpu.memory_space<hbm>>
    %dma_wait3A_297 = tpu.memref_squeeze %dma_wait3A_296 : memref<1x10240x128xf32, #tpu.memory_space<hbm>> -> memref<10240x128xf32, #tpu.memory_space<hbm>>
    %dma_wait3A_298 = arith.constant 0 : i32
    %dma_wait3A_299 = tpu.memref_slice %dma_wait3A_297[%add3A_287, %dma_wait3A_298] : memref<10240x128xf32, #tpu.memory_space<hbm>> -> memref<80x128xf32, #tpu.memory_space<hbm>>
    tpu.wait_dma2 semaphore(%arg15 : memref<!tpu.dma_semaphore, #tpu.memory_space<semaphore_mem>>) src(%arg10 : memref<80x128xf32, #tpu.memory_space<vmem>>) dst(%dma_wait3A_299 : memref<80x128xf32, #tpu.memory_space<hbm>>)
    %mul3A_300 = arith.constant 640 : i32
    %mul3A_301 = arith.muli %arg1, %mul3A_300 : i32
    %add3A_302 = arith.constant 160 : i32
    %add3A_303 = arith.addi %mul3A_301, %add3A_302 : i32
    "tpu.region"() ({
      %run_scoped3A = tpu.sem_alloc : memref<!tpu.dma_semaphore, #tpu.memory_space<semaphore_mem>>
      %dma_start3A_532 = arith.constant 0 : i32
      %dma_start3A_533 = tpu.memref_slice %arg12[%add3A_303, %dma_start3A_532] : memref<10240x128xf32, #tpu.memory_space<vmem_shared>> -> memref<80x128xf32, #tpu.memory_space<vmem_shared>>
      %dma_start3A_534 = arith.constant 0 : i32
      %dma_start3A_535 = tpu.memref_slice %arg12[%add3A_303, %dma_start3A_534] : memref<10240x128xf32, #tpu.memory_space<vmem_shared>> -> memref<80x128xf32, #tpu.memory_space<vmem_shared>>
      tpu.enqueue_dma source(%dma_start3A_535 : memref<80x128xf32, #tpu.memory_space<vmem_shared>>) target(%arg10 : memref<80x128xf32, #tpu.memory_space<vmem>>) target_semaphore(%run_scoped3A : memref<!tpu.dma_semaphore, #tpu.memory_space<semaphore_mem>>)
      %dma_wait3A_536 = arith.constant 0 : i32
      %dma_wait3A_537 = tpu.memref_slice %arg12[%add3A_303, %dma_wait3A_536] : memref<10240x128xf32, #tpu.memory_space<vmem_shared>> -> memref<80x128xf32, #tpu.memory_space<vmem_shared>>
      %dma_wait3A_538 = arith.constant 0 : i32
      %dma_wait3A_539 = tpu.memref_slice %arg12[%add3A_303, %dma_wait3A_538] : memref<10240x128xf32, #tpu.memory_space<vmem_shared>> -> memref<80x128xf32, #tpu.memory_space<vmem_shared>>
      tpu.wait_dma2 semaphore(%run_scoped3A : memref<!tpu.dma_semaphore, #tpu.memory_space<semaphore_mem>>) src(%dma_wait3A_539 : memref<80x128xf32, #tpu.memory_space<vmem_shared>>) dst(%arg10 : memref<80x128xf32, #tpu.memory_space<vmem>>)
      tpu.yield
    }) : () -> ()
    %mul3A_304 = arith.constant 640 : i32
    %mul3A_305 = arith.muli %arg1, %mul3A_304 : i32
    %add3A_306 = arith.constant 160 : i32
    %add3A_307 = arith.addi %mul3A_305, %add3A_306 : i32
    %dma_start3A_308 = arith.constant 0 : i32
    %dma_start3A_309 = arith.constant 0 : i32
    %dma_start3A_310 = tpu.memref_slice %arg6[%arg0, %dma_start3A_308, %dma_start3A_309] : memref<2x10240x128xf32, #tpu.memory_space<hbm>> -> memref<1x10240x128xf32, #tpu.memory_space<hbm>>
    %dma_start3A_311 = tpu.memref_squeeze %dma_start3A_310 : memref<1x10240x128xf32, #tpu.memory_space<hbm>> -> memref<10240x128xf32, #tpu.memory_space<hbm>>
    %dma_start3A_312 = arith.constant 0 : i32
    %dma_start3A_313 = tpu.memref_slice %dma_start3A_311[%add3A_307, %dma_start3A_312] : memref<10240x128xf32, #tpu.memory_space<hbm>> -> memref<80x128xf32, #tpu.memory_space<hbm>>
    %dma_start3A_314 = arith.constant 0 : i32
    %dma_start3A_315 = arith.constant 0 : i32
    %dma_start3A_316 = tpu.memref_slice %arg6[%arg0, %dma_start3A_314, %dma_start3A_315] : memref<2x10240x128xf32, #tpu.memory_space<hbm>> -> memref<1x10240x128xf32, #tpu.memory_space<hbm>>
    %dma_start3A_317 = tpu.memref_squeeze %dma_start3A_316 : memref<1x10240x128xf32, #tpu.memory_space<hbm>> -> memref<10240x128xf32, #tpu.memory_space<hbm>>
    %dma_start3A_318 = arith.constant 0 : i32
    %dma_start3A_319 = tpu.memref_slice %dma_start3A_317[%add3A_307, %dma_start3A_318] : memref<10240x128xf32, #tpu.memory_space<hbm>> -> memref<80x128xf32, #tpu.memory_space<hbm>>
    tpu.enqueue_dma source(%arg10 : memref<80x128xf32, #tpu.memory_space<vmem>>) target(%dma_start3A_319 : memref<80x128xf32, #tpu.memory_space<hbm>>) target_semaphore(%arg15 : memref<!tpu.dma_semaphore, #tpu.memory_space<semaphore_mem>>)
    %mul3A_320 = arith.constant 640 : i32
    %mul3A_321 = arith.muli %arg1, %mul3A_320 : i32
    %add3A_322 = arith.constant 80 : i32
    %add3A_323 = arith.addi %mul3A_321, %add3A_322 : i32
    %dma_wait3A_324 = arith.constant 0 : i32
    %dma_wait3A_325 = arith.constant 0 : i32
    %dma_wait3A_326 = tpu.memref_slice %arg6[%arg0, %dma_wait3A_324, %dma_wait3A_325] : memref<2x10240x128xf32, #tpu.memory_space<hbm>> -> memref<1x10240x128xf32, #tpu.memory_space<hbm>>
    %dma_wait3A_327 = tpu.memref_squeeze %dma_wait3A_326 : memref<1x10240x128xf32, #tpu.memory_space<hbm>> -> memref<10240x128xf32, #tpu.memory_space<hbm>>
    %dma_wait3A_328 = arith.constant 0 : i32
    %dma_wait3A_329 = tpu.memref_slice %dma_wait3A_327[%add3A_323, %dma_wait3A_328] : memref<10240x128xf32, #tpu.memory_space<hbm>> -> memref<80x128xf32, #tpu.memory_space<hbm>>
    %dma_wait3A_330 = arith.constant 0 : i32
    %dma_wait3A_331 = arith.constant 0 : i32
    %dma_wait3A_332 = tpu.memref_slice %arg6[%arg0, %dma_wait3A_330, %dma_wait3A_331] : memref<2x10240x128xf32, #tpu.memory_space<hbm>> -> memref<1x10240x128xf32, #tpu.memory_space<hbm>>
    %dma_wait3A_333 = tpu.memref_squeeze %dma_wait3A_332 : memref<1x10240x128xf32, #tpu.memory_space<hbm>> -> memref<10240x128xf32, #tpu.memory_space<hbm>>
    %dma_wait3A_334 = arith.constant 0 : i32
    %dma_wait3A_335 = tpu.memref_slice %dma_wait3A_333[%add3A_323, %dma_wait3A_334] : memref<10240x128xf32, #tpu.memory_space<hbm>> -> memref<80x128xf32, #tpu.memory_space<hbm>>
    tpu.wait_dma2 semaphore(%arg16 : memref<!tpu.dma_semaphore, #tpu.memory_space<semaphore_mem>>) src(%arg11 : memref<80x128xf32, #tpu.memory_space<vmem>>) dst(%dma_wait3A_335 : memref<80x128xf32, #tpu.memory_space<hbm>>)
    %mul3A_336 = arith.constant 640 : i32
    %mul3A_337 = arith.muli %arg1, %mul3A_336 : i32
    %add3A_338 = arith.constant 240 : i32
    %add3A_339 = arith.addi %mul3A_337, %add3A_338 : i32
    "tpu.region"() ({
      %run_scoped3A = tpu.sem_alloc : memref<!tpu.dma_semaphore, #tpu.memory_space<semaphore_mem>>
      %dma_start3A_532 = arith.constant 0 : i32
      %dma_start3A_533 = tpu.memref_slice %arg12[%add3A_339, %dma_start3A_532] : memref<10240x128xf32, #tpu.memory_space<vmem_shared>> -> memref<80x128xf32, #tpu.memory_space<vmem_shared>>
      %dma_start3A_534 = arith.constant 0 : i32
      %dma_start3A_535 = tpu.memref_slice %arg12[%add3A_339, %dma_start3A_534] : memref<10240x128xf32, #tpu.memory_space<vmem_shared>> -> memref<80x128xf32, #tpu.memory_space<vmem_shared>>
      tpu.enqueue_dma source(%dma_start3A_535 : memref<80x128xf32, #tpu.memory_space<vmem_shared>>) target(%arg11 : memref<80x128xf32, #tpu.memory_space<vmem>>) target_semaphore(%run_scoped3A : memref<!tpu.dma_semaphore, #tpu.memory_space<semaphore_mem>>)
      %dma_wait3A_536 = arith.constant 0 : i32
      %dma_wait3A_537 = tpu.memref_slice %arg12[%add3A_339, %dma_wait3A_536] : memref<10240x128xf32, #tpu.memory_space<vmem_shared>> -> memref<80x128xf32, #tpu.memory_space<vmem_shared>>
      %dma_wait3A_538 = arith.constant 0 : i32
      %dma_wait3A_539 = tpu.memref_slice %arg12[%add3A_339, %dma_wait3A_538] : memref<10240x128xf32, #tpu.memory_space<vmem_shared>> -> memref<80x128xf32, #tpu.memory_space<vmem_shared>>
      tpu.wait_dma2 semaphore(%run_scoped3A : memref<!tpu.dma_semaphore, #tpu.memory_space<semaphore_mem>>) src(%dma_wait3A_539 : memref<80x128xf32, #tpu.memory_space<vmem_shared>>) dst(%arg11 : memref<80x128xf32, #tpu.memory_space<vmem>>)
      tpu.yield
    }) : () -> ()
    %mul3A_340 = arith.constant 640 : i32
    %mul3A_341 = arith.muli %arg1, %mul3A_340 : i32
    %add3A_342 = arith.constant 240 : i32
    %add3A_343 = arith.addi %mul3A_341, %add3A_342 : i32
    %dma_start3A_344 = arith.constant 0 : i32
    %dma_start3A_345 = arith.constant 0 : i32
    %dma_start3A_346 = tpu.memref_slice %arg6[%arg0, %dma_start3A_344, %dma_start3A_345] : memref<2x10240x128xf32, #tpu.memory_space<hbm>> -> memref<1x10240x128xf32, #tpu.memory_space<hbm>>
    %dma_start3A_347 = tpu.memref_squeeze %dma_start3A_346 : memref<1x10240x128xf32, #tpu.memory_space<hbm>> -> memref<10240x128xf32, #tpu.memory_space<hbm>>
    %dma_start3A_348 = arith.constant 0 : i32
    %dma_start3A_349 = tpu.memref_slice %dma_start3A_347[%add3A_343, %dma_start3A_348] : memref<10240x128xf32, #tpu.memory_space<hbm>> -> memref<80x128xf32, #tpu.memory_space<hbm>>
    %dma_start3A_350 = arith.constant 0 : i32
    %dma_start3A_351 = arith.constant 0 : i32
    %dma_start3A_352 = tpu.memref_slice %arg6[%arg0, %dma_start3A_350, %dma_start3A_351] : memref<2x10240x128xf32, #tpu.memory_space<hbm>> -> memref<1x10240x128xf32, #tpu.memory_space<hbm>>
    %dma_start3A_353 = tpu.memref_squeeze %dma_start3A_352 : memref<1x10240x128xf32, #tpu.memory_space<hbm>> -> memref<10240x128xf32, #tpu.memory_space<hbm>>
    %dma_start3A_354 = arith.constant 0 : i32
    %dma_start3A_355 = tpu.memref_slice %dma_start3A_353[%add3A_343, %dma_start3A_354] : memref<10240x128xf32, #tpu.memory_space<hbm>> -> memref<80x128xf32, #tpu.memory_space<hbm>>
    tpu.enqueue_dma source(%arg11 : memref<80x128xf32, #tpu.memory_space<vmem>>) target(%dma_start3A_355 : memref<80x128xf32, #tpu.memory_space<hbm>>) target_semaphore(%arg16 : memref<!tpu.dma_semaphore, #tpu.memory_space<semaphore_mem>>)
    %mul3A_356 = arith.constant 640 : i32
    %mul3A_357 = arith.muli %arg1, %mul3A_356 : i32
    %add3A_358 = arith.constant 160 : i32
    %add3A_359 = arith.addi %mul3A_357, %add3A_358 : i32
    %dma_wait3A_360 = arith.constant 0 : i32
    %dma_wait3A_361 = arith.constant 0 : i32
    %dma_wait3A_362 = tpu.memref_slice %arg6[%arg0, %dma_wait3A_360, %dma_wait3A_361] : memref<2x10240x128xf32, #tpu.memory_space<hbm>> -> memref<1x10240x128xf32, #tpu.memory_space<hbm>>
    %dma_wait3A_363 = tpu.memref_squeeze %dma_wait3A_362 : memref<1x10240x128xf32, #tpu.memory_space<hbm>> -> memref<10240x128xf32, #tpu.memory_space<hbm>>
    %dma_wait3A_364 = arith.constant 0 : i32
    %dma_wait3A_365 = tpu.memref_slice %dma_wait3A_363[%add3A_359, %dma_wait3A_364] : memref<10240x128xf32, #tpu.memory_space<hbm>> -> memref<80x128xf32, #tpu.memory_space<hbm>>
    %dma_wait3A_366 = arith.constant 0 : i32
    %dma_wait3A_367 = arith.constant 0 : i32
    %dma_wait3A_368 = tpu.memref_slice %arg6[%arg0, %dma_wait3A_366, %dma_wait3A_367] : memref<2x10240x128xf32, #tpu.memory_space<hbm>> -> memref<1x10240x128xf32, #tpu.memory_space<hbm>>
    %dma_wait3A_369 = tpu.memref_squeeze %dma_wait3A_368 : memref<1x10240x128xf32, #tpu.memory_space<hbm>> -> memref<10240x128xf32, #tpu.memory_space<hbm>>
    %dma_wait3A_370 = arith.constant 0 : i32
    %dma_wait3A_371 = tpu.memref_slice %dma_wait3A_369[%add3A_359, %dma_wait3A_370] : memref<10240x128xf32, #tpu.memory_space<hbm>> -> memref<80x128xf32, #tpu.memory_space<hbm>>
    tpu.wait_dma2 semaphore(%arg15 : memref<!tpu.dma_semaphore, #tpu.memory_space<semaphore_mem>>) src(%arg10 : memref<80x128xf32, #tpu.memory_space<vmem>>) dst(%dma_wait3A_371 : memref<80x128xf32, #tpu.memory_space<hbm>>)
    %mul3A_372 = arith.constant 640 : i32
    %mul3A_373 = arith.muli %arg1, %mul3A_372 : i32
    %add3A_374 = arith.constant 320 : i32
    %add3A_375 = arith.addi %mul3A_373, %add3A_374 : i32
    "tpu.region"() ({
      %run_scoped3A = tpu.sem_alloc : memref<!tpu.dma_semaphore, #tpu.memory_space<semaphore_mem>>
      %dma_start3A_532 = arith.constant 0 : i32
      %dma_start3A_533 = tpu.memref_slice %arg12[%add3A_375, %dma_start3A_532] : memref<10240x128xf32, #tpu.memory_space<vmem_shared>> -> memref<80x128xf32, #tpu.memory_space<vmem_shared>>
      %dma_start3A_534 = arith.constant 0 : i32
      %dma_start3A_535 = tpu.memref_slice %arg12[%add3A_375, %dma_start3A_534] : memref<10240x128xf32, #tpu.memory_space<vmem_shared>> -> memref<80x128xf32, #tpu.memory_space<vmem_shared>>
      tpu.enqueue_dma source(%dma_start3A_535 : memref<80x128xf32, #tpu.memory_space<vmem_shared>>) target(%arg10 : memref<80x128xf32, #tpu.memory_space<vmem>>) target_semaphore(%run_scoped3A : memref<!tpu.dma_semaphore, #tpu.memory_space<semaphore_mem>>)
      %dma_wait3A_536 = arith.constant 0 : i32
      %dma_wait3A_537 = tpu.memref_slice %arg12[%add3A_375, %dma_wait3A_536] : memref<10240x128xf32, #tpu.memory_space<vmem_shared>> -> memref<80x128xf32, #tpu.memory_space<vmem_shared>>
      %dma_wait3A_538 = arith.constant 0 : i32
      %dma_wait3A_539 = tpu.memref_slice %arg12[%add3A_375, %dma_wait3A_538] : memref<10240x128xf32, #tpu.memory_space<vmem_shared>> -> memref<80x128xf32, #tpu.memory_space<vmem_shared>>
      tpu.wait_dma2 semaphore(%run_scoped3A : memref<!tpu.dma_semaphore, #tpu.memory_space<semaphore_mem>>) src(%dma_wait3A_539 : memref<80x128xf32, #tpu.memory_space<vmem_shared>>) dst(%arg10 : memref<80x128xf32, #tpu.memory_space<vmem>>)
      tpu.yield
    }) : () -> ()
    %mul3A_376 = arith.constant 640 : i32
    %mul3A_377 = arith.muli %arg1, %mul3A_376 : i32
    %add3A_378 = arith.constant 320 : i32
    %add3A_379 = arith.addi %mul3A_377, %add3A_378 : i32
    %dma_start3A_380 = arith.constant 0 : i32
    %dma_start3A_381 = arith.constant 0 : i32
    %dma_start3A_382 = tpu.memref_slice %arg6[%arg0, %dma_start3A_380, %dma_start3A_381] : memref<2x10240x128xf32, #tpu.memory_space<hbm>> -> memref<1x10240x128xf32, #tpu.memory_space<hbm>>
    %dma_start3A_383 = tpu.memref_squeeze %dma_start3A_382 : memref<1x10240x128xf32, #tpu.memory_space<hbm>> -> memref<10240x128xf32, #tpu.memory_space<hbm>>
    %dma_start3A_384 = arith.constant 0 : i32
    %dma_start3A_385 = tpu.memref_slice %dma_start3A_383[%add3A_379, %dma_start3A_384] : memref<10240x128xf32, #tpu.memory_space<hbm>> -> memref<80x128xf32, #tpu.memory_space<hbm>>
    %dma_start3A_386 = arith.constant 0 : i32
    %dma_start3A_387 = arith.constant 0 : i32
    %dma_start3A_388 = tpu.memref_slice %arg6[%arg0, %dma_start3A_386, %dma_start3A_387] : memref<2x10240x128xf32, #tpu.memory_space<hbm>> -> memref<1x10240x128xf32, #tpu.memory_space<hbm>>
    %dma_start3A_389 = tpu.memref_squeeze %dma_start3A_388 : memref<1x10240x128xf32, #tpu.memory_space<hbm>> -> memref<10240x128xf32, #tpu.memory_space<hbm>>
    %dma_start3A_390 = arith.constant 0 : i32
    %dma_start3A_391 = tpu.memref_slice %dma_start3A_389[%add3A_379, %dma_start3A_390] : memref<10240x128xf32, #tpu.memory_space<hbm>> -> memref<80x128xf32, #tpu.memory_space<hbm>>
    tpu.enqueue_dma source(%arg10 : memref<80x128xf32, #tpu.memory_space<vmem>>) target(%dma_start3A_391 : memref<80x128xf32, #tpu.memory_space<hbm>>) target_semaphore(%arg15 : memref<!tpu.dma_semaphore, #tpu.memory_space<semaphore_mem>>)
    %mul3A_392 = arith.constant 640 : i32
    %mul3A_393 = arith.muli %arg1, %mul3A_392 : i32
    %add3A_394 = arith.constant 240 : i32
    %add3A_395 = arith.addi %mul3A_393, %add3A_394 : i32
    %dma_wait3A_396 = arith.constant 0 : i32
    %dma_wait3A_397 = arith.constant 0 : i32
    %dma_wait3A_398 = tpu.memref_slice %arg6[%arg0, %dma_wait3A_396, %dma_wait3A_397] : memref<2x10240x128xf32, #tpu.memory_space<hbm>> -> memref<1x10240x128xf32, #tpu.memory_space<hbm>>
    %dma_wait3A_399 = tpu.memref_squeeze %dma_wait3A_398 : memref<1x10240x128xf32, #tpu.memory_space<hbm>> -> memref<10240x128xf32, #tpu.memory_space<hbm>>
    %dma_wait3A_400 = arith.constant 0 : i32
    %dma_wait3A_401 = tpu.memref_slice %dma_wait3A_399[%add3A_395, %dma_wait3A_400] : memref<10240x128xf32, #tpu.memory_space<hbm>> -> memref<80x128xf32, #tpu.memory_space<hbm>>
    %dma_wait3A_402 = arith.constant 0 : i32
    %dma_wait3A_403 = arith.constant 0 : i32
    %dma_wait3A_404 = tpu.memref_slice %arg6[%arg0, %dma_wait3A_402, %dma_wait3A_403] : memref<2x10240x128xf32, #tpu.memory_space<hbm>> -> memref<1x10240x128xf32, #tpu.memory_space<hbm>>
    %dma_wait3A_405 = tpu.memref_squeeze %dma_wait3A_404 : memref<1x10240x128xf32, #tpu.memory_space<hbm>> -> memref<10240x128xf32, #tpu.memory_space<hbm>>
    %dma_wait3A_406 = arith.constant 0 : i32
    %dma_wait3A_407 = tpu.memref_slice %dma_wait3A_405[%add3A_395, %dma_wait3A_406] : memref<10240x128xf32, #tpu.memory_space<hbm>> -> memref<80x128xf32, #tpu.memory_space<hbm>>
    tpu.wait_dma2 semaphore(%arg16 : memref<!tpu.dma_semaphore, #tpu.memory_space<semaphore_mem>>) src(%arg11 : memref<80x128xf32, #tpu.memory_space<vmem>>) dst(%dma_wait3A_407 : memref<80x128xf32, #tpu.memory_space<hbm>>)
    %mul3A_408 = arith.constant 640 : i32
    %mul3A_409 = arith.muli %arg1, %mul3A_408 : i32
    %add3A_410 = arith.constant 400 : i32
    %add3A_411 = arith.addi %mul3A_409, %add3A_410 : i32
    "tpu.region"() ({
      %run_scoped3A = tpu.sem_alloc : memref<!tpu.dma_semaphore, #tpu.memory_space<semaphore_mem>>
      %dma_start3A_532 = arith.constant 0 : i32
      %dma_start3A_533 = tpu.memref_slice %arg12[%add3A_411, %dma_start3A_532] : memref<10240x128xf32, #tpu.memory_space<vmem_shared>> -> memref<80x128xf32, #tpu.memory_space<vmem_shared>>
      %dma_start3A_534 = arith.constant 0 : i32
      %dma_start3A_535 = tpu.memref_slice %arg12[%add3A_411, %dma_start3A_534] : memref<10240x128xf32, #tpu.memory_space<vmem_shared>> -> memref<80x128xf32, #tpu.memory_space<vmem_shared>>
      tpu.enqueue_dma source(%dma_start3A_535 : memref<80x128xf32, #tpu.memory_space<vmem_shared>>) target(%arg11 : memref<80x128xf32, #tpu.memory_space<vmem>>) target_semaphore(%run_scoped3A : memref<!tpu.dma_semaphore, #tpu.memory_space<semaphore_mem>>)
      %dma_wait3A_536 = arith.constant 0 : i32
      %dma_wait3A_537 = tpu.memref_slice %arg12[%add3A_411, %dma_wait3A_536] : memref<10240x128xf32, #tpu.memory_space<vmem_shared>> -> memref<80x128xf32, #tpu.memory_space<vmem_shared>>
      %dma_wait3A_538 = arith.constant 0 : i32
      %dma_wait3A_539 = tpu.memref_slice %arg12[%add3A_411, %dma_wait3A_538] : memref<10240x128xf32, #tpu.memory_space<vmem_shared>> -> memref<80x128xf32, #tpu.memory_space<vmem_shared>>
      tpu.wait_dma2 semaphore(%run_scoped3A : memref<!tpu.dma_semaphore, #tpu.memory_space<semaphore_mem>>) src(%dma_wait3A_539 : memref<80x128xf32, #tpu.memory_space<vmem_shared>>) dst(%arg11 : memref<80x128xf32, #tpu.memory_space<vmem>>)
      tpu.yield
    }) : () -> ()
    %mul3A_412 = arith.constant 640 : i32
    %mul3A_413 = arith.muli %arg1, %mul3A_412 : i32
    %add3A_414 = arith.constant 400 : i32
    %add3A_415 = arith.addi %mul3A_413, %add3A_414 : i32
    %dma_start3A_416 = arith.constant 0 : i32
    %dma_start3A_417 = arith.constant 0 : i32
    %dma_start3A_418 = tpu.memref_slice %arg6[%arg0, %dma_start3A_416, %dma_start3A_417] : memref<2x10240x128xf32, #tpu.memory_space<hbm>> -> memref<1x10240x128xf32, #tpu.memory_space<hbm>>
    %dma_start3A_419 = tpu.memref_squeeze %dma_start3A_418 : memref<1x10240x128xf32, #tpu.memory_space<hbm>> -> memref<10240x128xf32, #tpu.memory_space<hbm>>
    %dma_start3A_420 = arith.constant 0 : i32
    %dma_start3A_421 = tpu.memref_slice %dma_start3A_419[%add3A_415, %dma_start3A_420] : memref<10240x128xf32, #tpu.memory_space<hbm>> -> memref<80x128xf32, #tpu.memory_space<hbm>>
    %dma_start3A_422 = arith.constant 0 : i32
    %dma_start3A_423 = arith.constant 0 : i32
    %dma_start3A_424 = tpu.memref_slice %arg6[%arg0, %dma_start3A_422, %dma_start3A_423] : memref<2x10240x128xf32, #tpu.memory_space<hbm>> -> memref<1x10240x128xf32, #tpu.memory_space<hbm>>
    %dma_start3A_425 = tpu.memref_squeeze %dma_start3A_424 : memref<1x10240x128xf32, #tpu.memory_space<hbm>> -> memref<10240x128xf32, #tpu.memory_space<hbm>>
    %dma_start3A_426 = arith.constant 0 : i32
    %dma_start3A_427 = tpu.memref_slice %dma_start3A_425[%add3A_415, %dma_start3A_426] : memref<10240x128xf32, #tpu.memory_space<hbm>> -> memref<80x128xf32, #tpu.memory_space<hbm>>
    tpu.enqueue_dma source(%arg11 : memref<80x128xf32, #tpu.memory_space<vmem>>) target(%dma_start3A_427 : memref<80x128xf32, #tpu.memory_space<hbm>>) target_semaphore(%arg16 : memref<!tpu.dma_semaphore, #tpu.memory_space<semaphore_mem>>)
    %mul3A_428 = arith.constant 640 : i32
    %mul3A_429 = arith.muli %arg1, %mul3A_428 : i32
    %add3A_430 = arith.constant 320 : i32
    %add3A_431 = arith.addi %mul3A_429, %add3A_430 : i32
    %dma_wait3A_432 = arith.constant 0 : i32
    %dma_wait3A_433 = arith.constant 0 : i32
    %dma_wait3A_434 = tpu.memref_slice %arg6[%arg0, %dma_wait3A_432, %dma_wait3A_433] : memref<2x10240x128xf32, #tpu.memory_space<hbm>> -> memref<1x10240x128xf32, #tpu.memory_space<hbm>>
    %dma_wait3A_435 = tpu.memref_squeeze %dma_wait3A_434 : memref<1x10240x128xf32, #tpu.memory_space<hbm>> -> memref<10240x128xf32, #tpu.memory_space<hbm>>
    %dma_wait3A_436 = arith.constant 0 : i32
    %dma_wait3A_437 = tpu.memref_slice %dma_wait3A_435[%add3A_431, %dma_wait3A_436] : memref<10240x128xf32, #tpu.memory_space<hbm>> -> memref<80x128xf32, #tpu.memory_space<hbm>>
    %dma_wait3A_438 = arith.constant 0 : i32
    %dma_wait3A_439 = arith.constant 0 : i32
    %dma_wait3A_440 = tpu.memref_slice %arg6[%arg0, %dma_wait3A_438, %dma_wait3A_439] : memref<2x10240x128xf32, #tpu.memory_space<hbm>> -> memref<1x10240x128xf32, #tpu.memory_space<hbm>>
    %dma_wait3A_441 = tpu.memref_squeeze %dma_wait3A_440 : memref<1x10240x128xf32, #tpu.memory_space<hbm>> -> memref<10240x128xf32, #tpu.memory_space<hbm>>
    %dma_wait3A_442 = arith.constant 0 : i32
    %dma_wait3A_443 = tpu.memref_slice %dma_wait3A_441[%add3A_431, %dma_wait3A_442] : memref<10240x128xf32, #tpu.memory_space<hbm>> -> memref<80x128xf32, #tpu.memory_space<hbm>>
    tpu.wait_dma2 semaphore(%arg15 : memref<!tpu.dma_semaphore, #tpu.memory_space<semaphore_mem>>) src(%arg10 : memref<80x128xf32, #tpu.memory_space<vmem>>) dst(%dma_wait3A_443 : memref<80x128xf32, #tpu.memory_space<hbm>>)
    %mul3A_444 = arith.constant 640 : i32
    %mul3A_445 = arith.muli %arg1, %mul3A_444 : i32
    %add3A_446 = arith.constant 480 : i32
    %add3A_447 = arith.addi %mul3A_445, %add3A_446 : i32
    "tpu.region"() ({
      %run_scoped3A = tpu.sem_alloc : memref<!tpu.dma_semaphore, #tpu.memory_space<semaphore_mem>>
      %dma_start3A_532 = arith.constant 0 : i32
      %dma_start3A_533 = tpu.memref_slice %arg12[%add3A_447, %dma_start3A_532] : memref<10240x128xf32, #tpu.memory_space<vmem_shared>> -> memref<80x128xf32, #tpu.memory_space<vmem_shared>>
      %dma_start3A_534 = arith.constant 0 : i32
      %dma_start3A_535 = tpu.memref_slice %arg12[%add3A_447, %dma_start3A_534] : memref<10240x128xf32, #tpu.memory_space<vmem_shared>> -> memref<80x128xf32, #tpu.memory_space<vmem_shared>>
      tpu.enqueue_dma source(%dma_start3A_535 : memref<80x128xf32, #tpu.memory_space<vmem_shared>>) target(%arg10 : memref<80x128xf32, #tpu.memory_space<vmem>>) target_semaphore(%run_scoped3A : memref<!tpu.dma_semaphore, #tpu.memory_space<semaphore_mem>>)
      %dma_wait3A_536 = arith.constant 0 : i32
      %dma_wait3A_537 = tpu.memref_slice %arg12[%add3A_447, %dma_wait3A_536] : memref<10240x128xf32, #tpu.memory_space<vmem_shared>> -> memref<80x128xf32, #tpu.memory_space<vmem_shared>>
      %dma_wait3A_538 = arith.constant 0 : i32
      %dma_wait3A_539 = tpu.memref_slice %arg12[%add3A_447, %dma_wait3A_538] : memref<10240x128xf32, #tpu.memory_space<vmem_shared>> -> memref<80x128xf32, #tpu.memory_space<vmem_shared>>
      tpu.wait_dma2 semaphore(%run_scoped3A : memref<!tpu.dma_semaphore, #tpu.memory_space<semaphore_mem>>) src(%dma_wait3A_539 : memref<80x128xf32, #tpu.memory_space<vmem_shared>>) dst(%arg10 : memref<80x128xf32, #tpu.memory_space<vmem>>)
      tpu.yield
    }) : () -> ()
    %mul3A_448 = arith.constant 640 : i32
    %mul3A_449 = arith.muli %arg1, %mul3A_448 : i32
    %add3A_450 = arith.constant 480 : i32
    %add3A_451 = arith.addi %mul3A_449, %add3A_450 : i32
    %dma_start3A_452 = arith.constant 0 : i32
    %dma_start3A_453 = arith.constant 0 : i32
    %dma_start3A_454 = tpu.memref_slice %arg6[%arg0, %dma_start3A_452, %dma_start3A_453] : memref<2x10240x128xf32, #tpu.memory_space<hbm>> -> memref<1x10240x128xf32, #tpu.memory_space<hbm>>
    %dma_start3A_455 = tpu.memref_squeeze %dma_start3A_454 : memref<1x10240x128xf32, #tpu.memory_space<hbm>> -> memref<10240x128xf32, #tpu.memory_space<hbm>>
    %dma_start3A_456 = arith.constant 0 : i32
    %dma_start3A_457 = tpu.memref_slice %dma_start3A_455[%add3A_451, %dma_start3A_456] : memref<10240x128xf32, #tpu.memory_space<hbm>> -> memref<80x128xf32, #tpu.memory_space<hbm>>
    %dma_start3A_458 = arith.constant 0 : i32
    %dma_start3A_459 = arith.constant 0 : i32
    %dma_start3A_460 = tpu.memref_slice %arg6[%arg0, %dma_start3A_458, %dma_start3A_459] : memref<2x10240x128xf32, #tpu.memory_space<hbm>> -> memref<1x10240x128xf32, #tpu.memory_space<hbm>>
    %dma_start3A_461 = tpu.memref_squeeze %dma_start3A_460 : memref<1x10240x128xf32, #tpu.memory_space<hbm>> -> memref<10240x128xf32, #tpu.memory_space<hbm>>
    %dma_start3A_462 = arith.constant 0 : i32
    %dma_start3A_463 = tpu.memref_slice %dma_start3A_461[%add3A_451, %dma_start3A_462] : memref<10240x128xf32, #tpu.memory_space<hbm>> -> memref<80x128xf32, #tpu.memory_space<hbm>>
    tpu.enqueue_dma source(%arg10 : memref<80x128xf32, #tpu.memory_space<vmem>>) target(%dma_start3A_463 : memref<80x128xf32, #tpu.memory_space<hbm>>) target_semaphore(%arg15 : memref<!tpu.dma_semaphore, #tpu.memory_space<semaphore_mem>>)
    %mul3A_464 = arith.constant 640 : i32
    %mul3A_465 = arith.muli %arg1, %mul3A_464 : i32
    %add3A_466 = arith.constant 400 : i32
    %add3A_467 = arith.addi %mul3A_465, %add3A_466 : i32
    %dma_wait3A_468 = arith.constant 0 : i32
    %dma_wait3A_469 = arith.constant 0 : i32
    %dma_wait3A_470 = tpu.memref_slice %arg6[%arg0, %dma_wait3A_468, %dma_wait3A_469] : memref<2x10240x128xf32, #tpu.memory_space<hbm>> -> memref<1x10240x128xf32, #tpu.memory_space<hbm>>
    %dma_wait3A_471 = tpu.memref_squeeze %dma_wait3A_470 : memref<1x10240x128xf32, #tpu.memory_space<hbm>> -> memref<10240x128xf32, #tpu.memory_space<hbm>>
    %dma_wait3A_472 = arith.constant 0 : i32
    %dma_wait3A_473 = tpu.memref_slice %dma_wait3A_471[%add3A_467, %dma_wait3A_472] : memref<10240x128xf32, #tpu.memory_space<hbm>> -> memref<80x128xf32, #tpu.memory_space<hbm>>
    %dma_wait3A_474 = arith.constant 0 : i32
    %dma_wait3A_475 = arith.constant 0 : i32
    %dma_wait3A_476 = tpu.memref_slice %arg6[%arg0, %dma_wait3A_474, %dma_wait3A_475] : memref<2x10240x128xf32, #tpu.memory_space<hbm>> -> memref<1x10240x128xf32, #tpu.memory_space<hbm>>
    %dma_wait3A_477 = tpu.memref_squeeze %dma_wait3A_476 : memref<1x10240x128xf32, #tpu.memory_space<hbm>> -> memref<10240x128xf32, #tpu.memory_space<hbm>>
    %dma_wait3A_478 = arith.constant 0 : i32
    %dma_wait3A_479 = tpu.memref_slice %dma_wait3A_477[%add3A_467, %dma_wait3A_478] : memref<10240x128xf32, #tpu.memory_space<hbm>> -> memref<80x128xf32, #tpu.memory_space<hbm>>
    tpu.wait_dma2 semaphore(%arg16 : memref<!tpu.dma_semaphore, #tpu.memory_space<semaphore_mem>>) src(%arg11 : memref<80x128xf32, #tpu.memory_space<vmem>>) dst(%dma_wait3A_479 : memref<80x128xf32, #tpu.memory_space<hbm>>)
    %mul3A_480 = arith.constant 640 : i32
    %mul3A_481 = arith.muli %arg1, %mul3A_480 : i32
    %add3A_482 = arith.constant 560 : i32
    %add3A_483 = arith.addi %mul3A_481, %add3A_482 : i32
    "tpu.region"() ({
      %run_scoped3A = tpu.sem_alloc : memref<!tpu.dma_semaphore, #tpu.memory_space<semaphore_mem>>
      %dma_start3A_532 = arith.constant 0 : i32
      %dma_start3A_533 = tpu.memref_slice %arg12[%add3A_483, %dma_start3A_532] : memref<10240x128xf32, #tpu.memory_space<vmem_shared>> -> memref<80x128xf32, #tpu.memory_space<vmem_shared>>
      %dma_start3A_534 = arith.constant 0 : i32
      %dma_start3A_535 = tpu.memref_slice %arg12[%add3A_483, %dma_start3A_534] : memref<10240x128xf32, #tpu.memory_space<vmem_shared>> -> memref<80x128xf32, #tpu.memory_space<vmem_shared>>
      tpu.enqueue_dma source(%dma_start3A_535 : memref<80x128xf32, #tpu.memory_space<vmem_shared>>) target(%arg11 : memref<80x128xf32, #tpu.memory_space<vmem>>) target_semaphore(%run_scoped3A : memref<!tpu.dma_semaphore, #tpu.memory_space<semaphore_mem>>)
      %dma_wait3A_536 = arith.constant 0 : i32
      %dma_wait3A_537 = tpu.memref_slice %arg12[%add3A_483, %dma_wait3A_536] : memref<10240x128xf32, #tpu.memory_space<vmem_shared>> -> memref<80x128xf32, #tpu.memory_space<vmem_shared>>
      %dma_wait3A_538 = arith.constant 0 : i32
      %dma_wait3A_539 = tpu.memref_slice %arg12[%add3A_483, %dma_wait3A_538] : memref<10240x128xf32, #tpu.memory_space<vmem_shared>> -> memref<80x128xf32, #tpu.memory_space<vmem_shared>>
      tpu.wait_dma2 semaphore(%run_scoped3A : memref<!tpu.dma_semaphore, #tpu.memory_space<semaphore_mem>>) src(%dma_wait3A_539 : memref<80x128xf32, #tpu.memory_space<vmem_shared>>) dst(%arg11 : memref<80x128xf32, #tpu.memory_space<vmem>>)
      tpu.yield
    }) : () -> ()
    %mul3A_484 = arith.constant 640 : i32
    %mul3A_485 = arith.muli %arg1, %mul3A_484 : i32
    %add3A_486 = arith.constant 560 : i32
    %add3A_487 = arith.addi %mul3A_485, %add3A_486 : i32
    %dma_start3A_488 = arith.constant 0 : i32
    %dma_start3A_489 = arith.constant 0 : i32
    %dma_start3A_490 = tpu.memref_slice %arg6[%arg0, %dma_start3A_488, %dma_start3A_489] : memref<2x10240x128xf32, #tpu.memory_space<hbm>> -> memref<1x10240x128xf32, #tpu.memory_space<hbm>>
    %dma_start3A_491 = tpu.memref_squeeze %dma_start3A_490 : memref<1x10240x128xf32, #tpu.memory_space<hbm>> -> memref<10240x128xf32, #tpu.memory_space<hbm>>
    %dma_start3A_492 = arith.constant 0 : i32
    %dma_start3A_493 = tpu.memref_slice %dma_start3A_491[%add3A_487, %dma_start3A_492] : memref<10240x128xf32, #tpu.memory_space<hbm>> -> memref<80x128xf32, #tpu.memory_space<hbm>>
    %dma_start3A_494 = arith.constant 0 : i32
    %dma_start3A_495 = arith.constant 0 : i32
    %dma_start3A_496 = tpu.memref_slice %arg6[%arg0, %dma_start3A_494, %dma_start3A_495] : memref<2x10240x128xf32, #tpu.memory_space<hbm>> -> memref<1x10240x128xf32, #tpu.memory_space<hbm>>
    %dma_start3A_497 = tpu.memref_squeeze %dma_start3A_496 : memref<1x10240x128xf32, #tpu.memory_space<hbm>> -> memref<10240x128xf32, #tpu.memory_space<hbm>>
    %dma_start3A_498 = arith.constant 0 : i32
    %dma_start3A_499 = tpu.memref_slice %dma_start3A_497[%add3A_487, %dma_start3A_498] : memref<10240x128xf32, #tpu.memory_space<hbm>> -> memref<80x128xf32, #tpu.memory_space<hbm>>
    tpu.enqueue_dma source(%arg11 : memref<80x128xf32, #tpu.memory_space<vmem>>) target(%dma_start3A_499 : memref<80x128xf32, #tpu.memory_space<hbm>>) target_semaphore(%arg16 : memref<!tpu.dma_semaphore, #tpu.memory_space<semaphore_mem>>)
    %mul3A_500 = arith.constant 640 : i32
    %mul3A_501 = arith.muli %arg1, %mul3A_500 : i32
    %add3A_502 = arith.constant 480 : i32
    %add3A_503 = arith.addi %mul3A_501, %add3A_502 : i32
    %dma_wait3A_504 = arith.constant 0 : i32
    %dma_wait3A_505 = arith.constant 0 : i32
    %dma_wait3A_506 = tpu.memref_slice %arg6[%arg0, %dma_wait3A_504, %dma_wait3A_505] : memref<2x10240x128xf32, #tpu.memory_space<hbm>> -> memref<1x10240x128xf32, #tpu.memory_space<hbm>>
    %dma_wait3A_507 = tpu.memref_squeeze %dma_wait3A_506 : memref<1x10240x128xf32, #tpu.memory_space<hbm>> -> memref<10240x128xf32, #tpu.memory_space<hbm>>
    %dma_wait3A_508 = arith.constant 0 : i32
    %dma_wait3A_509 = tpu.memref_slice %dma_wait3A_507[%add3A_503, %dma_wait3A_508] : memref<10240x128xf32, #tpu.memory_space<hbm>> -> memref<80x128xf32, #tpu.memory_space<hbm>>
    %dma_wait3A_510 = arith.constant 0 : i32
    %dma_wait3A_511 = arith.constant 0 : i32
    %dma_wait3A_512 = tpu.memref_slice %arg6[%arg0, %dma_wait3A_510, %dma_wait3A_511] : memref<2x10240x128xf32, #tpu.memory_space<hbm>> -> memref<1x10240x128xf32, #tpu.memory_space<hbm>>
    %dma_wait3A_513 = tpu.memref_squeeze %dma_wait3A_512 : memref<1x10240x128xf32, #tpu.memory_space<hbm>> -> memref<10240x128xf32, #tpu.memory_space<hbm>>
    %dma_wait3A_514 = arith.constant 0 : i32
    %dma_wait3A_515 = tpu.memref_slice %dma_wait3A_513[%add3A_503, %dma_wait3A_514] : memref<10240x128xf32, #tpu.memory_space<hbm>> -> memref<80x128xf32, #tpu.memory_space<hbm>>
    tpu.wait_dma2 semaphore(%arg15 : memref<!tpu.dma_semaphore, #tpu.memory_space<semaphore_mem>>) src(%arg10 : memref<80x128xf32, #tpu.memory_space<vmem>>) dst(%dma_wait3A_515 : memref<80x128xf32, #tpu.memory_space<hbm>>)
    %mul3A_516 = arith.constant 640 : i32
    %mul3A_517 = arith.muli %arg1, %mul3A_516 : i32
    %add3A_518 = arith.constant 560 : i32
    %add3A_519 = arith.addi %mul3A_517, %add3A_518 : i32
    %dma_wait3A_520 = arith.constant 0 : i32
    %dma_wait3A_521 = arith.constant 0 : i32
    %dma_wait3A_522 = tpu.memref_slice %arg6[%arg0, %dma_wait3A_520, %dma_wait3A_521] : memref<2x10240x128xf32, #tpu.memory_space<hbm>> -> memref<1x10240x128xf32, #tpu.memory_space<hbm>>
    %dma_wait3A_523 = tpu.memref_squeeze %dma_wait3A_522 : memref<1x10240x128xf32, #tpu.memory_space<hbm>> -> memref<10240x128xf32, #tpu.memory_space<hbm>>
    %dma_wait3A_524 = arith.constant 0 : i32
    %dma_wait3A_525 = tpu.memref_slice %dma_wait3A_523[%add3A_519, %dma_wait3A_524] : memref<10240x128xf32, #tpu.memory_space<hbm>> -> memref<80x128xf32, #tpu.memory_space<hbm>>
    %dma_wait3A_526 = arith.constant 0 : i32
    %dma_wait3A_527 = arith.constant 0 : i32
    %dma_wait3A_528 = tpu.memref_slice %arg6[%arg0, %dma_wait3A_526, %dma_wait3A_527] : memref<2x10240x128xf32, #tpu.memory_space<hbm>> -> memref<1x10240x128xf32, #tpu.memory_space<hbm>>
    %dma_wait3A_529 = tpu.memref_squeeze %dma_wait3A_528 : memref<1x10240x128xf32, #tpu.memory_space<hbm>> -> memref<10240x128xf32, #tpu.memory_space<hbm>>
    %dma_wait3A_530 = arith.constant 0 : i32
    %dma_wait3A_531 = tpu.memref_slice %dma_wait3A_529[%add3A_519, %dma_wait3A_530] : memref<10240x128xf32, #tpu.memory_space<hbm>> -> memref<80x128xf32, #tpu.memory_space<hbm>>
    tpu.wait_dma2 semaphore(%arg16 : memref<!tpu.dma_semaphore, #tpu.memory_space<semaphore_mem>>) src(%arg11 : memref<80x128xf32, #tpu.memory_space<vmem>>) dst(%dma_wait3A_531 : memref<80x128xf32, #tpu.memory_space<hbm>>)
    return
  }
}

#map = affine_map<(d0, d1) -> (0, 0)>
#map1 = affine_map<(d0, d1) -> (0)>
#map2 = affine_map<(d0, d1) -> (0, 0, 0)>
module attributes {stable_mosaic.version = 14 : i64} {
  func.func @_prop_body(%arg0: i32, %arg1: i32, %arg2: memref<20480x128xf32, #tpu.memory_space<hbm>>, %arg3: memref<320000xi32, #tpu.memory_space<hbm>>, %arg4: memref<16x125x80xi32, #tpu.memory_space<hbm>>, %arg5: memref<80x128xf32, #tpu.memory_space<hbm>>, %arg6: memref<2x10240x128xf32, #tpu.memory_space<hbm>>, %arg7: memref<125x80xi32, #tpu.memory_space<vmem>>, %arg8: memref<80xi32, #tpu.memory_space<vmem>>, %arg9: memref<80xi32, #tpu.memory_space<vmem>>, %arg10: memref<80x128xf32, #tpu.memory_space<vmem>>, %arg11: memref<80x128xf32, #tpu.memory_space<vmem>>, %arg12: memref<10240x128xf32, #tpu.memory_space<vmem_shared>>, %arg13: memref<!tpu.dma_semaphore, #tpu.memory_space<semaphore_mem>>, %arg14: memref<!tpu.dma_semaphore, #tpu.memory_space<semaphore_mem>>, %arg15: memref<!tpu.dma_semaphore, #tpu.memory_space<semaphore_mem>>, %arg16: memref<!tpu.dma_semaphore, #tpu.memory_space<semaphore_mem>>, %arg17: memref<!tpu.dma_semaphore, #tpu.memory_space<semaphore_mem>>, %arg18: memref<!tpu.dma_semaphore, #tpu.memory_space<semaphore_mem>>) attributes {dimension_semantics = [#tpu.dimension_semantics<core_parallel>, #tpu.dimension_semantics<subcore_parallel>], iteration_bounds = array<i64: 2, 16>, scalar_prefetch = 0 : i64, scratch_operands = 12 : i64, tpu.core_type = #tpu.core_type<sc_vector_subcore>, window_params = [{transform_indices = #map}, {transform_indices = #map1}, {transform_indices = #map2}, {transform_indices = #map}, {transform_indices = #map2}]} {
    "tpu.region"() ({
      %run_scoped3A = tpu.sem_alloc : memref<!tpu.dma_semaphore, #tpu.memory_space<semaphore_mem>>
      tpu.enqueue_dma source(%arg5 : memref<80x128xf32, #tpu.memory_space<hbm>>) target(%arg10 : memref<80x128xf32, #tpu.memory_space<vmem>>) target_semaphore(%run_scoped3A : memref<!tpu.dma_semaphore, #tpu.memory_space<semaphore_mem>>)
      tpu.wait_dma2 semaphore(%run_scoped3A : memref<!tpu.dma_semaphore, #tpu.memory_space<semaphore_mem>>) src(%arg5 : memref<80x128xf32, #tpu.memory_space<hbm>>) dst(%arg10 : memref<80x128xf32, #tpu.memory_space<vmem>>)
      tpu.yield
    }) : () -> ()
    %mul3A = arith.constant 640 : i32
    %mul3A_0 = arith.muli %arg1, %mul3A : i32
    %add3A = arith.constant 0 : i32
    %add3A_1 = arith.addi %mul3A_0, %add3A : i32
    %dma_start3A = arith.constant 0 : i32
    %dma_start3A_2 = tpu.memref_slice %arg12[%add3A_1, %dma_start3A] : memref<10240x128xf32, #tpu.memory_space<vmem_shared>> -> memref<80x128xf32, #tpu.memory_space<vmem_shared>>
    %dma_start3A_3 = arith.constant 0 : i32
    %dma_start3A_4 = tpu.memref_slice %arg12[%add3A_1, %dma_start3A_3] : memref<10240x128xf32, #tpu.memory_space<vmem_shared>> -> memref<80x128xf32, #tpu.memory_space<vmem_shared>>
    tpu.enqueue_dma source(%arg10 : memref<80x128xf32, #tpu.memory_space<vmem>>) target(%dma_start3A_4 : memref<80x128xf32, #tpu.memory_space<vmem_shared>>) target_semaphore(%arg15 : memref<!tpu.dma_semaphore, #tpu.memory_space<semaphore_mem>>)
    %mul3A_5 = arith.constant 640 : i32
    %mul3A_6 = arith.muli %arg1, %mul3A_5 : i32
    %add3A_7 = arith.constant 80 : i32
    %add3A_8 = arith.addi %mul3A_6, %add3A_7 : i32
    %dma_start3A_9 = arith.constant 0 : i32
    %dma_start3A_10 = tpu.memref_slice %arg12[%add3A_8, %dma_start3A_9] : memref<10240x128xf32, #tpu.memory_space<vmem_shared>> -> memref<80x128xf32, #tpu.memory_space<vmem_shared>>
    %dma_start3A_11 = arith.constant 0 : i32
    %dma_start3A_12 = tpu.memref_slice %arg12[%add3A_8, %dma_start3A_11] : memref<10240x128xf32, #tpu.memory_space<vmem_shared>> -> memref<80x128xf32, #tpu.memory_space<vmem_shared>>
    tpu.enqueue_dma source(%arg10 : memref<80x128xf32, #tpu.memory_space<vmem>>) target(%dma_start3A_12 : memref<80x128xf32, #tpu.memory_space<vmem_shared>>) target_semaphore(%arg15 : memref<!tpu.dma_semaphore, #tpu.memory_space<semaphore_mem>>)
    %mul3A_13 = arith.constant 640 : i32
    %mul3A_14 = arith.muli %arg1, %mul3A_13 : i32
    %add3A_15 = arith.constant 160 : i32
    %add3A_16 = arith.addi %mul3A_14, %add3A_15 : i32
    %dma_start3A_17 = arith.constant 0 : i32
    %dma_start3A_18 = tpu.memref_slice %arg12[%add3A_16, %dma_start3A_17] : memref<10240x128xf32, #tpu.memory_space<vmem_shared>> -> memref<80x128xf32, #tpu.memory_space<vmem_shared>>
    %dma_start3A_19 = arith.constant 0 : i32
    %dma_start3A_20 = tpu.memref_slice %arg12[%add3A_16, %dma_start3A_19] : memref<10240x128xf32, #tpu.memory_space<vmem_shared>> -> memref<80x128xf32, #tpu.memory_space<vmem_shared>>
    tpu.enqueue_dma source(%arg10 : memref<80x128xf32, #tpu.memory_space<vmem>>) target(%dma_start3A_20 : memref<80x128xf32, #tpu.memory_space<vmem_shared>>) target_semaphore(%arg15 : memref<!tpu.dma_semaphore, #tpu.memory_space<semaphore_mem>>)
    %mul3A_21 = arith.constant 640 : i32
    %mul3A_22 = arith.muli %arg1, %mul3A_21 : i32
    %add3A_23 = arith.constant 240 : i32
    %add3A_24 = arith.addi %mul3A_22, %add3A_23 : i32
    %dma_start3A_25 = arith.constant 0 : i32
    %dma_start3A_26 = tpu.memref_slice %arg12[%add3A_24, %dma_start3A_25] : memref<10240x128xf32, #tpu.memory_space<vmem_shared>> -> memref<80x128xf32, #tpu.memory_space<vmem_shared>>
    %dma_start3A_27 = arith.constant 0 : i32
    %dma_start3A_28 = tpu.memref_slice %arg12[%add3A_24, %dma_start3A_27] : memref<10240x128xf32, #tpu.memory_space<vmem_shared>> -> memref<80x128xf32, #tpu.memory_space<vmem_shared>>
    tpu.enqueue_dma source(%arg10 : memref<80x128xf32, #tpu.memory_space<vmem>>) target(%dma_start3A_28 : memref<80x128xf32, #tpu.memory_space<vmem_shared>>) target_semaphore(%arg15 : memref<!tpu.dma_semaphore, #tpu.memory_space<semaphore_mem>>)
    %mul3A_29 = arith.constant 640 : i32
    %mul3A_30 = arith.muli %arg1, %mul3A_29 : i32
    %add3A_31 = arith.constant 320 : i32
    %add3A_32 = arith.addi %mul3A_30, %add3A_31 : i32
    %dma_start3A_33 = arith.constant 0 : i32
    %dma_start3A_34 = tpu.memref_slice %arg12[%add3A_32, %dma_start3A_33] : memref<10240x128xf32, #tpu.memory_space<vmem_shared>> -> memref<80x128xf32, #tpu.memory_space<vmem_shared>>
    %dma_start3A_35 = arith.constant 0 : i32
    %dma_start3A_36 = tpu.memref_slice %arg12[%add3A_32, %dma_start3A_35] : memref<10240x128xf32, #tpu.memory_space<vmem_shared>> -> memref<80x128xf32, #tpu.memory_space<vmem_shared>>
    tpu.enqueue_dma source(%arg10 : memref<80x128xf32, #tpu.memory_space<vmem>>) target(%dma_start3A_36 : memref<80x128xf32, #tpu.memory_space<vmem_shared>>) target_semaphore(%arg15 : memref<!tpu.dma_semaphore, #tpu.memory_space<semaphore_mem>>)
    %mul3A_37 = arith.constant 640 : i32
    %mul3A_38 = arith.muli %arg1, %mul3A_37 : i32
    %add3A_39 = arith.constant 400 : i32
    %add3A_40 = arith.addi %mul3A_38, %add3A_39 : i32
    %dma_start3A_41 = arith.constant 0 : i32
    %dma_start3A_42 = tpu.memref_slice %arg12[%add3A_40, %dma_start3A_41] : memref<10240x128xf32, #tpu.memory_space<vmem_shared>> -> memref<80x128xf32, #tpu.memory_space<vmem_shared>>
    %dma_start3A_43 = arith.constant 0 : i32
    %dma_start3A_44 = tpu.memref_slice %arg12[%add3A_40, %dma_start3A_43] : memref<10240x128xf32, #tpu.memory_space<vmem_shared>> -> memref<80x128xf32, #tpu.memory_space<vmem_shared>>
    tpu.enqueue_dma source(%arg10 : memref<80x128xf32, #tpu.memory_space<vmem>>) target(%dma_start3A_44 : memref<80x128xf32, #tpu.memory_space<vmem_shared>>) target_semaphore(%arg15 : memref<!tpu.dma_semaphore, #tpu.memory_space<semaphore_mem>>)
    %mul3A_45 = arith.constant 640 : i32
    %mul3A_46 = arith.muli %arg1, %mul3A_45 : i32
    %add3A_47 = arith.constant 480 : i32
    %add3A_48 = arith.addi %mul3A_46, %add3A_47 : i32
    %dma_start3A_49 = arith.constant 0 : i32
    %dma_start3A_50 = tpu.memref_slice %arg12[%add3A_48, %dma_start3A_49] : memref<10240x128xf32, #tpu.memory_space<vmem_shared>> -> memref<80x128xf32, #tpu.memory_space<vmem_shared>>
    %dma_start3A_51 = arith.constant 0 : i32
    %dma_start3A_52 = tpu.memref_slice %arg12[%add3A_48, %dma_start3A_51] : memref<10240x128xf32, #tpu.memory_space<vmem_shared>> -> memref<80x128xf32, #tpu.memory_space<vmem_shared>>
    tpu.enqueue_dma source(%arg10 : memref<80x128xf32, #tpu.memory_space<vmem>>) target(%dma_start3A_52 : memref<80x128xf32, #tpu.memory_space<vmem_shared>>) target_semaphore(%arg15 : memref<!tpu.dma_semaphore, #tpu.memory_space<semaphore_mem>>)
    %mul3A_53 = arith.constant 640 : i32
    %mul3A_54 = arith.muli %arg1, %mul3A_53 : i32
    %add3A_55 = arith.constant 560 : i32
    %add3A_56 = arith.addi %mul3A_54, %add3A_55 : i32
    %dma_start3A_57 = arith.constant 0 : i32
    %dma_start3A_58 = tpu.memref_slice %arg12[%add3A_56, %dma_start3A_57] : memref<10240x128xf32, #tpu.memory_space<vmem_shared>> -> memref<80x128xf32, #tpu.memory_space<vmem_shared>>
    %dma_start3A_59 = arith.constant 0 : i32
    %dma_start3A_60 = tpu.memref_slice %arg12[%add3A_56, %dma_start3A_59] : memref<10240x128xf32, #tpu.memory_space<vmem_shared>> -> memref<80x128xf32, #tpu.memory_space<vmem_shared>>
    tpu.enqueue_dma source(%arg10 : memref<80x128xf32, #tpu.memory_space<vmem>>) target(%dma_start3A_60 : memref<80x128xf32, #tpu.memory_space<vmem_shared>>) target_semaphore(%arg15 : memref<!tpu.dma_semaphore, #tpu.memory_space<semaphore_mem>>)
    "tpu.region"() ({
      %run_scoped3A = tpu.sem_alloc : memref<!tpu.dma_semaphore, #tpu.memory_space<semaphore_mem>>
      %dma_start3A_532 = arith.constant 0 : i32
      %dma_start3A_533 = arith.constant 0 : i32
      %dma_start3A_534 = tpu.memref_slice %arg4[%arg1, %dma_start3A_532, %dma_start3A_533] : memref<16x125x80xi32, #tpu.memory_space<hbm>> -> memref<1x125x80xi32, #tpu.memory_space<hbm>>
      %dma_start3A_535 = tpu.memref_squeeze %dma_start3A_534 : memref<1x125x80xi32, #tpu.memory_space<hbm>> -> memref<125x80xi32, #tpu.memory_space<hbm>>
      %dma_start3A_536 = arith.constant 0 : i32
      %dma_start3A_537 = arith.constant 0 : i32
      %dma_start3A_538 = tpu.memref_slice %arg4[%arg1, %dma_start3A_536, %dma_start3A_537] : memref<16x125x80xi32, #tpu.memory_space<hbm>> -> memref<1x125x80xi32, #tpu.memory_space<hbm>>
      %dma_start3A_539 = tpu.memref_squeeze %dma_start3A_538 : memref<1x125x80xi32, #tpu.memory_space<hbm>> -> memref<125x80xi32, #tpu.memory_space<hbm>>
      tpu.enqueue_dma source(%dma_start3A_539 : memref<125x80xi32, #tpu.memory_space<hbm>>) target(%arg7 : memref<125x80xi32, #tpu.memory_space<vmem>>) target_semaphore(%run_scoped3A : memref<!tpu.dma_semaphore, #tpu.memory_space<semaphore_mem>>)
      %dma_wait3A_540 = arith.constant 0 : i32
      %dma_wait3A_541 = arith.constant 0 : i32
      %dma_wait3A_542 = tpu.memref_slice %arg4[%arg1, %dma_wait3A_540, %dma_wait3A_541] : memref<16x125x80xi32, #tpu.memory_space<hbm>> -> memref<1x125x80xi32, #tpu.memory_space<hbm>>
      %dma_wait3A_543 = tpu.memref_squeeze %dma_wait3A_542 : memref<1x125x80xi32, #tpu.memory_space<hbm>> -> memref<125x80xi32, #tpu.memory_space<hbm>>
      %dma_wait3A_544 = arith.constant 0 : i32
      %dma_wait3A_545 = arith.constant 0 : i32
      %dma_wait3A_546 = tpu.memref_slice %arg4[%arg1, %dma_wait3A_544, %dma_wait3A_545] : memref<16x125x80xi32, #tpu.memory_space<hbm>> -> memref<1x125x80xi32, #tpu.memory_space<hbm>>
      %dma_wait3A_547 = tpu.memref_squeeze %dma_wait3A_546 : memref<1x125x80xi32, #tpu.memory_space<hbm>> -> memref<125x80xi32, #tpu.memory_space<hbm>>
      tpu.wait_dma2 semaphore(%run_scoped3A : memref<!tpu.dma_semaphore, #tpu.memory_space<semaphore_mem>>) src(%dma_wait3A_547 : memref<125x80xi32, #tpu.memory_space<hbm>>) dst(%arg7 : memref<125x80xi32, #tpu.memory_space<vmem>>)
      tpu.yield
    }) : () -> ()
    %mul3A_61 = arith.constant 640 : i32
    %mul3A_62 = arith.muli %arg1, %mul3A_61 : i32
    %add3A_63 = arith.constant 0 : i32
    %add3A_64 = arith.addi %mul3A_62, %add3A_63 : i32
    %dma_wait3A = arith.constant 0 : i32
    %dma_wait3A_65 = tpu.memref_slice %arg12[%add3A_64, %dma_wait3A] : memref<10240x128xf32, #tpu.memory_space<vmem_shared>> -> memref<80x128xf32, #tpu.memory_space<vmem_shared>>
    %dma_wait3A_66 = arith.constant 0 : i32
    %dma_wait3A_67 = tpu.memref_slice %arg12[%add3A_64, %dma_wait3A_66] : memref<10240x128xf32, #tpu.memory_space<vmem_shared>> -> memref<80x128xf32, #tpu.memory_space<vmem_shared>>
    tpu.wait_dma2 semaphore(%arg15 : memref<!tpu.dma_semaphore, #tpu.memory_space<semaphore_mem>>) src(%arg10 : memref<80x128xf32, #tpu.memory_space<vmem>>) dst(%dma_wait3A_67 : memref<80x128xf32, #tpu.memory_space<vmem_shared>>)
    %mul3A_68 = arith.constant 640 : i32
    %mul3A_69 = arith.muli %arg1, %mul3A_68 : i32
    %add3A_70 = arith.constant 80 : i32
    %add3A_71 = arith.addi %mul3A_69, %add3A_70 : i32
    %dma_wait3A_72 = arith.constant 0 : i32
    %dma_wait3A_73 = tpu.memref_slice %arg12[%add3A_71, %dma_wait3A_72] : memref<10240x128xf32, #tpu.memory_space<vmem_shared>> -> memref<80x128xf32, #tpu.memory_space<vmem_shared>>
    %dma_wait3A_74 = arith.constant 0 : i32
    %dma_wait3A_75 = tpu.memref_slice %arg12[%add3A_71, %dma_wait3A_74] : memref<10240x128xf32, #tpu.memory_space<vmem_shared>> -> memref<80x128xf32, #tpu.memory_space<vmem_shared>>
    tpu.wait_dma2 semaphore(%arg15 : memref<!tpu.dma_semaphore, #tpu.memory_space<semaphore_mem>>) src(%arg10 : memref<80x128xf32, #tpu.memory_space<vmem>>) dst(%dma_wait3A_75 : memref<80x128xf32, #tpu.memory_space<vmem_shared>>)
    %mul3A_76 = arith.constant 640 : i32
    %mul3A_77 = arith.muli %arg1, %mul3A_76 : i32
    %add3A_78 = arith.constant 160 : i32
    %add3A_79 = arith.addi %mul3A_77, %add3A_78 : i32
    %dma_wait3A_80 = arith.constant 0 : i32
    %dma_wait3A_81 = tpu.memref_slice %arg12[%add3A_79, %dma_wait3A_80] : memref<10240x128xf32, #tpu.memory_space<vmem_shared>> -> memref<80x128xf32, #tpu.memory_space<vmem_shared>>
    %dma_wait3A_82 = arith.constant 0 : i32
    %dma_wait3A_83 = tpu.memref_slice %arg12[%add3A_79, %dma_wait3A_82] : memref<10240x128xf32, #tpu.memory_space<vmem_shared>> -> memref<80x128xf32, #tpu.memory_space<vmem_shared>>
    tpu.wait_dma2 semaphore(%arg15 : memref<!tpu.dma_semaphore, #tpu.memory_space<semaphore_mem>>) src(%arg10 : memref<80x128xf32, #tpu.memory_space<vmem>>) dst(%dma_wait3A_83 : memref<80x128xf32, #tpu.memory_space<vmem_shared>>)
    %mul3A_84 = arith.constant 640 : i32
    %mul3A_85 = arith.muli %arg1, %mul3A_84 : i32
    %add3A_86 = arith.constant 240 : i32
    %add3A_87 = arith.addi %mul3A_85, %add3A_86 : i32
    %dma_wait3A_88 = arith.constant 0 : i32
    %dma_wait3A_89 = tpu.memref_slice %arg12[%add3A_87, %dma_wait3A_88] : memref<10240x128xf32, #tpu.memory_space<vmem_shared>> -> memref<80x128xf32, #tpu.memory_space<vmem_shared>>
    %dma_wait3A_90 = arith.constant 0 : i32
    %dma_wait3A_91 = tpu.memref_slice %arg12[%add3A_87, %dma_wait3A_90] : memref<10240x128xf32, #tpu.memory_space<vmem_shared>> -> memref<80x128xf32, #tpu.memory_space<vmem_shared>>
    tpu.wait_dma2 semaphore(%arg15 : memref<!tpu.dma_semaphore, #tpu.memory_space<semaphore_mem>>) src(%arg10 : memref<80x128xf32, #tpu.memory_space<vmem>>) dst(%dma_wait3A_91 : memref<80x128xf32, #tpu.memory_space<vmem_shared>>)
    %mul3A_92 = arith.constant 640 : i32
    %mul3A_93 = arith.muli %arg1, %mul3A_92 : i32
    %add3A_94 = arith.constant 320 : i32
    %add3A_95 = arith.addi %mul3A_93, %add3A_94 : i32
    %dma_wait3A_96 = arith.constant 0 : i32
    %dma_wait3A_97 = tpu.memref_slice %arg12[%add3A_95, %dma_wait3A_96] : memref<10240x128xf32, #tpu.memory_space<vmem_shared>> -> memref<80x128xf32, #tpu.memory_space<vmem_shared>>
    %dma_wait3A_98 = arith.constant 0 : i32
    %dma_wait3A_99 = tpu.memref_slice %arg12[%add3A_95, %dma_wait3A_98] : memref<10240x128xf32, #tpu.memory_space<vmem_shared>> -> memref<80x128xf32, #tpu.memory_space<vmem_shared>>
    tpu.wait_dma2 semaphore(%arg15 : memref<!tpu.dma_semaphore, #tpu.memory_space<semaphore_mem>>) src(%arg10 : memref<80x128xf32, #tpu.memory_space<vmem>>) dst(%dma_wait3A_99 : memref<80x128xf32, #tpu.memory_space<vmem_shared>>)
    %mul3A_100 = arith.constant 640 : i32
    %mul3A_101 = arith.muli %arg1, %mul3A_100 : i32
    %add3A_102 = arith.constant 400 : i32
    %add3A_103 = arith.addi %mul3A_101, %add3A_102 : i32
    %dma_wait3A_104 = arith.constant 0 : i32
    %dma_wait3A_105 = tpu.memref_slice %arg12[%add3A_103, %dma_wait3A_104] : memref<10240x128xf32, #tpu.memory_space<vmem_shared>> -> memref<80x128xf32, #tpu.memory_space<vmem_shared>>
    %dma_wait3A_106 = arith.constant 0 : i32
    %dma_wait3A_107 = tpu.memref_slice %arg12[%add3A_103, %dma_wait3A_106] : memref<10240x128xf32, #tpu.memory_space<vmem_shared>> -> memref<80x128xf32, #tpu.memory_space<vmem_shared>>
    tpu.wait_dma2 semaphore(%arg15 : memref<!tpu.dma_semaphore, #tpu.memory_space<semaphore_mem>>) src(%arg10 : memref<80x128xf32, #tpu.memory_space<vmem>>) dst(%dma_wait3A_107 : memref<80x128xf32, #tpu.memory_space<vmem_shared>>)
    %mul3A_108 = arith.constant 640 : i32
    %mul3A_109 = arith.muli %arg1, %mul3A_108 : i32
    %add3A_110 = arith.constant 480 : i32
    %add3A_111 = arith.addi %mul3A_109, %add3A_110 : i32
    %dma_wait3A_112 = arith.constant 0 : i32
    %dma_wait3A_113 = tpu.memref_slice %arg12[%add3A_111, %dma_wait3A_112] : memref<10240x128xf32, #tpu.memory_space<vmem_shared>> -> memref<80x128xf32, #tpu.memory_space<vmem_shared>>
    %dma_wait3A_114 = arith.constant 0 : i32
    %dma_wait3A_115 = tpu.memref_slice %arg12[%add3A_111, %dma_wait3A_114] : memref<10240x128xf32, #tpu.memory_space<vmem_shared>> -> memref<80x128xf32, #tpu.memory_space<vmem_shared>>
    tpu.wait_dma2 semaphore(%arg15 : memref<!tpu.dma_semaphore, #tpu.memory_space<semaphore_mem>>) src(%arg10 : memref<80x128xf32, #tpu.memory_space<vmem>>) dst(%dma_wait3A_115 : memref<80x128xf32, #tpu.memory_space<vmem_shared>>)
    %mul3A_116 = arith.constant 640 : i32
    %mul3A_117 = arith.muli %arg1, %mul3A_116 : i32
    %add3A_118 = arith.constant 560 : i32
    %add3A_119 = arith.addi %mul3A_117, %add3A_118 : i32
    %dma_wait3A_120 = arith.constant 0 : i32
    %dma_wait3A_121 = tpu.memref_slice %arg12[%add3A_119, %dma_wait3A_120] : memref<10240x128xf32, #tpu.memory_space<vmem_shared>> -> memref<80x128xf32, #tpu.memory_space<vmem_shared>>
    %dma_wait3A_122 = arith.constant 0 : i32
    %dma_wait3A_123 = tpu.memref_slice %arg12[%add3A_119, %dma_wait3A_122] : memref<10240x128xf32, #tpu.memory_space<vmem_shared>> -> memref<80x128xf32, #tpu.memory_space<vmem_shared>>
    tpu.wait_dma2 semaphore(%arg15 : memref<!tpu.dma_semaphore, #tpu.memory_space<semaphore_mem>>) src(%arg10 : memref<80x128xf32, #tpu.memory_space<vmem>>) dst(%dma_wait3A_123 : memref<80x128xf32, #tpu.memory_space<vmem_shared>>)
    %barrier3A = arith.constant 0 : index
    tpu.barrier barrier_id(%barrier3A)
    %mul3A_124 = arith.constant 160000 : i32
    %mul3A_125 = arith.muli %arg0, %mul3A_124 : i32
    %mul3A_126 = arith.constant 10000 : i32
    %mul3A_127 = arith.muli %arg1, %mul3A_126 : i32
    %add3A_128 = arith.addi %mul3A_125, %mul3A_127 : i32
    %add3A_129 = arith.constant 0 : i32
    %add3A_130 = arith.addi %add3A_128, %add3A_129 : i32
    %dma_start3A_131 = tpu.memref_slice %arg3[%add3A_130] : memref<320000xi32, #tpu.memory_space<hbm>> -> memref<80xi32, #tpu.memory_space<hbm>>
    %dma_start3A_132 = tpu.memref_slice %arg3[%add3A_130] : memref<320000xi32, #tpu.memory_space<hbm>> -> memref<80xi32, #tpu.memory_space<hbm>>
    tpu.enqueue_dma source(%dma_start3A_132 : memref<80xi32, #tpu.memory_space<hbm>>) target(%arg8 : memref<80xi32, #tpu.memory_space<vmem>>) target_semaphore(%arg13 : memref<!tpu.dma_semaphore, #tpu.memory_space<semaphore_mem>>)
    %mul3A_133 = arith.constant 160000 : i32
    %mul3A_134 = arith.muli %arg0, %mul3A_133 : i32
    %mul3A_135 = arith.constant 10000 : i32
    %mul3A_136 = arith.muli %arg1, %mul3A_135 : i32
    %add3A_137 = arith.addi %mul3A_134, %mul3A_136 : i32
    %add3A_138 = arith.constant 0 : i32
    %add3A_139 = arith.addi %add3A_137, %add3A_138 : i32
    %dma_wait3A_140 = tpu.memref_slice %arg3[%add3A_139] : memref<320000xi32, #tpu.memory_space<hbm>> -> memref<80xi32, #tpu.memory_space<hbm>>
    %dma_wait3A_141 = tpu.memref_slice %arg3[%add3A_139] : memref<320000xi32, #tpu.memory_space<hbm>> -> memref<80xi32, #tpu.memory_space<hbm>>
    tpu.wait_dma2 semaphore(%arg13 : memref<!tpu.dma_semaphore, #tpu.memory_space<semaphore_mem>>) src(%dma_wait3A_141 : memref<80xi32, #tpu.memory_space<hbm>>) dst(%arg8 : memref<80xi32, #tpu.memory_space<vmem>>)
    %dma_start3A_142 = arith.constant 0 : i32
    %dma_start3A_143 = arith.constant 0 : i32
    %dma_start3A_144 = tpu.memref_slice %arg2[%dma_start3A_142, %dma_start3A_143] : memref<20480x128xf32, #tpu.memory_space<hbm>> -> memref<20480x128xf32, #tpu.memory_space<hbm>>
    tpu.enqueue_indirect_dma source(%dma_start3A_144 : memref<20480x128xf32, #tpu.memory_space<hbm>>) target(%arg10 : memref<80x128xf32, #tpu.memory_space<vmem>>) offsets(%arg8 : memref<80xi32, #tpu.memory_space<vmem>>) semaphore(%arg15 : memref<!tpu.dma_semaphore, #tpu.memory_space<semaphore_mem>>)
    %mul3A_145 = arith.constant 160000 : i32
    %mul3A_146 = arith.muli %arg0, %mul3A_145 : i32
    %mul3A_147 = arith.constant 10000 : i32
    %mul3A_148 = arith.muli %arg1, %mul3A_147 : i32
    %add3A_149 = arith.addi %mul3A_146, %mul3A_148 : i32
    %add3A_150 = arith.constant 80 : i32
    %add3A_151 = arith.addi %add3A_149, %add3A_150 : i32
    %dma_start3A_152 = tpu.memref_slice %arg3[%add3A_151] : memref<320000xi32, #tpu.memory_space<hbm>> -> memref<80xi32, #tpu.memory_space<hbm>>
    %dma_start3A_153 = tpu.memref_slice %arg3[%add3A_151] : memref<320000xi32, #tpu.memory_space<hbm>> -> memref<80xi32, #tpu.memory_space<hbm>>
    tpu.enqueue_dma source(%dma_start3A_153 : memref<80xi32, #tpu.memory_space<hbm>>) target(%arg9 : memref<80xi32, #tpu.memory_space<vmem>>) target_semaphore(%arg14 : memref<!tpu.dma_semaphore, #tpu.memory_space<semaphore_mem>>)
    %mul3A_154 = arith.constant 160000 : i32
    %mul3A_155 = arith.muli %arg0, %mul3A_154 : i32
    %mul3A_156 = arith.constant 10000 : i32
    %mul3A_157 = arith.muli %arg1, %mul3A_156 : i32
    %add3A_158 = arith.addi %mul3A_155, %mul3A_157 : i32
    %add3A_159 = arith.constant 80 : i32
    %add3A_160 = arith.addi %add3A_158, %add3A_159 : i32
    %dma_wait3A_161 = tpu.memref_slice %arg3[%add3A_160] : memref<320000xi32, #tpu.memory_space<hbm>> -> memref<80xi32, #tpu.memory_space<hbm>>
    %dma_wait3A_162 = tpu.memref_slice %arg3[%add3A_160] : memref<320000xi32, #tpu.memory_space<hbm>> -> memref<80xi32, #tpu.memory_space<hbm>>
    tpu.wait_dma2 semaphore(%arg14 : memref<!tpu.dma_semaphore, #tpu.memory_space<semaphore_mem>>) src(%dma_wait3A_162 : memref<80xi32, #tpu.memory_space<hbm>>) dst(%arg9 : memref<80xi32, #tpu.memory_space<vmem>>)
    %dma_start3A_163 = arith.constant 0 : i32
    %dma_start3A_164 = arith.constant 0 : i32
    %dma_start3A_165 = tpu.memref_slice %arg2[%dma_start3A_163, %dma_start3A_164] : memref<20480x128xf32, #tpu.memory_space<hbm>> -> memref<20480x128xf32, #tpu.memory_space<hbm>>
    tpu.enqueue_indirect_dma source(%dma_start3A_165 : memref<20480x128xf32, #tpu.memory_space<hbm>>) target(%arg11 : memref<80x128xf32, #tpu.memory_space<vmem>>) offsets(%arg9 : memref<80xi32, #tpu.memory_space<vmem>>) semaphore(%arg16 : memref<!tpu.dma_semaphore, #tpu.memory_space<semaphore_mem>>)
    %dma_wait3A_166 = arith.constant 0 : i32
    %dma_wait3A_167 = arith.constant 0 : i32
    %dma_wait3A_168 = tpu.memref_slice %arg2[%dma_wait3A_166, %dma_wait3A_167] : memref<20480x128xf32, #tpu.memory_space<hbm>> -> memref<20480x128xf32, #tpu.memory_space<hbm>>
    tpu.wait_indirect_dma semaphore(%arg15 : memref<!tpu.dma_semaphore, #tpu.memory_space<semaphore_mem>>) src(%dma_wait3A_168 : memref<20480x128xf32, #tpu.memory_space<hbm>>) dst(%arg10 : memref<80x128xf32, #tpu.memory_space<vmem>>)
    %mul3A_169 = arith.constant 160000 : i32
    %mul3A_170 = arith.muli %arg0, %mul3A_169 : i32
    %mul3A_171 = arith.constant 10000 : i32
    %mul3A_172 = arith.muli %arg1, %mul3A_171 : i32
    %add3A_173 = arith.addi %mul3A_170, %mul3A_172 : i32
    %add3A_174 = arith.constant 160 : i32
    %add3A_175 = arith.addi %add3A_173, %add3A_174 : i32
    %dma_start3A_176 = tpu.memref_slice %arg3[%add3A_175] : memref<320000xi32, #tpu.memory_space<hbm>> -> memref<80xi32, #tpu.memory_space<hbm>>
    %dma_start3A_177 = tpu.memref_slice %arg3[%add3A_175] : memref<320000xi32, #tpu.memory_space<hbm>> -> memref<80xi32, #tpu.memory_space<hbm>>
    tpu.enqueue_dma source(%dma_start3A_177 : memref<80xi32, #tpu.memory_space<hbm>>) target(%arg8 : memref<80xi32, #tpu.memory_space<vmem>>) target_semaphore(%arg13 : memref<!tpu.dma_semaphore, #tpu.memory_space<semaphore_mem>>)
    %dma_start3A_178 = arith.constant 0 : i32
    %dma_start3A_179 = arith.constant 0 : i32
    %dma_start3A_180 = tpu.memref_slice %arg7[%dma_start3A_178, %dma_start3A_179] : memref<125x80xi32, #tpu.memory_space<vmem>> -> memref<1x80xi32, #tpu.memory_space<vmem>>
    %dma_start3A_181 = tpu.memref_squeeze %dma_start3A_180 : memref<1x80xi32, #tpu.memory_space<vmem>> -> memref<80xi32, #tpu.memory_space<vmem>>
    %dma_start3A_182 = arith.constant 0 : i32
    %dma_start3A_183 = arith.constant 0 : i32
    %dma_start3A_184 = tpu.memref_slice %arg12[%dma_start3A_182, %dma_start3A_183] : memref<10240x128xf32, #tpu.memory_space<vmem_shared>> -> memref<10240x128xf32, #tpu.memory_space<vmem_shared>>
    tpu.enqueue_indirect_dma source(%arg10 : memref<80x128xf32, #tpu.memory_space<vmem>>) target(%dma_start3A_184 : memref<10240x128xf32, #tpu.memory_space<vmem_shared>>) offsets(%dma_start3A_181 : memref<80xi32, #tpu.memory_space<vmem>>) semaphore(%arg17 : memref<!tpu.dma_semaphore, #tpu.memory_space<semaphore_mem>>) {add = true}
    %scan3A = arith.constant 0 : i32
    %scan3A_185 = arith.constant 0 : i32
    %scan3A_186 = arith.constant 61 : i32
    %scan3A_187 = arith.addi %scan3A_185, %scan3A_186 : i32
    %scan3A_188 = arith.constant 1 : i32
    scf.for %scan3A_532 = %scan3A_185 to %scan3A_187 step %scan3A_188  : i32 {
      %mul3A_533 = arith.constant 2 : i32
      %mul3A_534 = arith.muli %scan3A_532, %mul3A_533 : i32
      %add3A_535 = arith.constant 1 : i32
      %add3A_536 = arith.addi %mul3A_534, %add3A_535 : i32
      %add3A_537 = arith.constant 0 : i32
      %add3A_538 = arith.addi %add3A_536, %add3A_537 : i32
      %add3A_539 = arith.constant 1 : i32
      %add3A_540 = arith.addi %add3A_538, %add3A_539 : i32
      %mul3A_541 = arith.constant 160000 : i32
      %mul3A_542 = arith.muli %arg0, %mul3A_541 : i32
      %mul3A_543 = arith.constant 10000 : i32
      %mul3A_544 = arith.muli %arg1, %mul3A_543 : i32
      %add3A_545 = arith.addi %mul3A_542, %mul3A_544 : i32
      %mul3A_546 = arith.constant 80 : i32
      %mul3A_547 = arith.muli %add3A_540, %mul3A_546 : i32
      %add3A_548 = arith.addi %add3A_545, %mul3A_547 : i32
      %dma_wait3A_549 = tpu.memref_slice %arg3[%add3A_548] : memref<320000xi32, #tpu.memory_space<hbm>> -> memref<80xi32, #tpu.memory_space<hbm>>
      %dma_wait3A_550 = tpu.memref_slice %arg3[%add3A_548] : memref<320000xi32, #tpu.memory_space<hbm>> -> memref<80xi32, #tpu.memory_space<hbm>>
      tpu.wait_dma2 semaphore(%arg13 : memref<!tpu.dma_semaphore, #tpu.memory_space<semaphore_mem>>) src(%dma_wait3A_550 : memref<80xi32, #tpu.memory_space<hbm>>) dst(%arg8 : memref<80xi32, #tpu.memory_space<vmem>>)
      %sub3A = arith.constant 1 : i32
      %sub3A_551 = arith.subi %add3A_538, %sub3A : i32
      %dma_wait3A_552 = arith.constant 0 : i32
      %dma_wait3A_553 = tpu.memref_slice %arg7[%sub3A_551, %dma_wait3A_552] : memref<125x80xi32, #tpu.memory_space<vmem>> -> memref<1x80xi32, #tpu.memory_space<vmem>>
      %dma_wait3A_554 = tpu.memref_squeeze %dma_wait3A_553 : memref<1x80xi32, #tpu.memory_space<vmem>> -> memref<80xi32, #tpu.memory_space<vmem>>
      %dma_wait3A_555 = arith.constant 0 : i32
      %dma_wait3A_556 = arith.constant 0 : i32
      %dma_wait3A_557 = tpu.memref_slice %arg12[%dma_wait3A_555, %dma_wait3A_556] : memref<10240x128xf32, #tpu.memory_space<vmem_shared>> -> memref<10240x128xf32, #tpu.memory_space<vmem_shared>>
      tpu.wait_indirect_dma semaphore(%arg17 : memref<!tpu.dma_semaphore, #tpu.memory_space<semaphore_mem>>) src(%arg10 : memref<80x128xf32, #tpu.memory_space<vmem>>) dst(%dma_wait3A_557 : memref<10240x128xf32, #tpu.memory_space<vmem_shared>>)
      %dma_start3A_558 = arith.constant 0 : i32
      %dma_start3A_559 = arith.constant 0 : i32
      %dma_start3A_560 = tpu.memref_slice %arg2[%dma_start3A_558, %dma_start3A_559] : memref<20480x128xf32, #tpu.memory_space<hbm>> -> memref<20480x128xf32, #tpu.memory_space<hbm>>
      tpu.enqueue_indirect_dma source(%dma_start3A_560 : memref<20480x128xf32, #tpu.memory_space<hbm>>) target(%arg10 : memref<80x128xf32, #tpu.memory_space<vmem>>) offsets(%arg8 : memref<80xi32, #tpu.memory_space<vmem>>) semaphore(%arg15 : memref<!tpu.dma_semaphore, #tpu.memory_space<semaphore_mem>>)
      %dma_wait3A_561 = arith.constant 0 : i32
      %dma_wait3A_562 = arith.constant 0 : i32
      %dma_wait3A_563 = tpu.memref_slice %arg2[%dma_wait3A_561, %dma_wait3A_562] : memref<20480x128xf32, #tpu.memory_space<hbm>> -> memref<20480x128xf32, #tpu.memory_space<hbm>>
      tpu.wait_indirect_dma semaphore(%arg16 : memref<!tpu.dma_semaphore, #tpu.memory_space<semaphore_mem>>) src(%dma_wait3A_563 : memref<20480x128xf32, #tpu.memory_space<hbm>>) dst(%arg11 : memref<80x128xf32, #tpu.memory_space<vmem>>)
      %add3A_564 = arith.constant 2 : i32
      %add3A_565 = arith.addi %add3A_538, %add3A_564 : i32
      %mul3A_566 = arith.constant 160000 : i32
      %mul3A_567 = arith.muli %arg0, %mul3A_566 : i32
      %mul3A_568 = arith.constant 10000 : i32
      %mul3A_569 = arith.muli %arg1, %mul3A_568 : i32
      %add3A_570 = arith.addi %mul3A_567, %mul3A_569 : i32
      %mul3A_571 = arith.constant 80 : i32
      %mul3A_572 = arith.muli %add3A_565, %mul3A_571 : i32
      %add3A_573 = arith.addi %add3A_570, %mul3A_572 : i32
      %dma_start3A_574 = tpu.memref_slice %arg3[%add3A_573] : memref<320000xi32, #tpu.memory_space<hbm>> -> memref<80xi32, #tpu.memory_space<hbm>>
      %dma_start3A_575 = tpu.memref_slice %arg3[%add3A_573] : memref<320000xi32, #tpu.memory_space<hbm>> -> memref<80xi32, #tpu.memory_space<hbm>>
      tpu.enqueue_dma source(%dma_start3A_575 : memref<80xi32, #tpu.memory_space<hbm>>) target(%arg9 : memref<80xi32, #tpu.memory_space<vmem>>) target_semaphore(%arg14 : memref<!tpu.dma_semaphore, #tpu.memory_space<semaphore_mem>>)
      %dma_start3A_576 = arith.constant 0 : i32
      %dma_start3A_577 = tpu.memref_slice %arg7[%add3A_538, %dma_start3A_576] : memref<125x80xi32, #tpu.memory_space<vmem>> -> memref<1x80xi32, #tpu.memory_space<vmem>>
      %dma_start3A_578 = tpu.memref_squeeze %dma_start3A_577 : memref<1x80xi32, #tpu.memory_space<vmem>> -> memref<80xi32, #tpu.memory_space<vmem>>
      %dma_start3A_579 = arith.constant 0 : i32
      %dma_start3A_580 = arith.constant 0 : i32
      %dma_start3A_581 = tpu.memref_slice %arg12[%dma_start3A_579, %dma_start3A_580] : memref<10240x128xf32, #tpu.memory_space<vmem_shared>> -> memref<10240x128xf32, #tpu.memory_space<vmem_shared>>
      tpu.enqueue_indirect_dma source(%arg11 : memref<80x128xf32, #tpu.memory_space<vmem>>) target(%dma_start3A_581 : memref<10240x128xf32, #tpu.memory_space<vmem_shared>>) offsets(%dma_start3A_578 : memref<80xi32, #tpu.memory_space<vmem>>) semaphore(%arg18 : memref<!tpu.dma_semaphore, #tpu.memory_space<semaphore_mem>>) {add = true}
      %mul3A_582 = arith.constant 2 : i32
      %mul3A_583 = arith.muli %scan3A_532, %mul3A_582 : i32
      %add3A_584 = arith.constant 1 : i32
      %add3A_585 = arith.addi %mul3A_583, %add3A_584 : i32
      %add3A_586 = arith.constant 1 : i32
      %add3A_587 = arith.addi %add3A_585, %add3A_586 : i32
      %add3A_588 = arith.constant 1 : i32
      %add3A_589 = arith.addi %add3A_587, %add3A_588 : i32
      %mul3A_590 = arith.constant 160000 : i32
      %mul3A_591 = arith.muli %arg0, %mul3A_590 : i32
      %mul3A_592 = arith.constant 10000 : i32
      %mul3A_593 = arith.muli %arg1, %mul3A_592 : i32
      %add3A_594 = arith.addi %mul3A_591, %mul3A_593 : i32
      %mul3A_595 = arith.constant 80 : i32
      %mul3A_596 = arith.muli %add3A_589, %mul3A_595 : i32
      %add3A_597 = arith.addi %add3A_594, %mul3A_596 : i32
      %dma_wait3A_598 = tpu.memref_slice %arg3[%add3A_597] : memref<320000xi32, #tpu.memory_space<hbm>> -> memref<80xi32, #tpu.memory_space<hbm>>
      %dma_wait3A_599 = tpu.memref_slice %arg3[%add3A_597] : memref<320000xi32, #tpu.memory_space<hbm>> -> memref<80xi32, #tpu.memory_space<hbm>>
      tpu.wait_dma2 semaphore(%arg14 : memref<!tpu.dma_semaphore, #tpu.memory_space<semaphore_mem>>) src(%dma_wait3A_599 : memref<80xi32, #tpu.memory_space<hbm>>) dst(%arg9 : memref<80xi32, #tpu.memory_space<vmem>>)
      %sub3A_600 = arith.constant 1 : i32
      %sub3A_601 = arith.subi %add3A_587, %sub3A_600 : i32
      %dma_wait3A_602 = arith.constant 0 : i32
      %dma_wait3A_603 = tpu.memref_slice %arg7[%sub3A_601, %dma_wait3A_602] : memref<125x80xi32, #tpu.memory_space<vmem>> -> memref<1x80xi32, #tpu.memory_space<vmem>>
      %dma_wait3A_604 = tpu.memref_squeeze %dma_wait3A_603 : memref<1x80xi32, #tpu.memory_space<vmem>> -> memref<80xi32, #tpu.memory_space<vmem>>
      %dma_wait3A_605 = arith.constant 0 : i32
      %dma_wait3A_606 = arith.constant 0 : i32
      %dma_wait3A_607 = tpu.memref_slice %arg12[%dma_wait3A_605, %dma_wait3A_606] : memref<10240x128xf32, #tpu.memory_space<vmem_shared>> -> memref<10240x128xf32, #tpu.memory_space<vmem_shared>>
      tpu.wait_indirect_dma semaphore(%arg18 : memref<!tpu.dma_semaphore, #tpu.memory_space<semaphore_mem>>) src(%arg11 : memref<80x128xf32, #tpu.memory_space<vmem>>) dst(%dma_wait3A_607 : memref<10240x128xf32, #tpu.memory_space<vmem_shared>>)
      %dma_start3A_608 = arith.constant 0 : i32
      %dma_start3A_609 = arith.constant 0 : i32
      %dma_start3A_610 = tpu.memref_slice %arg2[%dma_start3A_608, %dma_start3A_609] : memref<20480x128xf32, #tpu.memory_space<hbm>> -> memref<20480x128xf32, #tpu.memory_space<hbm>>
      tpu.enqueue_indirect_dma source(%dma_start3A_610 : memref<20480x128xf32, #tpu.memory_space<hbm>>) target(%arg11 : memref<80x128xf32, #tpu.memory_space<vmem>>) offsets(%arg9 : memref<80xi32, #tpu.memory_space<vmem>>) semaphore(%arg16 : memref<!tpu.dma_semaphore, #tpu.memory_space<semaphore_mem>>)
      %dma_wait3A_611 = arith.constant 0 : i32
      %dma_wait3A_612 = arith.constant 0 : i32
      %dma_wait3A_613 = tpu.memref_slice %arg2[%dma_wait3A_611, %dma_wait3A_612] : memref<20480x128xf32, #tpu.memory_space<hbm>> -> memref<20480x128xf32, #tpu.memory_space<hbm>>
      tpu.wait_indirect_dma semaphore(%arg15 : memref<!tpu.dma_semaphore, #tpu.memory_space<semaphore_mem>>) src(%dma_wait3A_613 : memref<20480x128xf32, #tpu.memory_space<hbm>>) dst(%arg10 : memref<80x128xf32, #tpu.memory_space<vmem>>)
      %add3A_614 = arith.constant 2 : i32
      %add3A_615 = arith.addi %add3A_587, %add3A_614 : i32
      %mul3A_616 = arith.constant 160000 : i32
      %mul3A_617 = arith.muli %arg0, %mul3A_616 : i32
      %mul3A_618 = arith.constant 10000 : i32
      %mul3A_619 = arith.muli %arg1, %mul3A_618 : i32
      %add3A_620 = arith.addi %mul3A_617, %mul3A_619 : i32
      %mul3A_621 = arith.constant 80 : i32
      %mul3A_622 = arith.muli %add3A_615, %mul3A_621 : i32
      %add3A_623 = arith.addi %add3A_620, %mul3A_622 : i32
      %dma_start3A_624 = tpu.memref_slice %arg3[%add3A_623] : memref<320000xi32, #tpu.memory_space<hbm>> -> memref<80xi32, #tpu.memory_space<hbm>>
      %dma_start3A_625 = tpu.memref_slice %arg3[%add3A_623] : memref<320000xi32, #tpu.memory_space<hbm>> -> memref<80xi32, #tpu.memory_space<hbm>>
      tpu.enqueue_dma source(%dma_start3A_625 : memref<80xi32, #tpu.memory_space<hbm>>) target(%arg8 : memref<80xi32, #tpu.memory_space<vmem>>) target_semaphore(%arg13 : memref<!tpu.dma_semaphore, #tpu.memory_space<semaphore_mem>>)
      %dma_start3A_626 = arith.constant 0 : i32
      %dma_start3A_627 = tpu.memref_slice %arg7[%add3A_587, %dma_start3A_626] : memref<125x80xi32, #tpu.memory_space<vmem>> -> memref<1x80xi32, #tpu.memory_space<vmem>>
      %dma_start3A_628 = tpu.memref_squeeze %dma_start3A_627 : memref<1x80xi32, #tpu.memory_space<vmem>> -> memref<80xi32, #tpu.memory_space<vmem>>
      %dma_start3A_629 = arith.constant 0 : i32
      %dma_start3A_630 = arith.constant 0 : i32
      %dma_start3A_631 = tpu.memref_slice %arg12[%dma_start3A_629, %dma_start3A_630] : memref<10240x128xf32, #tpu.memory_space<vmem_shared>> -> memref<10240x128xf32, #tpu.memory_space<vmem_shared>>
      tpu.enqueue_indirect_dma source(%arg10 : memref<80x128xf32, #tpu.memory_space<vmem>>) target(%dma_start3A_631 : memref<10240x128xf32, #tpu.memory_space<vmem_shared>>) offsets(%dma_start3A_628 : memref<80xi32, #tpu.memory_space<vmem>>) semaphore(%arg17 : memref<!tpu.dma_semaphore, #tpu.memory_space<semaphore_mem>>) {add = true}
    }
    %scan3A_189 = arith.constant 61 : i32
    %mul3A_190 = arith.constant 160000 : i32
    %mul3A_191 = arith.muli %arg0, %mul3A_190 : i32
    %mul3A_192 = arith.constant 10000 : i32
    %mul3A_193 = arith.muli %arg1, %mul3A_192 : i32
    %add3A_194 = arith.addi %mul3A_191, %mul3A_193 : i32
    %add3A_195 = arith.constant 9920 : i32
    %add3A_196 = arith.addi %add3A_194, %add3A_195 : i32
    %dma_wait3A_197 = tpu.memref_slice %arg3[%add3A_196] : memref<320000xi32, #tpu.memory_space<hbm>> -> memref<80xi32, #tpu.memory_space<hbm>>
    %dma_wait3A_198 = tpu.memref_slice %arg3[%add3A_196] : memref<320000xi32, #tpu.memory_space<hbm>> -> memref<80xi32, #tpu.memory_space<hbm>>
    tpu.wait_dma2 semaphore(%arg13 : memref<!tpu.dma_semaphore, #tpu.memory_space<semaphore_mem>>) src(%dma_wait3A_198 : memref<80xi32, #tpu.memory_space<hbm>>) dst(%arg8 : memref<80xi32, #tpu.memory_space<vmem>>)
    %dma_wait3A_199 = arith.constant 122 : i32
    %dma_wait3A_200 = arith.constant 0 : i32
    %dma_wait3A_201 = tpu.memref_slice %arg7[%dma_wait3A_199, %dma_wait3A_200] : memref<125x80xi32, #tpu.memory_space<vmem>> -> memref<1x80xi32, #tpu.memory_space<vmem>>
    %dma_wait3A_202 = tpu.memref_squeeze %dma_wait3A_201 : memref<1x80xi32, #tpu.memory_space<vmem>> -> memref<80xi32, #tpu.memory_space<vmem>>
    %dma_wait3A_203 = arith.constant 0 : i32
    %dma_wait3A_204 = arith.constant 0 : i32
    %dma_wait3A_205 = tpu.memref_slice %arg12[%dma_wait3A_203, %dma_wait3A_204] : memref<10240x128xf32, #tpu.memory_space<vmem_shared>> -> memref<10240x128xf32, #tpu.memory_space<vmem_shared>>
    tpu.wait_indirect_dma semaphore(%arg17 : memref<!tpu.dma_semaphore, #tpu.memory_space<semaphore_mem>>) src(%arg10 : memref<80x128xf32, #tpu.memory_space<vmem>>) dst(%dma_wait3A_205 : memref<10240x128xf32, #tpu.memory_space<vmem_shared>>)
    %dma_start3A_206 = arith.constant 0 : i32
    %dma_start3A_207 = arith.constant 0 : i32
    %dma_start3A_208 = tpu.memref_slice %arg2[%dma_start3A_206, %dma_start3A_207] : memref<20480x128xf32, #tpu.memory_space<hbm>> -> memref<20480x128xf32, #tpu.memory_space<hbm>>
    tpu.enqueue_indirect_dma source(%dma_start3A_208 : memref<20480x128xf32, #tpu.memory_space<hbm>>) target(%arg10 : memref<80x128xf32, #tpu.memory_space<vmem>>) offsets(%arg8 : memref<80xi32, #tpu.memory_space<vmem>>) semaphore(%arg15 : memref<!tpu.dma_semaphore, #tpu.memory_space<semaphore_mem>>)
    %dma_wait3A_209 = arith.constant 0 : i32
    %dma_wait3A_210 = arith.constant 0 : i32
    %dma_wait3A_211 = tpu.memref_slice %arg2[%dma_wait3A_209, %dma_wait3A_210] : memref<20480x128xf32, #tpu.memory_space<hbm>> -> memref<20480x128xf32, #tpu.memory_space<hbm>>
    tpu.wait_indirect_dma semaphore(%arg16 : memref<!tpu.dma_semaphore, #tpu.memory_space<semaphore_mem>>) src(%dma_wait3A_211 : memref<20480x128xf32, #tpu.memory_space<hbm>>) dst(%arg11 : memref<80x128xf32, #tpu.memory_space<vmem>>)
    %dma_start3A_212 = arith.constant 123 : i32
    %dma_start3A_213 = arith.constant 0 : i32
    %dma_start3A_214 = tpu.memref_slice %arg7[%dma_start3A_212, %dma_start3A_213] : memref<125x80xi32, #tpu.memory_space<vmem>> -> memref<1x80xi32, #tpu.memory_space<vmem>>
    %dma_start3A_215 = tpu.memref_squeeze %dma_start3A_214 : memref<1x80xi32, #tpu.memory_space<vmem>> -> memref<80xi32, #tpu.memory_space<vmem>>
    %dma_start3A_216 = arith.constant 0 : i32
    %dma_start3A_217 = arith.constant 0 : i32
    %dma_start3A_218 = tpu.memref_slice %arg12[%dma_start3A_216, %dma_start3A_217] : memref<10240x128xf32, #tpu.memory_space<vmem_shared>> -> memref<10240x128xf32, #tpu.memory_space<vmem_shared>>
    tpu.enqueue_indirect_dma source(%arg11 : memref<80x128xf32, #tpu.memory_space<vmem>>) target(%dma_start3A_218 : memref<10240x128xf32, #tpu.memory_space<vmem_shared>>) offsets(%dma_start3A_215 : memref<80xi32, #tpu.memory_space<vmem>>) semaphore(%arg18 : memref<!tpu.dma_semaphore, #tpu.memory_space<semaphore_mem>>) {add = true}
    %dma_wait3A_219 = arith.constant 0 : i32
    %dma_wait3A_220 = arith.constant 0 : i32
    %dma_wait3A_221 = tpu.memref_slice %arg2[%dma_wait3A_219, %dma_wait3A_220] : memref<20480x128xf32, #tpu.memory_space<hbm>> -> memref<20480x128xf32, #tpu.memory_space<hbm>>
    tpu.wait_indirect_dma semaphore(%arg15 : memref<!tpu.dma_semaphore, #tpu.memory_space<semaphore_mem>>) src(%dma_wait3A_221 : memref<20480x128xf32, #tpu.memory_space<hbm>>) dst(%arg10 : memref<80x128xf32, #tpu.memory_space<vmem>>)
    %dma_start3A_222 = arith.constant 124 : i32
    %dma_start3A_223 = arith.constant 0 : i32
    %dma_start3A_224 = tpu.memref_slice %arg7[%dma_start3A_222, %dma_start3A_223] : memref<125x80xi32, #tpu.memory_space<vmem>> -> memref<1x80xi32, #tpu.memory_space<vmem>>
    %dma_start3A_225 = tpu.memref_squeeze %dma_start3A_224 : memref<1x80xi32, #tpu.memory_space<vmem>> -> memref<80xi32, #tpu.memory_space<vmem>>
    %dma_start3A_226 = arith.constant 0 : i32
    %dma_start3A_227 = arith.constant 0 : i32
    %dma_start3A_228 = tpu.memref_slice %arg12[%dma_start3A_226, %dma_start3A_227] : memref<10240x128xf32, #tpu.memory_space<vmem_shared>> -> memref<10240x128xf32, #tpu.memory_space<vmem_shared>>
    tpu.enqueue_indirect_dma source(%arg10 : memref<80x128xf32, #tpu.memory_space<vmem>>) target(%dma_start3A_228 : memref<10240x128xf32, #tpu.memory_space<vmem_shared>>) offsets(%dma_start3A_225 : memref<80xi32, #tpu.memory_space<vmem>>) semaphore(%arg17 : memref<!tpu.dma_semaphore, #tpu.memory_space<semaphore_mem>>) {add = true}
    %dma_wait3A_229 = arith.constant 123 : i32
    %dma_wait3A_230 = arith.constant 0 : i32
    %dma_wait3A_231 = tpu.memref_slice %arg7[%dma_wait3A_229, %dma_wait3A_230] : memref<125x80xi32, #tpu.memory_space<vmem>> -> memref<1x80xi32, #tpu.memory_space<vmem>>
    %dma_wait3A_232 = tpu.memref_squeeze %dma_wait3A_231 : memref<1x80xi32, #tpu.memory_space<vmem>> -> memref<80xi32, #tpu.memory_space<vmem>>
    %dma_wait3A_233 = arith.constant 0 : i32
    %dma_wait3A_234 = arith.constant 0 : i32
    %dma_wait3A_235 = tpu.memref_slice %arg12[%dma_wait3A_233, %dma_wait3A_234] : memref<10240x128xf32, #tpu.memory_space<vmem_shared>> -> memref<10240x128xf32, #tpu.memory_space<vmem_shared>>
    tpu.wait_indirect_dma semaphore(%arg18 : memref<!tpu.dma_semaphore, #tpu.memory_space<semaphore_mem>>) src(%arg11 : memref<80x128xf32, #tpu.memory_space<vmem>>) dst(%dma_wait3A_235 : memref<10240x128xf32, #tpu.memory_space<vmem_shared>>)
    %dma_wait3A_236 = arith.constant 124 : i32
    %dma_wait3A_237 = arith.constant 0 : i32
    %dma_wait3A_238 = tpu.memref_slice %arg7[%dma_wait3A_236, %dma_wait3A_237] : memref<125x80xi32, #tpu.memory_space<vmem>> -> memref<1x80xi32, #tpu.memory_space<vmem>>
    %dma_wait3A_239 = tpu.memref_squeeze %dma_wait3A_238 : memref<1x80xi32, #tpu.memory_space<vmem>> -> memref<80xi32, #tpu.memory_space<vmem>>
    %dma_wait3A_240 = arith.constant 0 : i32
    %dma_wait3A_241 = arith.constant 0 : i32
    %dma_wait3A_242 = tpu.memref_slice %arg12[%dma_wait3A_240, %dma_wait3A_241] : memref<10240x128xf32, #tpu.memory_space<vmem_shared>> -> memref<10240x128xf32, #tpu.memory_space<vmem_shared>>
    tpu.wait_indirect_dma semaphore(%arg17 : memref<!tpu.dma_semaphore, #tpu.memory_space<semaphore_mem>>) src(%arg10 : memref<80x128xf32, #tpu.memory_space<vmem>>) dst(%dma_wait3A_242 : memref<10240x128xf32, #tpu.memory_space<vmem_shared>>)
    %barrier3A_243 = arith.constant 0 : index
    tpu.barrier barrier_id(%barrier3A_243)
    %mul3A_244 = arith.constant 640 : i32
    %mul3A_245 = arith.muli %arg1, %mul3A_244 : i32
    %add3A_246 = arith.constant 0 : i32
    %add3A_247 = arith.addi %mul3A_245, %add3A_246 : i32
    "tpu.region"() ({
      %run_scoped3A = tpu.sem_alloc : memref<!tpu.dma_semaphore, #tpu.memory_space<semaphore_mem>>
      %dma_start3A_532 = arith.constant 0 : i32
      %dma_start3A_533 = tpu.memref_slice %arg12[%add3A_247, %dma_start3A_532] : memref<10240x128xf32, #tpu.memory_space<vmem_shared>> -> memref<80x128xf32, #tpu.memory_space<vmem_shared>>
      %dma_start3A_534 = arith.constant 0 : i32
      %dma_start3A_535 = tpu.memref_slice %arg12[%add3A_247, %dma_start3A_534] : memref<10240x128xf32, #tpu.memory_space<vmem_shared>> -> memref<80x128xf32, #tpu.memory_space<vmem_shared>>
      tpu.enqueue_dma source(%dma_start3A_535 : memref<80x128xf32, #tpu.memory_space<vmem_shared>>) target(%arg10 : memref<80x128xf32, #tpu.memory_space<vmem>>) target_semaphore(%run_scoped3A : memref<!tpu.dma_semaphore, #tpu.memory_space<semaphore_mem>>)
      %dma_wait3A_536 = arith.constant 0 : i32
      %dma_wait3A_537 = tpu.memref_slice %arg12[%add3A_247, %dma_wait3A_536] : memref<10240x128xf32, #tpu.memory_space<vmem_shared>> -> memref<80x128xf32, #tpu.memory_space<vmem_shared>>
      %dma_wait3A_538 = arith.constant 0 : i32
      %dma_wait3A_539 = tpu.memref_slice %arg12[%add3A_247, %dma_wait3A_538] : memref<10240x128xf32, #tpu.memory_space<vmem_shared>> -> memref<80x128xf32, #tpu.memory_space<vmem_shared>>
      tpu.wait_dma2 semaphore(%run_scoped3A : memref<!tpu.dma_semaphore, #tpu.memory_space<semaphore_mem>>) src(%dma_wait3A_539 : memref<80x128xf32, #tpu.memory_space<vmem_shared>>) dst(%arg10 : memref<80x128xf32, #tpu.memory_space<vmem>>)
      tpu.yield
    }) : () -> ()
    %mul3A_248 = arith.constant 640 : i32
    %mul3A_249 = arith.muli %arg1, %mul3A_248 : i32
    %add3A_250 = arith.constant 0 : i32
    %add3A_251 = arith.addi %mul3A_249, %add3A_250 : i32
    %dma_start3A_252 = arith.constant 0 : i32
    %dma_start3A_253 = arith.constant 0 : i32
    %dma_start3A_254 = tpu.memref_slice %arg6[%arg0, %dma_start3A_252, %dma_start3A_253] : memref<2x10240x128xf32, #tpu.memory_space<hbm>> -> memref<1x10240x128xf32, #tpu.memory_space<hbm>>
    %dma_start3A_255 = tpu.memref_squeeze %dma_start3A_254 : memref<1x10240x128xf32, #tpu.memory_space<hbm>> -> memref<10240x128xf32, #tpu.memory_space<hbm>>
    %dma_start3A_256 = arith.constant 0 : i32
    %dma_start3A_257 = tpu.memref_slice %dma_start3A_255[%add3A_251, %dma_start3A_256] : memref<10240x128xf32, #tpu.memory_space<hbm>> -> memref<80x128xf32, #tpu.memory_space<hbm>>
    %dma_start3A_258 = arith.constant 0 : i32
    %dma_start3A_259 = arith.constant 0 : i32
    %dma_start3A_260 = tpu.memref_slice %arg6[%arg0, %dma_start3A_258, %dma_start3A_259] : memref<2x10240x128xf32, #tpu.memory_space<hbm>> -> memref<1x10240x128xf32, #tpu.memory_space<hbm>>
    %dma_start3A_261 = tpu.memref_squeeze %dma_start3A_260 : memref<1x10240x128xf32, #tpu.memory_space<hbm>> -> memref<10240x128xf32, #tpu.memory_space<hbm>>
    %dma_start3A_262 = arith.constant 0 : i32
    %dma_start3A_263 = tpu.memref_slice %dma_start3A_261[%add3A_251, %dma_start3A_262] : memref<10240x128xf32, #tpu.memory_space<hbm>> -> memref<80x128xf32, #tpu.memory_space<hbm>>
    tpu.enqueue_dma source(%arg10 : memref<80x128xf32, #tpu.memory_space<vmem>>) target(%dma_start3A_263 : memref<80x128xf32, #tpu.memory_space<hbm>>) target_semaphore(%arg15 : memref<!tpu.dma_semaphore, #tpu.memory_space<semaphore_mem>>)
    %mul3A_264 = arith.constant 640 : i32
    %mul3A_265 = arith.muli %arg1, %mul3A_264 : i32
    %add3A_266 = arith.constant 80 : i32
    %add3A_267 = arith.addi %mul3A_265, %add3A_266 : i32
    "tpu.region"() ({
      %run_scoped3A = tpu.sem_alloc : memref<!tpu.dma_semaphore, #tpu.memory_space<semaphore_mem>>
      %dma_start3A_532 = arith.constant 0 : i32
      %dma_start3A_533 = tpu.memref_slice %arg12[%add3A_267, %dma_start3A_532] : memref<10240x128xf32, #tpu.memory_space<vmem_shared>> -> memref<80x128xf32, #tpu.memory_space<vmem_shared>>
      %dma_start3A_534 = arith.constant 0 : i32
      %dma_start3A_535 = tpu.memref_slice %arg12[%add3A_267, %dma_start3A_534] : memref<10240x128xf32, #tpu.memory_space<vmem_shared>> -> memref<80x128xf32, #tpu.memory_space<vmem_shared>>
      tpu.enqueue_dma source(%dma_start3A_535 : memref<80x128xf32, #tpu.memory_space<vmem_shared>>) target(%arg11 : memref<80x128xf32, #tpu.memory_space<vmem>>) target_semaphore(%run_scoped3A : memref<!tpu.dma_semaphore, #tpu.memory_space<semaphore_mem>>)
      %dma_wait3A_536 = arith.constant 0 : i32
      %dma_wait3A_537 = tpu.memref_slice %arg12[%add3A_267, %dma_wait3A_536] : memref<10240x128xf32, #tpu.memory_space<vmem_shared>> -> memref<80x128xf32, #tpu.memory_space<vmem_shared>>
      %dma_wait3A_538 = arith.constant 0 : i32
      %dma_wait3A_539 = tpu.memref_slice %arg12[%add3A_267, %dma_wait3A_538] : memref<10240x128xf32, #tpu.memory_space<vmem_shared>> -> memref<80x128xf32, #tpu.memory_space<vmem_shared>>
      tpu.wait_dma2 semaphore(%run_scoped3A : memref<!tpu.dma_semaphore, #tpu.memory_space<semaphore_mem>>) src(%dma_wait3A_539 : memref<80x128xf32, #tpu.memory_space<vmem_shared>>) dst(%arg11 : memref<80x128xf32, #tpu.memory_space<vmem>>)
      tpu.yield
    }) : () -> ()
    %mul3A_268 = arith.constant 640 : i32
    %mul3A_269 = arith.muli %arg1, %mul3A_268 : i32
    %add3A_270 = arith.constant 80 : i32
    %add3A_271 = arith.addi %mul3A_269, %add3A_270 : i32
    %dma_start3A_272 = arith.constant 0 : i32
    %dma_start3A_273 = arith.constant 0 : i32
    %dma_start3A_274 = tpu.memref_slice %arg6[%arg0, %dma_start3A_272, %dma_start3A_273] : memref<2x10240x128xf32, #tpu.memory_space<hbm>> -> memref<1x10240x128xf32, #tpu.memory_space<hbm>>
    %dma_start3A_275 = tpu.memref_squeeze %dma_start3A_274 : memref<1x10240x128xf32, #tpu.memory_space<hbm>> -> memref<10240x128xf32, #tpu.memory_space<hbm>>
    %dma_start3A_276 = arith.constant 0 : i32
    %dma_start3A_277 = tpu.memref_slice %dma_start3A_275[%add3A_271, %dma_start3A_276] : memref<10240x128xf32, #tpu.memory_space<hbm>> -> memref<80x128xf32, #tpu.memory_space<hbm>>
    %dma_start3A_278 = arith.constant 0 : i32
    %dma_start3A_279 = arith.constant 0 : i32
    %dma_start3A_280 = tpu.memref_slice %arg6[%arg0, %dma_start3A_278, %dma_start3A_279] : memref<2x10240x128xf32, #tpu.memory_space<hbm>> -> memref<1x10240x128xf32, #tpu.memory_space<hbm>>
    %dma_start3A_281 = tpu.memref_squeeze %dma_start3A_280 : memref<1x10240x128xf32, #tpu.memory_space<hbm>> -> memref<10240x128xf32, #tpu.memory_space<hbm>>
    %dma_start3A_282 = arith.constant 0 : i32
    %dma_start3A_283 = tpu.memref_slice %dma_start3A_281[%add3A_271, %dma_start3A_282] : memref<10240x128xf32, #tpu.memory_space<hbm>> -> memref<80x128xf32, #tpu.memory_space<hbm>>
    tpu.enqueue_dma source(%arg11 : memref<80x128xf32, #tpu.memory_space<vmem>>) target(%dma_start3A_283 : memref<80x128xf32, #tpu.memory_space<hbm>>) target_semaphore(%arg16 : memref<!tpu.dma_semaphore, #tpu.memory_space<semaphore_mem>>)
    %mul3A_284 = arith.constant 640 : i32
    %mul3A_285 = arith.muli %arg1, %mul3A_284 : i32
    %add3A_286 = arith.constant 0 : i32
    %add3A_287 = arith.addi %mul3A_285, %add3A_286 : i32
    %dma_wait3A_288 = arith.constant 0 : i32
    %dma_wait3A_289 = arith.constant 0 : i32
    %dma_wait3A_290 = tpu.memref_slice %arg6[%arg0, %dma_wait3A_288, %dma_wait3A_289] : memref<2x10240x128xf32, #tpu.memory_space<hbm>> -> memref<1x10240x128xf32, #tpu.memory_space<hbm>>
    %dma_wait3A_291 = tpu.memref_squeeze %dma_wait3A_290 : memref<1x10240x128xf32, #tpu.memory_space<hbm>> -> memref<10240x128xf32, #tpu.memory_space<hbm>>
    %dma_wait3A_292 = arith.constant 0 : i32
    %dma_wait3A_293 = tpu.memref_slice %dma_wait3A_291[%add3A_287, %dma_wait3A_292] : memref<10240x128xf32, #tpu.memory_space<hbm>> -> memref<80x128xf32, #tpu.memory_space<hbm>>
    %dma_wait3A_294 = arith.constant 0 : i32
    %dma_wait3A_295 = arith.constant 0 : i32
    %dma_wait3A_296 = tpu.memref_slice %arg6[%arg0, %dma_wait3A_294, %dma_wait3A_295] : memref<2x10240x128xf32, #tpu.memory_space<hbm>> -> memref<1x10240x128xf32, #tpu.memory_space<hbm>>
    %dma_wait3A_297 = tpu.memref_squeeze %dma_wait3A_296 : memref<1x10240x128xf32, #tpu.memory_space<hbm>> -> memref<10240x128xf32, #tpu.memory_space<hbm>>
    %dma_wait3A_298 = arith.constant 0 : i32
    %dma_wait3A_299 = tpu.memref_slice %dma_wait3A_297[%add3A_287, %dma_wait3A_298] : memref<10240x128xf32, #tpu.memory_space<hbm>> -> memref<80x128xf32, #tpu.memory_space<hbm>>
    tpu.wait_dma2 semaphore(%arg15 : memref<!tpu.dma_semaphore, #tpu.memory_space<semaphore_mem>>) src(%arg10 : memref<80x128xf32, #tpu.memory_space<vmem>>) dst(%dma_wait3A_299 : memref<80x128xf32, #tpu.memory_space<hbm>>)
    %mul3A_300 = arith.constant 640 : i32
    %mul3A_301 = arith.muli %arg1, %mul3A_300 : i32
    %add3A_302 = arith.constant 160 : i32
    %add3A_303 = arith.addi %mul3A_301, %add3A_302 : i32
    "tpu.region"() ({
      %run_scoped3A = tpu.sem_alloc : memref<!tpu.dma_semaphore, #tpu.memory_space<semaphore_mem>>
      %dma_start3A_532 = arith.constant 0 : i32
      %dma_start3A_533 = tpu.memref_slice %arg12[%add3A_303, %dma_start3A_532] : memref<10240x128xf32, #tpu.memory_space<vmem_shared>> -> memref<80x128xf32, #tpu.memory_space<vmem_shared>>
      %dma_start3A_534 = arith.constant 0 : i32
      %dma_start3A_535 = tpu.memref_slice %arg12[%add3A_303, %dma_start3A_534] : memref<10240x128xf32, #tpu.memory_space<vmem_shared>> -> memref<80x128xf32, #tpu.memory_space<vmem_shared>>
      tpu.enqueue_dma source(%dma_start3A_535 : memref<80x128xf32, #tpu.memory_space<vmem_shared>>) target(%arg10 : memref<80x128xf32, #tpu.memory_space<vmem>>) target_semaphore(%run_scoped3A : memref<!tpu.dma_semaphore, #tpu.memory_space<semaphore_mem>>)
      %dma_wait3A_536 = arith.constant 0 : i32
      %dma_wait3A_537 = tpu.memref_slice %arg12[%add3A_303, %dma_wait3A_536] : memref<10240x128xf32, #tpu.memory_space<vmem_shared>> -> memref<80x128xf32, #tpu.memory_space<vmem_shared>>
      %dma_wait3A_538 = arith.constant 0 : i32
      %dma_wait3A_539 = tpu.memref_slice %arg12[%add3A_303, %dma_wait3A_538] : memref<10240x128xf32, #tpu.memory_space<vmem_shared>> -> memref<80x128xf32, #tpu.memory_space<vmem_shared>>
      tpu.wait_dma2 semaphore(%run_scoped3A : memref<!tpu.dma_semaphore, #tpu.memory_space<semaphore_mem>>) src(%dma_wait3A_539 : memref<80x128xf32, #tpu.memory_space<vmem_shared>>) dst(%arg10 : memref<80x128xf32, #tpu.memory_space<vmem>>)
      tpu.yield
    }) : () -> ()
    %mul3A_304 = arith.constant 640 : i32
    %mul3A_305 = arith.muli %arg1, %mul3A_304 : i32
    %add3A_306 = arith.constant 160 : i32
    %add3A_307 = arith.addi %mul3A_305, %add3A_306 : i32
    %dma_start3A_308 = arith.constant 0 : i32
    %dma_start3A_309 = arith.constant 0 : i32
    %dma_start3A_310 = tpu.memref_slice %arg6[%arg0, %dma_start3A_308, %dma_start3A_309] : memref<2x10240x128xf32, #tpu.memory_space<hbm>> -> memref<1x10240x128xf32, #tpu.memory_space<hbm>>
    %dma_start3A_311 = tpu.memref_squeeze %dma_start3A_310 : memref<1x10240x128xf32, #tpu.memory_space<hbm>> -> memref<10240x128xf32, #tpu.memory_space<hbm>>
    %dma_start3A_312 = arith.constant 0 : i32
    %dma_start3A_313 = tpu.memref_slice %dma_start3A_311[%add3A_307, %dma_start3A_312] : memref<10240x128xf32, #tpu.memory_space<hbm>> -> memref<80x128xf32, #tpu.memory_space<hbm>>
    %dma_start3A_314 = arith.constant 0 : i32
    %dma_start3A_315 = arith.constant 0 : i32
    %dma_start3A_316 = tpu.memref_slice %arg6[%arg0, %dma_start3A_314, %dma_start3A_315] : memref<2x10240x128xf32, #tpu.memory_space<hbm>> -> memref<1x10240x128xf32, #tpu.memory_space<hbm>>
    %dma_start3A_317 = tpu.memref_squeeze %dma_start3A_316 : memref<1x10240x128xf32, #tpu.memory_space<hbm>> -> memref<10240x128xf32, #tpu.memory_space<hbm>>
    %dma_start3A_318 = arith.constant 0 : i32
    %dma_start3A_319 = tpu.memref_slice %dma_start3A_317[%add3A_307, %dma_start3A_318] : memref<10240x128xf32, #tpu.memory_space<hbm>> -> memref<80x128xf32, #tpu.memory_space<hbm>>
    tpu.enqueue_dma source(%arg10 : memref<80x128xf32, #tpu.memory_space<vmem>>) target(%dma_start3A_319 : memref<80x128xf32, #tpu.memory_space<hbm>>) target_semaphore(%arg15 : memref<!tpu.dma_semaphore, #tpu.memory_space<semaphore_mem>>)
    %mul3A_320 = arith.constant 640 : i32
    %mul3A_321 = arith.muli %arg1, %mul3A_320 : i32
    %add3A_322 = arith.constant 80 : i32
    %add3A_323 = arith.addi %mul3A_321, %add3A_322 : i32
    %dma_wait3A_324 = arith.constant 0 : i32
    %dma_wait3A_325 = arith.constant 0 : i32
    %dma_wait3A_326 = tpu.memref_slice %arg6[%arg0, %dma_wait3A_324, %dma_wait3A_325] : memref<2x10240x128xf32, #tpu.memory_space<hbm>> -> memref<1x10240x128xf32, #tpu.memory_space<hbm>>
    %dma_wait3A_327 = tpu.memref_squeeze %dma_wait3A_326 : memref<1x10240x128xf32, #tpu.memory_space<hbm>> -> memref<10240x128xf32, #tpu.memory_space<hbm>>
    %dma_wait3A_328 = arith.constant 0 : i32
    %dma_wait3A_329 = tpu.memref_slice %dma_wait3A_327[%add3A_323, %dma_wait3A_328] : memref<10240x128xf32, #tpu.memory_space<hbm>> -> memref<80x128xf32, #tpu.memory_space<hbm>>
    %dma_wait3A_330 = arith.constant 0 : i32
    %dma_wait3A_331 = arith.constant 0 : i32
    %dma_wait3A_332 = tpu.memref_slice %arg6[%arg0, %dma_wait3A_330, %dma_wait3A_331] : memref<2x10240x128xf32, #tpu.memory_space<hbm>> -> memref<1x10240x128xf32, #tpu.memory_space<hbm>>
    %dma_wait3A_333 = tpu.memref_squeeze %dma_wait3A_332 : memref<1x10240x128xf32, #tpu.memory_space<hbm>> -> memref<10240x128xf32, #tpu.memory_space<hbm>>
    %dma_wait3A_334 = arith.constant 0 : i32
    %dma_wait3A_335 = tpu.memref_slice %dma_wait3A_333[%add3A_323, %dma_wait3A_334] : memref<10240x128xf32, #tpu.memory_space<hbm>> -> memref<80x128xf32, #tpu.memory_space<hbm>>
    tpu.wait_dma2 semaphore(%arg16 : memref<!tpu.dma_semaphore, #tpu.memory_space<semaphore_mem>>) src(%arg11 : memref<80x128xf32, #tpu.memory_space<vmem>>) dst(%dma_wait3A_335 : memref<80x128xf32, #tpu.memory_space<hbm>>)
    %mul3A_336 = arith.constant 640 : i32
    %mul3A_337 = arith.muli %arg1, %mul3A_336 : i32
    %add3A_338 = arith.constant 240 : i32
    %add3A_339 = arith.addi %mul3A_337, %add3A_338 : i32
    "tpu.region"() ({
      %run_scoped3A = tpu.sem_alloc : memref<!tpu.dma_semaphore, #tpu.memory_space<semaphore_mem>>
      %dma_start3A_532 = arith.constant 0 : i32
      %dma_start3A_533 = tpu.memref_slice %arg12[%add3A_339, %dma_start3A_532] : memref<10240x128xf32, #tpu.memory_space<vmem_shared>> -> memref<80x128xf32, #tpu.memory_space<vmem_shared>>
      %dma_start3A_534 = arith.constant 0 : i32
      %dma_start3A_535 = tpu.memref_slice %arg12[%add3A_339, %dma_start3A_534] : memref<10240x128xf32, #tpu.memory_space<vmem_shared>> -> memref<80x128xf32, #tpu.memory_space<vmem_shared>>
      tpu.enqueue_dma source(%dma_start3A_535 : memref<80x128xf32, #tpu.memory_space<vmem_shared>>) target(%arg11 : memref<80x128xf32, #tpu.memory_space<vmem>>) target_semaphore(%run_scoped3A : memref<!tpu.dma_semaphore, #tpu.memory_space<semaphore_mem>>)
      %dma_wait3A_536 = arith.constant 0 : i32
      %dma_wait3A_537 = tpu.memref_slice %arg12[%add3A_339, %dma_wait3A_536] : memref<10240x128xf32, #tpu.memory_space<vmem_shared>> -> memref<80x128xf32, #tpu.memory_space<vmem_shared>>
      %dma_wait3A_538 = arith.constant 0 : i32
      %dma_wait3A_539 = tpu.memref_slice %arg12[%add3A_339, %dma_wait3A_538] : memref<10240x128xf32, #tpu.memory_space<vmem_shared>> -> memref<80x128xf32, #tpu.memory_space<vmem_shared>>
      tpu.wait_dma2 semaphore(%run_scoped3A : memref<!tpu.dma_semaphore, #tpu.memory_space<semaphore_mem>>) src(%dma_wait3A_539 : memref<80x128xf32, #tpu.memory_space<vmem_shared>>) dst(%arg11 : memref<80x128xf32, #tpu.memory_space<vmem>>)
      tpu.yield
    }) : () -> ()
    %mul3A_340 = arith.constant 640 : i32
    %mul3A_341 = arith.muli %arg1, %mul3A_340 : i32
    %add3A_342 = arith.constant 240 : i32
    %add3A_343 = arith.addi %mul3A_341, %add3A_342 : i32
    %dma_start3A_344 = arith.constant 0 : i32
    %dma_start3A_345 = arith.constant 0 : i32
    %dma_start3A_346 = tpu.memref_slice %arg6[%arg0, %dma_start3A_344, %dma_start3A_345] : memref<2x10240x128xf32, #tpu.memory_space<hbm>> -> memref<1x10240x128xf32, #tpu.memory_space<hbm>>
    %dma_start3A_347 = tpu.memref_squeeze %dma_start3A_346 : memref<1x10240x128xf32, #tpu.memory_space<hbm>> -> memref<10240x128xf32, #tpu.memory_space<hbm>>
    %dma_start3A_348 = arith.constant 0 : i32
    %dma_start3A_349 = tpu.memref_slice %dma_start3A_347[%add3A_343, %dma_start3A_348] : memref<10240x128xf32, #tpu.memory_space<hbm>> -> memref<80x128xf32, #tpu.memory_space<hbm>>
    %dma_start3A_350 = arith.constant 0 : i32
    %dma_start3A_351 = arith.constant 0 : i32
    %dma_start3A_352 = tpu.memref_slice %arg6[%arg0, %dma_start3A_350, %dma_start3A_351] : memref<2x10240x128xf32, #tpu.memory_space<hbm>> -> memref<1x10240x128xf32, #tpu.memory_space<hbm>>
    %dma_start3A_353 = tpu.memref_squeeze %dma_start3A_352 : memref<1x10240x128xf32, #tpu.memory_space<hbm>> -> memref<10240x128xf32, #tpu.memory_space<hbm>>
    %dma_start3A_354 = arith.constant 0 : i32
    %dma_start3A_355 = tpu.memref_slice %dma_start3A_353[%add3A_343, %dma_start3A_354] : memref<10240x128xf32, #tpu.memory_space<hbm>> -> memref<80x128xf32, #tpu.memory_space<hbm>>
    tpu.enqueue_dma source(%arg11 : memref<80x128xf32, #tpu.memory_space<vmem>>) target(%dma_start3A_355 : memref<80x128xf32, #tpu.memory_space<hbm>>) target_semaphore(%arg16 : memref<!tpu.dma_semaphore, #tpu.memory_space<semaphore_mem>>)
    %mul3A_356 = arith.constant 640 : i32
    %mul3A_357 = arith.muli %arg1, %mul3A_356 : i32
    %add3A_358 = arith.constant 160 : i32
    %add3A_359 = arith.addi %mul3A_357, %add3A_358 : i32
    %dma_wait3A_360 = arith.constant 0 : i32
    %dma_wait3A_361 = arith.constant 0 : i32
    %dma_wait3A_362 = tpu.memref_slice %arg6[%arg0, %dma_wait3A_360, %dma_wait3A_361] : memref<2x10240x128xf32, #tpu.memory_space<hbm>> -> memref<1x10240x128xf32, #tpu.memory_space<hbm>>
    %dma_wait3A_363 = tpu.memref_squeeze %dma_wait3A_362 : memref<1x10240x128xf32, #tpu.memory_space<hbm>> -> memref<10240x128xf32, #tpu.memory_space<hbm>>
    %dma_wait3A_364 = arith.constant 0 : i32
    %dma_wait3A_365 = tpu.memref_slice %dma_wait3A_363[%add3A_359, %dma_wait3A_364] : memref<10240x128xf32, #tpu.memory_space<hbm>> -> memref<80x128xf32, #tpu.memory_space<hbm>>
    %dma_wait3A_366 = arith.constant 0 : i32
    %dma_wait3A_367 = arith.constant 0 : i32
    %dma_wait3A_368 = tpu.memref_slice %arg6[%arg0, %dma_wait3A_366, %dma_wait3A_367] : memref<2x10240x128xf32, #tpu.memory_space<hbm>> -> memref<1x10240x128xf32, #tpu.memory_space<hbm>>
    %dma_wait3A_369 = tpu.memref_squeeze %dma_wait3A_368 : memref<1x10240x128xf32, #tpu.memory_space<hbm>> -> memref<10240x128xf32, #tpu.memory_space<hbm>>
    %dma_wait3A_370 = arith.constant 0 : i32
    %dma_wait3A_371 = tpu.memref_slice %dma_wait3A_369[%add3A_359, %dma_wait3A_370] : memref<10240x128xf32, #tpu.memory_space<hbm>> -> memref<80x128xf32, #tpu.memory_space<hbm>>
    tpu.wait_dma2 semaphore(%arg15 : memref<!tpu.dma_semaphore, #tpu.memory_space<semaphore_mem>>) src(%arg10 : memref<80x128xf32, #tpu.memory_space<vmem>>) dst(%dma_wait3A_371 : memref<80x128xf32, #tpu.memory_space<hbm>>)
    %mul3A_372 = arith.constant 640 : i32
    %mul3A_373 = arith.muli %arg1, %mul3A_372 : i32
    %add3A_374 = arith.constant 320 : i32
    %add3A_375 = arith.addi %mul3A_373, %add3A_374 : i32
    "tpu.region"() ({
      %run_scoped3A = tpu.sem_alloc : memref<!tpu.dma_semaphore, #tpu.memory_space<semaphore_mem>>
      %dma_start3A_532 = arith.constant 0 : i32
      %dma_start3A_533 = tpu.memref_slice %arg12[%add3A_375, %dma_start3A_532] : memref<10240x128xf32, #tpu.memory_space<vmem_shared>> -> memref<80x128xf32, #tpu.memory_space<vmem_shared>>
      %dma_start3A_534 = arith.constant 0 : i32
      %dma_start3A_535 = tpu.memref_slice %arg12[%add3A_375, %dma_start3A_534] : memref<10240x128xf32, #tpu.memory_space<vmem_shared>> -> memref<80x128xf32, #tpu.memory_space<vmem_shared>>
      tpu.enqueue_dma source(%dma_start3A_535 : memref<80x128xf32, #tpu.memory_space<vmem_shared>>) target(%arg10 : memref<80x128xf32, #tpu.memory_space<vmem>>) target_semaphore(%run_scoped3A : memref<!tpu.dma_semaphore, #tpu.memory_space<semaphore_mem>>)
      %dma_wait3A_536 = arith.constant 0 : i32
      %dma_wait3A_537 = tpu.memref_slice %arg12[%add3A_375, %dma_wait3A_536] : memref<10240x128xf32, #tpu.memory_space<vmem_shared>> -> memref<80x128xf32, #tpu.memory_space<vmem_shared>>
      %dma_wait3A_538 = arith.constant 0 : i32
      %dma_wait3A_539 = tpu.memref_slice %arg12[%add3A_375, %dma_wait3A_538] : memref<10240x128xf32, #tpu.memory_space<vmem_shared>> -> memref<80x128xf32, #tpu.memory_space<vmem_shared>>
      tpu.wait_dma2 semaphore(%run_scoped3A : memref<!tpu.dma_semaphore, #tpu.memory_space<semaphore_mem>>) src(%dma_wait3A_539 : memref<80x128xf32, #tpu.memory_space<vmem_shared>>) dst(%arg10 : memref<80x128xf32, #tpu.memory_space<vmem>>)
      tpu.yield
    }) : () -> ()
    %mul3A_376 = arith.constant 640 : i32
    %mul3A_377 = arith.muli %arg1, %mul3A_376 : i32
    %add3A_378 = arith.constant 320 : i32
    %add3A_379 = arith.addi %mul3A_377, %add3A_378 : i32
    %dma_start3A_380 = arith.constant 0 : i32
    %dma_start3A_381 = arith.constant 0 : i32
    %dma_start3A_382 = tpu.memref_slice %arg6[%arg0, %dma_start3A_380, %dma_start3A_381] : memref<2x10240x128xf32, #tpu.memory_space<hbm>> -> memref<1x10240x128xf32, #tpu.memory_space<hbm>>
    %dma_start3A_383 = tpu.memref_squeeze %dma_start3A_382 : memref<1x10240x128xf32, #tpu.memory_space<hbm>> -> memref<10240x128xf32, #tpu.memory_space<hbm>>
    %dma_start3A_384 = arith.constant 0 : i32
    %dma_start3A_385 = tpu.memref_slice %dma_start3A_383[%add3A_379, %dma_start3A_384] : memref<10240x128xf32, #tpu.memory_space<hbm>> -> memref<80x128xf32, #tpu.memory_space<hbm>>
    %dma_start3A_386 = arith.constant 0 : i32
    %dma_start3A_387 = arith.constant 0 : i32
    %dma_start3A_388 = tpu.memref_slice %arg6[%arg0, %dma_start3A_386, %dma_start3A_387] : memref<2x10240x128xf32, #tpu.memory_space<hbm>> -> memref<1x10240x128xf32, #tpu.memory_space<hbm>>
    %dma_start3A_389 = tpu.memref_squeeze %dma_start3A_388 : memref<1x10240x128xf32, #tpu.memory_space<hbm>> -> memref<10240x128xf32, #tpu.memory_space<hbm>>
    %dma_start3A_390 = arith.constant 0 : i32
    %dma_start3A_391 = tpu.memref_slice %dma_start3A_389[%add3A_379, %dma_start3A_390] : memref<10240x128xf32, #tpu.memory_space<hbm>> -> memref<80x128xf32, #tpu.memory_space<hbm>>
    tpu.enqueue_dma source(%arg10 : memref<80x128xf32, #tpu.memory_space<vmem>>) target(%dma_start3A_391 : memref<80x128xf32, #tpu.memory_space<hbm>>) target_semaphore(%arg15 : memref<!tpu.dma_semaphore, #tpu.memory_space<semaphore_mem>>)
    %mul3A_392 = arith.constant 640 : i32
    %mul3A_393 = arith.muli %arg1, %mul3A_392 : i32
    %add3A_394 = arith.constant 240 : i32
    %add3A_395 = arith.addi %mul3A_393, %add3A_394 : i32
    %dma_wait3A_396 = arith.constant 0 : i32
    %dma_wait3A_397 = arith.constant 0 : i32
    %dma_wait3A_398 = tpu.memref_slice %arg6[%arg0, %dma_wait3A_396, %dma_wait3A_397] : memref<2x10240x128xf32, #tpu.memory_space<hbm>> -> memref<1x10240x128xf32, #tpu.memory_space<hbm>>
    %dma_wait3A_399 = tpu.memref_squeeze %dma_wait3A_398 : memref<1x10240x128xf32, #tpu.memory_space<hbm>> -> memref<10240x128xf32, #tpu.memory_space<hbm>>
    %dma_wait3A_400 = arith.constant 0 : i32
    %dma_wait3A_401 = tpu.memref_slice %dma_wait3A_399[%add3A_395, %dma_wait3A_400] : memref<10240x128xf32, #tpu.memory_space<hbm>> -> memref<80x128xf32, #tpu.memory_space<hbm>>
    %dma_wait3A_402 = arith.constant 0 : i32
    %dma_wait3A_403 = arith.constant 0 : i32
    %dma_wait3A_404 = tpu.memref_slice %arg6[%arg0, %dma_wait3A_402, %dma_wait3A_403] : memref<2x10240x128xf32, #tpu.memory_space<hbm>> -> memref<1x10240x128xf32, #tpu.memory_space<hbm>>
    %dma_wait3A_405 = tpu.memref_squeeze %dma_wait3A_404 : memref<1x10240x128xf32, #tpu.memory_space<hbm>> -> memref<10240x128xf32, #tpu.memory_space<hbm>>
    %dma_wait3A_406 = arith.constant 0 : i32
    %dma_wait3A_407 = tpu.memref_slice %dma_wait3A_405[%add3A_395, %dma_wait3A_406] : memref<10240x128xf32, #tpu.memory_space<hbm>> -> memref<80x128xf32, #tpu.memory_space<hbm>>
    tpu.wait_dma2 semaphore(%arg16 : memref<!tpu.dma_semaphore, #tpu.memory_space<semaphore_mem>>) src(%arg11 : memref<80x128xf32, #tpu.memory_space<vmem>>) dst(%dma_wait3A_407 : memref<80x128xf32, #tpu.memory_space<hbm>>)
    %mul3A_408 = arith.constant 640 : i32
    %mul3A_409 = arith.muli %arg1, %mul3A_408 : i32
    %add3A_410 = arith.constant 400 : i32
    %add3A_411 = arith.addi %mul3A_409, %add3A_410 : i32
    "tpu.region"() ({
      %run_scoped3A = tpu.sem_alloc : memref<!tpu.dma_semaphore, #tpu.memory_space<semaphore_mem>>
      %dma_start3A_532 = arith.constant 0 : i32
      %dma_start3A_533 = tpu.memref_slice %arg12[%add3A_411, %dma_start3A_532] : memref<10240x128xf32, #tpu.memory_space<vmem_shared>> -> memref<80x128xf32, #tpu.memory_space<vmem_shared>>
      %dma_start3A_534 = arith.constant 0 : i32
      %dma_start3A_535 = tpu.memref_slice %arg12[%add3A_411, %dma_start3A_534] : memref<10240x128xf32, #tpu.memory_space<vmem_shared>> -> memref<80x128xf32, #tpu.memory_space<vmem_shared>>
      tpu.enqueue_dma source(%dma_start3A_535 : memref<80x128xf32, #tpu.memory_space<vmem_shared>>) target(%arg11 : memref<80x128xf32, #tpu.memory_space<vmem>>) target_semaphore(%run_scoped3A : memref<!tpu.dma_semaphore, #tpu.memory_space<semaphore_mem>>)
      %dma_wait3A_536 = arith.constant 0 : i32
      %dma_wait3A_537 = tpu.memref_slice %arg12[%add3A_411, %dma_wait3A_536] : memref<10240x128xf32, #tpu.memory_space<vmem_shared>> -> memref<80x128xf32, #tpu.memory_space<vmem_shared>>
      %dma_wait3A_538 = arith.constant 0 : i32
      %dma_wait3A_539 = tpu.memref_slice %arg12[%add3A_411, %dma_wait3A_538] : memref<10240x128xf32, #tpu.memory_space<vmem_shared>> -> memref<80x128xf32, #tpu.memory_space<vmem_shared>>
      tpu.wait_dma2 semaphore(%run_scoped3A : memref<!tpu.dma_semaphore, #tpu.memory_space<semaphore_mem>>) src(%dma_wait3A_539 : memref<80x128xf32, #tpu.memory_space<vmem_shared>>) dst(%arg11 : memref<80x128xf32, #tpu.memory_space<vmem>>)
      tpu.yield
    }) : () -> ()
    %mul3A_412 = arith.constant 640 : i32
    %mul3A_413 = arith.muli %arg1, %mul3A_412 : i32
    %add3A_414 = arith.constant 400 : i32
    %add3A_415 = arith.addi %mul3A_413, %add3A_414 : i32
    %dma_start3A_416 = arith.constant 0 : i32
    %dma_start3A_417 = arith.constant 0 : i32
    %dma_start3A_418 = tpu.memref_slice %arg6[%arg0, %dma_start3A_416, %dma_start3A_417] : memref<2x10240x128xf32, #tpu.memory_space<hbm>> -> memref<1x10240x128xf32, #tpu.memory_space<hbm>>
    %dma_start3A_419 = tpu.memref_squeeze %dma_start3A_418 : memref<1x10240x128xf32, #tpu.memory_space<hbm>> -> memref<10240x128xf32, #tpu.memory_space<hbm>>
    %dma_start3A_420 = arith.constant 0 : i32
    %dma_start3A_421 = tpu.memref_slice %dma_start3A_419[%add3A_415, %dma_start3A_420] : memref<10240x128xf32, #tpu.memory_space<hbm>> -> memref<80x128xf32, #tpu.memory_space<hbm>>
    %dma_start3A_422 = arith.constant 0 : i32
    %dma_start3A_423 = arith.constant 0 : i32
    %dma_start3A_424 = tpu.memref_slice %arg6[%arg0, %dma_start3A_422, %dma_start3A_423] : memref<2x10240x128xf32, #tpu.memory_space<hbm>> -> memref<1x10240x128xf32, #tpu.memory_space<hbm>>
    %dma_start3A_425 = tpu.memref_squeeze %dma_start3A_424 : memref<1x10240x128xf32, #tpu.memory_space<hbm>> -> memref<10240x128xf32, #tpu.memory_space<hbm>>
    %dma_start3A_426 = arith.constant 0 : i32
    %dma_start3A_427 = tpu.memref_slice %dma_start3A_425[%add3A_415, %dma_start3A_426] : memref<10240x128xf32, #tpu.memory_space<hbm>> -> memref<80x128xf32, #tpu.memory_space<hbm>>
    tpu.enqueue_dma source(%arg11 : memref<80x128xf32, #tpu.memory_space<vmem>>) target(%dma_start3A_427 : memref<80x128xf32, #tpu.memory_space<hbm>>) target_semaphore(%arg16 : memref<!tpu.dma_semaphore, #tpu.memory_space<semaphore_mem>>)
    %mul3A_428 = arith.constant 640 : i32
    %mul3A_429 = arith.muli %arg1, %mul3A_428 : i32
    %add3A_430 = arith.constant 320 : i32
    %add3A_431 = arith.addi %mul3A_429, %add3A_430 : i32
    %dma_wait3A_432 = arith.constant 0 : i32
    %dma_wait3A_433 = arith.constant 0 : i32
    %dma_wait3A_434 = tpu.memref_slice %arg6[%arg0, %dma_wait3A_432, %dma_wait3A_433] : memref<2x10240x128xf32, #tpu.memory_space<hbm>> -> memref<1x10240x128xf32, #tpu.memory_space<hbm>>
    %dma_wait3A_435 = tpu.memref_squeeze %dma_wait3A_434 : memref<1x10240x128xf32, #tpu.memory_space<hbm>> -> memref<10240x128xf32, #tpu.memory_space<hbm>>
    %dma_wait3A_436 = arith.constant 0 : i32
    %dma_wait3A_437 = tpu.memref_slice %dma_wait3A_435[%add3A_431, %dma_wait3A_436] : memref<10240x128xf32, #tpu.memory_space<hbm>> -> memref<80x128xf32, #tpu.memory_space<hbm>>
    %dma_wait3A_438 = arith.constant 0 : i32
    %dma_wait3A_439 = arith.constant 0 : i32
    %dma_wait3A_440 = tpu.memref_slice %arg6[%arg0, %dma_wait3A_438, %dma_wait3A_439] : memref<2x10240x128xf32, #tpu.memory_space<hbm>> -> memref<1x10240x128xf32, #tpu.memory_space<hbm>>
    %dma_wait3A_441 = tpu.memref_squeeze %dma_wait3A_440 : memref<1x10240x128xf32, #tpu.memory_space<hbm>> -> memref<10240x128xf32, #tpu.memory_space<hbm>>
    %dma_wait3A_442 = arith.constant 0 : i32
    %dma_wait3A_443 = tpu.memref_slice %dma_wait3A_441[%add3A_431, %dma_wait3A_442] : memref<10240x128xf32, #tpu.memory_space<hbm>> -> memref<80x128xf32, #tpu.memory_space<hbm>>
    tpu.wait_dma2 semaphore(%arg15 : memref<!tpu.dma_semaphore, #tpu.memory_space<semaphore_mem>>) src(%arg10 : memref<80x128xf32, #tpu.memory_space<vmem>>) dst(%dma_wait3A_443 : memref<80x128xf32, #tpu.memory_space<hbm>>)
    %mul3A_444 = arith.constant 640 : i32
    %mul3A_445 = arith.muli %arg1, %mul3A_444 : i32
    %add3A_446 = arith.constant 480 : i32
    %add3A_447 = arith.addi %mul3A_445, %add3A_446 : i32
    "tpu.region"() ({
      %run_scoped3A = tpu.sem_alloc : memref<!tpu.dma_semaphore, #tpu.memory_space<semaphore_mem>>
      %dma_start3A_532 = arith.constant 0 : i32
      %dma_start3A_533 = tpu.memref_slice %arg12[%add3A_447, %dma_start3A_532] : memref<10240x128xf32, #tpu.memory_space<vmem_shared>> -> memref<80x128xf32, #tpu.memory_space<vmem_shared>>
      %dma_start3A_534 = arith.constant 0 : i32
      %dma_start3A_535 = tpu.memref_slice %arg12[%add3A_447, %dma_start3A_534] : memref<10240x128xf32, #tpu.memory_space<vmem_shared>> -> memref<80x128xf32, #tpu.memory_space<vmem_shared>>
      tpu.enqueue_dma source(%dma_start3A_535 : memref<80x128xf32, #tpu.memory_space<vmem_shared>>) target(%arg10 : memref<80x128xf32, #tpu.memory_space<vmem>>) target_semaphore(%run_scoped3A : memref<!tpu.dma_semaphore, #tpu.memory_space<semaphore_mem>>)
      %dma_wait3A_536 = arith.constant 0 : i32
      %dma_wait3A_537 = tpu.memref_slice %arg12[%add3A_447, %dma_wait3A_536] : memref<10240x128xf32, #tpu.memory_space<vmem_shared>> -> memref<80x128xf32, #tpu.memory_space<vmem_shared>>
      %dma_wait3A_538 = arith.constant 0 : i32
      %dma_wait3A_539 = tpu.memref_slice %arg12[%add3A_447, %dma_wait3A_538] : memref<10240x128xf32, #tpu.memory_space<vmem_shared>> -> memref<80x128xf32, #tpu.memory_space<vmem_shared>>
      tpu.wait_dma2 semaphore(%run_scoped3A : memref<!tpu.dma_semaphore, #tpu.memory_space<semaphore_mem>>) src(%dma_wait3A_539 : memref<80x128xf32, #tpu.memory_space<vmem_shared>>) dst(%arg10 : memref<80x128xf32, #tpu.memory_space<vmem>>)
      tpu.yield
    }) : () -> ()
    %mul3A_448 = arith.constant 640 : i32
    %mul3A_449 = arith.muli %arg1, %mul3A_448 : i32
    %add3A_450 = arith.constant 480 : i32
    %add3A_451 = arith.addi %mul3A_449, %add3A_450 : i32
    %dma_start3A_452 = arith.constant 0 : i32
    %dma_start3A_453 = arith.constant 0 : i32
    %dma_start3A_454 = tpu.memref_slice %arg6[%arg0, %dma_start3A_452, %dma_start3A_453] : memref<2x10240x128xf32, #tpu.memory_space<hbm>> -> memref<1x10240x128xf32, #tpu.memory_space<hbm>>
    %dma_start3A_455 = tpu.memref_squeeze %dma_start3A_454 : memref<1x10240x128xf32, #tpu.memory_space<hbm>> -> memref<10240x128xf32, #tpu.memory_space<hbm>>
    %dma_start3A_456 = arith.constant 0 : i32
    %dma_start3A_457 = tpu.memref_slice %dma_start3A_455[%add3A_451, %dma_start3A_456] : memref<10240x128xf32, #tpu.memory_space<hbm>> -> memref<80x128xf32, #tpu.memory_space<hbm>>
    %dma_start3A_458 = arith.constant 0 : i32
    %dma_start3A_459 = arith.constant 0 : i32
    %dma_start3A_460 = tpu.memref_slice %arg6[%arg0, %dma_start3A_458, %dma_start3A_459] : memref<2x10240x128xf32, #tpu.memory_space<hbm>> -> memref<1x10240x128xf32, #tpu.memory_space<hbm>>
    %dma_start3A_461 = tpu.memref_squeeze %dma_start3A_460 : memref<1x10240x128xf32, #tpu.memory_space<hbm>> -> memref<10240x128xf32, #tpu.memory_space<hbm>>
    %dma_start3A_462 = arith.constant 0 : i32
    %dma_start3A_463 = tpu.memref_slice %dma_start3A_461[%add3A_451, %dma_start3A_462] : memref<10240x128xf32, #tpu.memory_space<hbm>> -> memref<80x128xf32, #tpu.memory_space<hbm>>
    tpu.enqueue_dma source(%arg10 : memref<80x128xf32, #tpu.memory_space<vmem>>) target(%dma_start3A_463 : memref<80x128xf32, #tpu.memory_space<hbm>>) target_semaphore(%arg15 : memref<!tpu.dma_semaphore, #tpu.memory_space<semaphore_mem>>)
    %mul3A_464 = arith.constant 640 : i32
    %mul3A_465 = arith.muli %arg1, %mul3A_464 : i32
    %add3A_466 = arith.constant 400 : i32
    %add3A_467 = arith.addi %mul3A_465, %add3A_466 : i32
    %dma_wait3A_468 = arith.constant 0 : i32
    %dma_wait3A_469 = arith.constant 0 : i32
    %dma_wait3A_470 = tpu.memref_slice %arg6[%arg0, %dma_wait3A_468, %dma_wait3A_469] : memref<2x10240x128xf32, #tpu.memory_space<hbm>> -> memref<1x10240x128xf32, #tpu.memory_space<hbm>>
    %dma_wait3A_471 = tpu.memref_squeeze %dma_wait3A_470 : memref<1x10240x128xf32, #tpu.memory_space<hbm>> -> memref<10240x128xf32, #tpu.memory_space<hbm>>
    %dma_wait3A_472 = arith.constant 0 : i32
    %dma_wait3A_473 = tpu.memref_slice %dma_wait3A_471[%add3A_467, %dma_wait3A_472] : memref<10240x128xf32, #tpu.memory_space<hbm>> -> memref<80x128xf32, #tpu.memory_space<hbm>>
    %dma_wait3A_474 = arith.constant 0 : i32
    %dma_wait3A_475 = arith.constant 0 : i32
    %dma_wait3A_476 = tpu.memref_slice %arg6[%arg0, %dma_wait3A_474, %dma_wait3A_475] : memref<2x10240x128xf32, #tpu.memory_space<hbm>> -> memref<1x10240x128xf32, #tpu.memory_space<hbm>>
    %dma_wait3A_477 = tpu.memref_squeeze %dma_wait3A_476 : memref<1x10240x128xf32, #tpu.memory_space<hbm>> -> memref<10240x128xf32, #tpu.memory_space<hbm>>
    %dma_wait3A_478 = arith.constant 0 : i32
    %dma_wait3A_479 = tpu.memref_slice %dma_wait3A_477[%add3A_467, %dma_wait3A_478] : memref<10240x128xf32, #tpu.memory_space<hbm>> -> memref<80x128xf32, #tpu.memory_space<hbm>>
    tpu.wait_dma2 semaphore(%arg16 : memref<!tpu.dma_semaphore, #tpu.memory_space<semaphore_mem>>) src(%arg11 : memref<80x128xf32, #tpu.memory_space<vmem>>) dst(%dma_wait3A_479 : memref<80x128xf32, #tpu.memory_space<hbm>>)
    %mul3A_480 = arith.constant 640 : i32
    %mul3A_481 = arith.muli %arg1, %mul3A_480 : i32
    %add3A_482 = arith.constant 560 : i32
    %add3A_483 = arith.addi %mul3A_481, %add3A_482 : i32
    "tpu.region"() ({
      %run_scoped3A = tpu.sem_alloc : memref<!tpu.dma_semaphore, #tpu.memory_space<semaphore_mem>>
      %dma_start3A_532 = arith.constant 0 : i32
      %dma_start3A_533 = tpu.memref_slice %arg12[%add3A_483, %dma_start3A_532] : memref<10240x128xf32, #tpu.memory_space<vmem_shared>> -> memref<80x128xf32, #tpu.memory_space<vmem_shared>>
      %dma_start3A_534 = arith.constant 0 : i32
      %dma_start3A_535 = tpu.memref_slice %arg12[%add3A_483, %dma_start3A_534] : memref<10240x128xf32, #tpu.memory_space<vmem_shared>> -> memref<80x128xf32, #tpu.memory_space<vmem_shared>>
      tpu.enqueue_dma source(%dma_start3A_535 : memref<80x128xf32, #tpu.memory_space<vmem_shared>>) target(%arg11 : memref<80x128xf32, #tpu.memory_space<vmem>>) target_semaphore(%run_scoped3A : memref<!tpu.dma_semaphore, #tpu.memory_space<semaphore_mem>>)
      %dma_wait3A_536 = arith.constant 0 : i32
      %dma_wait3A_537 = tpu.memref_slice %arg12[%add3A_483, %dma_wait3A_536] : memref<10240x128xf32, #tpu.memory_space<vmem_shared>> -> memref<80x128xf32, #tpu.memory_space<vmem_shared>>
      %dma_wait3A_538 = arith.constant 0 : i32
      %dma_wait3A_539 = tpu.memref_slice %arg12[%add3A_483, %dma_wait3A_538] : memref<10240x128xf32, #tpu.memory_space<vmem_shared>> -> memref<80x128xf32, #tpu.memory_space<vmem_shared>>
      tpu.wait_dma2 semaphore(%run_scoped3A : memref<!tpu.dma_semaphore, #tpu.memory_space<semaphore_mem>>) src(%dma_wait3A_539 : memref<80x128xf32, #tpu.memory_space<vmem_shared>>) dst(%arg11 : memref<80x128xf32, #tpu.memory_space<vmem>>)
      tpu.yield
    }) : () -> ()
    %mul3A_484 = arith.constant 640 : i32
    %mul3A_485 = arith.muli %arg1, %mul3A_484 : i32
    %add3A_486 = arith.constant 560 : i32
    %add3A_487 = arith.addi %mul3A_485, %add3A_486 : i32
    %dma_start3A_488 = arith.constant 0 : i32
    %dma_start3A_489 = arith.constant 0 : i32
    %dma_start3A_490 = tpu.memref_slice %arg6[%arg0, %dma_start3A_488, %dma_start3A_489] : memref<2x10240x128xf32, #tpu.memory_space<hbm>> -> memref<1x10240x128xf32, #tpu.memory_space<hbm>>
    %dma_start3A_491 = tpu.memref_squeeze %dma_start3A_490 : memref<1x10240x128xf32, #tpu.memory_space<hbm>> -> memref<10240x128xf32, #tpu.memory_space<hbm>>
    %dma_start3A_492 = arith.constant 0 : i32
    %dma_start3A_493 = tpu.memref_slice %dma_start3A_491[%add3A_487, %dma_start3A_492] : memref<10240x128xf32, #tpu.memory_space<hbm>> -> memref<80x128xf32, #tpu.memory_space<hbm>>
    %dma_start3A_494 = arith.constant 0 : i32
    %dma_start3A_495 = arith.constant 0 : i32
    %dma_start3A_496 = tpu.memref_slice %arg6[%arg0, %dma_start3A_494, %dma_start3A_495] : memref<2x10240x128xf32, #tpu.memory_space<hbm>> -> memref<1x10240x128xf32, #tpu.memory_space<hbm>>
    %dma_start3A_497 = tpu.memref_squeeze %dma_start3A_496 : memref<1x10240x128xf32, #tpu.memory_space<hbm>> -> memref<10240x128xf32, #tpu.memory_space<hbm>>
    %dma_start3A_498 = arith.constant 0 : i32
    %dma_start3A_499 = tpu.memref_slice %dma_start3A_497[%add3A_487, %dma_start3A_498] : memref<10240x128xf32, #tpu.memory_space<hbm>> -> memref<80x128xf32, #tpu.memory_space<hbm>>
    tpu.enqueue_dma source(%arg11 : memref<80x128xf32, #tpu.memory_space<vmem>>) target(%dma_start3A_499 : memref<80x128xf32, #tpu.memory_space<hbm>>) target_semaphore(%arg16 : memref<!tpu.dma_semaphore, #tpu.memory_space<semaphore_mem>>)
    %mul3A_500 = arith.constant 640 : i32
    %mul3A_501 = arith.muli %arg1, %mul3A_500 : i32
    %add3A_502 = arith.constant 480 : i32
    %add3A_503 = arith.addi %mul3A_501, %add3A_502 : i32
    %dma_wait3A_504 = arith.constant 0 : i32
    %dma_wait3A_505 = arith.constant 0 : i32
    %dma_wait3A_506 = tpu.memref_slice %arg6[%arg0, %dma_wait3A_504, %dma_wait3A_505] : memref<2x10240x128xf32, #tpu.memory_space<hbm>> -> memref<1x10240x128xf32, #tpu.memory_space<hbm>>
    %dma_wait3A_507 = tpu.memref_squeeze %dma_wait3A_506 : memref<1x10240x128xf32, #tpu.memory_space<hbm>> -> memref<10240x128xf32, #tpu.memory_space<hbm>>
    %dma_wait3A_508 = arith.constant 0 : i32
    %dma_wait3A_509 = tpu.memref_slice %dma_wait3A_507[%add3A_503, %dma_wait3A_508] : memref<10240x128xf32, #tpu.memory_space<hbm>> -> memref<80x128xf32, #tpu.memory_space<hbm>>
    %dma_wait3A_510 = arith.constant 0 : i32
    %dma_wait3A_511 = arith.constant 0 : i32
    %dma_wait3A_512 = tpu.memref_slice %arg6[%arg0, %dma_wait3A_510, %dma_wait3A_511] : memref<2x10240x128xf32, #tpu.memory_space<hbm>> -> memref<1x10240x128xf32, #tpu.memory_space<hbm>>
    %dma_wait3A_513 = tpu.memref_squeeze %dma_wait3A_512 : memref<1x10240x128xf32, #tpu.memory_space<hbm>> -> memref<10240x128xf32, #tpu.memory_space<hbm>>
    %dma_wait3A_514 = arith.constant 0 : i32
    %dma_wait3A_515 = tpu.memref_slice %dma_wait3A_513[%add3A_503, %dma_wait3A_514] : memref<10240x128xf32, #tpu.memory_space<hbm>> -> memref<80x128xf32, #tpu.memory_space<hbm>>
    tpu.wait_dma2 semaphore(%arg15 : memref<!tpu.dma_semaphore, #tpu.memory_space<semaphore_mem>>) src(%arg10 : memref<80x128xf32, #tpu.memory_space<vmem>>) dst(%dma_wait3A_515 : memref<80x128xf32, #tpu.memory_space<hbm>>)
    %mul3A_516 = arith.constant 640 : i32
    %mul3A_517 = arith.muli %arg1, %mul3A_516 : i32
    %add3A_518 = arith.constant 560 : i32
    %add3A_519 = arith.addi %mul3A_517, %add3A_518 : i32
    %dma_wait3A_520 = arith.constant 0 : i32
    %dma_wait3A_521 = arith.constant 0 : i32
    %dma_wait3A_522 = tpu.memref_slice %arg6[%arg0, %dma_wait3A_520, %dma_wait3A_521] : memref<2x10240x128xf32, #tpu.memory_space<hbm>> -> memref<1x10240x128xf32, #tpu.memory_space<hbm>>
    %dma_wait3A_523 = tpu.memref_squeeze %dma_wait3A_522 : memref<1x10240x128xf32, #tpu.memory_space<hbm>> -> memref<10240x128xf32, #tpu.memory_space<hbm>>
    %dma_wait3A_524 = arith.constant 0 : i32
    %dma_wait3A_525 = tpu.memref_slice %dma_wait3A_523[%add3A_519, %dma_wait3A_524] : memref<10240x128xf32, #tpu.memory_space<hbm>> -> memref<80x128xf32, #tpu.memory_space<hbm>>
    %dma_wait3A_526 = arith.constant 0 : i32
    %dma_wait3A_527 = arith.constant 0 : i32
    %dma_wait3A_528 = tpu.memref_slice %arg6[%arg0, %dma_wait3A_526, %dma_wait3A_527] : memref<2x10240x128xf32, #tpu.memory_space<hbm>> -> memref<1x10240x128xf32, #tpu.memory_space<hbm>>
    %dma_wait3A_529 = tpu.memref_squeeze %dma_wait3A_528 : memref<1x10240x128xf32, #tpu.memory_space<hbm>> -> memref<10240x128xf32, #tpu.memory_space<hbm>>
    %dma_wait3A_530 = arith.constant 0 : i32
    %dma_wait3A_531 = tpu.memref_slice %dma_wait3A_529[%add3A_519, %dma_wait3A_530] : memref<10240x128xf32, #tpu.memory_space<hbm>> -> memref<80x128xf32, #tpu.memory_space<hbm>>
    tpu.wait_dma2 semaphore(%arg16 : memref<!tpu.dma_semaphore, #tpu.memory_space<semaphore_mem>>) src(%arg11 : memref<80x128xf32, #tpu.memory_space<vmem>>) dst(%dma_wait3A_531 : memref<80x128xf32, #tpu.memory_space<hbm>>)
    return
  }
}

module attributes {stable_mosaic.version = 14 : i64} {
  func.func @_pre_body(%arg0: i32, %arg1: memref<2048x256xf32, #tpu.memory_space<vmem>>, %arg2: memref<2x2048x16xf32, #tpu.memory_space<vmem>>, %arg3: memref<2x2048x128xf32, #tpu.memory_space<vmem>>, %arg4: memref<2048x16xf32, #tpu.memory_space<vmem>>) attributes {dimension_semantics = [#tpu.dimension_semantics<arbitrary>], iteration_bounds = array<i64: 5>, scalar_prefetch = 0 : i64, scratch_operands = 0 : i64, tpu.core_type = #tpu.core_type<tc>, window_params = [{transform_indices = @transform_0, window_bounds = array<i64: 2048, 256>}, {transform_indices = @transform_1, window_bounds = array<i64: 2, 2048, 16>}, {transform_indices = @transform_2, window_bounds = array<i64: 2, 2048, 128>}, {transform_indices = @transform_3, window_bounds = array<i64: 2048, 16>}]} {
    %get3A = arith.constant 0 : index
    %get3A_0 = arith.constant 0 : index
    %get3A_1 = arith.constant 0 : index
    %get3A_2 = vector.load %arg2[%get3A, %get3A_0, %get3A_1] : memref<2x2048x16xf32, #tpu.memory_space<vmem>>, vector<1x2048x1xf32>
    %get3A_3 = vector.shape_cast %get3A_2 : vector<1x2048x1xf32> to vector<2048x1xf32>
    %get3A_4 = arith.constant 1 : index
    %get3A_5 = arith.constant 0 : index
    %get3A_6 = arith.constant 0 : index
    %get3A_7 = vector.load %arg2[%get3A_4, %get3A_5, %get3A_6] : memref<2x2048x16xf32, #tpu.memory_space<vmem>>, vector<1x2048x1xf32>
    %get3A_8 = vector.shape_cast %get3A_7 : vector<1x2048x1xf32> to vector<2048x1xf32>
    %add3A = arith.addf %get3A_3, %get3A_8 : vector<2048x1xf32>
    %max3A = arith.constant 1.000000e+00 : f32
    %max3A_9 = vector.broadcast %max3A : f32 to vector<2048x1xf32>
    %max3A_10 = arith.maximumf %add3A, %max3A_9 : vector<2048x1xf32>
    %rsqrt3A = math.rsqrt %max3A_10 : vector<2048x1xf32>
    %get3A_11 = arith.constant 0 : index
    %get3A_12 = arith.constant 0 : index
    %get3A_13 = vector.load %arg1[%get3A_11, %get3A_12] : memref<2048x256xf32, #tpu.memory_space<vmem>>, vector<2048x256xf32>
    %mul3A = vector.broadcast %rsqrt3A : vector<2048x1xf32> to vector<2048x256xf32>
    %mul3A_14 = arith.mulf %get3A_13, %mul3A : vector<2048x256xf32>
    %slice3A = vector.extract_strided_slice %mul3A_14 {offsets = [0, 0], sizes = [2048, 128], strides = [1, 1]} : vector<2048x256xf32> to vector<2048x128xf32>
    %swap3A = arith.constant 0 : index
    %swap3A_15 = arith.constant 0 : index
    %swap3A_16 = arith.constant 0 : index
    %swap3A_17 = vector.load %arg3[%swap3A, %swap3A_15, %swap3A_16] : memref<2x2048x128xf32, #tpu.memory_space<vmem>>, vector<1x2048x128xf32>
    %swap3A_18 = vector.shape_cast %swap3A_17 : vector<1x2048x128xf32> to vector<2048x128xf32>
    %swap3A_19 = vector.shape_cast %slice3A : vector<2048x128xf32> to vector<1x2048x128xf32>
    tpu.vector_store %arg3[%swap3A, %swap3A_15, %swap3A_16], %swap3A_19 {strides = array<i32>} : memref<2x2048x128xf32, #tpu.memory_space<vmem>>, vector<1x2048x128xf32>,
    %slice3A_20 = vector.extract_strided_slice %mul3A_14 {offsets = [0, 128], sizes = [2048, 128], strides = [1, 1]} : vector<2048x256xf32> to vector<2048x128xf32>
    %swap3A_21 = arith.constant 1 : index
    %swap3A_22 = arith.constant 0 : index
    %swap3A_23 = arith.constant 0 : index
    %swap3A_24 = vector.load %arg3[%swap3A_21, %swap3A_22, %swap3A_23] : memref<2x2048x128xf32, #tpu.memory_space<vmem>>, vector<1x2048x128xf32>
    %swap3A_25 = vector.shape_cast %swap3A_24 : vector<1x2048x128xf32> to vector<2048x128xf32>
    %swap3A_26 = vector.shape_cast %slice3A_20 : vector<2048x128xf32> to vector<1x2048x128xf32>
    tpu.vector_store %arg3[%swap3A_21, %swap3A_22, %swap3A_23], %swap3A_26 {strides = array<i32>} : memref<2x2048x128xf32, #tpu.memory_space<vmem>>, vector<1x2048x128xf32>,
    %broadcast_in_dim3A = vector.shape_cast %rsqrt3A : vector<2048x1xf32> to vector<2048x1xf32>
    %broadcast_in_dim3A_27 = vector.broadcast %broadcast_in_dim3A : vector<2048x1xf32> to vector<2048x16xf32>
    %swap3A_28 = arith.constant 0 : index
    %swap3A_29 = arith.constant 0 : index
    %swap3A_30 = vector.load %arg4[%swap3A_28, %swap3A_29] : memref<2048x16xf32, #tpu.memory_space<vmem>>, vector<2048x16xf32>
    tpu.vector_store %arg4[%swap3A_28, %swap3A_29], %broadcast_in_dim3A_27 {strides = array<i32>} : memref<2048x16xf32, #tpu.memory_space<vmem>>, vector<2048x16xf32>,
    return
  }
  func.func @transform_0(%arg0: i32) -> (i32, i32) {
    %c0_i32 = arith.constant 0 : i32
    %c0_i32_0 = arith.constant 0 : i32
    return %arg0, %c0_i32 : i32, i32
  }
  func.func @transform_1(%arg0: i32) -> (i32, i32, i32) {
    %c0_i32 = arith.constant 0 : i32
    %c0_i32_0 = arith.constant 0 : i32
    %c0_i32_1 = arith.constant 0 : i32
    return %c0_i32, %arg0, %c0_i32_0 : i32, i32, i32
  }
  func.func @transform_2(%arg0: i32) -> (i32, i32, i32) {
    %c0_i32 = arith.constant 0 : i32
    %c0_i32_0 = arith.constant 0 : i32
    %c0_i32_1 = arith.constant 0 : i32
    return %c0_i32, %arg0, %c0_i32_0 : i32, i32, i32
  }
  func.func @transform_3(%arg0: i32) -> (i32, i32) {
    %c0_i32 = arith.constant 0 : i32
    %c0_i32_0 = arith.constant 0 : i32
    return %arg0, %c0_i32 : i32, i32
  }
}

module attributes {stable_mosaic.version = 14 : i64} {
  func.func @_mid_body(%arg0: i32, %arg1: memref<2x2048x128xf32, #tpu.memory_space<vmem>>, %arg2: memref<2x2048x16xf32, #tpu.memory_space<vmem>>, %arg3: memref<2x2048x128xf32, #tpu.memory_space<vmem>>) attributes {dimension_semantics = [#tpu.dimension_semantics<arbitrary>], iteration_bounds = array<i64: 5>, scalar_prefetch = 0 : i64, scratch_operands = 0 : i64, tpu.core_type = #tpu.core_type<tc>, window_params = [{transform_indices = @transform_0, window_bounds = array<i64: 2, 2048, 128>}, {transform_indices = @transform_1, window_bounds = array<i64: 2, 2048, 16>}, {transform_indices = @transform_2, window_bounds = array<i64: 2, 2048, 128>}]} {
    %get3A = arith.constant 0 : index
    %get3A_0 = arith.constant 0 : index
    %get3A_1 = arith.constant 0 : index
    %get3A_2 = vector.load %arg2[%get3A, %get3A_0, %get3A_1] : memref<2x2048x16xf32, #tpu.memory_space<vmem>>, vector<1x2048x1xf32>
    %get3A_3 = vector.shape_cast %get3A_2 : vector<1x2048x1xf32> to vector<2048x1xf32>
    %get3A_4 = arith.constant 1 : index
    %get3A_5 = arith.constant 0 : index
    %get3A_6 = arith.constant 0 : index
    %get3A_7 = vector.load %arg2[%get3A_4, %get3A_5, %get3A_6] : memref<2x2048x16xf32, #tpu.memory_space<vmem>>, vector<1x2048x1xf32>
    %get3A_8 = vector.shape_cast %get3A_7 : vector<1x2048x1xf32> to vector<2048x1xf32>
    %add3A = arith.addf %get3A_3, %get3A_8 : vector<2048x1xf32>
    %max3A = arith.constant 1.000000e+00 : f32
    %max3A_9 = vector.broadcast %max3A : f32 to vector<2048x1xf32>
    %max3A_10 = arith.maximumf %add3A, %max3A_9 : vector<2048x1xf32>
    %rsqrt3A = math.rsqrt %max3A_10 : vector<2048x1xf32>
    %mul3A = arith.mulf %rsqrt3A, %rsqrt3A : vector<2048x1xf32>
    %get3A_11 = arith.constant 0 : index
    %get3A_12 = arith.constant 0 : index
    %get3A_13 = arith.constant 0 : index
    %get3A_14 = vector.load %arg1[%get3A_11, %get3A_12, %get3A_13] : memref<2x2048x128xf32, #tpu.memory_space<vmem>>, vector<1x2048x128xf32>
    %get3A_15 = vector.shape_cast %get3A_14 : vector<1x2048x128xf32> to vector<2048x128xf32>
    %mul3A_16 = vector.broadcast %mul3A : vector<2048x1xf32> to vector<2048x128xf32>
    %mul3A_17 = arith.mulf %get3A_15, %mul3A_16 : vector<2048x128xf32>
    %swap3A = arith.constant 0 : index
    %swap3A_18 = arith.constant 0 : index
    %swap3A_19 = arith.constant 0 : index
    %swap3A_20 = vector.load %arg3[%swap3A, %swap3A_18, %swap3A_19] : memref<2x2048x128xf32, #tpu.memory_space<vmem>>, vector<1x2048x128xf32>
    %swap3A_21 = vector.shape_cast %swap3A_20 : vector<1x2048x128xf32> to vector<2048x128xf32>
    %swap3A_22 = vector.shape_cast %mul3A_17 : vector<2048x128xf32> to vector<1x2048x128xf32>
    tpu.vector_store %arg3[%swap3A, %swap3A_18, %swap3A_19], %swap3A_22 {strides = array<i32>} : memref<2x2048x128xf32, #tpu.memory_space<vmem>>, vector<1x2048x128xf32>,
    %get3A_23 = arith.constant 1 : index
    %get3A_24 = arith.constant 0 : index
    %get3A_25 = arith.constant 0 : index
    %get3A_26 = vector.load %arg1[%get3A_23, %get3A_24, %get3A_25] : memref<2x2048x128xf32, #tpu.memory_space<vmem>>, vector<1x2048x128xf32>
    %get3A_27 = vector.shape_cast %get3A_26 : vector<1x2048x128xf32> to vector<2048x128xf32>
    %mul3A_28 = vector.broadcast %mul3A : vector<2048x1xf32> to vector<2048x128xf32>
    %mul3A_29 = arith.mulf %get3A_27, %mul3A_28 : vector<2048x128xf32>
    %swap3A_30 = arith.constant 1 : index
    %swap3A_31 = arith.constant 0 : index
    %swap3A_32 = arith.constant 0 : index
    %swap3A_33 = vector.load %arg3[%swap3A_30, %swap3A_31, %swap3A_32] : memref<2x2048x128xf32, #tpu.memory_space<vmem>>, vector<1x2048x128xf32>
    %swap3A_34 = vector.shape_cast %swap3A_33 : vector<1x2048x128xf32> to vector<2048x128xf32>
    %swap3A_35 = vector.shape_cast %mul3A_29 : vector<2048x128xf32> to vector<1x2048x128xf32>
    tpu.vector_store %arg3[%swap3A_30, %swap3A_31, %swap3A_32], %swap3A_35 {strides = array<i32>} : memref<2x2048x128xf32, #tpu.memory_space<vmem>>, vector<1x2048x128xf32>,
    return
  }
  func.func @transform_0(%arg0: i32) -> (i32, i32, i32) {
    %c0_i32 = arith.constant 0 : i32
    %c0_i32_0 = arith.constant 0 : i32
    %c0_i32_1 = arith.constant 0 : i32
    return %c0_i32, %arg0, %c0_i32_0 : i32, i32, i32
  }
  func.func @transform_1(%arg0: i32) -> (i32, i32, i32) {
    %c0_i32 = arith.constant 0 : i32
    %c0_i32_0 = arith.constant 0 : i32
    %c0_i32_1 = arith.constant 0 : i32
    return %c0_i32, %arg0, %c0_i32_0 : i32, i32, i32
  }
  func.func @transform_2(%arg0: i32) -> (i32, i32, i32) {
    %c0_i32 = arith.constant 0 : i32
    %c0_i32_0 = arith.constant 0 : i32
    %c0_i32_1 = arith.constant 0 : i32
    return %c0_i32, %arg0, %c0_i32_0 : i32, i32, i32
  }
}

module attributes {stable_mosaic.version = 14 : i64} {
  func.func @_fin_body(%arg0: i32, %arg1: memref<2x2000x128xf32, #tpu.memory_space<vmem>>, %arg2: memref<2x2000x16xf32, #tpu.memory_space<vmem>>, %arg3: memref<2x2000x16xf32, #tpu.memory_space<vmem>>, %arg4: memref<264x512xf32, #tpu.memory_space<vmem>>, %arg5: memref<512x512xf32, #tpu.memory_space<vmem>>, %arg6: memref<1x512xf32, #tpu.memory_space<vmem>>, %arg7: memref<2000x512xf32, #tpu.memory_space<vmem>>, %arg8: memref<264x512xf32, #tpu.memory_space<vmem>>) attributes {dimension_semantics = [#tpu.dimension_semantics<arbitrary>], iteration_bounds = array<i64: 5>, scalar_prefetch = 0 : i64, scratch_operands = 1 : i64, tpu.core_type = #tpu.core_type<tc>, window_params = [{transform_indices = @transform_0, window_bounds = array<i64: 2, 2000, 128>}, {transform_indices = @transform_1, window_bounds = array<i64: 2, 2000, 16>}, {transform_indices = @transform_2, window_bounds = array<i64: 2, 2000, 16>}, {pipeline_mode = #tpu.pipeline_mode<synchronous>, transform_indices = @transform_3, window_bounds = array<i64: 264, 512>}, {pipeline_mode = #tpu.pipeline_mode<synchronous>, transform_indices = @transform_4, window_bounds = array<i64: 512, 512>}, {pipeline_mode = #tpu.pipeline_mode<synchronous>, transform_indices = @transform_5, window_bounds = array<i64: 1, 512>}, {transform_indices = @transform_6, window_bounds = array<i64: 2000, 512>}]} {
    %eq3A = arith.constant 0 : i32
    %eq3A_0 = arith.cmpi eq, %arg0, %eq3A : i32
    %convert_element_type3A = arith.extui %eq3A_0 : i1 to i32
    %cond3A = arith.constant 0 : i32
    %cond3A_1 = arith.cmpi ne, %convert_element_type3A, %cond3A : i32
    scf.if %cond3A_1 {
      %get3A_62 = arith.constant 0 : index
      %get3A_63 = arith.constant 0 : index
      %get3A_64 = vector.load %arg4[%get3A_62, %get3A_63] : memref<264x512xf32, #tpu.memory_space<vmem>>, vector<264x512xf32>
      %get3A_65 = arith.constant 0 : index
      %get3A_66 = arith.constant 0 : index
      %get3A_67 = vector.load %arg5[%get3A_65, %get3A_66] : memref<512x512xf32, #tpu.memory_space<vmem>>, vector<512x512xf32>
      %dot_general3A_68 = arith.constant dense<0.000000e+00> : vector<264x512xf32>
      %dot_general3A_69 = tpu.matmul %get3A_64, %get3A_67, %dot_general3A_68 {dimension_numbers = #tpu.dot_dimension_numbers<[1], [0], [0], [1], [0, 0, 1, 1], [], []>, transpose_lhs_hint = false} : vector<264x512xf32>, vector<512x512xf32>, vector<264x512xf32> -> vector<264x512xf32>
      %swap3A_70 = arith.constant 0 : index
      %swap3A_71 = arith.constant 0 : index
      %swap3A_72 = vector.load %arg8[%swap3A_70, %swap3A_71] : memref<264x512xf32, #tpu.memory_space<vmem>>, vector<264x512xf32>
      tpu.vector_store %arg8[%swap3A_70, %swap3A_71], %dot_general3A_69 {strides = array<i32>} : memref<264x512xf32, #tpu.memory_space<vmem>>, vector<264x512xf32>,
    } else {
    }
    %get3A = arith.constant 0 : index
    %get3A_2 = arith.constant 0 : index
    %get3A_3 = arith.constant 0 : index
    %get3A_4 = vector.load %arg3[%get3A, %get3A_2, %get3A_3] : memref<2x2000x16xf32, #tpu.memory_space<vmem>>, vector<1x2000x1xf32>
    %get3A_5 = vector.shape_cast %get3A_4 : vector<1x2000x1xf32> to vector<2000x1xf32>
    %get3A_6 = arith.constant 1 : index
    %get3A_7 = arith.constant 0 : index
    %get3A_8 = arith.constant 0 : index
    %get3A_9 = vector.load %arg3[%get3A_6, %get3A_7, %get3A_8] : memref<2x2000x16xf32, #tpu.memory_space<vmem>>, vector<1x2000x1xf32>
    %get3A_10 = vector.shape_cast %get3A_9 : vector<1x2000x1xf32> to vector<2000x1xf32>
    %add3A = arith.addf %get3A_5, %get3A_10 : vector<2000x1xf32>
    %max3A = arith.constant 1.000000e+00 : f32
    %max3A_11 = vector.broadcast %max3A : f32 to vector<2000x1xf32>
    %max3A_12 = arith.maximumf %add3A, %max3A_11 : vector<2000x1xf32>
    %rsqrt3A = math.rsqrt %max3A_12 : vector<2000x1xf32>
    %get3A_13 = arith.constant 0 : index
    %get3A_14 = arith.constant 0 : index
    %get3A_15 = arith.constant 0 : index
    %get3A_16 = vector.load %arg1[%get3A_13, %get3A_14, %get3A_15] : memref<2x2000x128xf32, #tpu.memory_space<vmem>>, vector<1x2000x128xf32>
    %get3A_17 = vector.shape_cast %get3A_16 : vector<1x2000x128xf32> to vector<2000x128xf32>
    %mul3A = vector.broadcast %rsqrt3A : vector<2000x1xf32> to vector<2000x128xf32>
    %mul3A_18 = arith.mulf %get3A_17, %mul3A : vector<2000x128xf32>
    %get3A_19 = arith.constant 1 : index
    %get3A_20 = arith.constant 0 : index
    %get3A_21 = arith.constant 0 : index
    %get3A_22 = vector.load %arg1[%get3A_19, %get3A_20, %get3A_21] : memref<2x2000x128xf32, #tpu.memory_space<vmem>>, vector<1x2000x128xf32>
    %get3A_23 = vector.shape_cast %get3A_22 : vector<1x2000x128xf32> to vector<2000x128xf32>
    %mul3A_24 = vector.broadcast %rsqrt3A : vector<2000x1xf32> to vector<2000x128xf32>
    %mul3A_25 = arith.mulf %get3A_23, %mul3A_24 : vector<2000x128xf32>
    %get3A_26 = arith.constant 0 : index
    %get3A_27 = arith.constant 0 : index
    %get3A_28 = arith.constant 0 : index
    %get3A_29 = vector.load %arg2[%get3A_26, %get3A_27, %get3A_28] : memref<2x2000x16xf32, #tpu.memory_space<vmem>>, vector<1x2000x1xf32>
    %get3A_30 = vector.shape_cast %get3A_29 : vector<1x2000x1xf32> to vector<2000x1xf32>
    %get3A_31 = arith.constant 1 : index
    %get3A_32 = arith.constant 0 : index
    %get3A_33 = arith.constant 0 : index
    %get3A_34 = vector.load %arg2[%get3A_31, %get3A_32, %get3A_33] : memref<2x2000x16xf32, #tpu.memory_space<vmem>>, vector<1x2000x1xf32>
    %get3A_35 = vector.shape_cast %get3A_34 : vector<1x2000x1xf32> to vector<2000x1xf32>
    %add3A_36 = arith.addf %get3A_30, %get3A_35 : vector<2000x1xf32>
    %mul3A_37 = arith.mulf %rsqrt3A, %add3A_36 : vector<2000x1xf32>
    %get3A_38 = arith.constant 0 : index
    %get3A_39 = arith.constant 0 : index
    %get3A_40 = vector.load %arg8[%get3A_38, %get3A_39] : memref<264x512xf32, #tpu.memory_space<vmem>>, vector<128x512xf32>
    %dot_general3A = arith.constant dense<0.000000e+00> : vector<2000x512xf32>
    %dot_general3A_41 = tpu.matmul %mul3A_18, %get3A_40, %dot_general3A {dimension_numbers = #tpu.dot_dimension_numbers<[1], [0], [0], [1], [0, 0, 1, 1], [], []>, transpose_lhs_hint = false} : vector<2000x128xf32>, vector<128x512xf32>, vector<2000x512xf32> -> vector<2000x512xf32>
    %get3A_42 = arith.constant 128 : index
    %get3A_43 = arith.constant 0 : index
    %get3A_44 = vector.load %arg8[%get3A_42, %get3A_43] : memref<264x512xf32, #tpu.memory_space<vmem>>, vector<128x512xf32>
    %dot_general3A_45 = arith.constant dense<0.000000e+00> : vector<2000x512xf32>
    %dot_general3A_46 = tpu.matmul %mul3A_25, %get3A_44, %dot_general3A_45 {dimension_numbers = #tpu.dot_dimension_numbers<[1], [0], [0], [1], [0, 0, 1, 1], [], []>, transpose_lhs_hint = false} : vector<2000x128xf32>, vector<128x512xf32>, vector<2000x512xf32> -> vector<2000x512xf32>
    %add3A_47 = arith.addf %dot_general3A_41, %dot_general3A_46 : vector<2000x512xf32>
    %get3A_48 = arith.constant 256 : index
    %get3A_49 = arith.constant 0 : index
    %get3A_50 = vector.load %arg8[%get3A_48, %get3A_49] : memref<264x512xf32, #tpu.memory_space<vmem>>, vector<1x512xf32>
    %mul3A_51 = vector.broadcast %mul3A_37 : vector<2000x1xf32> to vector<2000x512xf32>
    %mul3A_52 = vector.broadcast %get3A_50 : vector<1x512xf32> to vector<2000x512xf32>
    %mul3A_53 = arith.mulf %mul3A_51, %mul3A_52 : vector<2000x512xf32>
    %add3A_54 = arith.addf %add3A_47, %mul3A_53 : vector<2000x512xf32>
    %get3A_55 = arith.constant 0 : index
    %get3A_56 = arith.constant 0 : index
    %get3A_57 = vector.load %arg6[%get3A_55, %get3A_56] : memref<1x512xf32, #tpu.memory_space<vmem>>, vector<1x512xf32>
    %add3A_58 = vector.broadcast %get3A_57 : vector<1x512xf32> to vector<2000x512xf32>
    %add3A_59 = arith.addf %add3A_54, %add3A_58 : vector<2000x512xf32>
    %swap3A = arith.constant 0 : index
    %swap3A_60 = arith.constant 0 : index
    %swap3A_61 = vector.load %arg7[%swap3A, %swap3A_60] : memref<2000x512xf32, #tpu.memory_space<vmem>>, vector<2000x512xf32>
    tpu.vector_store %arg7[%swap3A, %swap3A_60], %add3A_59 {strides = array<i32>} : memref<2000x512xf32, #tpu.memory_space<vmem>>, vector<2000x512xf32>,
    return
  }
  func.func @transform_0(%arg0: i32) -> (i32, i32, i32) {
    %c0_i32 = arith.constant 0 : i32
    %c0_i32_0 = arith.constant 0 : i32
    %c0_i32_1 = arith.constant 0 : i32
    return %c0_i32, %arg0, %c0_i32_0 : i32, i32, i32
  }
  func.func @transform_1(%arg0: i32) -> (i32, i32, i32) {
    %c0_i32 = arith.constant 0 : i32
    %c0_i32_0 = arith.constant 0 : i32
    %c0_i32_1 = arith.constant 0 : i32
    return %c0_i32, %arg0, %c0_i32_0 : i32, i32, i32
  }
  func.func @transform_2(%arg0: i32) -> (i32, i32, i32) {
    %c0_i32 = arith.constant 0 : i32
    %c0_i32_0 = arith.constant 0 : i32
    %c0_i32_1 = arith.constant 0 : i32
    return %c0_i32, %arg0, %c0_i32_0 : i32, i32, i32
  }
  func.func @transform_3(%arg0: i32) -> (i32, i32) {
    %c0_i32 = arith.constant 0 : i32
    %c0_i32_0 = arith.constant 0 : i32
    %c0_i32_1 = arith.constant 0 : i32
    return %c0_i32, %c0_i32_0 : i32, i32
  }
  func.func @transform_4(%arg0: i32) -> (i32, i32) {
    %c0_i32 = arith.constant 0 : i32
    %c0_i32_0 = arith.constant 0 : i32
    %c0_i32_1 = arith.constant 0 : i32
    return %c0_i32, %c0_i32_0 : i32, i32
  }
  func.func @transform_5(%arg0: i32) -> (i32, i32) {
    %c0_i32 = arith.constant 0 : i32
    %c0_i32_0 = arith.constant 0 : i32
    %c0_i32_1 = arith.constant 0 : i32
    return %c0_i32, %c0_i32_0 : i32, i32
  }
  func.func @transform_6(%arg0: i32) -> (i32, i32) {
    %c0_i32 = arith.constant 0 : i32
    %c0_i32_0 = arith.constant 0 : i32
    return %arg0, %c0_i32 : i32, i32
  }
}

</mosaic_0001>

<sc_bundles>
// kernel: kernel.12.cloned.1.call-start
scs
__scs_entry_jumppad:
0x0: {  	(pc) =	sbr.rel $0x88, $3  }
0x1: {  	(tag) =	ssettag $0x0;
	lr =	simm.s32 $0x1  }
0x2: {  	[smem:$0x3F9B] =	sst lr;
	_ =	strace $0xD0000000  }
0x3: {  	_ = 	snop  }
0x4: {  	_ = 	snop  }
0x5: {  	_ = 	snop  }
0x6: {  	_ = 	snop  }
0x7: {  	_ = 	snop  }
__scs_overlays_trampoline_lowered:
0x8: {  	[smem:$0x3FAA] =	sst s0  }
0x9: {  	[smem:$0x3FAB] =	sst s1  }
0xa: {  	[smem:$0x3FAC] =	sst s2  }
0xb: {  	[smem:$0x3FAD] =	sst s3  }
0xc: {  	[smem:$0x3FAE] =	sst s4  }
0xd: {  	[smem:$0x3FAF] =	sst s5  }
0xe: {  	[smem:$0x3FB0] =	sst s6  }
0xf: {  	[smem:$0x3FB1] =	sst s7  }
0x10: {  	[smem:$0x3FB2] =	sst s8  }
0x11: {  	[smem:$0x3FB3] =	sst s9;
	s0 =	simm.s32 @!p0 $0x0  }
0x12: {  	s1 =	sld [smem:$0x3F99];
	s0 =	simm.s32 @p0 $0x1  }
0x13: {  	[smem:$0x3FB4] =	sst s0;
	s0 =	simm.s32 @!p1 $0x0  }
0x14: {  	s2 =	sld [smem:$0x3F98];
	s0 =	simm.s32 @p1 $0x1  }
0x15: {  	[smem:$0x3FB5] =	sst s0;
	s0 =	simm.s32 @!p2 $0x0  }
0x16: {  	s3 =	sld [smem:$0x3FDB];
	s0 =	simm.s32 @p2 $0x1  }
0x17: {  	s4 =	simm.s32 $0x1BF5;
	[smem:$0x3FB7] =	sst s0  }
0x18: {  	s0 =	sld [smem:$0x3F9A];
	_ =	swait.ge [sflag:s4], $0x0  }
0x19: {  	s7 =	sld [smem:$0x3F9B]  }
0x1a: {  	s8 =	sadd.s32 $0xFFFFE003, lr  }
0x1b: {  	s9 =	sadd.s32 $0xFFFFFEF7, lr;
	s5 =	simm.s32 $0xFFFFFFFF;
	p2 =	slt.u32 s8, $0xFFFFF086  }
0x1c: {  	p1 =	slt.u32 s9, $0xF7A;
	s5 =	simm.s32 @!p2 $0x0  }
0x1d: {  	s5 =	simm.s32 @p1 $0x1;
	p0 =	seq.s32 s7, s2  }
0x1e: {  	s7 =	smul.u32 @!p0 $0xF7A, s2;
	p2 =	seq.s32 @!p0 s5, $0x0  }
0x1f: {  	s9 =	smul.u32 $0xF7A, s1;
	s8 =	simm.s32 @!p0 $0x1BF5;
	p2 =	por !p2, p0  }
0x20: {  	[sflag:s8] =	ssyncset.s32 @!p0 $0xFFFFF086;
	s6 =	sadd.s32 @!p0 s3, s7;
	s7 =	simm.s32 @!p0 $0x108  }
0x21: {  	s3 =	sadd.s32 s3, s9;
	s6 =	sadd.s32 @!p0 $0x88, s6;
	s7 =	simm.s32 @p2 $0x1082  }
0x22: {  	[simem:s7], [sflag:s8] =	dma.local @!p0 [hbm:s6], $0xF7A  }
0x23: {  	s9 =	sor.u32 $0xD0000000, s2;
	s6 =	simm.s32 $0x108;
	_ =	swait.ge @!p0 [sflag:s8], $0x0  }
0x24: {  	s3 =	sadd.s32 $0x88, s3;
	s6 =	simm.s32 @!p1 $0x1082;
	[sflag:s4] =	ssyncset.s32 $0xFFFFF086  }
0x25: {  	[simem:s6], [sflag:s4] =	dma.local [hbm:s3], $0xF7A  }
0x26: {  	[smem:$0x3F9B] =	sst s1;
	(tag) =	ssettag s2;
	_ =	strace s9  }
0x27: {  	s1 =	sld [smem:$0x3FAB]  }
0x28: {  	s2 =	sld [smem:$0x3FAC]  }
0x29: {  	s4 =	sld [smem:$0x3FAE]  }
0x2a: {  	p0 =	seq.s32 s5, $0x0;
	s5 =	sld [smem:$0x3FAF]  }
0x2b: {  	s6 =	sld [smem:$0x3FB0]  }
0x2c: {  	s7 =	sld [smem:$0x3FB1]  }
0x2d: {  	s3 =	simm.s32 $0x108;
	s8 =	sld [smem:$0x3FB2]  }
0x2e: {  	s3 =	simm.s32 @!p0 $0x1082;
	s9 =	sld [smem:$0x3FB3]  }
0x2f: {  	lr =	sadd.s32 s0, s3;
	s0 =	sld [smem:$0x3FAA]  }
0x30: {  	s3 =	sld [smem:$0x3FAD]  }
0x31: {  	[smem:$0x3FB6] =	sst s10  }
0x32: {  	s10 =	sld [smem:$0x3FB4];
	_ =	sdelay $0x3  }
0x33: {  	p0 =	seq.s32 s10, $0x1;
	s10 =	sld [smem:$0x3FB6];
	_ =	sdelay $0x3  }
0x34: {  	[smem:$0x3FB6] =	sst s10  }
0x35: {  	s10 =	sld [smem:$0x3FB5];
	_ =	sdelay $0x3  }
0x36: {  	p1 =	seq.s32 s10, $0x1;
	s10 =	sld [smem:$0x3FB6];
	_ =	sdelay $0x3  }
0x37: {  	[smem:$0x3FB6] =	sst s10  }
0x38: {  	s10 =	sld [smem:$0x3FB7]  }
0x39: {  	_ = 	snop;
	(pc) =	sbr.ind lr, $3  }
0x3a: {  	_ = 	snop  }
0x3b: {  	_ = 	snop  }
0x3c: {  	p2 =	seq.s32 s10, $0x1;
	s10 =	sld [smem:$0x3FB6]  }
0x3d: {  	_ =	shalt  }
0x3e: {  	_ =	shalt  }
0x3f: {  	_ =	shalt  }
0x40: {  	_ =	shalt  }
0x41: {  	_ =	shalt  }
0x42: {  	_ =	shalt  }
0x43: {  	_ =	shalt  }
0x44: {  	_ =	shalt  }
0x45: {  	_ =	shalt  }
0x46: {  	_ =	shalt  }
0x47: {  	_ =	shalt  }
0x48: {  	_ =	shalt  }
0x49: {  	_ =	shalt  }
0x4a: {  	_ =	shalt  }
0x4b: {  	_ =	shalt  }
0x4c: {  	_ =	shalt  }
0x4d: {  	_ =	shalt  }
0x4e: {  	_ =	shalt  }
0x4f: {  	_ =	shalt  }
0x50: {  	_ =	shalt  }
0x51: {  	_ =	shalt  }
0x52: {  	_ =	shalt  }
0x53: {  	_ =	shalt  }
0x54: {  	_ =	shalt  }
0x55: {  	_ =	shalt  }
0x56: {  	_ =	shalt  }
0x57: {  	_ =	shalt  }
0x58: {  	_ =	shalt  }
0x59: {  	_ =	shalt  }
0x5a: {  	_ =	shalt  }
0x5b: {  	_ =	shalt  }
0x5c: {  	_ =	shalt  }
0x5d: {  	_ =	shalt  }
0x5e: {  	_ =	shalt  }
0x5f: {  	_ =	shalt  }
0x60: {  	_ =	shalt  }
0x61: {  	_ =	shalt  }
0x62: {  	_ =	shalt  }
0x63: {  	_ =	shalt  }
0x64: {  	_ =	shalt  }
0x65: {  	_ =	shalt  }
0x66: {  	_ =	shalt  }
0x67: {  	_ =	shalt  }
0x68: {  	_ =	shalt  }
0x69: {  	_ =	shalt  }
0x6a: {  	_ =	shalt  }
0x6b: {  	_ =	shalt  }
0x6c: {  	_ =	shalt  }
0x6d: {  	_ =	shalt  }
0x6e: {  	_ =	shalt  }
0x6f: {  	_ =	shalt  }
0x70: {  	_ =	shalt  }
0x71: {  	_ =	shalt  }
0x72: {  	_ =	shalt  }
0x73: {  	_ =	shalt  }
0x74: {  	_ =	shalt  }
0x75: {  	_ =	shalt  }
0x76: {  	_ =	shalt  }
0x77: {  	_ =	shalt  }
0x78: {  	_ =	shalt  }
0x79: {  	_ =	shalt  }
0x7a: {  	_ =	shalt  }
0x7b: {  	_ =	shalt  }
0x7c: {  	_ =	shalt  }
0x7d: {  	_ =	shalt  }
0x7e: {  	_ =	shalt  }
0x7f: {  	_ =	shalt  }
0x80: {  	_ =	shalt  }
0x81: {  	_ =	shalt  }
0x82: {  	_ =	shalt  }
0x83: {  	_ =	shalt  }
0x84: {  	_ =	shalt  }
0x85: {  	_ =	shalt  }
0x86: {  	_ =	shalt  }
0x87: {  	_ =	shalt  }
.Lfunc_end0:
.L_simem_size_0:
called_computation.1_lowered:
.L_overlay_start_0:
0x88: {  	s2 =	sld [smem:$0x3FD9]  }
0x89: {  	s3 =	sld [smem:$0x3FFE];
	_ =	sdelay $0x1  }
0x8a: {  	s1 =	srdreg.scid  }
0x8b: {  	s0 =	sand.u32 $0x1, s1  }
0x8c: {  	s17 =	sshll.u32 s0, $0xA;
	s2 =	sadd.s32 s3, s2  }
0x8d: {  	s2 =	sadd.s32 s2, s17  }
0x8e: {  	[smem:$0x3FC2] =	sst s2  }
0x8f: {  	_ = 	snop  }
0x90: {  	s2 =	sld [smem:$0x3FD0];
	(tm) =	ssettm $0x1  }
0x91: {  	s18 =	sld [smem:$0x3FFB];
	_ =	sdelay $0x3  }
0x92: {  	_ =	strace s18  }
0x93: {  	s3 =	sld [smem:$0x3FFC];
	_ =	sdelay $0x3  }
0x94: {  	_ =	strace s3  }
0x95: {  	s3 =	sld [smem:$0x3FFD];
	_ =	sdelay $0x3  }
0x96: {  	_ =	strace s3  }
0x97: {  	_ =	strace $0x8FFFFFFF  }
0x98: {  	s19 =	sld [smem:$0x3FDB];
	_ =	sdelay $0x1  }
0x99: {  	s4 =	simm.s32 $_scs_section_size  }
0x9a: {  	s5 =	simm.s32 $_size__tile_overlayer_lowered;
	s6 =	simm.s32 $_tile_overlayer_lowered  }
0x9b: {  	s22 =	simm.s32 $0x1BFF;
	s21 =	sshll.u32 s6, $0x1;
	s3 =	sadd.s32 s4, s19  }
0x9c: {  	s7 =	simm.s32 $0x0;
	s20 =	sshll.u32 s5, $0x1;
	s5 =	sadd.s32 s21, s3  }
0x9d: {  	[timem:s7], [sflag:s22] =	dma.local [hbm:s5], s20  }
0x9e: {  	_ =	swait.ge [sflag:s22], s20  }
0x9f: {  	s4 =	ssub.s32 $0x0, s20;
	[sflag:s22] =	ssyncset.done $0x0  }
0xa0: {  	[sflag:s22] =	ssyncadd.s32 s4;
	_ =	sdelay $0x1  }
0xa1: {  	s23 =	simm.s32 $0x1B8B  }
0xa2: {  	_ =	swait.ge [sflag:s23], $0x1  }
0xa3: {  	[sflag:s23] =	ssyncset.done $0x0  }
0xa4: {  	s25 =	simm.s32 $0x1B8E;
	s24 =	sld [smem:$0x3FFE];
	[sflag:s23] =	ssyncadd.s32 $0xFFFFFFFF  }
0xa5: {  	s26 =	simm.s32 $execute0_lowered;
	[smem:$0x3FD2] =	sst s25  }
0xa6: {  	s5 =	sshll.u32 s26, $0x1;
	_ =	strace $0x80000049;
	[dreg:$0x1] =	wrdreg $0xFFFFFFFF  }
0xa7: {  	s28 =	simm.s32 $_size_execute0_lowered;
	s3 =	sadd.s32 s3, s5;
	[dreg:$0x0] =	wrdreg $0x0  }
0xa8: {  	s5 =	sshll.u32 s28, $0x1;
	[dreg:$0x2] =	wrdreg s3  }
0xa9: {  	[dreg:$0x3] =	wrdreg s5  }
0xaa: {  	[dreg:$0x4] =	wrdreg $0xC0  }
0xab: {  	_ =	task [dreg:s7], $0x5FFFF  }
0xac: {  	[dreg:$0x1] =	wrdreg $0xFFFFFFFF  }
0xad: {  	[dreg:$0x0] =	wrdreg $0x60  }
0xae: {  	[dreg:$0x2] =	wrdreg s2  }
0xaf: {  	[dreg:$0x3] =	wrdreg s24  }
0xb0: {  	[dreg:$0x4] =	wrdreg $0x91000  }
0xb1: {  	[dreg:$0x5] =	wrdreg $0xA  }
0xb2: {  	_ =	task.clear_ibuf [dreg:s7], $0x6FFFF;
	_ =	strace $0x90000049  }
0xb3: {  	s29 =	simm.s32 $0xA;
	_ =	strace $0x8000004B  }
0xb4: {  	_ =	swait.ge [sflag:s29], $0x1  }
0xb5: {  	[sflag:s29] =	ssyncadd.s32 $0xFFFFFFFF  }
0xb6: {  	_ =	strace $0x9000004B  }
0xb7: {  	_ =	sfence  }
0xb8: {  	s30 =	sld [smem:$0x0];
	_ =	sdelay $0x2  }
0xb9: {  	s31 =	sshll.u32 s1, $0xD;
	s1 =	sshrl.u32 s1, $0x2  }
0xba: {  	s3 =	sand.u32 $0x4000, s31;
	s1 =	sadd.s32 s1, s30  }
0xbb: {  	s0 =	sor.u32 s3, s0;
	s1 =	sshll.u32 s1, $0x11  }
0xbc: {  	s0 =	sor.u32 s1, s0  }
0xbd: {  	s0 =	sadd.s32 $0x8F2B, s0  }
0xbe: {  	[sflag:s0] =	ssyncadd.remote.s32 $0x1  }
0xbf: {  	_ =	sfence.sel $0xFFFF  }
0xc0: {  	[dreg:$0x0] =	wrdreg $0xFFFFFFFF;
	(pc) =	sbr.abs _section_cstart, $3  }
0xc1: {  	[dreg:$0x1] =	wrdreg $0xFFFFFFFF  }
0xc2: {  	_ =	task.clear_ibuf [dreg:s7], $0x2FFFF;
	_ =	strace $0x9FFFFFFF  }
0xc3: {  	(tm) =	ssettm $0x7FFFFFFF  }
tec
execute0_lowered:
.L_overlay_start_1:
0x0: {  	(tag) =	ssettag $0x1  }
0x1: {  	s1 =	rddreg [dreg:$0x0]  }
0x2: {  	s0 =	rddreg [dreg:$0x1];
	s23 =	stileid.u32  }
0x3: {  	s2 =	rddreg [dreg:$0x2];
	s4 =	simm.s32 $0x0;
	s8 =	smul.u32 $0x280, s23  }
0x4: {  	s3 =	srdreg.scid;
	s30 =	simm.s32 $0x4100;
	s26 =	smul.u32 $0x2710, s23  }
0x5: {  	s31 =	simm.s32 $0x7;
	[smem:$0x7FF] =	sst s4;
	s17 =	smul.u32 $0x2800, s23  }
0x6: {  	s3 =	sand.u32 $0x1, s3;
	s9 =	sshll.u32 s23, $0xB;
	s23 =	smul.u32 $0x50000, s23  }
0x7: {  	s7 =	sadd.s32 $0x1E200, s0;
	s5 =	smul.u32 $0x28000, s3;
	s6 =	ssub.s32 $0x2, s3  }
0x8: {  	s3 =	smul.u32 $0x27100, s3;
	s10 =	sshrl.u32 s6, $0x1;
	s11 =	sor.u32 $0x50, s8  }
0x9: {  	s12 =	sadd.s32 $0xA0, s8;
	s13 =	sadd.s32 $0xF0, s8;
	s14 =	sadd.s32 $0x140, s8  }
0xa: {  	s15 =	sadd.s32 $0x190, s8;
	s16 =	sadd.s32 $0x1E0, s8;
	s8 =	sadd.s32 $0x230, s8  }
0xb: {  	s5 =	sadd.s32 s5, s0;
	s10 =	ssub.s32 s6, s10;
	s3 =	sadd.s32 s26, s3  }
0xc: {  	s18 =	sshll.u32 s11, $0x4;
	s19 =	sshll.u32 s12, $0x4;
	s20 =	sshll.u32 s13, $0x4  }
0xd: {  	s21 =	sshll.u32 s14, $0x4;
	s22 =	sshll.u32 s15, $0x4;
	s29 =	sshll.u32 s16, $0x4  }
0xe: {  	s24 =	sshll.u32 s8, $0x4;
	s26 =	sadd.s32 s9, s0;
	s0 =	sadd.s32 $0xC200, s0  }
0xf: {  	s9 =	sshll.u32 s12, $0x7;
	s12 =	sshll.u32 s14, $0x7;
	s14 =	sshll.u32 s16, $0x7  }
0x10: {  	s6 =	sshrl.u32 s3, $0x3;
	s5 =	sadd.s32 $0x78000, s5;
	s28 =	sadd.s32 $0x140, s3  }
0x11: {  	s3 =	sadd.s32 $0xF0, s3;
	s16 =	sadd.s32 $0x16200, s26;
	s26 =	smax.u32 s10, $0x1  }
0x12: {  	s10 =	simm.s32 $0x4080;
	s25 =	sadd.s32 s7, s6;
	s17 =	sadd.s32 s17, s5  }
0x13: {  	s6 =	sshrl.u32 s28, $0x3;
	s18 =	sadd.s32 s18, s5;
	[dreg:$0x5] =	wrdreg s17  }
0x14: {  	s3 =	sshrl.u32 s3, $0x3;
	s19 =	sadd.s32 s19, s5;
	[dreg:$0x6] =	wrdreg s18  }
0x15: {  	s20 =	sadd.s32 s20, s5;
	s21 =	sadd.s32 s21, s5;
	[dreg:$0x7] =	wrdreg s19  }
0x16: {  	s22 =	sadd.s32 s22, s5;
	s28 =	sshrl.u32 s23, $0x2;
	[dreg:$0x8] =	wrdreg s20  }
0x17: {  	s23 =	sadd.s32 s14, s2;
	s14 =	simm.s32 $0x6;
	[dreg:$0x9] =	wrdreg s21  }
0x18: {  	s6 =	sadd.s32 s6, s7;
	s7 =	sadd.s32 s3, s7;
	[dreg:$0xa] =	wrdreg s22  }
0x19: {  	s3 =	sadd.s32 s29, s5;
	s5 =	sadd.s32 s24, s5;
	s29 =	sshll.u32 s11, $0x7  }
0x1a: {  	s17 =	sadd.s32 s28, s2;
	s19 =	sadd.s32 s9, s2;
	s11 =	sshll.u32 s13, $0x7  }
0x1b: {  	s21 =	sadd.s32 s12, s2;
	s13 =	sshll.u32 s15, $0x7;
	s15 =	sshll.u32 s8, $0x7  }
0x1c: {  	s28 =	sadd.s32 $0xA, s25;
	s8 =	simm.s32 $0x1;
	[dreg:$0xb] =	wrdreg s3  }
0x1d: {  	s9 =	simm.s32 $0x50;
	s12 =	simm.s32 $0x5;
	[dreg:$0xc] =	wrdreg s5  }
0x1e: {  	s18 =	sadd.s32 s29, s2;
	_ =	strace $0x8000004A;
	[dreg:$0xd] =	wrdreg s0  }
0x1f: {  	s20 =	sadd.s32 s11, s2;
	s22 =	sadd.s32 s13, s2;
	[dreg:$0xe] =	wrdreg s16  }
0x20: {  	s24 =	sadd.s32 s15, s2;
	s29 =	sadd.s32 $0x14, s25;
	[dreg:$0xf] =	wrdreg s26  }
0x21: {  	s3 =	simm.s32 $0x4000;
	s11 =	simm.s32 $0x2;
	[dreg:$0x10] =	wrdreg s28  }
0x22: {  	s5 =	simm.s32 $0x6900;
	s13 =	simm.s32 $0x4;
	[dreg:$0x4] =	wrdreg s25  }
0x23: {  	s15 =	simm.s32 $0x0;
	[dreg:$0x11] =	wrdreg s29;
	s0 =	simm.s32 $0x3  }
.LBB2_1:
0x24: {  	s16 =	rddreg [dreg:$0xd]  }
0x25: {  	[tilespmem:s30], [sflag:$0x7] =	stream.linear.gather [hbm4b:s16+s4], $0x2800, $0x38;
	[tilespmem:$0x1D100] =	vst v63  }
0x26: {  	_ =	swait.ge [sflag:s31], $0x2800  }
0x27: {  	[sflag:s31] =	ssyncset.done $0x0  }
0x28: {  	[sflag:s31] =	ssyncadd.s32 $0xFFFFD800  }
0x29: {  	[spmem:s17] =	stream.linear.scatter [tilespmem:s30], [sflag:$0x3], $0x2800, $0x38;
	[tilespmem:$0x1D100] =	vst v63  }
0x2a: {  	_ = 	snop  }
0x2b: {  	[spmem:s18] =	stream.linear.scatter [tilespmem:s30], [sflag:$0x3], $0x2800, $0x38;
	[tilespmem:$0x1D100] =	vst v63  }
0x2c: {  	_ = 	snop  }
0x2d: {  	[spmem:s19] =	stream.linear.scatter [tilespmem:s30], [sflag:$0x3], $0x2800, $0x38;
	[tilespmem:$0x1D100] =	vst v63  }
0x2e: {  	_ = 	snop  }
0x2f: {  	[spmem:s20] =	stream.linear.scatter [tilespmem:s30], [sflag:$0x3], $0x2800, $0x38;
	[tilespmem:$0x1D100] =	vst v63  }
0x30: {  	_ = 	snop  }
0x31: {  	[spmem:s21] =	stream.linear.scatter [tilespmem:s30], [sflag:$0x3], $0x2800, $0x38;
	[tilespmem:$0x1D100] =	vst v63  }
0x32: {  	_ = 	snop  }
0x33: {  	[spmem:s22] =	stream.linear.scatter [tilespmem:s30], [sflag:$0x3], $0x2800, $0x38;
	[tilespmem:$0x1D100] =	vst v63  }
0x34: {  	_ = 	snop  }
0x35: {  	[spmem:s23] =	stream.linear.scatter [tilespmem:s30], [sflag:$0x3], $0x2800, $0x38;
	[tilespmem:$0x1D100] =	vst v63  }
0x36: {  	_ = 	snop  }
0x37: {  	[spmem:s24] =	stream.linear.scatter [tilespmem:s30], [sflag:$0x3], $0x2800, $0x38;
	[tilespmem:$0x1D100] =	vst v63  }
0x38: {  	s26 =	rddreg [dreg:$0xe]  }
0x39: {  	[tilespmem:s4], [sflag:$0x7] =	stream.linear.gather [hbm4b:s26+s4], $0x3E80, $0x38;
	[tilespmem:$0x1D100] =	vst v63  }
0x3a: {  	_ =	swait.ge [sflag:s31], $0x3E80  }
0x3b: {  	[sflag:s31] =	ssyncset.done $0x0  }
0x3c: {  	[sflag:s31] =	ssyncadd.s32 $0xFFFFC180  }
0x3d: {  	_ =	swait.ge [sflag:s0], $0x2800  }
0x3e: {  	[sflag:s0] =	ssyncset.done $0x0  }
0x3f: {  	[sflag:s0] =	ssyncadd.s32 $0xFFFFD800  }
0x40: {  	_ =	swait.ge [sflag:s0], $0x2800  }
0x41: {  	[sflag:s0] =	ssyncset.done $0x0  }
0x42: {  	[sflag:s0] =	ssyncadd.s32 $0xFFFFD800  }
0x43: {  	_ =	swait.ge [sflag:s0], $0x2800  }
0x44: {  	[sflag:s0] =	ssyncset.done $0x0  }
0x45: {  	[sflag:s0] =	ssyncadd.s32 $0xFFFFD800  }
0x46: {  	_ =	swait.ge [sflag:s0], $0x2800  }
0x47: {  	[sflag:s0] =	ssyncset.done $0x0  }
0x48: {  	[sflag:s0] =	ssyncadd.s32 $0xFFFFD800  }
0x49: {  	_ =	swait.ge [sflag:s0], $0x2800  }
0x4a: {  	[sflag:s0] =	ssyncset.done $0x0  }
0x4b: {  	[sflag:s0] =	ssyncadd.s32 $0xFFFFD800  }
0x4c: {  	_ =	swait.ge [sflag:s0], $0x2800  }
0x4d: {  	[sflag:s0] =	ssyncset.done $0x0  }
0x4e: {  	[sflag:s0] =	ssyncadd.s32 $0xFFFFD800  }
0x4f: {  	_ =	swait.ge [sflag:s0], $0x2800  }
0x50: {  	[sflag:s0] =	ssyncset.done $0x0  }
0x51: {  	[sflag:s0] =	ssyncadd.s32 $0xFFFFD800  }
0x52: {  	_ =	swait.ge [sflag:s0], $0x2800  }
0x53: {  	[sflag:s0] =	ssyncset.done $0x0  }
0x54: {  	[sflag:s0] =	ssyncadd.s32 $0xFFFFD800  }
0x55: {  	[bflag:$0x0] =	sbarrier.arrive $0xFFFF  }
0x56: {  	s28 =	rddreg [dreg:$0x4]  }
0x57: {  	[tilespmem:s3], [sflag:$0x1] =	stream.linear.gather [hbm4b:s28+s4], $0x50, $0x38;
	[tilespmem:$0x1D100] =	vst v63  }
0x58: {  	_ =	swait.ge [sflag:s8], $0x50  }
0x59: {  	[sflag:s8] =	ssyncset.done $0x0  }
0x5a: {  	[sflag:s8] =	ssyncadd.s32 $0xFFFFFFB0  }
0x5b: {  	[tilespmem:s30], [sflag:$0x3] =	stream.indirect.gather [hbm4b:s1+s9], $0x80, s3, s9, $0xb8;
	[tilespmem:$0x1D100] =	vst v63  }
0x5c: {  	s29 =	rddreg [dreg:$0x10]  }
0x5d: {  	[tilespmem:s10], [sflag:$0x2] =	stream.linear.gather [hbm4b:s29+s4], $0x50, $0x38;
	[tilespmem:$0x1D100] =	vst v63  }
0x5e: {  	_ =	swait.ge [sflag:s11], $0x50  }
0x5f: {  	[sflag:s11] =	ssyncset.done $0x0  }
0x60: {  	[sflag:s11] =	ssyncadd.s32 $0xFFFFFFB0  }
0x61: {  	[tilespmem:s5], [sflag:$0x4] =	stream.indirect.gather [hbm4b:s1+s9], $0x80, s10, s9, $0xb8;
	[tilespmem:$0x1D100] =	vst v63  }
0x62: {  	_ =	swait.ge [sflag:s0], $0x2800  }
0x63: {  	[sflag:s0] =	ssyncset.done $0x0  }
0x64: {  	s25 =	rddreg [dreg:$0x11];
	[sflag:s0] =	ssyncadd.s32 $0xFFFFD800  }
0x65: {  	[tilespmem:s3], [sflag:$0x1] =	stream.linear.gather [hbm4b:s25+s4], $0x50, $0x38;
	[tilespmem:$0x1D100] =	vst v63  }
0x66: {  	_ = 	snop  }
0x67: {  	[spmem:s2] =	stream.indirect.scatter.add.f32 [tilespmem:s30], [sflag:$0x5], $0x80, s4, s9, $0xb8;
	[tilespmem:$0x1D100] =	vst v63  }
0x68: {  	_ =	swait.ge [sflag:s8], $0x50  }
0x69: {  	[sflag:s8] =	ssyncset.done $0x0  }
0x6a: {  	[sflag:s8] =	ssyncadd.s32 $0xFFFFFFB0  }
0x6b: {  	_ =	swait.ge [sflag:s12], $0x2800  }
0x6c: {  	[sflag:s12] =	ssyncset.done $0x0  }
0x6d: {  	[sflag:s12] =	ssyncadd.s32 $0xFFFFD800  }
0x6e: {  	[tilespmem:s30], [sflag:$0x3] =	stream.indirect.gather [hbm4b:s1+s9], $0x80, s3, s9, $0xb8;
	[tilespmem:$0x1D100] =	vst v63  }
0x6f: {  	_ =	swait.ge [sflag:s13], $0x2800  }
0x70: {  	[sflag:s13] =	ssyncset.done $0x0  }
0x71: {  	s26 =	sadd.s32 $0x0, s7;
	[sflag:s13] =	ssyncadd.s32 $0xFFFFD800  }
0x72: {  	[tilespmem:s10], [sflag:$0x2] =	stream.linear.gather [hbm4b:s26+s4], $0x50, $0x38;
	[tilespmem:$0x1D100] =	vst v63  }
0x73: {  	s28 =	simm.s32 $0x80  }
0x74: {  	[spmem:s2] =	stream.indirect.scatter.add.f32 [tilespmem:s5], [sflag:$0x6], $0x80, s28, s9, $0xb8;
	[tilespmem:$0x1D100] =	vst v63  }
0x75: {  	_ =	swait.ge [sflag:s11], $0x50  }
0x76: {  	[sflag:s11] =	ssyncset.done $0x0  }
0x77: {  	[sflag:s11] =	ssyncadd.s32 $0xFFFFFFB0  }
0x78: {  	_ =	swait.ge [sflag:s14], $0x2800  }
0x79: {  	[sflag:s14] =	ssyncset.done $0x0  }
0x7a: {  	[sflag:s14] =	ssyncadd.s32 $0xFFFFD800  }
0x7b: {  	[tilespmem:s5], [sflag:$0x4] =	stream.indirect.gather [hbm4b:s1+s9], $0x80, s10, s9, $0xb8;
	[tilespmem:$0x1D100] =	vst v63  }
0x7c: {  	_ =	swait.ge [sflag:s0], $0x2800  }
0x7d: {  	s16 =	simm.s32 $0x100;
	s29 =	sadd.s32 $0x0, s6;
	[sflag:s0] =	ssyncset.done $0x0  }
0x7e: {  	s25 =	simm.s32 $0x14;
	s26 =	simm.s32 $0x200;
	[sflag:s0] =	ssyncadd.s32 $0xFFFFD800  }
0x7f: {  	[tilespmem:s3], [sflag:$0x1] =	stream.linear.gather [hbm4b:s29+s4], $0x50, $0x38;
	[tilespmem:$0x1D100] =	vst v63  }
.LBB2_2:
0x80: {  	[spmem:s2] =	stream.indirect.scatter.add.f32 [tilespmem:s30], [sflag:$0x5], $0x80, s16, s9, $0xb8;
	[tilespmem:$0x1D100] =	vst v63  }
0x81: {  	s28 =	smov.u32 s25;
	s16 =	smov.u32 s26  }
0x82: {  	p0 =	sne.s32 s25, $0x4B0;
	s25 =	sadd.s32 $0x14, s25;
	_ =	swait.ge [sflag:s8], $0x50  }
0x83: {  	[sflag:s8] =	ssyncset.done $0x0  }
0x84: {  	[sflag:s8] =	ssyncadd.s32 $0xFFFFFFB0  }
0x85: {  	_ =	swait.ge [sflag:s12], $0x2800  }
0x86: {  	[sflag:s12] =	ssyncset.done $0x0  }
0x87: {  	[sflag:s12] =	ssyncadd.s32 $0xFFFFD800  }
0x88: {  	[tilespmem:s30], [sflag:$0x3] =	stream.indirect.gather [hbm4b:s1+s9], $0x80, s3, s9, $0xb8;
	[tilespmem:$0x1D100] =	vst v63  }
0x89: {  	_ =	swait.ge [sflag:s13], $0x2800  }
0x8a: {  	[sflag:s13] =	ssyncset.done $0x0  }
0x8b: {  	s29 =	sadd.s32 s28, s7;
	[sflag:s13] =	ssyncadd.s32 $0xFFFFD800  }
0x8c: {  	[tilespmem:s10], [sflag:$0x2] =	stream.linear.gather [hbm4b:s29+s4], $0x50, $0x38;
	[tilespmem:$0x1D100] =	vst v63  }
0x8d: {  	s29 =	sadd.s32 $0xFFFFFF80, s26  }
0x8e: {  	[spmem:s2] =	stream.indirect.scatter.add.f32 [tilespmem:s5], [sflag:$0x6], $0x80, s29, s9, $0xb8;
	[tilespmem:$0x1D100] =	vst v63  }
0x8f: {  	_ =	swait.ge [sflag:s11], $0x50  }
0x90: {  	[sflag:s11] =	ssyncset.done $0x0  }
0x91: {  	[sflag:s11] =	ssyncadd.s32 $0xFFFFFFB0  }
0x92: {  	_ =	swait.ge [sflag:s14], $0x2800  }
0x93: {  	[sflag:s14] =	ssyncset.done $0x0  }
0x94: {  	[sflag:s14] =	ssyncadd.s32 $0xFFFFD800  }
0x95: {  	[tilespmem:s5], [sflag:$0x4] =	stream.indirect.gather [hbm4b:s1+s9], $0x80, s10, s9, $0xb8;
	[tilespmem:$0x1D100] =	vst v63  }
.Ltmp0:
0x96: {  	_ =	swait.ge [sflag:s0], $0x2800;
	(pc) =	sbr.rel @p0 .LBB2_2-.Ltmp0, $4  }
0x97: {  	[sflag:s0] =	ssyncset.done $0x0  }
0x98: {  	s28 =	sadd.s32 s28, s6;
	[sflag:s0] =	ssyncadd.s32 $0xFFFFD800  }
0x99: {  	[tilespmem:s3], [sflag:$0x1] =	stream.linear.gather [hbm4b:s28+s4], $0x50, $0x38;
	[tilespmem:$0x1D100] =	vst v63  }
0x9a: {  	s26 =	sadd.s32 $0x100, s26  }
0x9b: {  	[spmem:s2] =	stream.indirect.scatter.add.f32 [tilespmem:s30], [sflag:$0x5], $0x80, s16, s9, $0xb8;
	[tilespmem:$0x1D100] =	vst v63  }
0x9c: {  	_ =	swait.ge [sflag:s8], $0x50  }
0x9d: {  	[sflag:s8] =	ssyncset.done $0x0  }
0x9e: {  	[sflag:s8] =	ssyncadd.s32 $0xFFFFFFB0  }
0x9f: {  	_ =	swait.ge [sflag:s12], $0x2800  }
0xa0: {  	[sflag:s12] =	ssyncset.done $0x0  }
0xa1: {  	[sflag:s12] =	ssyncadd.s32 $0xFFFFD800  }
0xa2: {  	[tilespmem:s30], [sflag:$0x3] =	stream.indirect.gather [hbm4b:s1+s9], $0x80, s3, s9, $0xb8;
	[tilespmem:$0x1D100] =	vst v63  }
0xa3: {  	_ =	swait.ge [sflag:s13], $0x2800  }
0xa4: {  	[sflag:s13] =	ssyncset.done $0x0  }
0xa5: {  	s26 =	simm.s32 $0x3D80;
	[sflag:s13] =	ssyncadd.s32 $0xFFFFD800  }
0xa6: {  	[spmem:s2] =	stream.indirect.scatter.add.f32 [tilespmem:s5], [sflag:$0x6], $0x80, s26, s9, $0xb8;
	[tilespmem:$0x1D100] =	vst v63  }
0xa7: {  	_ =	swait.ge [sflag:s0], $0x2800  }
0xa8: {  	[sflag:s0] =	ssyncset.done $0x0  }
0xa9: {  	s28 =	simm.s32 $0x3E00;
	[sflag:s0] =	ssyncadd.s32 $0xFFFFD800  }
0xaa: {  	[spmem:s2] =	stream.indirect.scatter.add.f32 [tilespmem:s30], [sflag:$0x5], $0x80, s28, s9, $0xb8;
	[tilespmem:$0x1D100] =	vst v63  }
0xab: {  	_ =	swait.ge [sflag:s14], $0x2800  }
0xac: {  	[sflag:s14] =	ssyncset.done $0x0  }
0xad: {  	[sflag:s14] =	ssyncadd.s32 $0xFFFFD800  }
0xae: {  	_ =	swait.ge [sflag:s12], $0x2800  }
0xaf: {  	[sflag:s12] =	ssyncset.done $0x0  }
0xb0: {  	[sflag:s12] =	ssyncadd.s32 $0xFFFFD800  }
0xb1: {  	[bflag:$0x0] =	sbarrier.arrive $0xFFFF  }
0xb2: {  	[tilespmem:s30], [sflag:$0x7] =	stream.linear.gather [spmem:s17], $0x2800, $0x38;
	[tilespmem:$0x1D100] =	vst v63  }
0xb3: {  	_ =	swait.ge [sflag:s31], $0x2800  }
0xb4: {  	[sflag:s31] =	ssyncset.done $0x0  }
0xb5: {  	s29 =	rddreg [dreg:$0x5];
	[sflag:s31] =	ssyncadd.s32 $0xFFFFD800  }
0xb6: {  	[hbm4b:s29+s4] =	stream.linear.scatter [tilespmem:s30], [sflag:$0x3], $0x2800, $0x38;
	[tilespmem:$0x1D100] =	vst v63  }
0xb7: {  	_ = 	snop  }
0xb8: {  	[tilespmem:s5], [sflag:$0x7] =	stream.linear.gather [spmem:s18], $0x2800, $0x38;
	[tilespmem:$0x1D100] =	vst v63  }
0xb9: {  	_ =	swait.ge [sflag:s31], $0x2800  }
0xba: {  	[sflag:s31] =	ssyncset.done $0x0  }
0xbb: {  	s25 =	rddreg [dreg:$0x6];
	[sflag:s31] =	ssyncadd.s32 $0xFFFFD800  }
0xbc: {  	[hbm4b:s25+s4] =	stream.linear.scatter [tilespmem:s5], [sflag:$0x4], $0x2800, $0x38;
	[tilespmem:$0x1D100] =	vst v63  }
0xbd: {  	_ =	swait.ge [sflag:s0], $0x2800  }
0xbe: {  	[sflag:s0] =	ssyncset.done $0x0  }
0xbf: {  	[sflag:s0] =	ssyncadd.s32 $0xFFFFD800  }
0xc0: {  	[tilespmem:s30], [sflag:$0x7] =	stream.linear.gather [spmem:s19], $0x2800, $0x38;
	[tilespmem:$0x1D100] =	vst v63  }
0xc1: {  	_ =	swait.ge [sflag:s31], $0x2800  }
0xc2: {  	[sflag:s31] =	ssyncset.done $0x0  }
0xc3: {  	s26 =	rddreg [dreg:$0x7];
	[sflag:s31] =	ssyncadd.s32 $0xFFFFD800  }
0xc4: {  	[hbm4b:s26+s4] =	stream.linear.scatter [tilespmem:s30], [sflag:$0x3], $0x2800, $0x38;
	[tilespmem:$0x1D100] =	vst v63  }
0xc5: {  	_ =	swait.ge [sflag:s13], $0x2800  }
0xc6: {  	[sflag:s13] =	ssyncset.done $0x0  }
0xc7: {  	[sflag:s13] =	ssyncadd.s32 $0xFFFFD800  }
0xc8: {  	[tilespmem:s5], [sflag:$0x7] =	stream.linear.gather [spmem:s20], $0x2800, $0x38;
	[tilespmem:$0x1D100] =	vst v63  }
0xc9: {  	_ =	swait.ge [sflag:s31], $0x2800  }
0xca: {  	[sflag:s31] =	ssyncset.done $0x0  }
0xcb: {  	s28 =	rddreg [dreg:$0x8];
	[sflag:s31] =	ssyncadd.s32 $0xFFFFD800  }
0xcc: {  	[hbm4b:s28+s4] =	stream.linear.scatter [tilespmem:s5], [sflag:$0x4], $0x2800, $0x38;
	[tilespmem:$0x1D100] =	vst v63  }
0xcd: {  	_ =	swait.ge [sflag:s0], $0x2800  }
0xce: {  	[sflag:s0] =	ssyncset.done $0x0  }
0xcf: {  	[sflag:s0] =	ssyncadd.s32 $0xFFFFD800  }
0xd0: {  	[tilespmem:s30], [sflag:$0x7] =	stream.linear.gather [spmem:s21], $0x2800, $0x38;
	[tilespmem:$0x1D100] =	vst v63  }
0xd1: {  	_ =	swait.ge [sflag:s31], $0x2800  }
0xd2: {  	[sflag:s31] =	ssyncset.done $0x0  }
0xd3: {  	s29 =	rddreg [dreg:$0x9];
	[sflag:s31] =	ssyncadd.s32 $0xFFFFD800  }
0xd4: {  	[hbm4b:s29+s4] =	stream.linear.scatter [tilespmem:s30], [sflag:$0x3], $0x2800, $0x38;
	[tilespmem:$0x1D100] =	vst v63  }
0xd5: {  	_ =	swait.ge [sflag:s13], $0x2800  }
0xd6: {  	[sflag:s13] =	ssyncset.done $0x0  }
0xd7: {  	[sflag:s13] =	ssyncadd.s32 $0xFFFFD800  }
0xd8: {  	[tilespmem:s5], [sflag:$0x7] =	stream.linear.gather [spmem:s22], $0x2800, $0x38;
	[tilespmem:$0x1D100] =	vst v63  }
0xd9: {  	_ =	swait.ge [sflag:s31], $0x2800  }
0xda: {  	[sflag:s31] =	ssyncset.done $0x0  }
0xdb: {  	s25 =	rddreg [dreg:$0xa];
	[sflag:s31] =	ssyncadd.s32 $0xFFFFD800  }
0xdc: {  	[hbm4b:s25+s4] =	stream.linear.scatter [tilespmem:s5], [sflag:$0x4], $0x2800, $0x38;
	[tilespmem:$0x1D100] =	vst v63  }
0xdd: {  	_ =	swait.ge [sflag:s0], $0x2800  }
0xde: {  	[sflag:s0] =	ssyncset.done $0x0  }
0xdf: {  	[sflag:s0] =	ssyncadd.s32 $0xFFFFD800  }
0xe0: {  	[tilespmem:s30], [sflag:$0x7] =	stream.linear.gather [spmem:s23], $0x2800, $0x38;
	[tilespmem:$0x1D100] =	vst v63  }
0xe1: {  	_ =	swait.ge [sflag:s31], $0x2800  }
0xe2: {  	[sflag:s31] =	ssyncset.done $0x0  }
0xe3: {  	s26 =	rddreg [dreg:$0xb];
	[sflag:s31] =	ssyncadd.s32 $0xFFFFD800  }
0xe4: {  	[hbm4b:s26+s4] =	stream.linear.scatter [tilespmem:s30], [sflag:$0x3], $0x2800, $0x38;
	[tilespmem:$0x1D100] =	vst v63  }
0xe5: {  	_ =	swait.ge [sflag:s13], $0x2800  }
0xe6: {  	[sflag:s13] =	ssyncset.done $0x0  }
0xe7: {  	[sflag:s13] =	ssyncadd.s32 $0xFFFFD800  }
0xe8: {  	[tilespmem:s5], [sflag:$0x7] =	stream.linear.gather [spmem:s24], $0x2800, $0x38;
	[tilespmem:$0x1D100] =	vst v63  }
0xe9: {  	_ =	swait.ge [sflag:s31], $0x2800  }
0xea: {  	[sflag:s31] =	ssyncset.done $0x0  }
0xeb: {  	s28 =	rddreg [dreg:$0xc];
	[sflag:s31] =	ssyncadd.s32 $0xFFFFD800  }
0xec: {  	[hbm4b:s28+s4] =	stream.linear.scatter [tilespmem:s5], [sflag:$0x4], $0x2800, $0x38;
	[tilespmem:$0x1D100] =	vst v63  }
0xed: {  	_ =	swait.ge [sflag:s0], $0x2800  }
0xee: {  	[sflag:s0] =	ssyncset.done $0x0  }
0xef: {  	[sflag:s0] =	ssyncadd.s32 $0xFFFFD800  }
0xf0: {  	_ =	swait.ge [sflag:s13], $0x2800  }
0xf1: {  	s15 =	sadd.s32 $0x1, s15;
	s29 =	rddreg [dreg:$0xf]  }
0xf2: {  	p0 =	sne.s32 s15, s29  }
.Ltmp1:
0xf3: {  	_ = 	snop;
	(pc) =	sbr.rel @p0 .LBB2_1-.Ltmp1, $3  }
0xf4: {  	_ =	sdelay $0x1  }
0xf5: {  	[sflag:s13] =	ssyncset.done $0x0  }
0xf6: {  	[sflag:s13] =	ssyncadd.s32 $0xFFFFD800  }
0xf7: {  	_ =	sfence.sel $0x180000  }
0xf8: {  	[bflag:$0x0] =	sbarrier.arrive $0xFFFF  }
0xf9: {  	_ =	strace $0x9000004A  }
0xfa: {  	s0 =	stileid.u32;
	[bflag:$0x2] =	sbarrier.arrive $0xFFFF  }
0xfb: {  	p0 =	sne.s32 s0, $0x0;
	s0 =	rddreg [dreg:$0x3]  }
0xfc: {  	s0 =	sadd.s32 @!p0 $0x100000, s0  }
0xfd: {  	[sflag:s0] =	ssyncadd.tile.s32 @!p0 $0x1;
	_ =	shalt  }
.Lfunc_end2:
_tile_overlayer_lowered:
.L_overlay_start_2:
0xfe: {  	(tag) =	ssettag $0x2  }
0xff: {  	s0 =	rddreg [dreg:$0x0];
	s2 =	stileid.u32  }
0x100: {  	s1 =	rddreg [dreg:$0x1];
	p0 =	sne.s32 s2, $0x0  }
0x101: {  	s3 =	rddreg [dreg:$0x2];
	[bflag:$0x3] =	sbarrier.arrive $0xFFFF;
	s2 =	simm.s32 @!p0 $0x1C07  }
0x102: {  	[timem:s3], [sflag:s2] =	dma.local @!p0 [hbm:s0], s1  }
0x103: {  	s0 =	simm.s32 @!p0 $0x7  }
0x104: {  	_ =	swait.ge @!p0 [sflag:s0], s1  }
0x105: {  	s1 =	ssub.s32 @!p0 $0x0, s1;
	[sflag:s0] =	ssyncset.done @!p0 $0x0  }
0x106: {  	[sflag:s0] =	ssyncadd.s32 @!p0 s1  }
0x107: {  	[bflag:$0x3] =	sbarrier.arrive $0xFFFF  }
0x108: {  	_ =	shalt  }

// kernel: kernel.15.cloned.1.call-start
scs
__scs_entry_jumppad:
0x0: {  	(pc) =	sbr.rel $0x88, $3  }
0x1: {  	(tag) =	ssettag $0x0;
	lr =	simm.s32 $0x1  }
0x2: {  	[smem:$0x3F9B] =	sst lr;
	_ =	strace $0xD0000000  }
0x3: {  	_ = 	snop  }
0x4: {  	_ = 	snop  }
0x5: {  	_ = 	snop  }
0x6: {  	_ = 	snop  }
0x7: {  	_ = 	snop  }
__scs_overlays_trampoline_lowered:
0x8: {  	[smem:$0x3FAA] =	sst s0  }
0x9: {  	[smem:$0x3FAB] =	sst s1  }
0xa: {  	[smem:$0x3FAC] =	sst s2  }
0xb: {  	[smem:$0x3FAD] =	sst s3  }
0xc: {  	[smem:$0x3FAE] =	sst s4  }
0xd: {  	[smem:$0x3FAF] =	sst s5  }
0xe: {  	[smem:$0x3FB0] =	sst s6  }
0xf: {  	[smem:$0x3FB1] =	sst s7  }
0x10: {  	[smem:$0x3FB2] =	sst s8  }
0x11: {  	[smem:$0x3FB3] =	sst s9;
	s0 =	simm.s32 @!p0 $0x0  }
0x12: {  	s1 =	sld [smem:$0x3F99];
	s0 =	simm.s32 @p0 $0x1  }
0x13: {  	[smem:$0x3FB4] =	sst s0;
	s0 =	simm.s32 @!p1 $0x0  }
0x14: {  	s2 =	sld [smem:$0x3F98];
	s0 =	simm.s32 @p1 $0x1  }
0x15: {  	[smem:$0x3FB5] =	sst s0;
	s0 =	simm.s32 @!p2 $0x0  }
0x16: {  	s3 =	sld [smem:$0x3FDB];
	s0 =	simm.s32 @p2 $0x1  }
0x17: {  	s4 =	simm.s32 $0x1BF5;
	[smem:$0x3FB7] =	sst s0  }
0x18: {  	s0 =	sld [smem:$0x3F9A];
	_ =	swait.ge [sflag:s4], $0x0  }
0x19: {  	s7 =	sld [smem:$0x3F9B]  }
0x1a: {  	s8 =	sadd.s32 $0xFFFFE003, lr  }
0x1b: {  	s9 =	sadd.s32 $0xFFFFFEF7, lr;
	s5 =	simm.s32 $0xFFFFFFFF;
	p2 =	slt.u32 s8, $0xFFFFF086  }
0x1c: {  	p1 =	slt.u32 s9, $0xF7A;
	s5 =	simm.s32 @!p2 $0x0  }
0x1d: {  	s5 =	simm.s32 @p1 $0x1;
	p0 =	seq.s32 s7, s2  }
0x1e: {  	s7 =	smul.u32 @!p0 $0xF7A, s2;
	p2 =	seq.s32 @!p0 s5, $0x0  }
0x1f: {  	s9 =	smul.u32 $0xF7A, s1;
	s8 =	simm.s32 @!p0 $0x1BF5;
	p2 =	por !p2, p0  }
0x20: {  	[sflag:s8] =	ssyncset.s32 @!p0 $0xFFFFF086;
	s6 =	sadd.s32 @!p0 s3, s7;
	s7 =	simm.s32 @!p0 $0x108  }
0x21: {  	s3 =	sadd.s32 s3, s9;
	s6 =	sadd.s32 @!p0 $0x88, s6;
	s7 =	simm.s32 @p2 $0x1082  }
0x22: {  	[simem:s7], [sflag:s8] =	dma.local @!p0 [hbm:s6], $0xF7A  }
0x23: {  	s9 =	sor.u32 $0xD0000000, s2;
	s6 =	simm.s32 $0x108;
	_ =	swait.ge @!p0 [sflag:s8], $0x0  }
0x24: {  	s3 =	sadd.s32 $0x88, s3;
	s6 =	simm.s32 @!p1 $0x1082;
	[sflag:s4] =	ssyncset.s32 $0xFFFFF086  }
0x25: {  	[simem:s6], [sflag:s4] =	dma.local [hbm:s3], $0xF7A  }
0x26: {  	[smem:$0x3F9B] =	sst s1;
	(tag) =	ssettag s2;
	_ =	strace s9  }
0x27: {  	s1 =	sld [smem:$0x3FAB]  }
0x28: {  	s2 =	sld [smem:$0x3FAC]  }
0x29: {  	s4 =	sld [smem:$0x3FAE]  }
0x2a: {  	p0 =	seq.s32 s5, $0x0;
	s5 =	sld [smem:$0x3FAF]  }
0x2b: {  	s6 =	sld [smem:$0x3FB0]  }
0x2c: {  	s7 =	sld [smem:$0x3FB1]  }
0x2d: {  	s3 =	simm.s32 $0x108;
	s8 =	sld [smem:$0x3FB2]  }
0x2e: {  	s3 =	simm.s32 @!p0 $0x1082;
	s9 =	sld [smem:$0x3FB3]  }
0x2f: {  	lr =	sadd.s32 s0, s3;
	s0 =	sld [smem:$0x3FAA]  }
0x30: {  	s3 =	sld [smem:$0x3FAD]  }
0x31: {  	[smem:$0x3FB6] =	sst s10  }
0x32: {  	s10 =	sld [smem:$0x3FB4];
	_ =	sdelay $0x3  }
0x33: {  	p0 =	seq.s32 s10, $0x1;
	s10 =	sld [smem:$0x3FB6];
	_ =	sdelay $0x3  }
0x34: {  	[smem:$0x3FB6] =	sst s10  }
0x35: {  	s10 =	sld [smem:$0x3FB5];
	_ =	sdelay $0x3  }
0x36: {  	p1 =	seq.s32 s10, $0x1;
	s10 =	sld [smem:$0x3FB6];
	_ =	sdelay $0x3  }
0x37: {  	[smem:$0x3FB6] =	sst s10  }
0x38: {  	s10 =	sld [smem:$0x3FB7]  }
0x39: {  	_ = 	snop;
	(pc) =	sbr.ind lr, $3  }
0x3a: {  	_ = 	snop  }
0x3b: {  	_ = 	snop  }
0x3c: {  	p2 =	seq.s32 s10, $0x1;
	s10 =	sld [smem:$0x3FB6]  }
0x3d: {  	_ =	shalt  }
0x3e: {  	_ =	shalt  }
0x3f: {  	_ =	shalt  }
0x40: {  	_ =	shalt  }
0x41: {  	_ =	shalt  }
0x42: {  	_ =	shalt  }
0x43: {  	_ =	shalt  }
0x44: {  	_ =	shalt  }
0x45: {  	_ =	shalt  }
0x46: {  	_ =	shalt  }
0x47: {  	_ =	shalt  }
0x48: {  	_ =	shalt  }
0x49: {  	_ =	shalt  }
0x4a: {  	_ =	shalt  }
0x4b: {  	_ =	shalt  }
0x4c: {  	_ =	shalt  }
0x4d: {  	_ =	shalt  }
0x4e: {  	_ =	shalt  }
0x4f: {  	_ =	shalt  }
0x50: {  	_ =	shalt  }
0x51: {  	_ =	shalt  }
0x52: {  	_ =	shalt  }
0x53: {  	_ =	shalt  }
0x54: {  	_ =	shalt  }
0x55: {  	_ =	shalt  }
0x56: {  	_ =	shalt  }
0x57: {  	_ =	shalt  }
0x58: {  	_ =	shalt  }
0x59: {  	_ =	shalt  }
0x5a: {  	_ =	shalt  }
0x5b: {  	_ =	shalt  }
0x5c: {  	_ =	shalt  }
0x5d: {  	_ =	shalt  }
0x5e: {  	_ =	shalt  }
0x5f: {  	_ =	shalt  }
0x60: {  	_ =	shalt  }
0x61: {  	_ =	shalt  }
0x62: {  	_ =	shalt  }
0x63: {  	_ =	shalt  }
0x64: {  	_ =	shalt  }
0x65: {  	_ =	shalt  }
0x66: {  	_ =	shalt  }
0x67: {  	_ =	shalt  }
0x68: {  	_ =	shalt  }
0x69: {  	_ =	shalt  }
0x6a: {  	_ =	shalt  }
0x6b: {  	_ =	shalt  }
0x6c: {  	_ =	shalt  }
0x6d: {  	_ =	shalt  }
0x6e: {  	_ =	shalt  }
0x6f: {  	_ =	shalt  }
0x70: {  	_ =	shalt  }
0x71: {  	_ =	shalt  }
0x72: {  	_ =	shalt  }
0x73: {  	_ =	shalt  }
0x74: {  	_ =	shalt  }
0x75: {  	_ =	shalt  }
0x76: {  	_ =	shalt  }
0x77: {  	_ =	shalt  }
0x78: {  	_ =	shalt  }
0x79: {  	_ =	shalt  }
0x7a: {  	_ =	shalt  }
0x7b: {  	_ =	shalt  }
0x7c: {  	_ =	shalt  }
0x7d: {  	_ =	shalt  }
0x7e: {  	_ =	shalt  }
0x7f: {  	_ =	shalt  }
0x80: {  	_ =	shalt  }
0x81: {  	_ =	shalt  }
0x82: {  	_ =	shalt  }
0x83: {  	_ =	shalt  }
0x84: {  	_ =	shalt  }
0x85: {  	_ =	shalt  }
0x86: {  	_ =	shalt  }
0x87: {  	_ =	shalt  }
.Lfunc_end0:
.L_simem_size_0:
called_computation.2_lowered:
.L_overlay_start_0:
0x88: {  	s2 =	sld [smem:$0x3FD9]  }
0x89: {  	s3 =	sld [smem:$0x3FFE];
	_ =	sdelay $0x1  }
0x8a: {  	s1 =	srdreg.scid  }
0x8b: {  	s0 =	sand.u32 $0x1, s1  }
0x8c: {  	s17 =	sshll.u32 s0, $0xA;
	s2 =	sadd.s32 s3, s2  }
0x8d: {  	s2 =	sadd.s32 s2, s17  }
0x8e: {  	[smem:$0x3FC2] =	sst s2  }
0x8f: {  	_ = 	snop  }
0x90: {  	(tm) =	ssettm $0x1  }
0x91: {  	s18 =	sld [smem:$0x3FFB];
	_ =	sdelay $0x3  }
0x92: {  	_ =	strace s18  }
0x93: {  	s2 =	sld [smem:$0x3FFC];
	_ =	sdelay $0x3  }
0x94: {  	_ =	strace s2  }
0x95: {  	s2 =	sld [smem:$0x3FFD];
	_ =	sdelay $0x3  }
0x96: {  	_ =	strace s2  }
0x97: {  	_ =	strace $0x8FFFFFFF  }
0x98: {  	s19 =	sld [smem:$0x3FDB];
	_ =	sdelay $0x1  }
0x99: {  	s20 =	simm.s32 $_scs_section_size  }
0x9a: {  	s4 =	simm.s32 $_size__tile_overlayer_lowered;
	s5 =	simm.s32 $_tile_overlayer_lowered  }
0x9b: {  	s6 =	simm.s32 $0x1BFF;
	s21 =	sshll.u32 s5, $0x1;
	s3 =	sadd.s32 s20, s19  }
0x9c: {  	s22 =	simm.s32 $0x0;
	s4 =	sshll.u32 s4, $0x1;
	s5 =	sadd.s32 s21, s3  }
0x9d: {  	[timem:s22], [sflag:s6] =	dma.local [hbm:s5], s4  }
0x9e: {  	_ =	swait.ge [sflag:s6], s4  }
0x9f: {  	s4 =	ssub.s32 $0x0, s4;
	[sflag:s6] =	ssyncset.done $0x0  }
0xa0: {  	[sflag:s6] =	ssyncadd.s32 s4;
	_ =	sdelay $0x1  }
0xa1: {  	s23 =	simm.s32 $0x1B8B  }
0xa2: {  	_ =	swait.ge [sflag:s23], $0x1  }
0xa3: {  	[sflag:s23] =	ssyncset.done $0x0  }
0xa4: {  	[sflag:s23] =	ssyncadd.s32 $0xFFFFFFFF  }
0xa5: {  	s4 =	sld [smem:$0x0]  }
0xa6: {  	s5 =	sand.u32 $0xFFFFFFFE, s1  }
0xa7: {  	p0 =	sne.s32 s1, s5  }
0xa8: {  	s5 =	sshll.u32 @p0 s5, $0xE  }
0xa9: {  	s5 =	sadd.s32 @p0 $0x11B8D, s5;
	s6 =	sshll.u32 @p0 s4, $0x11  }
0xaa: {  	s5 =	sor.u32 @p0 s6, s5  }
0xab: {  	[sflag:s5] =	ssyncadd.remote.s32 @p0 $0x1;
	_ =	sdelay $0x1  }
0xac: {  	s5 =	simm.s32 @p0 $0x1B8D  }
0xad: {  	_ =	swait.eq @p0 [sflag:s5], $0x1  }
0xae: {  	[sflag:s5] =	ssyncadd.s32 @p0 $0xFFFFFFFF  }
0xaf: {  	s6 =	sshll.u32 @!p0 s1, $0xE  }
0xb0: {  	s6 =	sor.u32 @!p0 $0x4000, s6;
	s5 =	simm.s32 @!p0 $0x1B8D  }
0xb1: {  	s4 =	sshll.u32 @!p0 s4, $0x11;
	s6 =	sadd.s32 @!p0 $0x11B8D, s6;
	_ =	swait.eq @!p0 [sflag:s5], $0x1  }
0xb2: {  	s4 =	sor.u32 @!p0 s4, s6;
	[sflag:s5] =	ssyncadd.s32 @!p0 $0xFFFFFFFF  }
0xb3: {  	s25 =	simm.s32 $0x1B8E;
	s24 =	sld [smem:$0x3FFE];
	[sflag:s4] =	ssyncadd.remote.s32 @!p0 $0x1  }
0xb4: {  	s26 =	simm.s32 $execute0_lowered;
	[smem:$0x3FD2] =	sst s25  }
0xb5: {  	s5 =	sshll.u32 s26, $0x1;
	_ =	strace $0x8000004C;
	[dreg:$0x1] =	wrdreg $0xFFFFFFFF  }
0xb6: {  	s28 =	simm.s32 $_size_execute0_lowered;
	s3 =	sadd.s32 s3, s5;
	[dreg:$0x0] =	wrdreg $0x0  }
0xb7: {  	s5 =	sshll.u32 s28, $0x1;
	[dreg:$0x2] =	wrdreg s3  }
0xb8: {  	[dreg:$0x3] =	wrdreg s5  }
0xb9: {  	[dreg:$0x4] =	wrdreg $0xC0  }
0xba: {  	_ =	task [dreg:s22], $0x5FFFF  }
0xbb: {  	[dreg:$0x1] =	wrdreg $0xFFFFFFFF  }
0xbc: {  	[dreg:$0x0] =	wrdreg $0x60  }
0xbd: {  	[dreg:$0x2] =	wrdreg s24  }
0xbe: {  	[dreg:$0x3] =	wrdreg $0x34100  }
0xbf: {  	[dreg:$0x4] =	wrdreg $0x5C100  }
0xc0: {  	[dreg:$0x5] =	wrdreg $0x9  }
0xc1: {  	_ =	task.clear_ibuf [dreg:s22], $0x6FFFF;
	_ =	strace $0x9000004C  }
0xc2: {  	s29 =	simm.s32 $0x9;
	_ =	strace $0x8000004E  }
0xc3: {  	_ =	swait.ge [sflag:s29], $0x1  }
0xc4: {  	[sflag:s29] =	ssyncadd.s32 $0xFFFFFFFF  }
0xc5: {  	_ =	strace $0x9000004E  }
0xc6: {  	_ =	sfence  }
0xc7: {  	s30 =	sld [smem:$0x0];
	_ =	sdelay $0x2  }
0xc8: {  	s31 =	sshll.u32 s1, $0xD;
	s1 =	sshrl.u32 s1, $0x2  }
0xc9: {  	s4 =	sand.u32 $0x4000, s31;
	s1 =	sadd.s32 s1, s30  }
0xca: {  	s0 =	sor.u32 s4, s0;
	s1 =	sshll.u32 s1, $0x11  }
0xcb: {  	s0 =	sor.u32 s1, s0  }
0xcc: {  	s0 =	sadd.s32 $0x8F2B, s0  }
0xcd: {  	[sflag:s0] =	ssyncadd.remote.s32 $0x1  }
0xce: {  	_ =	sfence.sel $0xFFFF  }
0xcf: {  	[dreg:$0x0] =	wrdreg $0xFFFFFFFF;
	(pc) =	sbr.abs _section_cstart, $3  }
0xd0: {  	[dreg:$0x1] =	wrdreg $0xFFFFFFFF  }
0xd1: {  	_ =	task.clear_ibuf [dreg:s22], $0x2FFFF;
	_ =	strace $0x9FFFFFFF  }
0xd2: {  	(tm) =	ssettm $0x7FFFFFFF  }
0xd3: {  	_ =	shalt  }
tec
execute0_lowered:
.L_overlay_start_1:
0x0: {  	(tag) =	ssettag $0x1  }
0x1: {  	s0 =	rddreg [dreg:$0x0]  }
0x2: {  	s1 =	rddreg [dreg:$0x1];
	s3 =	srdreg.scid  }
0x3: {  	s2 =	rddreg [dreg:$0x2];
	s16 =	stileid.u32;
	s31 =	simm.s32 $0x2C10  }
0x4: {  	s4 =	sand.u32 $0x1, s3;
	s3 =	simm.s32 $0x0;
	s11 =	smul.u32 $0x2800, s16  }
0x5: {  	s10 =	sadd.s32 $0xC800, s0;
	s8 =	sadd.s32 $0xC000, s0;
	s5 =	smul.u32 $0x2710, s4  }
0x6: {  	[smem:$0x7FF] =	sst s3;
	s6 =	smul.u32 $0x5000, s4;
	s4 =	ssub.s32 $0x2, s4  }
0x7: {  	s24 =	smul.u32 $0x271, s16;
	_ =	strace $0x8000004D;
	s7 =	sshrl.u32 s4, $0x1  }
0x8: {  	[dreg:$0x4] =	wrdreg s8;
	s12 =	sadd.s32 $0x800, s11;
	s13 =	sadd.s32 $0x1000, s11  }
0x9: {  	s14 =	sadd.s32 $0x1800, s11;
	s15 =	sadd.s32 $0x2000, s11;
	s17 =	sshrl.u32 s11, $0x3  }
0xa: {  	s5 =	sadd.s32 s5, s0;
	s0 =	sadd.s32 s6, s0;
	s4 =	ssub.s32 s4, s7  }
0xb: {  	s6 =	sadd.s32 s11, s1;
	s7 =	sadd.s32 s12, s1;
	s8 =	sadd.s32 s13, s1  }
0xc: {  	s9 =	sadd.s32 s14, s1;
	[dreg:$0x5] =	wrdreg s17;
	s17 =	sadd.s32 s10, s17  }
0xd: {  	s11 =	sadd.s32 s11, s2;
	s22 =	sshrl.u32 s12, $0x3;
	[dreg:$0x6] =	wrdreg s17  }
0xe: {  	s23 =	sadd.s32 s12, s2;
	s16 =	sshrl.u32 s13, $0x3;
	[dreg:$0x7] =	wrdreg s11  }
0xf: {  	s13 =	sadd.s32 s13, s2;
	s20 =	sshrl.u32 s14, $0x3;
	[dreg:$0x8] =	wrdreg s22  }
0x10: {  	s26 =	sadd.s32 s14, s2;
	s28 =	sadd.s32 s15, s2;
	[dreg:$0xa] =	wrdreg s23  }
0x11: {  	s14 =	simm.s32 $0x1;
	s11 =	sadd.s32 s10, s22;
	[dreg:$0xb] =	wrdreg s13  }
0x12: {  	s25 =	sadd.s32 $0x6E00, s5;
	s5 =	sadd.s32 $0x1E00, s5;
	[dreg:$0xe] =	wrdreg s26  }
0x13: {  	s22 =	sshrl.u32 s15, $0x3;
	s23 =	sadd.s32 s10, s16;
	s26 =	sadd.s32 s15, s1  }
0x14: {  	s29 =	sadd.s32 $0xC8000, s0;
	s30 =	smax.u32 s4, $0x1;
	s0 =	simm.s32 $0x5  }
0x15: {  	s4 =	simm.s32 $0x1388;
	s15 =	simm.s32 $0x3;
	s17 =	simm.s32 $0x4  }
0x16: {  	s13 =	simm.s32 $0x0;
	[dreg:$0x9] =	wrdreg s11;
	s12 =	sadd.s32 s24, s25  }
0x17: {  	s5 =	sadd.s32 s24, s5;
	s24 =	sadd.s32 s10, s20;
	s25 =	sadd.s32 s10, s22  }
0x18: {  	s11 =	simm.s32 $0x2710;
	s10 =	simm.s32 $0x2;
	[dreg:$0xc] =	wrdreg s12  }
0x19: {  	[dreg:$0xd] =	wrdreg s5;
	s5 =	simm.s32 $0x28;
	s12 =	simm.s32 $0x2990  }
.LBB2_1:
0x1a: {  	s18 =	rddreg [dreg:$0x4]  }
0x1b: {  	[tilespmem:s31], [sflag:$0x5] =	stream.linear.gather [hbm4b:s18+s3], $0x800, $0x38;
	[tilespmem:$0x8410] =	vst v63  }
0x1c: {  	_ =	swait.ge [sflag:s0], $0x800  }
0x1d: {  	[sflag:s0] =	ssyncset.done $0x0  }
0x1e: {  	[sflag:s0] =	ssyncadd.s32 $0xFFFFF800  }
0x1f: {  	[spmem:s6] =	stream.linear.scatter [tilespmem:s31], [sflag:$0x5], $0x800, $0x38;
	[tilespmem:$0x8410] =	vst v63  }
0x20: {  	_ =	swait.ge [sflag:s0], $0x800  }
0x21: {  	[sflag:s0] =	ssyncset.done $0x0  }
0x22: {  	[sflag:s0] =	ssyncadd.s32 $0xFFFFF800  }
0x23: {  	[spmem:s7] =	stream.linear.scatter [tilespmem:s31], [sflag:$0x5], $0x800, $0x38;
	[tilespmem:$0x8410] =	vst v63  }
0x24: {  	_ =	swait.ge [sflag:s0], $0x800  }
0x25: {  	[sflag:s0] =	ssyncset.done $0x0  }
0x26: {  	[sflag:s0] =	ssyncadd.s32 $0xFFFFF800  }
0x27: {  	[spmem:s8] =	stream.linear.scatter [tilespmem:s31], [sflag:$0x5], $0x800, $0x38;
	[tilespmem:$0x8410] =	vst v63  }
0x28: {  	_ =	swait.ge [sflag:s0], $0x800  }
0x29: {  	[sflag:s0] =	ssyncset.done $0x0  }
0x2a: {  	[sflag:s0] =	ssyncadd.s32 $0xFFFFF800  }
0x2b: {  	[spmem:s9] =	stream.linear.scatter [tilespmem:s31], [sflag:$0x5], $0x800, $0x38;
	[tilespmem:$0x8410] =	vst v63  }
0x2c: {  	_ =	swait.ge [sflag:s0], $0x800  }
0x2d: {  	[sflag:s0] =	ssyncset.done $0x0  }
0x2e: {  	[sflag:s0] =	ssyncadd.s32 $0xFFFFF800  }
0x2f: {  	[spmem:s26] =	stream.linear.scatter [tilespmem:s31], [sflag:$0x5], $0x800, $0x38;
	[tilespmem:$0x8410] =	vst v63  }
0x30: {  	_ =	swait.ge [sflag:s0], $0x800  }
0x31: {  	[sflag:s0] =	ssyncset.done $0x0  }
0x32: {  	s21 =	rddreg [dreg:$0x6];
	[sflag:s0] =	ssyncadd.s32 $0xFFFFF800  }
0x33: {  	[tilespmem:s31], [sflag:$0x5] =	stream.linear.gather [hbm4b:s21+s3], $0x800, $0x38;
	[tilespmem:$0x8410] =	vst v63  }
0x34: {  	_ =	swait.ge [sflag:s0], $0x800  }
0x35: {  	[sflag:s0] =	ssyncset.done $0x0  }
0x36: {  	s19 =	rddreg [dreg:$0x7];
	[sflag:s0] =	ssyncadd.s32 $0xFFFFF800  }
0x37: {  	[spmem:s19] =	stream.linear.scatter [tilespmem:s31], [sflag:$0x5], $0x800, $0x38;
	[tilespmem:$0x8410] =	vst v63  }
0x38: {  	_ =	swait.ge [sflag:s0], $0x800  }
0x39: {  	[sflag:s0] =	ssyncset.done $0x0  }
0x3a: {  	s21 =	rddreg [dreg:$0x9];
	[sflag:s0] =	ssyncadd.s32 $0xFFFFF800  }
0x3b: {  	[tilespmem:s31], [sflag:$0x5] =	stream.linear.gather [hbm4b:s21+s3], $0x800, $0x38;
	[tilespmem:$0x8410] =	vst v63  }
0x3c: {  	_ =	swait.ge [sflag:s0], $0x800  }
0x3d: {  	[sflag:s0] =	ssyncset.done $0x0  }
0x3e: {  	s19 =	rddreg [dreg:$0xa];
	[sflag:s0] =	ssyncadd.s32 $0xFFFFF800  }
0x3f: {  	[spmem:s19] =	stream.linear.scatter [tilespmem:s31], [sflag:$0x5], $0x800, $0x38;
	[tilespmem:$0x8410] =	vst v63  }
0x40: {  	_ =	swait.ge [sflag:s0], $0x800  }
0x41: {  	[sflag:s0] =	ssyncset.done $0x0  }
0x42: {  	[sflag:s0] =	ssyncadd.s32 $0xFFFFF800  }
0x43: {  	[tilespmem:s31], [sflag:$0x5] =	stream.linear.gather [hbm4b:s23+s3], $0x800, $0x38;
	[tilespmem:$0x8410] =	vst v63  }
0x44: {  	_ =	swait.ge [sflag:s0], $0x800  }
0x45: {  	[sflag:s0] =	ssyncset.done $0x0  }
0x46: {  	s21 =	rddreg [dreg:$0xb];
	[sflag:s0] =	ssyncadd.s32 $0xFFFFF800  }
0x47: {  	[spmem:s21] =	stream.linear.scatter [tilespmem:s31], [sflag:$0x5], $0x800, $0x38;
	[tilespmem:$0x8410] =	vst v63  }
0x48: {  	_ =	swait.ge [sflag:s0], $0x800  }
0x49: {  	[sflag:s0] =	ssyncset.done $0x0  }
0x4a: {  	[sflag:s0] =	ssyncadd.s32 $0xFFFFF800  }
0x4b: {  	[tilespmem:s31], [sflag:$0x5] =	stream.linear.gather [hbm4b:s24+s3], $0x800, $0x38;
	[tilespmem:$0x8410] =	vst v63  }
0x4c: {  	_ =	swait.ge [sflag:s0], $0x800  }
0x4d: {  	[sflag:s0] =	ssyncset.done $0x0  }
0x4e: {  	s19 =	rddreg [dreg:$0xe];
	[sflag:s0] =	ssyncadd.s32 $0xFFFFF800  }
0x4f: {  	[spmem:s19] =	stream.linear.scatter [tilespmem:s31], [sflag:$0x5], $0x800, $0x38;
	[tilespmem:$0x8410] =	vst v63  }
0x50: {  	_ =	swait.ge [sflag:s0], $0x800  }
0x51: {  	[sflag:s0] =	ssyncset.done $0x0  }
0x52: {  	[sflag:s0] =	ssyncadd.s32 $0xFFFFF800  }
0x53: {  	[tilespmem:s31], [sflag:$0x5] =	stream.linear.gather [hbm4b:s25+s3], $0x800, $0x38;
	[tilespmem:$0x8410] =	vst v63  }
0x54: {  	_ =	swait.ge [sflag:s0], $0x800  }
0x55: {  	[sflag:s0] =	ssyncset.done $0x0  }
0x56: {  	[sflag:s0] =	ssyncadd.s32 $0xFFFFF800  }
0x57: {  	[spmem:s28] =	stream.linear.scatter [tilespmem:s31], [sflag:$0x5], $0x800, $0x38;
	[tilespmem:$0x8410] =	vst v63  }
0x58: {  	_ =	swait.ge [sflag:s0], $0x800  }
0x59: {  	[sflag:s0] =	ssyncset.done $0x0  }
0x5a: {  	s21 =	rddreg [dreg:$0xc];
	[sflag:s0] =	ssyncadd.s32 $0xFFFFF800  }
0x5b: {  	[tilespmem:s3], [sflag:$0x5] =	stream.linear.gather [hbm4b:s21+s3], $0x1388, $0x38;
	[tilespmem:$0x8410] =	vst v63  }
0x5c: {  	_ =	swait.ge [sflag:s0], $0x1388  }
0x5d: {  	[sflag:s0] =	ssyncset.done $0x0  }
0x5e: {  	s19 =	rddreg [dreg:$0xd];
	[sflag:s0] =	ssyncadd.s32 $0xFFFFEC78  }
0x5f: {  	[tilespmem:s4], [sflag:$0x5] =	stream.linear.gather [hbm4b:s19+s3], $0x1388, $0x38;
	[tilespmem:$0x8410] =	vst v63  }
0x60: {  	_ =	swait.ge [sflag:s0], $0x1388  }
0x61: {  	[sflag:s0] =	ssyncset.done $0x0  }
0x62: {  	[sflag:s0] =	ssyncadd.s32 $0xFFFFEC78  }
0x63: {  	[bflag:$0x0] =	sbarrier.arrive $0xFFFF  }
0x64: {  	[tilespmem:s11], [sflag:$0x1] =	stream.indirect.gather [spmem:s2], $0x10, s3, s5, $0xb8;
	[tilespmem:$0x8410] =	vst v63  }
0x65: {  	_ = 	snop  }
0x66: {  	[tilespmem:s12], [sflag:$0x2] =	stream.indirect.gather [spmem:s2], $0x10, s5, s5, $0xb8;
	[tilespmem:$0x8410] =	vst v63  }
0x67: {  	_ =	swait.ge [sflag:s14], $0x280  }
0x68: {  	[sflag:s14] =	ssyncset.done $0x0  }
0x69: {  	[sflag:s14] =	ssyncadd.s32 $0xFFFFFD80  }
0x6a: {  	[spmem:s1] =	stream.indirect.scatter.add.f32 [tilespmem:s11], [sflag:$0x3], $0x10, s4, s5, $0xb8;
	[tilespmem:$0x8410] =	vst v63  }
0x6b: {  	_ =	swait.ge [sflag:s15], $0x280  }
0x6c: {  	[sflag:s15] =	ssyncset.done $0x0  }
0x6d: {  	s21 =	simm.s32 $0x50;
	[sflag:s15] =	ssyncadd.s32 $0xFFFFFD80  }
0x6e: {  	[tilespmem:s11], [sflag:$0x1] =	stream.indirect.gather [spmem:s2], $0x10, s21, s5, $0xb8;
	[tilespmem:$0x8410] =	vst v63  }
0x6f: {  	_ =	swait.ge [sflag:s10], $0x280  }
0x70: {  	[sflag:s10] =	ssyncset.done $0x0  }
0x71: {  	s19 =	simm.s32 $0x13B0;
	[sflag:s10] =	ssyncadd.s32 $0xFFFFFD80  }
0x72: {  	[spmem:s1] =	stream.indirect.scatter.add.f32 [tilespmem:s12], [sflag:$0x4], $0x10, s19, s5, $0xb8;
	[tilespmem:$0x8410] =	vst v63  }
0x73: {  	_ =	swait.ge [sflag:s17], $0x280  }
0x74: {  	[sflag:s17] =	ssyncset.done $0x0  }
0x75: {  	s21 =	simm.s32 $0x78;
	[sflag:s17] =	ssyncadd.s32 $0xFFFFFD80  }
0x76: {  	[tilespmem:s12], [sflag:$0x2] =	stream.indirect.gather [spmem:s2], $0x10, s21, s5, $0xb8;
	[tilespmem:$0x8410] =	vst v63  }
0x77: {  	_ =	swait.ge [sflag:s14], $0x280  }
0x78: {  	[sflag:s14] =	ssyncset.done $0x0  }
0x79: {  	s18 =	simm.s32 $0xFFFFB500;
	s19 =	simm.s32 $0x13D8;
	[sflag:s14] =	ssyncadd.s32 $0xFFFFFD80  }
.LBB2_2:
0x7a: {  	[spmem:s1] =	stream.indirect.scatter.add.f32 [tilespmem:s11], [sflag:$0x3], $0x10, s19, s5, $0xb8;
	[tilespmem:$0x8410] =	vst v63  }
0x7b: {  	s19 =	smov.u32 s18  }
0x7c: {  	p0 =	sne.s32 s18, $0xFFFFFEC0;
	s18 =	sadd.s32 $0x140, s18;
	_ =	swait.ge [sflag:s15], $0x280  }
0x7d: {  	s19 =	sshra.s32 s19, $0x2;
	[sflag:s15] =	ssyncset.done $0x0  }
0x7e: {  	s21 =	sadd.s32 $0x1360, s19;
	[sflag:s15] =	ssyncadd.s32 $0xFFFFFD80  }
0x7f: {  	[tilespmem:s11], [sflag:$0x1] =	stream.indirect.gather [spmem:s2], $0x10, s21, s5, $0xb8;
	[tilespmem:$0x8410] =	vst v63  }
0x80: {  	_ =	swait.ge [sflag:s10], $0x280  }
0x81: {  	[sflag:s10] =	ssyncset.done $0x0  }
0x82: {  	s21 =	sadd.s32 $0x26C0, s19;
	[sflag:s10] =	ssyncadd.s32 $0xFFFFFD80  }
0x83: {  	[spmem:s1] =	stream.indirect.scatter.add.f32 [tilespmem:s12], [sflag:$0x4], $0x10, s21, s5, $0xb8;
	[tilespmem:$0x8410] =	vst v63  }
0x84: {  	_ =	swait.ge [sflag:s17], $0x280  }
0x85: {  	[sflag:s17] =	ssyncset.done $0x0  }
.Ltmp0:
0x86: {  	s21 =	sadd.s32 $0x1388, s19;
	[sflag:s17] =	ssyncadd.s32 $0xFFFFFD80;
	(pc) =	sbr.rel @p0 .LBB2_2-.Ltmp0, $4  }
0x87: {  	[tilespmem:s12], [sflag:$0x2] =	stream.indirect.gather [spmem:s2], $0x10, s21, s5, $0xb8;
	[tilespmem:$0x8410] =	vst v63  }
0x88: {  	_ =	swait.ge [sflag:s14], $0x280  }
0x89: {  	[sflag:s14] =	ssyncset.done $0x0  }
0x8a: {  	s19 =	sadd.s32 $0x26E8, s19;
	[sflag:s14] =	ssyncadd.s32 $0xFFFFFD80  }
0x8b: {  	[spmem:s1] =	stream.indirect.scatter.add.f32 [tilespmem:s11], [sflag:$0x3], $0x10, s19, s5, $0xb8;
	[tilespmem:$0x8410] =	vst v63  }
0x8c: {  	_ =	swait.ge [sflag:s15], $0x280  }
0x8d: {  	[sflag:s15] =	ssyncset.done $0x0  }
0x8e: {  	s18 =	simm.s32 $0x1360;
	[sflag:s15] =	ssyncadd.s32 $0xFFFFFD80  }
0x8f: {  	[tilespmem:s11], [sflag:$0x1] =	stream.indirect.gather [spmem:s2], $0x10, s18, s5, $0xb8;
	[tilespmem:$0x8410] =	vst v63  }
0x90: {  	_ =	swait.ge [sflag:s10], $0x280  }
0x91: {  	[sflag:s10] =	ssyncset.done $0x0  }
0x92: {  	s21 =	simm.s32 $0x26C0;
	[sflag:s10] =	ssyncadd.s32 $0xFFFFFD80  }
0x93: {  	[spmem:s1] =	stream.indirect.scatter.add.f32 [tilespmem:s12], [sflag:$0x4], $0x10, s21, s5, $0xb8;
	[tilespmem:$0x8410] =	vst v63  }
0x94: {  	_ =	swait.ge [sflag:s14], $0x280  }
0x95: {  	[sflag:s14] =	ssyncset.done $0x0  }
0x96: {  	s19 =	simm.s32 $0x26E8;
	[sflag:s14] =	ssyncadd.s32 $0xFFFFFD80  }
0x97: {  	[spmem:s1] =	stream.indirect.scatter.add.f32 [tilespmem:s11], [sflag:$0x3], $0x10, s19, s5, $0xb8;
	[tilespmem:$0x8410] =	vst v63  }
0x98: {  	_ =	swait.ge [sflag:s17], $0x280  }
0x99: {  	[sflag:s17] =	ssyncset.done $0x0  }
0x9a: {  	[sflag:s17] =	ssyncadd.s32 $0xFFFFFD80  }
0x9b: {  	_ =	swait.ge [sflag:s15], $0x280  }
0x9c: {  	[sflag:s15] =	ssyncset.done $0x0  }
0x9d: {  	[sflag:s15] =	ssyncadd.s32 $0xFFFFFD80  }
0x9e: {  	[bflag:$0x0] =	sbarrier.arrive $0xFFFF  }
0x9f: {  	[tilespmem:s31], [sflag:$0x5] =	stream.linear.gather [spmem:s6], $0x800, $0x38;
	[tilespmem:$0x8410] =	vst v63  }
0xa0: {  	_ =	swait.ge [sflag:s0], $0x800  }
0xa1: {  	[sflag:s0] =	ssyncset.done $0x0;
	s21 =	rddreg [dreg:$0x5]  }
0xa2: {  	[sflag:s0] =	ssyncadd.s32 $0xFFFFF800;
	s18 =	sadd.s32 s21, s29  }
0xa3: {  	[hbm4b:s18+s3] =	stream.linear.scatter [tilespmem:s31], [sflag:$0x5], $0x800, $0x38;
	[tilespmem:$0x8410] =	vst v63  }
0xa4: {  	_ =	swait.ge [sflag:s0], $0x800  }
0xa5: {  	[sflag:s0] =	ssyncset.done $0x0  }
0xa6: {  	[sflag:s0] =	ssyncadd.s32 $0xFFFFF800  }
0xa7: {  	[tilespmem:s31], [sflag:$0x5] =	stream.linear.gather [spmem:s7], $0x800, $0x38;
	[tilespmem:$0x8410] =	vst v63  }
0xa8: {  	_ =	swait.ge [sflag:s0], $0x800  }
0xa9: {  	[sflag:s0] =	ssyncset.done $0x0;
	s19 =	rddreg [dreg:$0x8]  }
0xaa: {  	[sflag:s0] =	ssyncadd.s32 $0xFFFFF800;
	s18 =	sadd.s32 s19, s29  }
0xab: {  	[hbm4b:s18+s3] =	stream.linear.scatter [tilespmem:s31], [sflag:$0x5], $0x800, $0x38;
	[tilespmem:$0x8410] =	vst v63  }
0xac: {  	_ =	swait.ge [sflag:s0], $0x800  }
0xad: {  	[sflag:s0] =	ssyncset.done $0x0  }
0xae: {  	[sflag:s0] =	ssyncadd.s32 $0xFFFFF800  }
0xaf: {  	[tilespmem:s31], [sflag:$0x5] =	stream.linear.gather [spmem:s8], $0x800, $0x38;
	[tilespmem:$0x8410] =	vst v63  }
0xb0: {  	_ =	swait.ge [sflag:s0], $0x800  }
0xb1: {  	[sflag:s0] =	ssyncset.done $0x0  }
0xb2: {  	s21 =	sadd.s32 s16, s29;
	[sflag:s0] =	ssyncadd.s32 $0xFFFFF800  }
0xb3: {  	[hbm4b:s21+s3] =	stream.linear.scatter [tilespmem:s31], [sflag:$0x5], $0x800, $0x38;
	[tilespmem:$0x8410] =	vst v63  }
0xb4: {  	_ =	swait.ge [sflag:s0], $0x800  }
0xb5: {  	[sflag:s0] =	ssyncset.done $0x0  }
0xb6: {  	[sflag:s0] =	ssyncadd.s32 $0xFFFFF800  }
0xb7: {  	[tilespmem:s31], [sflag:$0x5] =	stream.linear.gather [spmem:s9], $0x800, $0x38;
	[tilespmem:$0x8410] =	vst v63  }
0xb8: {  	_ =	swait.ge [sflag:s0], $0x800  }
0xb9: {  	[sflag:s0] =	ssyncset.done $0x0  }
0xba: {  	s19 =	sadd.s32 s20, s29;
	[sflag:s0] =	ssyncadd.s32 $0xFFFFF800  }
0xbb: {  	[hbm4b:s19+s3] =	stream.linear.scatter [tilespmem:s31], [sflag:$0x5], $0x800, $0x38;
	[tilespmem:$0x8410] =	vst v63  }
0xbc: {  	_ =	swait.ge [sflag:s0], $0x800  }
0xbd: {  	[sflag:s0] =	ssyncset.done $0x0  }
0xbe: {  	[sflag:s0] =	ssyncadd.s32 $0xFFFFF800  }
0xbf: {  	[tilespmem:s31], [sflag:$0x5] =	stream.linear.gather [spmem:s26], $0x800, $0x38;
	[tilespmem:$0x8410] =	vst v63  }
0xc0: {  	s13 =	sadd.s32 $0x1, s13;
	_ =	swait.ge [sflag:s0], $0x800  }
0xc1: {  	p0 =	sne.s32 s13, s30;
	[sflag:s0] =	ssyncset.done $0x0  }
.Ltmp1:
0xc2: {  	s21 =	sadd.s32 s22, s29;
	[sflag:s0] =	ssyncadd.s32 $0xFFFFF800;
	(pc) =	sbr.rel @p0 .LBB2_1-.Ltmp1, $4  }
0xc3: {  	[hbm4b:s21+s3] =	stream.linear.scatter [tilespmem:s31], [sflag:$0x5], $0x800, $0x38;
	[tilespmem:$0x8410] =	vst v63  }
0xc4: {  	_ =	swait.ge [sflag:s0], $0x800  }
0xc5: {  	[sflag:s0] =	ssyncset.done $0x0  }
0xc6: {  	[sflag:s0] =	ssyncadd.s32 $0xFFFFF800  }
0xc7: {  	_ =	sfence.sel $0x180000  }
0xc8: {  	[bflag:$0x0] =	sbarrier.arrive $0xFFFF  }
0xc9: {  	_ =	strace $0x9000004D  }
0xca: {  	s0 =	stileid.u32;
	[bflag:$0x2] =	sbarrier.arrive $0xFFFF  }
0xcb: {  	p0 =	sne.s32 s0, $0x0;
	s0 =	rddreg [dreg:$0x3]  }
0xcc: {  	s0 =	sadd.s32 @!p0 $0x100000, s0  }
0xcd: {  	[sflag:s0] =	ssyncadd.tile.s32 @!p0 $0x1;
	_ =	shalt  }
.Lfunc_end2:
_tile_overlayer_lowered:
.L_overlay_start_2:
0xce: {  	(tag) =	ssettag $0x2  }
0xcf: {  	s0 =	rddreg [dreg:$0x0];
	s2 =	stileid.u32  }
0xd0: {  	s1 =	rddreg [dreg:$0x1];
	p0 =	sne.s32 s2, $0x0  }
0xd1: {  	s3 =	rddreg [dreg:$0x2];
	[bflag:$0x3] =	sbarrier.arrive $0xFFFF;
	s2 =	simm.s32 @!p0 $0x1C05  }
0xd2: {  	[timem:s3], [sflag:s2] =	dma.local @!p0 [hbm:s0], s1  }
0xd3: {  	s0 =	simm.s32 @!p0 $0x5  }
0xd4: {  	_ =	swait.ge @!p0 [sflag:s0], s1  }
0xd5: {  	s1 =	ssub.s32 @!p0 $0x0, s1;
	[sflag:s0] =	ssyncset.done @!p0 $0x0  }
0xd6: {  	[sflag:s0] =	ssyncadd.s32 @!p0 s1  }
0xd7: {  	[bflag:$0x3] =	sbarrier.arrive $0xFFFF  }
0xd8: {  	_ =	shalt  }

// kernel: kernel.18.cloned.1.call-start
scs
__scs_entry_jumppad:
0x0: {  	(pc) =	sbr.rel $0x88, $3  }
0x1: {  	(tag) =	ssettag $0x0;
	lr =	simm.s32 $0x1  }
0x2: {  	[smem:$0x3F9B] =	sst lr;
	_ =	strace $0xD0000000  }
0x3: {  	_ = 	snop  }
0x4: {  	_ = 	snop  }
0x5: {  	_ = 	snop  }
0x6: {  	_ = 	snop  }
0x7: {  	_ = 	snop  }
__scs_overlays_trampoline_lowered:
0x8: {  	[smem:$0x3FAA] =	sst s0  }
0x9: {  	[smem:$0x3FAB] =	sst s1  }
0xa: {  	[smem:$0x3FAC] =	sst s2  }
0xb: {  	[smem:$0x3FAD] =	sst s3  }
0xc: {  	[smem:$0x3FAE] =	sst s4  }
0xd: {  	[smem:$0x3FAF] =	sst s5  }
0xe: {  	[smem:$0x3FB0] =	sst s6  }
0xf: {  	[smem:$0x3FB1] =	sst s7  }
0x10: {  	[smem:$0x3FB2] =	sst s8  }
0x11: {  	[smem:$0x3FB3] =	sst s9;
	s0 =	simm.s32 @!p0 $0x0  }
0x12: {  	s1 =	sld [smem:$0x3F99];
	s0 =	simm.s32 @p0 $0x1  }
0x13: {  	[smem:$0x3FB4] =	sst s0;
	s0 =	simm.s32 @!p1 $0x0  }
0x14: {  	s2 =	sld [smem:$0x3F98];
	s0 =	simm.s32 @p1 $0x1  }
0x15: {  	[smem:$0x3FB5] =	sst s0;
	s0 =	simm.s32 @!p2 $0x0  }
0x16: {  	s3 =	sld [smem:$0x3FDB];
	s0 =	simm.s32 @p2 $0x1  }
0x17: {  	s4 =	simm.s32 $0x1BF5;
	[smem:$0x3FB7] =	sst s0  }
0x18: {  	s0 =	sld [smem:$0x3F9A];
	_ =	swait.ge [sflag:s4], $0x0  }
0x19: {  	s7 =	sld [smem:$0x3F9B]  }
0x1a: {  	s8 =	sadd.s32 $0xFFFFE003, lr  }
0x1b: {  	s9 =	sadd.s32 $0xFFFFFEF7, lr;
	s5 =	simm.s32 $0xFFFFFFFF;
	p2 =	slt.u32 s8, $0xFFFFF086  }
0x1c: {  	p1 =	slt.u32 s9, $0xF7A;
	s5 =	simm.s32 @!p2 $0x0  }
0x1d: {  	s5 =	simm.s32 @p1 $0x1;
	p0 =	seq.s32 s7, s2  }
0x1e: {  	s7 =	smul.u32 @!p0 $0xF7A, s2;
	p2 =	seq.s32 @!p0 s5, $0x0  }
0x1f: {  	s9 =	smul.u32 $0xF7A, s1;
	s8 =	simm.s32 @!p0 $0x1BF5;
	p2 =	por !p2, p0  }
0x20: {  	[sflag:s8] =	ssyncset.s32 @!p0 $0xFFFFF086;
	s6 =	sadd.s32 @!p0 s3, s7;
	s7 =	simm.s32 @!p0 $0x108  }
0x21: {  	s3 =	sadd.s32 s3, s9;
	s6 =	sadd.s32 @!p0 $0x88, s6;
	s7 =	simm.s32 @p2 $0x1082  }
0x22: {  	[simem:s7], [sflag:s8] =	dma.local @!p0 [hbm:s6], $0xF7A  }
0x23: {  	s9 =	sor.u32 $0xD0000000, s2;
	s6 =	simm.s32 $0x108;
	_ =	swait.ge @!p0 [sflag:s8], $0x0  }
0x24: {  	s3 =	sadd.s32 $0x88, s3;
	s6 =	simm.s32 @!p1 $0x1082;
	[sflag:s4] =	ssyncset.s32 $0xFFFFF086  }
0x25: {  	[simem:s6], [sflag:s4] =	dma.local [hbm:s3], $0xF7A  }
0x26: {  	[smem:$0x3F9B] =	sst s1;
	(tag) =	ssettag s2;
	_ =	strace s9  }
0x27: {  	s1 =	sld [smem:$0x3FAB]  }
0x28: {  	s2 =	sld [smem:$0x3FAC]  }
0x29: {  	s4 =	sld [smem:$0x3FAE]  }
0x2a: {  	p0 =	seq.s32 s5, $0x0;
	s5 =	sld [smem:$0x3FAF]  }
0x2b: {  	s6 =	sld [smem:$0x3FB0]  }
0x2c: {  	s7 =	sld [smem:$0x3FB1]  }
0x2d: {  	s3 =	simm.s32 $0x108;
	s8 =	sld [smem:$0x3FB2]  }
0x2e: {  	s3 =	simm.s32 @!p0 $0x1082;
	s9 =	sld [smem:$0x3FB3]  }
0x2f: {  	lr =	sadd.s32 s0, s3;
	s0 =	sld [smem:$0x3FAA]  }
0x30: {  	s3 =	sld [smem:$0x3FAD]  }
0x31: {  	[smem:$0x3FB6] =	sst s10  }
0x32: {  	s10 =	sld [smem:$0x3FB4];
	_ =	sdelay $0x3  }
0x33: {  	p0 =	seq.s32 s10, $0x1;
	s10 =	sld [smem:$0x3FB6];
	_ =	sdelay $0x3  }
0x34: {  	[smem:$0x3FB6] =	sst s10  }
0x35: {  	s10 =	sld [smem:$0x3FB5];
	_ =	sdelay $0x3  }
0x36: {  	p1 =	seq.s32 s10, $0x1;
	s10 =	sld [smem:$0x3FB6];
	_ =	sdelay $0x3  }
0x37: {  	[smem:$0x3FB6] =	sst s10  }
0x38: {  	s10 =	sld [smem:$0x3FB7]  }
0x39: {  	_ = 	snop;
	(pc) =	sbr.ind lr, $3  }
0x3a: {  	_ = 	snop  }
0x3b: {  	_ = 	snop  }
0x3c: {  	p2 =	seq.s32 s10, $0x1;
	s10 =	sld [smem:$0x3FB6]  }
0x3d: {  	_ =	shalt  }
0x3e: {  	_ =	shalt  }
0x3f: {  	_ =	shalt  }
0x40: {  	_ =	shalt  }
0x41: {  	_ =	shalt  }
0x42: {  	_ =	shalt  }
0x43: {  	_ =	shalt  }
0x44: {  	_ =	shalt  }
0x45: {  	_ =	shalt  }
0x46: {  	_ =	shalt  }
0x47: {  	_ =	shalt  }
0x48: {  	_ =	shalt  }
0x49: {  	_ =	shalt  }
0x4a: {  	_ =	shalt  }
0x4b: {  	_ =	shalt  }
0x4c: {  	_ =	shalt  }
0x4d: {  	_ =	shalt  }
0x4e: {  	_ =	shalt  }
0x4f: {  	_ =	shalt  }
0x50: {  	_ =	shalt  }
0x51: {  	_ =	shalt  }
0x52: {  	_ =	shalt  }
0x53: {  	_ =	shalt  }
0x54: {  	_ =	shalt  }
0x55: {  	_ =	shalt  }
0x56: {  	_ =	shalt  }
0x57: {  	_ =	shalt  }
0x58: {  	_ =	shalt  }
0x59: {  	_ =	shalt  }
0x5a: {  	_ =	shalt  }
0x5b: {  	_ =	shalt  }
0x5c: {  	_ =	shalt  }
0x5d: {  	_ =	shalt  }
0x5e: {  	_ =	shalt  }
0x5f: {  	_ =	shalt  }
0x60: {  	_ =	shalt  }
0x61: {  	_ =	shalt  }
0x62: {  	_ =	shalt  }
0x63: {  	_ =	shalt  }
0x64: {  	_ =	shalt  }
0x65: {  	_ =	shalt  }
0x66: {  	_ =	shalt  }
0x67: {  	_ =	shalt  }
0x68: {  	_ =	shalt  }
0x69: {  	_ =	shalt  }
0x6a: {  	_ =	shalt  }
0x6b: {  	_ =	shalt  }
0x6c: {  	_ =	shalt  }
0x6d: {  	_ =	shalt  }
0x6e: {  	_ =	shalt  }
0x6f: {  	_ =	shalt  }
0x70: {  	_ =	shalt  }
0x71: {  	_ =	shalt  }
0x72: {  	_ =	shalt  }
0x73: {  	_ =	shalt  }
0x74: {  	_ =	shalt  }
0x75: {  	_ =	shalt  }
0x76: {  	_ =	shalt  }
0x77: {  	_ =	shalt  }
0x78: {  	_ =	shalt  }
0x79: {  	_ =	shalt  }
0x7a: {  	_ =	shalt  }
0x7b: {  	_ =	shalt  }
0x7c: {  	_ =	shalt  }
0x7d: {  	_ =	shalt  }
0x7e: {  	_ =	shalt  }
0x7f: {  	_ =	shalt  }
0x80: {  	_ =	shalt  }
0x81: {  	_ =	shalt  }
0x82: {  	_ =	shalt  }
0x83: {  	_ =	shalt  }
0x84: {  	_ =	shalt  }
0x85: {  	_ =	shalt  }
0x86: {  	_ =	shalt  }
0x87: {  	_ =	shalt  }
.Lfunc_end0:
.L_simem_size_0:
called_computation.3_lowered:
.L_overlay_start_0:
0x88: {  	s2 =	sld [smem:$0x3FD9]  }
0x89: {  	s3 =	sld [smem:$0x3FFE];
	_ =	sdelay $0x1  }
0x8a: {  	s1 =	srdreg.scid  }
0x8b: {  	s0 =	sand.u32 $0x1, s1  }
0x8c: {  	s17 =	sshll.u32 s0, $0xA;
	s2 =	sadd.s32 s3, s2  }
0x8d: {  	s2 =	sadd.s32 s2, s17  }
0x8e: {  	[smem:$0x3FC2] =	sst s2  }
0x8f: {  	_ = 	snop  }
0x90: {  	s18 =	sld [smem:$0x3FD0];
	(tm) =	ssettm $0x1  }
0x91: {  	s19 =	sld [smem:$0x3FFB];
	_ =	sdelay $0x3  }
0x92: {  	_ =	strace s19  }
0x93: {  	s2 =	sld [smem:$0x3FFC];
	_ =	sdelay $0x3  }
0x94: {  	_ =	strace s2  }
0x95: {  	s2 =	sld [smem:$0x3FFD];
	_ =	sdelay $0x3  }
0x96: {  	_ =	strace s2  }
0x97: {  	_ =	strace $0x8FFFFFFF  }
0x98: {  	s20 =	sld [smem:$0x3FDB];
	_ =	sdelay $0x1  }
0x99: {  	s4 =	simm.s32 $_scs_section_size  }
0x9a: {  	s5 =	simm.s32 $_size__tile_overlayer_lowered;
	s6 =	simm.s32 $_tile_overlayer_lowered  }
0x9b: {  	s7 =	simm.s32 $0x1BFF;
	s21 =	sshll.u32 s6, $0x1;
	s4 =	sadd.s32 s4, s20  }
0x9c: {  	s22 =	simm.s32 $0x0;
	s5 =	sshll.u32 s5, $0x1;
	s6 =	sadd.s32 s21, s4  }
0x9d: {  	[timem:s22], [sflag:s7] =	dma.local [hbm:s6], s5  }
0x9e: {  	_ =	swait.ge [sflag:s7], s5  }
0x9f: {  	s5 =	ssub.s32 $0x0, s5;
	[sflag:s7] =	ssyncset.done $0x0  }
0xa0: {  	[sflag:s7] =	ssyncadd.s32 s5;
	_ =	sdelay $0x1  }
0xa1: {  	s23 =	simm.s32 $0x1B8B  }
0xa2: {  	_ =	swait.ge [sflag:s23], $0x1  }
0xa3: {  	[sflag:s23] =	ssyncset.done $0x0  }
0xa4: {  	[sflag:s23] =	ssyncadd.s32 $0xFFFFFFFF  }
0xa5: {  	s5 =	sld [smem:$0x0]  }
0xa6: {  	s6 =	sand.u32 $0xFFFFFFFE, s1  }
0xa7: {  	p0 =	sne.s32 s1, s6  }
0xa8: {  	s6 =	sshll.u32 @p0 s6, $0xE  }
0xa9: {  	s6 =	sadd.s32 @p0 $0x11B8D, s6;
	s7 =	sshll.u32 @p0 s5, $0x11  }
0xaa: {  	s6 =	sor.u32 @p0 s7, s6  }
0xab: {  	[sflag:s6] =	ssyncadd.remote.s32 @p0 $0x1;
	_ =	sdelay $0x1  }
0xac: {  	s6 =	simm.s32 @p0 $0x1B8D  }
0xad: {  	_ =	swait.eq @p0 [sflag:s6], $0x1  }
0xae: {  	[sflag:s6] =	ssyncadd.s32 @p0 $0xFFFFFFFF  }
0xaf: {  	s7 =	sshll.u32 @!p0 s1, $0xE  }
0xb0: {  	s7 =	sor.u32 @!p0 $0x4000, s7;
	s6 =	simm.s32 @!p0 $0x1B8D  }
0xb1: {  	s5 =	sshll.u32 @!p0 s5, $0x11;
	s7 =	sadd.s32 @!p0 $0x11B8D, s7;
	_ =	swait.eq @!p0 [sflag:s6], $0x1  }
0xb2: {  	s5 =	sor.u32 @!p0 s5, s7;
	[sflag:s6] =	ssyncadd.s32 @!p0 $0xFFFFFFFF  }
0xb3: {  	s25 =	simm.s32 $0x1B8E;
	s24 =	sld [smem:$0x3FFE];
	[sflag:s5] =	ssyncadd.remote.s32 @!p0 $0x1  }
0xb4: {  	s26 =	simm.s32 $execute0_lowered;
	[smem:$0x3FD2] =	sst s25  }
0xb5: {  	s6 =	sshll.u32 s26, $0x1;
	_ =	strace $0x8000004F;
	[dreg:$0x1] =	wrdreg $0xFFFFFFFF  }
0xb6: {  	s28 =	simm.s32 $_size_execute0_lowered;
	s4 =	sadd.s32 s4, s6;
	[dreg:$0x0] =	wrdreg $0x0  }
0xb7: {  	s6 =	sshll.u32 s28, $0x1;
	[dreg:$0x2] =	wrdreg s4  }
0xb8: {  	[dreg:$0x3] =	wrdreg s6  }
0xb9: {  	[dreg:$0x4] =	wrdreg $0xC0  }
0xba: {  	_ =	task [dreg:s22], $0x5FFFF  }
0xbb: {  	[dreg:$0x1] =	wrdreg $0xFFFFFFFF  }
0xbc: {  	[dreg:$0x0] =	wrdreg $0x60  }
0xbd: {  	[dreg:$0x2] =	wrdreg s18  }
0xbe: {  	[dreg:$0x3] =	wrdreg s24  }
0xbf: {  	[dreg:$0x4] =	wrdreg $0x91000  }
0xc0: {  	[dreg:$0x5] =	wrdreg $0xA  }
0xc1: {  	_ =	task.clear_ibuf [dreg:s22], $0x6FFFF;
	_ =	strace $0x9000004F  }
0xc2: {  	s29 =	simm.s32 $0xA;
	_ =	strace $0x80000051  }
0xc3: {  	_ =	swait.ge [sflag:s29], $0x1  }
0xc4: {  	[sflag:s29] =	ssyncadd.s32 $0xFFFFFFFF  }
0xc5: {  	_ =	strace $0x90000051  }
0xc6: {  	_ =	sfence  }
0xc7: {  	s30 =	sld [smem:$0x0];
	_ =	sdelay $0x2  }
0xc8: {  	s31 =	sshll.u32 s1, $0xD;
	s1 =	sshrl.u32 s1, $0x2  }
0xc9: {  	s4 =	sand.u32 $0x4000, s31;
	s1 =	sadd.s32 s1, s30  }
0xca: {  	s0 =	sor.u32 s4, s0;
	s1 =	sshll.u32 s1, $0x11  }
0xcb: {  	s0 =	sor.u32 s1, s0  }
0xcc: {  	s0 =	sadd.s32 $0x8F2B, s0  }
0xcd: {  	[sflag:s0] =	ssyncadd.remote.s32 $0x1  }
0xce: {  	_ =	sfence.sel $0xFFFF  }
0xcf: {  	[dreg:$0x0] =	wrdreg $0xFFFFFFFF;
	(pc) =	sbr.abs _section_cstart, $3  }
0xd0: {  	[dreg:$0x1] =	wrdreg $0xFFFFFFFF  }
0xd1: {  	_ =	task.clear_ibuf [dreg:s22], $0x2FFFF;
	_ =	strace $0x9FFFFFFF  }
0xd2: {  	(tm) =	ssettm $0x7FFFFFFF  }
0xd3: {  	_ =	shalt  }
tec
execute0_lowered:
.L_overlay_start_1:
0x0: {  	(tag) =	ssettag $0x1  }
0x1: {  	s1 =	rddreg [dreg:$0x0]  }
0x2: {  	s0 =	rddreg [dreg:$0x1];
	s23 =	stileid.u32  }
0x3: {  	s2 =	rddreg [dreg:$0x2];
	s4 =	simm.s32 $0x0;
	s8 =	smul.u32 $0x280, s23  }
0x4: {  	s3 =	srdreg.scid;
	s30 =	simm.s32 $0x4100;
	s26 =	smul.u32 $0x2710, s23  }
0x5: {  	s31 =	simm.s32 $0x7;
	[smem:$0x7FF] =	sst s4;
	s17 =	smul.u32 $0x2800, s23  }
0x6: {  	s3 =	sand.u32 $0x1, s3;
	s9 =	sshll.u32 s23, $0xB;
	s23 =	smul.u32 $0x50000, s23  }
0x7: {  	s7 =	sadd.s32 $0x1E200, s0;
	s5 =	smul.u32 $0x28000, s3;
	s6 =	ssub.s32 $0x2, s3  }
0x8: {  	s3 =	smul.u32 $0x27100, s3;
	s10 =	sshrl.u32 s6, $0x1;
	s11 =	sor.u32 $0x50, s8  }
0x9: {  	s12 =	sadd.s32 $0xA0, s8;
	s13 =	sadd.s32 $0xF0, s8;
	s14 =	sadd.s32 $0x140, s8  }
0xa: {  	s15 =	sadd.s32 $0x190, s8;
	s16 =	sadd.s32 $0x1E0, s8;
	s8 =	sadd.s32 $0x230, s8  }
0xb: {  	s5 =	sadd.s32 s5, s0;
	s10 =	ssub.s32 s6, s10;
	s3 =	sadd.s32 s26, s3  }
0xc: {  	s18 =	sshll.u32 s11, $0x4;
	s19 =	sshll.u32 s12, $0x4;
	s20 =	sshll.u32 s13, $0x4  }
0xd: {  	s21 =	sshll.u32 s14, $0x4;
	s22 =	sshll.u32 s15, $0x4;
	s29 =	sshll.u32 s16, $0x4  }
0xe: {  	s24 =	sshll.u32 s8, $0x4;
	s26 =	sadd.s32 s9, s0;
	s0 =	sadd.s32 $0xC200, s0  }
0xf: {  	s9 =	sshll.u32 s12, $0x7;
	s12 =	sshll.u32 s14, $0x7;
	s14 =	sshll.u32 s16, $0x7  }
0x10: {  	s6 =	sshrl.u32 s3, $0x3;
	s5 =	sadd.s32 $0x78000, s5;
	s28 =	sadd.s32 $0x140, s3  }
0x11: {  	s3 =	sadd.s32 $0xF0, s3;
	s16 =	sadd.s32 $0x16200, s26;
	s26 =	smax.u32 s10, $0x1  }
0x12: {  	s10 =	simm.s32 $0x4080;
	s25 =	sadd.s32 s7, s6;
	s17 =	sadd.s32 s17, s5  }
0x13: {  	s6 =	sshrl.u32 s28, $0x3;
	s18 =	sadd.s32 s18, s5;
	[dreg:$0x5] =	wrdreg s17  }
0x14: {  	s3 =	sshrl.u32 s3, $0x3;
	s19 =	sadd.s32 s19, s5;
	[dreg:$0x6] =	wrdreg s18  }
0x15: {  	s20 =	sadd.s32 s20, s5;
	s21 =	sadd.s32 s21, s5;
	[dreg:$0x7] =	wrdreg s19  }
0x16: {  	s22 =	sadd.s32 s22, s5;
	s28 =	sshrl.u32 s23, $0x2;
	[dreg:$0x8] =	wrdreg s20  }
0x17: {  	s23 =	sadd.s32 s14, s2;
	s14 =	simm.s32 $0x6;
	[dreg:$0x9] =	wrdreg s21  }
0x18: {  	s6 =	sadd.s32 s6, s7;
	s7 =	sadd.s32 s3, s7;
	[dreg:$0xa] =	wrdreg s22  }
0x19: {  	s3 =	sadd.s32 s29, s5;
	s5 =	sadd.s32 s24, s5;
	s29 =	sshll.u32 s11, $0x7  }
0x1a: {  	s17 =	sadd.s32 s28, s2;
	s19 =	sadd.s32 s9, s2;
	s11 =	sshll.u32 s13, $0x7  }
0x1b: {  	s21 =	sadd.s32 s12, s2;
	s13 =	sshll.u32 s15, $0x7;
	s15 =	sshll.u32 s8, $0x7  }
0x1c: {  	s28 =	sadd.s32 $0xA, s25;
	s8 =	simm.s32 $0x1;
	[dreg:$0xb] =	wrdreg s3  }
0x1d: {  	s9 =	simm.s32 $0x50;
	s12 =	simm.s32 $0x5;
	[dreg:$0xc] =	wrdreg s5  }
0x1e: {  	s18 =	sadd.s32 s29, s2;
	_ =	strace $0x80000050;
	[dreg:$0xd] =	wrdreg s0  }
0x1f: {  	s20 =	sadd.s32 s11, s2;
	s22 =	sadd.s32 s13, s2;
	[dreg:$0xe] =	wrdreg s16  }
0x20: {  	s24 =	sadd.s32 s15, s2;
	s29 =	sadd.s32 $0x14, s25;
	[dreg:$0xf] =	wrdreg s26  }
0x21: {  	s3 =	simm.s32 $0x4000;
	s11 =	simm.s32 $0x2;
	[dreg:$0x10] =	wrdreg s28  }
0x22: {  	s5 =	simm.s32 $0x6900;
	s13 =	simm.s32 $0x4;
	[dreg:$0x4] =	wrdreg s25  }
0x23: {  	s15 =	simm.s32 $0x0;
	[dreg:$0x11] =	wrdreg s29;
	s0 =	simm.s32 $0x3  }
.LBB2_1:
0x24: {  	s16 =	rddreg [dreg:$0xd]  }
0x25: {  	[tilespmem:s30], [sflag:$0x7] =	stream.linear.gather [hbm4b:s16+s4], $0x2800, $0x38;
	[tilespmem:$0x1D100] =	vst v63  }
0x26: {  	_ =	swait.ge [sflag:s31], $0x2800  }
0x27: {  	[sflag:s31] =	ssyncset.done $0x0  }
0x28: {  	[sflag:s31] =	ssyncadd.s32 $0xFFFFD800  }
0x29: {  	[spmem:s17] =	stream.linear.scatter [tilespmem:s30], [sflag:$0x3], $0x2800, $0x38;
	[tilespmem:$0x1D100] =	vst v63  }
0x2a: {  	_ = 	snop  }
0x2b: {  	[spmem:s18] =	stream.linear.scatter [tilespmem:s30], [sflag:$0x3], $0x2800, $0x38;
	[tilespmem:$0x1D100] =	vst v63  }
0x2c: {  	_ = 	snop  }
0x2d: {  	[spmem:s19] =	stream.linear.scatter [tilespmem:s30], [sflag:$0x3], $0x2800, $0x38;
	[tilespmem:$0x1D100] =	vst v63  }
0x2e: {  	_ = 	snop  }
0x2f: {  	[spmem:s20] =	stream.linear.scatter [tilespmem:s30], [sflag:$0x3], $0x2800, $0x38;
	[tilespmem:$0x1D100] =	vst v63  }
0x30: {  	_ = 	snop  }
0x31: {  	[spmem:s21] =	stream.linear.scatter [tilespmem:s30], [sflag:$0x3], $0x2800, $0x38;
	[tilespmem:$0x1D100] =	vst v63  }
0x32: {  	_ = 	snop  }
0x33: {  	[spmem:s22] =	stream.linear.scatter [tilespmem:s30], [sflag:$0x3], $0x2800, $0x38;
	[tilespmem:$0x1D100] =	vst v63  }
0x34: {  	_ = 	snop  }
0x35: {  	[spmem:s23] =	stream.linear.scatter [tilespmem:s30], [sflag:$0x3], $0x2800, $0x38;
	[tilespmem:$0x1D100] =	vst v63  }
0x36: {  	_ = 	snop  }
0x37: {  	[spmem:s24] =	stream.linear.scatter [tilespmem:s30], [sflag:$0x3], $0x2800, $0x38;
	[tilespmem:$0x1D100] =	vst v63  }
0x38: {  	s26 =	rddreg [dreg:$0xe]  }
0x39: {  	[tilespmem:s4], [sflag:$0x7] =	stream.linear.gather [hbm4b:s26+s4], $0x3E80, $0x38;
	[tilespmem:$0x1D100] =	vst v63  }
0x3a: {  	_ =	swait.ge [sflag:s31], $0x3E80  }
0x3b: {  	[sflag:s31] =	ssyncset.done $0x0  }
0x3c: {  	[sflag:s31] =	ssyncadd.s32 $0xFFFFC180  }
0x3d: {  	_ =	swait.ge [sflag:s0], $0x2800  }
0x3e: {  	[sflag:s0] =	ssyncset.done $0x0  }
0x3f: {  	[sflag:s0] =	ssyncadd.s32 $0xFFFFD800  }
0x40: {  	_ =	swait.ge [sflag:s0], $0x2800  }
0x41: {  	[sflag:s0] =	ssyncset.done $0x0  }
0x42: {  	[sflag:s0] =	ssyncadd.s32 $0xFFFFD800  }
0x43: {  	_ =	swait.ge [sflag:s0], $0x2800  }
0x44: {  	[sflag:s0] =	ssyncset.done $0x0  }
0x45: {  	[sflag:s0] =	ssyncadd.s32 $0xFFFFD800  }
0x46: {  	_ =	swait.ge [sflag:s0], $0x2800  }
0x47: {  	[sflag:s0] =	ssyncset.done $0x0  }
0x48: {  	[sflag:s0] =	ssyncadd.s32 $0xFFFFD800  }
0x49: {  	_ =	swait.ge [sflag:s0], $0x2800  }
0x4a: {  	[sflag:s0] =	ssyncset.done $0x0  }
0x4b: {  	[sflag:s0] =	ssyncadd.s32 $0xFFFFD800  }
0x4c: {  	_ =	swait.ge [sflag:s0], $0x2800  }
0x4d: {  	[sflag:s0] =	ssyncset.done $0x0  }
0x4e: {  	[sflag:s0] =	ssyncadd.s32 $0xFFFFD800  }
0x4f: {  	_ =	swait.ge [sflag:s0], $0x2800  }
0x50: {  	[sflag:s0] =	ssyncset.done $0x0  }
0x51: {  	[sflag:s0] =	ssyncadd.s32 $0xFFFFD800  }
0x52: {  	_ =	swait.ge [sflag:s0], $0x2800  }
0x53: {  	[sflag:s0] =	ssyncset.done $0x0  }
0x54: {  	[sflag:s0] =	ssyncadd.s32 $0xFFFFD800  }
0x55: {  	[bflag:$0x0] =	sbarrier.arrive $0xFFFF  }
0x56: {  	s28 =	rddreg [dreg:$0x4]  }
0x57: {  	[tilespmem:s3], [sflag:$0x1] =	stream.linear.gather [hbm4b:s28+s4], $0x50, $0x38;
	[tilespmem:$0x1D100] =	vst v63  }
0x58: {  	_ =	swait.ge [sflag:s8], $0x50  }
0x59: {  	[sflag:s8] =	ssyncset.done $0x0  }
0x5a: {  	[sflag:s8] =	ssyncadd.s32 $0xFFFFFFB0  }
0x5b: {  	[tilespmem:s30], [sflag:$0x3] =	stream.indirect.gather [hbm4b:s1+s9], $0x80, s3, s9, $0xb8;
	[tilespmem:$0x1D100] =	vst v63  }
0x5c: {  	s29 =	rddreg [dreg:$0x10]  }
0x5d: {  	[tilespmem:s10], [sflag:$0x2] =	stream.linear.gather [hbm4b:s29+s4], $0x50, $0x38;
	[tilespmem:$0x1D100] =	vst v63  }
0x5e: {  	_ =	swait.ge [sflag:s11], $0x50  }
0x5f: {  	[sflag:s11] =	ssyncset.done $0x0  }
0x60: {  	[sflag:s11] =	ssyncadd.s32 $0xFFFFFFB0  }
0x61: {  	[tilespmem:s5], [sflag:$0x4] =	stream.indirect.gather [hbm4b:s1+s9], $0x80, s10, s9, $0xb8;
	[tilespmem:$0x1D100] =	vst v63  }
0x62: {  	_ =	swait.ge [sflag:s0], $0x2800  }
0x63: {  	[sflag:s0] =	ssyncset.done $0x0  }
0x64: {  	s25 =	rddreg [dreg:$0x11];
	[sflag:s0] =	ssyncadd.s32 $0xFFFFD800  }
0x65: {  	[tilespmem:s3], [sflag:$0x1] =	stream.linear.gather [hbm4b:s25+s4], $0x50, $0x38;
	[tilespmem:$0x1D100] =	vst v63  }
0x66: {  	_ = 	snop  }
0x67: {  	[spmem:s2] =	stream.indirect.scatter.add.f32 [tilespmem:s30], [sflag:$0x5], $0x80, s4, s9, $0xb8;
	[tilespmem:$0x1D100] =	vst v63  }
0x68: {  	_ =	swait.ge [sflag:s8], $0x50  }
0x69: {  	[sflag:s8] =	ssyncset.done $0x0  }
0x6a: {  	[sflag:s8] =	ssyncadd.s32 $0xFFFFFFB0  }
0x6b: {  	_ =	swait.ge [sflag:s12], $0x2800  }
0x6c: {  	[sflag:s12] =	ssyncset.done $0x0  }
0x6d: {  	[sflag:s12] =	ssyncadd.s32 $0xFFFFD800  }
0x6e: {  	[tilespmem:s30], [sflag:$0x3] =	stream.indirect.gather [hbm4b:s1+s9], $0x80, s3, s9, $0xb8;
	[tilespmem:$0x1D100] =	vst v63  }
0x6f: {  	_ =	swait.ge [sflag:s13], $0x2800  }
0x70: {  	[sflag:s13] =	ssyncset.done $0x0  }
0x71: {  	s26 =	sadd.s32 $0x0, s7;
	[sflag:s13] =	ssyncadd.s32 $0xFFFFD800  }
0x72: {  	[tilespmem:s10], [sflag:$0x2] =	stream.linear.gather [hbm4b:s26+s4], $0x50, $0x38;
	[tilespmem:$0x1D100] =	vst v63  }
0x73: {  	s28 =	simm.s32 $0x80  }
0x74: {  	[spmem:s2] =	stream.indirect.scatter.add.f32 [tilespmem:s5], [sflag:$0x6], $0x80, s28, s9, $0xb8;
	[tilespmem:$0x1D100] =	vst v63  }
0x75: {  	_ =	swait.ge [sflag:s11], $0x50  }
0x76: {  	[sflag:s11] =	ssyncset.done $0x0  }
0x77: {  	[sflag:s11] =	ssyncadd.s32 $0xFFFFFFB0  }
0x78: {  	_ =	swait.ge [sflag:s14], $0x2800  }
0x79: {  	[sflag:s14] =	ssyncset.done $0x0  }
0x7a: {  	[sflag:s14] =	ssyncadd.s32 $0xFFFFD800  }
0x7b: {  	[tilespmem:s5], [sflag:$0x4] =	stream.indirect.gather [hbm4b:s1+s9], $0x80, s10, s9, $0xb8;
	[tilespmem:$0x1D100] =	vst v63  }
0x7c: {  	_ =	swait.ge [sflag:s0], $0x2800  }
0x7d: {  	s16 =	simm.s32 $0x100;
	s29 =	sadd.s32 $0x0, s6;
	[sflag:s0] =	ssyncset.done $0x0  }
0x7e: {  	s25 =	simm.s32 $0x14;
	s26 =	simm.s32 $0x200;
	[sflag:s0] =	ssyncadd.s32 $0xFFFFD800  }
0x7f: {  	[tilespmem:s3], [sflag:$0x1] =	stream.linear.gather [hbm4b:s29+s4], $0x50, $0x38;
	[tilespmem:$0x1D100] =	vst v63  }
.LBB2_2:
0x80: {  	[spmem:s2] =	stream.indirect.scatter.add.f32 [tilespmem:s30], [sflag:$0x5], $0x80, s16, s9, $0xb8;
	[tilespmem:$0x1D100] =	vst v63  }
0x81: {  	s28 =	smov.u32 s25;
	s16 =	smov.u32 s26  }
0x82: {  	p0 =	sne.s32 s25, $0x4B0;
	s25 =	sadd.s32 $0x14, s25;
	_ =	swait.ge [sflag:s8], $0x50  }
0x83: {  	[sflag:s8] =	ssyncset.done $0x0  }
0x84: {  	[sflag:s8] =	ssyncadd.s32 $0xFFFFFFB0  }
0x85: {  	_ =	swait.ge [sflag:s12], $0x2800  }
0x86: {  	[sflag:s12] =	ssyncset.done $0x0  }
0x87: {  	[sflag:s12] =	ssyncadd.s32 $0xFFFFD800  }
0x88: {  	[tilespmem:s30], [sflag:$0x3] =	stream.indirect.gather [hbm4b:s1+s9], $0x80, s3, s9, $0xb8;
	[tilespmem:$0x1D100] =	vst v63  }
0x89: {  	_ =	swait.ge [sflag:s13], $0x2800  }
0x8a: {  	[sflag:s13] =	ssyncset.done $0x0  }
0x8b: {  	s29 =	sadd.s32 s28, s7;
	[sflag:s13] =	ssyncadd.s32 $0xFFFFD800  }
0x8c: {  	[tilespmem:s10], [sflag:$0x2] =	stream.linear.gather [hbm4b:s29+s4], $0x50, $0x38;
	[tilespmem:$0x1D100] =	vst v63  }
0x8d: {  	s29 =	sadd.s32 $0xFFFFFF80, s26  }
0x8e: {  	[spmem:s2] =	stream.indirect.scatter.add.f32 [tilespmem:s5], [sflag:$0x6], $0x80, s29, s9, $0xb8;
	[tilespmem:$0x1D100] =	vst v63  }
0x8f: {  	_ =	swait.ge [sflag:s11], $0x50  }
0x90: {  	[sflag:s11] =	ssyncset.done $0x0  }
0x91: {  	[sflag:s11] =	ssyncadd.s32 $0xFFFFFFB0  }
0x92: {  	_ =	swait.ge [sflag:s14], $0x2800  }
0x93: {  	[sflag:s14] =	ssyncset.done $0x0  }
0x94: {  	[sflag:s14] =	ssyncadd.s32 $0xFFFFD800  }
0x95: {  	[tilespmem:s5], [sflag:$0x4] =	stream.indirect.gather [hbm4b:s1+s9], $0x80, s10, s9, $0xb8;
	[tilespmem:$0x1D100] =	vst v63  }
.Ltmp0:
0x96: {  	_ =	swait.ge [sflag:s0], $0x2800;
	(pc) =	sbr.rel @p0 .LBB2_2-.Ltmp0, $4  }
0x97: {  	[sflag:s0] =	ssyncset.done $0x0  }
0x98: {  	s28 =	sadd.s32 s28, s6;
	[sflag:s0] =	ssyncadd.s32 $0xFFFFD800  }
0x99: {  	[tilespmem:s3], [sflag:$0x1] =	stream.linear.gather [hbm4b:s28+s4], $0x50, $0x38;
	[tilespmem:$0x1D100] =	vst v63  }
0x9a: {  	s26 =	sadd.s32 $0x100, s26  }
0x9b: {  	[spmem:s2] =	stream.indirect.scatter.add.f32 [tilespmem:s30], [sflag:$0x5], $0x80, s16, s9, $0xb8;
	[tilespmem:$0x1D100] =	vst v63  }
0x9c: {  	_ =	swait.ge [sflag:s8], $0x50  }
0x9d: {  	[sflag:s8] =	ssyncset.done $0x0  }
0x9e: {  	[sflag:s8] =	ssyncadd.s32 $0xFFFFFFB0  }
0x9f: {  	_ =	swait.ge [sflag:s12], $0x2800  }
0xa0: {  	[sflag:s12] =	ssyncset.done $0x0  }
0xa1: {  	[sflag:s12] =	ssyncadd.s32 $0xFFFFD800  }
0xa2: {  	[tilespmem:s30], [sflag:$0x3] =	stream.indirect.gather [hbm4b:s1+s9], $0x80, s3, s9, $0xb8;
	[tilespmem:$0x1D100] =	vst v63  }
0xa3: {  	_ =	swait.ge [sflag:s13], $0x2800  }
0xa4: {  	[sflag:s13] =	ssyncset.done $0x0  }
0xa5: {  	s26 =	simm.s32 $0x3D80;
	[sflag:s13] =	ssyncadd.s32 $0xFFFFD800  }
0xa6: {  	[spmem:s2] =	stream.indirect.scatter.add.f32 [tilespmem:s5], [sflag:$0x6], $0x80, s26, s9, $0xb8;
	[tilespmem:$0x1D100] =	vst v63  }
0xa7: {  	_ =	swait.ge [sflag:s0], $0x2800  }
0xa8: {  	[sflag:s0] =	ssyncset.done $0x0  }
0xa9: {  	s28 =	simm.s32 $0x3E00;
	[sflag:s0] =	ssyncadd.s32 $0xFFFFD800  }
0xaa: {  	[spmem:s2] =	stream.indirect.scatter.add.f32 [tilespmem:s30], [sflag:$0x5], $0x80, s28, s9, $0xb8;
	[tilespmem:$0x1D100] =	vst v63  }
0xab: {  	_ =	swait.ge [sflag:s14], $0x2800  }
0xac: {  	[sflag:s14] =	ssyncset.done $0x0  }
0xad: {  	[sflag:s14] =	ssyncadd.s32 $0xFFFFD800  }
0xae: {  	_ =	swait.ge [sflag:s12], $0x2800  }
0xaf: {  	[sflag:s12] =	ssyncset.done $0x0  }
0xb0: {  	[sflag:s12] =	ssyncadd.s32 $0xFFFFD800  }
0xb1: {  	[bflag:$0x0] =	sbarrier.arrive $0xFFFF  }
0xb2: {  	[tilespmem:s30], [sflag:$0x7] =	stream.linear.gather [spmem:s17], $0x2800, $0x38;
	[tilespmem:$0x1D100] =	vst v63  }
0xb3: {  	_ =	swait.ge [sflag:s31], $0x2800  }
0xb4: {  	[sflag:s31] =	ssyncset.done $0x0  }
0xb5: {  	s29 =	rddreg [dreg:$0x5];
	[sflag:s31] =	ssyncadd.s32 $0xFFFFD800  }
0xb6: {  	[hbm4b:s29+s4] =	stream.linear.scatter [tilespmem:s30], [sflag:$0x3], $0x2800, $0x38;
	[tilespmem:$0x1D100] =	vst v63  }
0xb7: {  	_ = 	snop  }
0xb8: {  	[tilespmem:s5], [sflag:$0x7] =	stream.linear.gather [spmem:s18], $0x2800, $0x38;
	[tilespmem:$0x1D100] =	vst v63  }
0xb9: {  	_ =	swait.ge [sflag:s31], $0x2800  }
0xba: {  	[sflag:s31] =	ssyncset.done $0x0  }
0xbb: {  	s25 =	rddreg [dreg:$0x6];
	[sflag:s31] =	ssyncadd.s32 $0xFFFFD800  }
0xbc: {  	[hbm4b:s25+s4] =	stream.linear.scatter [tilespmem:s5], [sflag:$0x4], $0x2800, $0x38;
	[tilespmem:$0x1D100] =	vst v63  }
0xbd: {  	_ =	swait.ge [sflag:s0], $0x2800  }
0xbe: {  	[sflag:s0] =	ssyncset.done $0x0  }
0xbf: {  	[sflag:s0] =	ssyncadd.s32 $0xFFFFD800  }
0xc0: {  	[tilespmem:s30], [sflag:$0x7] =	stream.linear.gather [spmem:s19], $0x2800, $0x38;
	[tilespmem:$0x1D100] =	vst v63  }
0xc1: {  	_ =	swait.ge [sflag:s31], $0x2800  }
0xc2: {  	[sflag:s31] =	ssyncset.done $0x0  }
0xc3: {  	s26 =	rddreg [dreg:$0x7];
	[sflag:s31] =	ssyncadd.s32 $0xFFFFD800  }
0xc4: {  	[hbm4b:s26+s4] =	stream.linear.scatter [tilespmem:s30], [sflag:$0x3], $0x2800, $0x38;
	[tilespmem:$0x1D100] =	vst v63  }
0xc5: {  	_ =	swait.ge [sflag:s13], $0x2800  }
0xc6: {  	[sflag:s13] =	ssyncset.done $0x0  }
0xc7: {  	[sflag:s13] =	ssyncadd.s32 $0xFFFFD800  }
0xc8: {  	[tilespmem:s5], [sflag:$0x7] =	stream.linear.gather [spmem:s20], $0x2800, $0x38;
	[tilespmem:$0x1D100] =	vst v63  }
0xc9: {  	_ =	swait.ge [sflag:s31], $0x2800  }
0xca: {  	[sflag:s31] =	ssyncset.done $0x0  }
0xcb: {  	s28 =	rddreg [dreg:$0x8];
	[sflag:s31] =	ssyncadd.s32 $0xFFFFD800  }
0xcc: {  	[hbm4b:s28+s4] =	stream.linear.scatter [tilespmem:s5], [sflag:$0x4], $0x2800, $0x38;
	[tilespmem:$0x1D100] =	vst v63  }
0xcd: {  	_ =	swait.ge [sflag:s0], $0x2800  }
0xce: {  	[sflag:s0] =	ssyncset.done $0x0  }
0xcf: {  	[sflag:s0] =	ssyncadd.s32 $0xFFFFD800  }
0xd0: {  	[tilespmem:s30], [sflag:$0x7] =	stream.linear.gather [spmem:s21], $0x2800, $0x38;
	[tilespmem:$0x1D100] =	vst v63  }
0xd1: {  	_ =	swait.ge [sflag:s31], $0x2800  }
0xd2: {  	[sflag:s31] =	ssyncset.done $0x0  }
0xd3: {  	s29 =	rddreg [dreg:$0x9];
	[sflag:s31] =	ssyncadd.s32 $0xFFFFD800  }
0xd4: {  	[hbm4b:s29+s4] =	stream.linear.scatter [tilespmem:s30], [sflag:$0x3], $0x2800, $0x38;
	[tilespmem:$0x1D100] =	vst v63  }
0xd5: {  	_ =	swait.ge [sflag:s13], $0x2800  }
0xd6: {  	[sflag:s13] =	ssyncset.done $0x0  }
0xd7: {  	[sflag:s13] =	ssyncadd.s32 $0xFFFFD800  }
0xd8: {  	[tilespmem:s5], [sflag:$0x7] =	stream.linear.gather [spmem:s22], $0x2800, $0x38;
	[tilespmem:$0x1D100] =	vst v63  }
0xd9: {  	_ =	swait.ge [sflag:s31], $0x2800  }
0xda: {  	[sflag:s31] =	ssyncset.done $0x0  }
0xdb: {  	s25 =	rddreg [dreg:$0xa];
	[sflag:s31] =	ssyncadd.s32 $0xFFFFD800  }
0xdc: {  	[hbm4b:s25+s4] =	stream.linear.scatter [tilespmem:s5], [sflag:$0x4], $0x2800, $0x38;
	[tilespmem:$0x1D100] =	vst v63  }
0xdd: {  	_ =	swait.ge [sflag:s0], $0x2800  }
0xde: {  	[sflag:s0] =	ssyncset.done $0x0  }
0xdf: {  	[sflag:s0] =	ssyncadd.s32 $0xFFFFD800  }
0xe0: {  	[tilespmem:s30], [sflag:$0x7] =	stream.linear.gather [spmem:s23], $0x2800, $0x38;
	[tilespmem:$0x1D100] =	vst v63  }
0xe1: {  	_ =	swait.ge [sflag:s31], $0x2800  }
0xe2: {  	[sflag:s31] =	ssyncset.done $0x0  }
0xe3: {  	s26 =	rddreg [dreg:$0xb];
	[sflag:s31] =	ssyncadd.s32 $0xFFFFD800  }
0xe4: {  	[hbm4b:s26+s4] =	stream.linear.scatter [tilespmem:s30], [sflag:$0x3], $0x2800, $0x38;
	[tilespmem:$0x1D100] =	vst v63  }
0xe5: {  	_ =	swait.ge [sflag:s13], $0x2800  }
0xe6: {  	[sflag:s13] =	ssyncset.done $0x0  }
0xe7: {  	[sflag:s13] =	ssyncadd.s32 $0xFFFFD800  }
0xe8: {  	[tilespmem:s5], [sflag:$0x7] =	stream.linear.gather [spmem:s24], $0x2800, $0x38;
	[tilespmem:$0x1D100] =	vst v63  }
0xe9: {  	_ =	swait.ge [sflag:s31], $0x2800  }
0xea: {  	[sflag:s31] =	ssyncset.done $0x0  }
0xeb: {  	s28 =	rddreg [dreg:$0xc];
	[sflag:s31] =	ssyncadd.s32 $0xFFFFD800  }
0xec: {  	[hbm4b:s28+s4] =	stream.linear.scatter [tilespmem:s5], [sflag:$0x4], $0x2800, $0x38;
	[tilespmem:$0x1D100] =	vst v63  }
0xed: {  	_ =	swait.ge [sflag:s0], $0x2800  }
0xee: {  	[sflag:s0] =	ssyncset.done $0x0  }
0xef: {  	[sflag:s0] =	ssyncadd.s32 $0xFFFFD800  }
0xf0: {  	_ =	swait.ge [sflag:s13], $0x2800  }
0xf1: {  	s15 =	sadd.s32 $0x1, s15;
	s29 =	rddreg [dreg:$0xf]  }
0xf2: {  	p0 =	sne.s32 s15, s29  }
.Ltmp1:
0xf3: {  	_ = 	snop;
	(pc) =	sbr.rel @p0 .LBB2_1-.Ltmp1, $3  }
0xf4: {  	_ =	sdelay $0x1  }
0xf5: {  	[sflag:s13] =	ssyncset.done $0x0  }
0xf6: {  	[sflag:s13] =	ssyncadd.s32 $0xFFFFD800  }
0xf7: {  	_ =	sfence.sel $0x180000  }
0xf8: {  	[bflag:$0x0] =	sbarrier.arrive $0xFFFF  }
0xf9: {  	_ =	strace $0x90000050  }
0xfa: {  	s0 =	stileid.u32;
	[bflag:$0x2] =	sbarrier.arrive $0xFFFF  }
0xfb: {  	p0 =	sne.s32 s0, $0x0;
	s0 =	rddreg [dreg:$0x3]  }
0xfc: {  	s0 =	sadd.s32 @!p0 $0x100000, s0  }
0xfd: {  	[sflag:s0] =	ssyncadd.tile.s32 @!p0 $0x1;
	_ =	shalt  }
.Lfunc_end2:
_tile_overlayer_lowered:
.L_overlay_start_2:
0xfe: {  	(tag) =	ssettag $0x2  }
0xff: {  	s0 =	rddreg [dreg:$0x0];
	s2 =	stileid.u32  }
0x100: {  	s1 =	rddreg [dreg:$0x1];
	p0 =	sne.s32 s2, $0x0  }
0x101: {  	s3 =	rddreg [dreg:$0x2];
	[bflag:$0x3] =	sbarrier.arrive $0xFFFF;
	s2 =	simm.s32 @!p0 $0x1C07  }
0x102: {  	[timem:s3], [sflag:s2] =	dma.local @!p0 [hbm:s0], s1  }
0x103: {  	s0 =	simm.s32 @!p0 $0x7  }
0x104: {  	_ =	swait.ge @!p0 [sflag:s0], s1  }
0x105: {  	s1 =	ssub.s32 @!p0 $0x0, s1;
	[sflag:s0] =	ssyncset.done @!p0 $0x0  }
0x106: {  	[sflag:s0] =	ssyncadd.s32 @!p0 s1  }
0x107: {  	[bflag:$0x3] =	sbarrier.arrive $0xFFFF  }
0x108: {  	_ =	shalt  }

// kernel: kernel.9.cloned.1.call-start
scs
__scs_entry_jumppad:
0x0: {  	(pc) =	sbr.rel $0x88, $3  }
0x1: {  	(tag) =	ssettag $0x0;
	lr =	simm.s32 $0x1  }
0x2: {  	[smem:$0x3F9B] =	sst lr;
	_ =	strace $0xD0000000  }
0x3: {  	_ = 	snop  }
0x4: {  	_ = 	snop  }
0x5: {  	_ = 	snop  }
0x6: {  	_ = 	snop  }
0x7: {  	_ = 	snop  }
__scs_overlays_trampoline_lowered:
0x8: {  	[smem:$0x3FAA] =	sst s0  }
0x9: {  	[smem:$0x3FAB] =	sst s1  }
0xa: {  	[smem:$0x3FAC] =	sst s2  }
0xb: {  	[smem:$0x3FAD] =	sst s3  }
0xc: {  	[smem:$0x3FAE] =	sst s4  }
0xd: {  	[smem:$0x3FAF] =	sst s5  }
0xe: {  	[smem:$0x3FB0] =	sst s6  }
0xf: {  	[smem:$0x3FB1] =	sst s7  }
0x10: {  	[smem:$0x3FB2] =	sst s8  }
0x11: {  	[smem:$0x3FB3] =	sst s9;
	s0 =	simm.s32 @!p0 $0x0  }
0x12: {  	s1 =	sld [smem:$0x3F99];
	s0 =	simm.s32 @p0 $0x1  }
0x13: {  	[smem:$0x3FB4] =	sst s0;
	s0 =	simm.s32 @!p1 $0x0  }
0x14: {  	s2 =	sld [smem:$0x3F98];
	s0 =	simm.s32 @p1 $0x1  }
0x15: {  	[smem:$0x3FB5] =	sst s0;
	s0 =	simm.s32 @!p2 $0x0  }
0x16: {  	s3 =	sld [smem:$0x3FDB];
	s0 =	simm.s32 @p2 $0x1  }
0x17: {  	s4 =	simm.s32 $0x1BF5;
	[smem:$0x3FB7] =	sst s0  }
0x18: {  	s0 =	sld [smem:$0x3F9A];
	_ =	swait.ge [sflag:s4], $0x0  }
0x19: {  	s7 =	sld [smem:$0x3F9B]  }
0x1a: {  	s8 =	sadd.s32 $0xFFFFE003, lr  }
0x1b: {  	s9 =	sadd.s32 $0xFFFFFEF7, lr;
	s5 =	simm.s32 $0xFFFFFFFF;
	p2 =	slt.u32 s8, $0xFFFFF086  }
0x1c: {  	p1 =	slt.u32 s9, $0xF7A;
	s5 =	simm.s32 @!p2 $0x0  }
0x1d: {  	s5 =	simm.s32 @p1 $0x1;
	p0 =	seq.s32 s7, s2  }
0x1e: {  	s7 =	smul.u32 @!p0 $0xF7A, s2;
	p2 =	seq.s32 @!p0 s5, $0x0  }
0x1f: {  	s9 =	smul.u32 $0xF7A, s1;
	s8 =	simm.s32 @!p0 $0x1BF5;
	p2 =	por !p2, p0  }
0x20: {  	[sflag:s8] =	ssyncset.s32 @!p0 $0xFFFFF086;
	s6 =	sadd.s32 @!p0 s3, s7;
	s7 =	simm.s32 @!p0 $0x108  }
0x21: {  	s3 =	sadd.s32 s3, s9;
	s6 =	sadd.s32 @!p0 $0x88, s6;
	s7 =	simm.s32 @p2 $0x1082  }
0x22: {  	[simem:s7], [sflag:s8] =	dma.local @!p0 [hbm:s6], $0xF7A  }
0x23: {  	s9 =	sor.u32 $0xD0000000, s2;
	s6 =	simm.s32 $0x108;
	_ =	swait.ge @!p0 [sflag:s8], $0x0  }
0x24: {  	s3 =	sadd.s32 $0x88, s3;
	s6 =	simm.s32 @!p1 $0x1082;
	[sflag:s4] =	ssyncset.s32 $0xFFFFF086  }
0x25: {  	[simem:s6], [sflag:s4] =	dma.local [hbm:s3], $0xF7A  }
0x26: {  	[smem:$0x3F9B] =	sst s1;
	(tag) =	ssettag s2;
	_ =	strace s9  }
0x27: {  	s1 =	sld [smem:$0x3FAB]  }
0x28: {  	s2 =	sld [smem:$0x3FAC]  }
0x29: {  	s4 =	sld [smem:$0x3FAE]  }
0x2a: {  	p0 =	seq.s32 s5, $0x0;
	s5 =	sld [smem:$0x3FAF]  }
0x2b: {  	s6 =	sld [smem:$0x3FB0]  }
0x2c: {  	s7 =	sld [smem:$0x3FB1]  }
0x2d: {  	s3 =	simm.s32 $0x108;
	s8 =	sld [smem:$0x3FB2]  }
0x2e: {  	s3 =	simm.s32 @!p0 $0x1082;
	s9 =	sld [smem:$0x3FB3]  }
0x2f: {  	lr =	sadd.s32 s0, s3;
	s0 =	sld [smem:$0x3FAA]  }
0x30: {  	s3 =	sld [smem:$0x3FAD]  }
0x31: {  	[smem:$0x3FB6] =	sst s10  }
0x32: {  	s10 =	sld [smem:$0x3FB4];
	_ =	sdelay $0x3  }
0x33: {  	p0 =	seq.s32 s10, $0x1;
	s10 =	sld [smem:$0x3FB6];
	_ =	sdelay $0x3  }
0x34: {  	[smem:$0x3FB6] =	sst s10  }
0x35: {  	s10 =	sld [smem:$0x3FB5];
	_ =	sdelay $0x3  }
0x36: {  	p1 =	seq.s32 s10, $0x1;
	s10 =	sld [smem:$0x3FB6];
	_ =	sdelay $0x3  }
0x37: {  	[smem:$0x3FB6] =	sst s10  }
0x38: {  	s10 =	sld [smem:$0x3FB7]  }
0x39: {  	_ = 	snop;
	(pc) =	sbr.ind lr, $3  }
0x3a: {  	_ = 	snop  }
0x3b: {  	_ = 	snop  }
0x3c: {  	p2 =	seq.s32 s10, $0x1;
	s10 =	sld [smem:$0x3FB6]  }
0x3d: {  	_ =	shalt  }
0x3e: {  	_ =	shalt  }
0x3f: {  	_ =	shalt  }
0x40: {  	_ =	shalt  }
0x41: {  	_ =	shalt  }
0x42: {  	_ =	shalt  }
0x43: {  	_ =	shalt  }
0x44: {  	_ =	shalt  }
0x45: {  	_ =	shalt  }
0x46: {  	_ =	shalt  }
0x47: {  	_ =	shalt  }
0x48: {  	_ =	shalt  }
0x49: {  	_ =	shalt  }
0x4a: {  	_ =	shalt  }
0x4b: {  	_ =	shalt  }
0x4c: {  	_ =	shalt  }
0x4d: {  	_ =	shalt  }
0x4e: {  	_ =	shalt  }
0x4f: {  	_ =	shalt  }
0x50: {  	_ =	shalt  }
0x51: {  	_ =	shalt  }
0x52: {  	_ =	shalt  }
0x53: {  	_ =	shalt  }
0x54: {  	_ =	shalt  }
0x55: {  	_ =	shalt  }
0x56: {  	_ =	shalt  }
0x57: {  	_ =	shalt  }
0x58: {  	_ =	shalt  }
0x59: {  	_ =	shalt  }
0x5a: {  	_ =	shalt  }
0x5b: {  	_ =	shalt  }
0x5c: {  	_ =	shalt  }
0x5d: {  	_ =	shalt  }
0x5e: {  	_ =	shalt  }
0x5f: {  	_ =	shalt  }
0x60: {  	_ =	shalt  }
0x61: {  	_ =	shalt  }
0x62: {  	_ =	shalt  }
0x63: {  	_ =	shalt  }
0x64: {  	_ =	shalt  }
0x65: {  	_ =	shalt  }
0x66: {  	_ =	shalt  }
0x67: {  	_ =	shalt  }
0x68: {  	_ =	shalt  }
0x69: {  	_ =	shalt  }
0x6a: {  	_ =	shalt  }
0x6b: {  	_ =	shalt  }
0x6c: {  	_ =	shalt  }
0x6d: {  	_ =	shalt  }
0x6e: {  	_ =	shalt  }
0x6f: {  	_ =	shalt  }
0x70: {  	_ =	shalt  }
0x71: {  	_ =	shalt  }
0x72: {  	_ =	shalt  }
0x73: {  	_ =	shalt  }
0x74: {  	_ =	shalt  }
0x75: {  	_ =	shalt  }
0x76: {  	_ =	shalt  }
0x77: {  	_ =	shalt  }
0x78: {  	_ =	shalt  }
0x79: {  	_ =	shalt  }
0x7a: {  	_ =	shalt  }
0x7b: {  	_ =	shalt  }
0x7c: {  	_ =	shalt  }
0x7d: {  	_ =	shalt  }
0x7e: {  	_ =	shalt  }
0x7f: {  	_ =	shalt  }
0x80: {  	_ =	shalt  }
0x81: {  	_ =	shalt  }
0x82: {  	_ =	shalt  }
0x83: {  	_ =	shalt  }
0x84: {  	_ =	shalt  }
0x85: {  	_ =	shalt  }
0x86: {  	_ =	shalt  }
0x87: {  	_ =	shalt  }
.Lfunc_end0:
.L_simem_size_0:
called_computation_lowered:
.L_overlay_start_0:
0x88: {  	s2 =	sld [smem:$0x3FD9]  }
0x89: {  	s3 =	sld [smem:$0x3FFE];
	_ =	sdelay $0x1  }
0x8a: {  	s1 =	srdreg.scid  }
0x8b: {  	s0 =	sand.u32 $0x1, s1  }
0x8c: {  	s16 =	sshll.u32 s0, $0xA;
	s2 =	sadd.s32 s3, s2  }
0x8d: {  	s2 =	sadd.s32 s2, s16  }
0x8e: {  	[smem:$0x3FC2] =	sst s2  }
0x8f: {  	_ = 	snop  }
0x90: {  	(tm) =	ssettm $0x1  }
0x91: {  	s17 =	sld [smem:$0x3FFB];
	_ =	sdelay $0x3  }
0x92: {  	_ =	strace s17  }
0x93: {  	s2 =	sld [smem:$0x3FFC];
	_ =	sdelay $0x3  }
0x94: {  	_ =	strace s2  }
0x95: {  	s2 =	sld [smem:$0x3FFD];
	_ =	sdelay $0x3  }
0x96: {  	_ =	strace s2  }
0x97: {  	_ =	strace $0x8FFFFFFF  }
0x98: {  	s18 =	sld [smem:$0x3FDB];
	_ =	sdelay $0x1  }
0x99: {  	s19 =	simm.s32 $_scs_section_size  }
0x9a: {  	s4 =	simm.s32 $_size__tile_overlayer_lowered;
	s5 =	simm.s32 $_tile_overlayer_lowered  }
0x9b: {  	s22 =	simm.s32 $0x1BFF;
	s21 =	sshll.u32 s5, $0x1;
	s2 =	sadd.s32 s19, s18  }
0x9c: {  	s6 =	simm.s32 $0x0;
	s20 =	sshll.u32 s4, $0x1;
	s4 =	sadd.s32 s21, s2  }
0x9d: {  	[timem:s6], [sflag:s22] =	dma.local [hbm:s4], s20  }
0x9e: {  	_ =	swait.ge [sflag:s22], s20  }
0x9f: {  	s3 =	ssub.s32 $0x0, s20;
	[sflag:s22] =	ssyncset.done $0x0  }
0xa0: {  	[sflag:s22] =	ssyncadd.s32 s3;
	_ =	sdelay $0x1  }
0xa1: {  	s23 =	simm.s32 $0x1B8B  }
0xa2: {  	_ =	swait.ge [sflag:s23], $0x1  }
0xa3: {  	[sflag:s23] =	ssyncset.done $0x0  }
0xa4: {  	s25 =	simm.s32 $0x1B8E;
	s24 =	sld [smem:$0x3FFE];
	[sflag:s23] =	ssyncadd.s32 $0xFFFFFFFF  }
0xa5: {  	s26 =	simm.s32 $execute0_lowered;
	[smem:$0x3FD2] =	sst s25  }
0xa6: {  	s4 =	sshll.u32 s26, $0x1;
	_ =	strace $0x80000046;
	[dreg:$0x1] =	wrdreg $0xFFFFFFFF  }
0xa7: {  	s28 =	simm.s32 $_size_execute0_lowered;
	s2 =	sadd.s32 s2, s4;
	[dreg:$0x0] =	wrdreg $0x0  }
0xa8: {  	s4 =	sshll.u32 s28, $0x1;
	[dreg:$0x2] =	wrdreg s2  }
0xa9: {  	[dreg:$0x3] =	wrdreg s4  }
0xaa: {  	[dreg:$0x4] =	wrdreg $0xC0  }
0xab: {  	_ =	task [dreg:s6], $0x5FFFF  }
0xac: {  	[dreg:$0x1] =	wrdreg $0xFFFFFFFF  }
0xad: {  	[dreg:$0x0] =	wrdreg $0x60  }
0xae: {  	[dreg:$0x2] =	wrdreg s24  }
0xaf: {  	[dreg:$0x3] =	wrdreg $0x1E080  }
0xb0: {  	[dreg:$0x4] =	wrdreg $0x9  }
0xb1: {  	_ =	task.clear_ibuf [dreg:s6], $0x5FFFF;
	_ =	strace $0x90000046  }
0xb2: {  	s29 =	simm.s32 $0x9;
	_ =	strace $0x80000048  }
0xb3: {  	_ =	swait.ge [sflag:s29], $0x1  }
0xb4: {  	[sflag:s29] =	ssyncadd.s32 $0xFFFFFFFF  }
0xb5: {  	_ =	strace $0x90000048  }
0xb6: {  	_ =	sfence  }
0xb7: {  	s30 =	sld [smem:$0x0];
	_ =	sdelay $0x2  }
0xb8: {  	s31 =	sshll.u32 s1, $0xD;
	s1 =	sshrl.u32 s1, $0x2  }
0xb9: {  	s3 =	sand.u32 $0x4000, s31;
	s1 =	sadd.s32 s1, s30  }
0xba: {  	s0 =	sor.u32 s3, s0;
	s1 =	sshll.u32 s1, $0x11  }
0xbb: {  	s0 =	sor.u32 s1, s0  }
0xbc: {  	s0 =	sadd.s32 $0x8F2B, s0  }
0xbd: {  	[sflag:s0] =	ssyncadd.remote.s32 $0x1  }
0xbe: {  	_ =	sfence.sel $0xFFFF  }
0xbf: {  	[dreg:$0x0] =	wrdreg $0xFFFFFFFF;
	(pc) =	sbr.abs _section_cstart, $3  }
0xc0: {  	[dreg:$0x1] =	wrdreg $0xFFFFFFFF  }
0xc1: {  	_ =	task.clear_ibuf [dreg:s6], $0x2FFFF;
	_ =	strace $0x9FFFFFFF  }
0xc2: {  	(tm) =	ssettm $0x7FFFFFFF  }
0xc3: {  	_ =	shalt  }
tec
execute0_lowered:
.L_overlay_start_1:
0x0: {  	(tag) =	ssettag $0x1  }
0x1: {  	s6 =	rddreg [dreg:$0x0]  }
0x2: {  	s1 =	rddreg [dreg:$0x1];
	s3 =	srdreg.scid  }
0x3: {  	s0 =	rddreg [dreg:$0x2];
	s2 =	simm.s32 $0x0;
	s5 =	sand.u32 $0x1, s3  }
0x4: {  	[smem:$0x7FF] =	sst s2;
	s4 =	sadd.s32 $0xBE00, s6;
	s3 =	smul.u32 $0x2710, s5  }
0x5: {  	_ =	strace $0x80000047;
	s7 =	smul.u32 $0x5000, s5;
	s8 =	ssub.s32 $0x2, s5  }
0x6: {  	s5 =	sadd.s32 $0xC000, s6;
	s11 =	sadd.s32 s3, s6;
	s3 =	stileid.u32  }
0x7: {  	s31 =	sshrl.u32 s8, $0x1;
	s13 =	sadd.s32 s7, s6;
	s12 =	smul.u32 $0x2800, s3  }
0x8: {  	s14 =	ssub.s32 s8, s31;
	s19 =	sadd.s32 $0x1E00, s11;
	s20 =	smul.u32 $0x271, s3  }
0x9: {  	s24 =	sadd.s32 $0xC200, s13;
	s11 =	smax.u32 s14, $0x1;
	s13 =	simm.s32 $0x3  }
0xa: {  	s14 =	simm.s32 $0x1388;
	s6 =	sadd.s32 s12, s1;
	s15 =	sadd.s32 $0x800, s12  }
0xb: {  	s16 =	sadd.s32 $0x1000, s12;
	s17 =	sadd.s32 $0x1800, s12;
	s18 =	sadd.s32 $0x2000, s12  }
0xc: {  	s21 =	sshrl.u32 s12, $0x3;
	s12 =	simm.s32 $0x1608;
	s7 =	sadd.s32 s15, s1  }
0xd: {  	s8 =	sadd.s32 s16, s1;
	s9 =	sadd.s32 s17, s1;
	s10 =	sadd.s32 s18, s1  }
0xe: {  	s22 =	sshrl.u32 s15, $0x3;
	s23 =	sshrl.u32 s16, $0x3;
	s25 =	sshrl.u32 s17, $0x3  }
0xf: {  	s26 =	sshrl.u32 s18, $0x3;
	s15 =	sadd.s32 s20, s19;
	s16 =	simm.s32 $0x28  }
0x10: {  	s17 =	simm.s32 $0x1;
	s18 =	simm.s32 $0x2;
	s19 =	simm.s32 $0x1360  }
0x11: {  	s20 =	sadd.s32 s21, s24;
	s21 =	sadd.s32 s22, s24;
	s22 =	sadd.s32 s23, s24  }
0x12: {  	s23 =	sadd.s32 s25, s24;
	s24 =	sadd.s32 s26, s24;
	s25 =	simm.s32 $0x0  }
.LBB2_1:
0x13: {  	[tilespmem:s12], [sflag:$0x3] =	stream.linear.gather [hbm4b:s5+s2], $0x800, $0x38;
	[tilespmem:$0x4608] =	vst v63  }
0x14: {  	_ =	swait.ge [sflag:s13], $0x800  }
0x15: {  	[sflag:s13] =	ssyncset.done $0x0  }
0x16: {  	[sflag:s13] =	ssyncadd.s32 $0xFFFFF800  }
0x17: {  	[spmem:s6] =	stream.linear.scatter [tilespmem:s12], [sflag:$0x3], $0x800, $0x38;
	[tilespmem:$0x4608] =	vst v63  }
0x18: {  	_ =	swait.ge [sflag:s13], $0x800  }
0x19: {  	[sflag:s13] =	ssyncset.done $0x0  }
0x1a: {  	[sflag:s13] =	ssyncadd.s32 $0xFFFFF800  }
0x1b: {  	[spmem:s7] =	stream.linear.scatter [tilespmem:s12], [sflag:$0x3], $0x800, $0x38;
	[tilespmem:$0x4608] =	vst v63  }
0x1c: {  	_ =	swait.ge [sflag:s13], $0x800  }
0x1d: {  	[sflag:s13] =	ssyncset.done $0x0  }
0x1e: {  	[sflag:s13] =	ssyncadd.s32 $0xFFFFF800  }
0x1f: {  	[spmem:s8] =	stream.linear.scatter [tilespmem:s12], [sflag:$0x3], $0x800, $0x38;
	[tilespmem:$0x4608] =	vst v63  }
0x20: {  	_ =	swait.ge [sflag:s13], $0x800  }
0x21: {  	[sflag:s13] =	ssyncset.done $0x0  }
0x22: {  	[sflag:s13] =	ssyncadd.s32 $0xFFFFF800  }
0x23: {  	[spmem:s9] =	stream.linear.scatter [tilespmem:s12], [sflag:$0x3], $0x800, $0x38;
	[tilespmem:$0x4608] =	vst v63  }
0x24: {  	_ =	swait.ge [sflag:s13], $0x800  }
0x25: {  	[sflag:s13] =	ssyncset.done $0x0  }
0x26: {  	[sflag:s13] =	ssyncadd.s32 $0xFFFFF800  }
0x27: {  	[spmem:s10] =	stream.linear.scatter [tilespmem:s12], [sflag:$0x3], $0x800, $0x38;
	[tilespmem:$0x4608] =	vst v63  }
0x28: {  	_ =	swait.ge [sflag:s13], $0x800  }
0x29: {  	[sflag:s13] =	ssyncset.done $0x0  }
0x2a: {  	[sflag:s13] =	ssyncadd.s32 $0xFFFFF800  }
0x2b: {  	[tilespmem:s14], [sflag:$0x3] =	stream.linear.gather [hbm4b:s4+s2], $0x280, $0x38;
	[tilespmem:$0x4608] =	vst v63  }
0x2c: {  	_ =	swait.ge [sflag:s13], $0x280  }
0x2d: {  	[sflag:s13] =	ssyncset.done $0x0  }
0x2e: {  	[sflag:s13] =	ssyncadd.s32 $0xFFFFFD80  }
0x2f: {  	[tilespmem:s2], [sflag:$0x3] =	stream.linear.gather [hbm4b:s15+s2], $0x1388, $0x38;
	[tilespmem:$0x4608] =	vst v63  }
0x30: {  	_ =	swait.ge [sflag:s13], $0x1388  }
0x31: {  	[sflag:s13] =	ssyncset.done $0x0  }
0x32: {  	[sflag:s13] =	ssyncadd.s32 $0xFFFFEC78  }
0x33: {  	[bflag:$0x0] =	sbarrier.arrive $0xFFFF  }
0x34: {  	[spmem:s1] =	stream.indirect.scatter.add.f32 [tilespmem:s14], [sflag:$0x1], $0x10, s2, s16, $0xb8;
	[tilespmem:$0x4608] =	vst v63  }
0x35: {  	_ = 	snop  }
0x36: {  	[spmem:s1] =	stream.indirect.scatter.add.f32 [tilespmem:s14], [sflag:$0x2], $0x10, s16, s16, $0xb8;
	[tilespmem:$0x4608] =	vst v63  }
0x37: {  	_ =	swait.ge [sflag:s17], $0x280  }
0x38: {  	[sflag:s17] =	ssyncset.done $0x0  }
0x39: {  	s26 =	simm.s32 $0x50;
	[sflag:s17] =	ssyncadd.s32 $0xFFFFFD80  }
0x3a: {  	[spmem:s1] =	stream.indirect.scatter.add.f32 [tilespmem:s14], [sflag:$0x1], $0x10, s26, s16, $0xb8;
	[tilespmem:$0x4608] =	vst v63  }
0x3b: {  	_ =	swait.ge [sflag:s18], $0x280  }
0x3c: {  	[sflag:s18] =	ssyncset.done $0x0  }
0x3d: {  	s28 =	simm.s32 $0x78;
	s26 =	simm.s32 $0xFFFFB500;
	[sflag:s18] =	ssyncadd.s32 $0xFFFFFD80  }
.LBB2_2:
0x3e: {  	[spmem:s1] =	stream.indirect.scatter.add.f32 [tilespmem:s14], [sflag:$0x2], $0x10, s28, s16, $0xb8;
	[tilespmem:$0x4608] =	vst v63  }
0x3f: {  	s28 =	smov.u32 s26  }
0x40: {  	p0 =	sne.s32 s26, $0xFFFFFEC0;
	s26 =	sadd.s32 $0x140, s26;
	_ =	swait.ge [sflag:s17], $0x280  }
0x41: {  	s28 =	sshra.s32 s28, $0x2;
	[sflag:s17] =	ssyncset.done $0x0  }
.Ltmp0:
0x42: {  	s29 =	sadd.s32 $0x1360, s28;
	[sflag:s17] =	ssyncadd.s32 $0xFFFFFD80;
	(pc) =	sbr.rel @p0 .LBB2_2-.Ltmp0, $4  }
0x43: {  	[spmem:s1] =	stream.indirect.scatter.add.f32 [tilespmem:s14], [sflag:$0x1], $0x10, s29, s16, $0xb8;
	[tilespmem:$0x4608] =	vst v63  }
0x44: {  	_ =	swait.ge [sflag:s18], $0x280  }
0x45: {  	[sflag:s18] =	ssyncset.done $0x0  }
0x46: {  	s28 =	sadd.s32 $0x1388, s28;
	[sflag:s18] =	ssyncadd.s32 $0xFFFFFD80  }
0x47: {  	[spmem:s1] =	stream.indirect.scatter.add.f32 [tilespmem:s14], [sflag:$0x2], $0x10, s28, s16, $0xb8;
	[tilespmem:$0x4608] =	vst v63  }
0x48: {  	_ =	swait.ge [sflag:s17], $0x280  }
0x49: {  	[sflag:s17] =	ssyncset.done $0x0  }
0x4a: {  	[sflag:s17] =	ssyncadd.s32 $0xFFFFFD80  }
0x4b: {  	[spmem:s1] =	stream.indirect.scatter.add.f32 [tilespmem:s14], [sflag:$0x1], $0x10, s19, s16, $0xb8;
	[tilespmem:$0x4608] =	vst v63  }
0x4c: {  	_ =	swait.ge [sflag:s18], $0x280  }
0x4d: {  	[sflag:s18] =	ssyncset.done $0x0  }
0x4e: {  	[sflag:s18] =	ssyncadd.s32 $0xFFFFFD80  }
0x4f: {  	_ =	swait.ge [sflag:s17], $0x280  }
0x50: {  	[sflag:s17] =	ssyncset.done $0x0  }
0x51: {  	[sflag:s17] =	ssyncadd.s32 $0xFFFFFD80  }
0x52: {  	[bflag:$0x0] =	sbarrier.arrive $0xFFFF  }
0x53: {  	[tilespmem:s12], [sflag:$0x3] =	stream.linear.gather [spmem:s6], $0x800, $0x38;
	[tilespmem:$0x4608] =	vst v63  }
0x54: {  	_ =	swait.ge [sflag:s13], $0x800  }
0x55: {  	[sflag:s13] =	ssyncset.done $0x0  }
0x56: {  	[sflag:s13] =	ssyncadd.s32 $0xFFFFF800  }
0x57: {  	[hbm4b:s20+s2] =	stream.linear.scatter [tilespmem:s12], [sflag:$0x3], $0x800, $0x38;
	[tilespmem:$0x4608] =	vst v63  }
0x58: {  	_ =	swait.ge [sflag:s13], $0x800  }
0x59: {  	[sflag:s13] =	ssyncset.done $0x0  }
0x5a: {  	[sflag:s13] =	ssyncadd.s32 $0xFFFFF800  }
0x5b: {  	[tilespmem:s12], [sflag:$0x3] =	stream.linear.gather [spmem:s7], $0x800, $0x38;
	[tilespmem:$0x4608] =	vst v63  }
0x5c: {  	_ =	swait.ge [sflag:s13], $0x800  }
0x5d: {  	[sflag:s13] =	ssyncset.done $0x0  }
0x5e: {  	[sflag:s13] =	ssyncadd.s32 $0xFFFFF800  }
0x5f: {  	[hbm4b:s21+s2] =	stream.linear.scatter [tilespmem:s12], [sflag:$0x3], $0x800, $0x38;
	[tilespmem:$0x4608] =	vst v63  }
0x60: {  	_ =	swait.ge [sflag:s13], $0x800  }
0x61: {  	[sflag:s13] =	ssyncset.done $0x0  }
0x62: {  	[sflag:s13] =	ssyncadd.s32 $0xFFFFF800  }
0x63: {  	[tilespmem:s12], [sflag:$0x3] =	stream.linear.gather [spmem:s8], $0x800, $0x38;
	[tilespmem:$0x4608] =	vst v63  }
0x64: {  	_ =	swait.ge [sflag:s13], $0x800  }
0x65: {  	[sflag:s13] =	ssyncset.done $0x0  }
0x66: {  	[sflag:s13] =	ssyncadd.s32 $0xFFFFF800  }
0x67: {  	[hbm4b:s22+s2] =	stream.linear.scatter [tilespmem:s12], [sflag:$0x3], $0x800, $0x38;
	[tilespmem:$0x4608] =	vst v63  }
0x68: {  	_ =	swait.ge [sflag:s13], $0x800  }
0x69: {  	[sflag:s13] =	ssyncset.done $0x0  }
0x6a: {  	[sflag:s13] =	ssyncadd.s32 $0xFFFFF800  }
0x6b: {  	[tilespmem:s12], [sflag:$0x3] =	stream.linear.gather [spmem:s9], $0x800, $0x38;
	[tilespmem:$0x4608] =	vst v63  }
0x6c: {  	_ =	swait.ge [sflag:s13], $0x800  }
0x6d: {  	[sflag:s13] =	ssyncset.done $0x0  }
0x6e: {  	[sflag:s13] =	ssyncadd.s32 $0xFFFFF800  }
0x6f: {  	[hbm4b:s23+s2] =	stream.linear.scatter [tilespmem:s12], [sflag:$0x3], $0x800, $0x38;
	[tilespmem:$0x4608] =	vst v63  }
0x70: {  	_ =	swait.ge [sflag:s13], $0x800  }
0x71: {  	[sflag:s13] =	ssyncset.done $0x0  }
0x72: {  	[sflag:s13] =	ssyncadd.s32 $0xFFFFF800  }
0x73: {  	[tilespmem:s12], [sflag:$0x3] =	stream.linear.gather [spmem:s10], $0x800, $0x38;
	[tilespmem:$0x4608] =	vst v63  }
0x74: {  	s25 =	sadd.s32 $0x1, s25;
	_ =	swait.ge [sflag:s13], $0x800  }
0x75: {  	p0 =	sne.s32 s25, s11;
	[sflag:s13] =	ssyncset.done $0x0  }
.Ltmp1:
0x76: {  	[sflag:s13] =	ssyncadd.s32 $0xFFFFF800;
	(pc) =	sbr.rel @p0 .LBB2_1-.Ltmp1, $4  }
0x77: {  	[hbm4b:s24+s2] =	stream.linear.scatter [tilespmem:s12], [sflag:$0x3], $0x800, $0x38;
	[tilespmem:$0x4608] =	vst v63  }
0x78: {  	_ =	swait.ge [sflag:s13], $0x800  }
0x79: {  	[sflag:s13] =	ssyncset.done $0x0  }
0x7a: {  	[sflag:s13] =	ssyncadd.s32 $0xFFFFF800  }
0x7b: {  	_ =	sfence.sel $0x180000  }
0x7c: {  	[bflag:$0x0] =	sbarrier.arrive $0xFFFF  }
0x7d: {  	p0 =	sne.s32 s3, $0x0;
	_ =	strace $0x90000047  }
0x7e: {  	s0 =	sadd.s32 @!p0 $0x100000, s0;
	[bflag:$0x2] =	sbarrier.arrive $0xFFFF  }
0x7f: {  	[sflag:s0] =	ssyncadd.tile.s32 @!p0 $0x1;
	_ =	shalt  }
.Lfunc_end2:
_tile_overlayer_lowered:
.L_overlay_start_2:
0x80: {  	(tag) =	ssettag $0x2  }
0x81: {  	s0 =	rddreg [dreg:$0x0];
	s2 =	stileid.u32  }
0x82: {  	s1 =	rddreg [dreg:$0x1];
	p0 =	sne.s32 s2, $0x0  }
0x83: {  	s3 =	rddreg [dreg:$0x2];
	[bflag:$0x3] =	sbarrier.arrive $0xFFFF;
	s2 =	simm.s32 @!p0 $0x1C03  }
0x84: {  	[timem:s3], [sflag:s2] =	dma.local @!p0 [hbm:s0], s1  }
0x85: {  	s0 =	simm.s32 @!p0 $0x3  }
0x86: {  	_ =	swait.ge @!p0 [sflag:s0], s1  }
0x87: {  	s1 =	ssub.s32 @!p0 $0x0, s1;
	[sflag:s0] =	ssyncset.done @!p0 $0x0  }
0x88: {  	[sflag:s0] =	ssyncadd.s32 @!p0 s1  }
0x89: {  	[bflag:$0x3] =	sbarrier.arrive $0xFFFF  }
0x8a: {  	_ =	shalt  }

</sc_bundles>
